<compile_context>
chip_gen: v7x
topology: tpu7x:2x2x1
jax: 0.10.2.dev20260603
libtpu: 0.0.44.dev20260713+nightly
codegen_flags: <defaults>
</compile_context>

<pallas_src>
import functools

import jax
import jax.numpy as jnp
from jax import lax
from jax.experimental import pallas as pl
from jax.experimental.pallas import tpu as pltpu
from jax.experimental.pallas import tpu_sc as plsc

_N, _E, _D, _DE, _H, _G, _STEPS = 10000, 320000, 128, 16, 64, 32, 3
_NC, _NS = 2, 16
_NW = _NC * _NS
_CH = 64
_NP = 10240


def _edge_embed_body(a_ref, b_ref, w1a_ref, w1b_ref, be1_ref, w2a_ref,
                     w2b_ref, be2_ref, e1_ref, e2_ref):
    a = a_ref[...]
    b = b_ref[...]
    e1_ref[...] = (
        jnp.dot(a, w1a_ref[...], preferred_element_type=jnp.float32)
        + jnp.dot(b, w1b_ref[...], preferred_element_type=jnp.float32)
        + be1_ref[...])
    e2_ref[...] = (
        jnp.dot(a, w2a_ref[...], preferred_element_type=jnp.float32)
        + jnp.dot(b, w2b_ref[...], preferred_element_type=jnp.float32)
        + be2_ref[...])


def _edge_embed(ea_a, ea_b, w1a, w1b, be1, w2a, w2b, be2):
    blk = 1600
    grid = _E // blk
    return pl.pallas_call(
        _edge_embed_body,
        grid=(grid,),
        in_specs=[
            pl.BlockSpec((blk, _DE), lambda i: (i, 0)),
            pl.BlockSpec((blk, _DE), lambda i: (i, 0)),
            pl.BlockSpec((_DE, _D), lambda i: (0, 0)),
            pl.BlockSpec((_DE, _D), lambda i: (0, 0)),
            pl.BlockSpec((1, _D), lambda i: (0, 0)),
            pl.BlockSpec((_DE, _D), lambda i: (0, 0)),
            pl.BlockSpec((_DE, _D), lambda i: (0, 0)),
            pl.BlockSpec((1, _D), lambda i: (0, 0)),
        ],
        out_specs=[
            pl.BlockSpec((blk, _D), lambda i: (i, 0)),
            pl.BlockSpec((blk, _D), lambda i: (i, 0)),
        ],
        out_shape=[
            jax.ShapeDtypeStruct((_E, _D), jnp.float32),
            jax.ShapeDtypeStruct((_E, _D), jnp.float32),
        ],
    )(ea_a, ea_b, w1a, w1b, be1, w2a, w2b, be2)


def _make_edge_sc(dd):
    n_chunks = _E // _CH
    base = n_chunks // _NW
    extra = n_chunks % _NW
    rows_per_tile = _NP // _NS
    n_full = rows_per_tile // _CH
    nlane = dd // 16

    mesh = plsc.VectorSubcoreMesh(core_axis_name="c", subcore_axis_name="s")

    @functools.partial(
        pl.kernel,
        out_type=jax.ShapeDtypeStruct((2 * _NP, dd), jnp.float32),
        mesh=mesh,
        scratch_types=[
            pltpu.VMEM((_CH,), jnp.int32),
            pltpu.VMEM((_CH,), jnp.int32),
            pltpu.VMEM((_CH,), jnp.int32),
            pltpu.VMEM((_CH,), jnp.int32),
            pltpu.VMEM((_CH, _D), jnp.float32),
            pltpu.VMEM((_CH, _D), jnp.float32),
            pltpu.VMEM((_CH, dd), jnp.float32),
            pltpu.VMEM((_CH, dd), jnp.float32),
            pltpu.VMEM_SHARED((_NP, dd), jnp.float32),
            pltpu.SemaphoreType.DMA,
            pltpu.SemaphoreType.DMA,
            pltpu.SemaphoreType.DMA,
            pltpu.SemaphoreType.DMA,
            pltpu.SemaphoreType.DMA,
            pltpu.SemaphoreType.DMA,
        ],
    )
    def k(x_hbm, src_hbm, dst_hbm, e_hbm, out_hbm,
          src0, src1, dst0, dst1, xg0, xg1, ev0, ev1, acc_sh,
          si0, si1, sg0, sg1, se0, se1):
        cid = lax.axis_index("c")
        sid = lax.axis_index("s")
        w = cid * _NS + sid
        srcs = (src0, src1)
        dsts = (dst0, dst1)
        xgs = (xg0, xg1)
        evs = (ev0, ev1)
        sis = (si0, si1)
        sgs = (sg0, sg1)
        ses = (se0, se1)

        def zrow(i, _):
            for j in range(nlane):
                ev0[i, pl.ds(j * 16, 16)] = jnp.zeros((16,), jnp.float32)
            return 0
        lax.fori_loop(0, _CH, zrow, 0)

        r0 = sid * rows_per_tile
        for t in range(n_full):
            pltpu.sync_copy(ev0, acc_sh.at[pl.ds(r0 + t * _CH, _CH)])
        plsc.subcore_barrier()

        c_start = w * base + jnp.minimum(w, extra)
        n_my = base + jnp.where(w < extra, 1, 0)

        def ebase(c):
            return (c_start + c) * _CH

        def issue_idx(c, b):
            pltpu.async_copy(src_hbm.at[pl.ds(ebase(c), _CH)], srcs[b],
                             sis[b])
            pltpu.async_copy(dst_hbm.at[pl.ds(ebase(c), _CH)], dsts[b],
                             sis[b])

        def wait_idx(b):
            pltpu.make_async_copy(src_hbm.at[pl.ds(0, _CH)], srcs[b],
                                  sis[b]).wait()
            pltpu.make_async_copy(dst_hbm.at[pl.ds(0, _CH)], dsts[b],
                                  sis[b]).wait()

        def issue_ge(c, b):
            pltpu.async_copy(x_hbm.at[srcs[b]], xgs[b], sgs[b])
            pltpu.async_copy(e_hbm.at[pl.ds(ebase(c), _CH)], evs[b], ses[b])

        def wait_ge(b):
            pltpu.make_async_copy(x_hbm.at[pl.ds(0, _CH)], xgs[b],
                                  sgs[b]).wait()
            pltpu.make_async_copy(e_hbm.at[pl.ds(0, _CH)], evs[b],
                                  ses[b]).wait()

        pltpu.sync_copy(src_hbm.at[pl.ds(ebase(0), _CH)], src0)
        pltpu.sync_copy(dst_hbm.at[pl.ds(ebase(0), _CH)], dst0)
        pltpu.async_copy(x_hbm.at[src0], xg0, sg0)
        pltpu.async_copy(e_hbm.at[pl.ds(ebase(0), _CH)], ev0, se0)

        @pl.when(1 < n_my)
        def _():
            issue_idx(1, 1)

        def pair_body(ip, _):
            for b in range(2):
                c = 2 * ip + b
                nb = 1 - b

                @pl.when(c < n_my)
                def _():
                    @pl.when(c + 1 < n_my)
                    def _():
                        wait_idx(nb)
                        issue_ge(c + 1, nb)

                    wait_ge(b)

                    def crow(r, _):
                        for j in range(nlane):
                            sl = pl.ds(j * 16, 16)
                            evs[b][r, sl] = jnp.maximum(
                                xgs[b][r, sl] + evs[b][r, sl], 0.0)
                        return 0
                    lax.fori_loop(0, _CH, crow, 0)

                    pltpu.sync_copy(evs[b], acc_sh.at[dsts[b]], add=True)

                    @pl.when(c + 2 < n_my)
                    def _():
                        issue_idx(c + 2, b)
            return 0
        lax.fori_loop(0, (base + 2) // 2, pair_body, 0)

        plsc.subcore_barrier()

        out_base = cid * _NP + r0
        for t in range(n_full):
            pltpu.sync_copy(acc_sh.at[pl.ds(r0 + t * _CH, _CH)], ev0)
            pltpu.sync_copy(ev0, out_hbm.at[pl.ds(out_base + t * _CH, _CH)])

    return k


_make_edge_sc_cached = functools.cache(_make_edge_sc)


def _edge_sc(dd, x, src, dst, e):
    return _make_edge_sc_cached(dd)(x, src, dst, e)


def _node_mlp_body(x_ref, p_ref, w1_ref, b1_ref, w2_ref, b2_ref, out_ref):
    h = x_ref[...] + p_ref[0, :_N, :] + p_ref[1, :_N, :]
    t = jnp.maximum(
        jnp.dot(h, w1_ref[...], preferred_element_type=jnp.float32)
        + b1_ref[...], 0.0)
    out_ref[...] = jnp.maximum(
        jnp.dot(t, w2_ref[...], preferred_element_type=jnp.float32)
        + b2_ref[...], 0.0)


def _node_mlp(x, p, w1, b1, w2, b2):
    return pl.pallas_call(
        _node_mlp_body,
        out_shape=jax.ShapeDtypeStruct((_N, _D), jnp.float32),
    )(x, p, w1, b1, w2, b2)


def _final_body(hh_ref, p_ref, w1_ref, b1_ref, w2_ref, b2_ref, batch_ref,
                wih_ref, whh_ref, bih_ref, bhh_ref, dw_ref, db_ref,
                ow_ref, ob_ref, out_ref):
    h2 = hh_ref[:, :_H] + p_ref[0, :_N, :_H] + p_ref[1, :_N, :_H]
    t = jnp.maximum(
        jnp.dot(h2, w1_ref[...], preferred_element_type=jnp.float32)
        + b1_ref[...], 0.0)
    xs = jnp.maximum(
        jnp.dot(t, w2_ref[...], preferred_element_type=jnp.float32)
        + b2_ref[...], 0.0)

    batch = batch_ref[...]
    gids = lax.broadcasted_iota(jnp.int32, (_N, _G), 1)
    mask = batch == gids

    wih = wih_ref[...]
    whh = whh_ref[...]
    bih = bih_ref[...]
    bhh = bhh_ref[...]

    q_star = jnp.zeros((_G, 2 * _H), jnp.float32)
    hs = jnp.zeros((_G, _H), jnp.float32)
    cs = jnp.zeros((_G, _H), jnp.float32)
    for _ in range(_STEPS):
        gates = (
            lax.dot_general(q_star, wih, (((1,), (1,)), ((), ())),
                            preferred_element_type=jnp.float32)
            + bih
            + lax.dot_general(hs, whh, (((1,), (1,)), ((), ())),
                              preferred_element_type=jnp.float32)
            + bhh)
        gi = jax.nn.sigmoid(gates[:, :_H])
        gf = jax.nn.sigmoid(gates[:, _H:2 * _H])
        gg = jnp.tanh(gates[:, 2 * _H:3 * _H])
        go = jax.nn.sigmoid(gates[:, 3 * _H:])
        cs = gf * cs + gi * gg
        hs = go * jnp.tanh(cs)

        s = lax.dot_general(xs, hs, (((1,), (1,)), ((), ())),
                            preferred_element_type=jnp.float32)
        sm = jnp.where(mask, s, -jnp.inf)
        emax = jnp.max(sm, axis=0, keepdims=True)
        emax = jnp.where(jnp.isfinite(emax), emax, 0.0)
        a = jnp.where(mask, jnp.exp(s - emax), 0.0)
        denom = jnp.sum(a, axis=0, keepdims=True)
        an = a / (denom + 1e-16)
        r = lax.dot_general(an, xs, (((0,), (0,)), ((), ())),
                            preferred_element_type=jnp.float32)
        q_star = jnp.concatenate([hs, r], axis=1)

    z = jnp.maximum(
        jnp.dot(q_star, dw_ref[...], preferred_element_type=jnp.float32)
        + db_ref[...], 0.0)
    out_ref[...] = (
        jnp.dot(z, ow_ref[...], preferred_element_type=jnp.float32)
        + ob_ref[...])


def _final(hh, p, w1, b1, w2, b2, batch2, wih, whh, bih, bhh, dw, db, ow, ob):
    return pl.pallas_call(
        _final_body,
        out_shape=jax.ShapeDtypeStruct((_G, 1), jnp.float32),
    )(hh, p, w1, b1, w2, b2, batch2, wih, whh, bih, bhh, dw, db, ow, ob)


@jax.jit
def kernel(x, edge_attr, edge_feature, edge_index, batch,
           conv1_We, conv1_be, conv1_W1, conv1_b1, conv1_W2, conv1_b2,
           conv2_We, conv2_be, conv2_W1, conv2_b1, conv2_W2, conv2_b2,
           lstm_Wih, lstm_Whh, lstm_bih, lstm_bhh,
           dense_W, dense_b, out_W, out_b):
    src = edge_index[0]
    dst = edge_index[1]

    w2e = jnp.pad(conv2_We, ((0, 0), (0, _D - _H)))
    b2e = jnp.pad(conv2_be, (0, _D - _H)).reshape(1, _D)
    e1, e2 = _edge_embed(
        edge_attr, edge_feature,
        conv1_We[:_DE], conv1_We[_DE:], conv1_be.reshape(1, _D),
        w2e[:_DE], w2e[_DE:], b2e)

    p1 = _edge_sc(_D, x, src, dst, e1).reshape(2, _NP, _D)
    w2p = jnp.pad(conv1_W2, ((0, 0), (0, _D - _H)))
    b2p = jnp.pad(conv1_b2, (0, _D - _H)).reshape(1, _D)
    hh = _node_mlp(x, p1, conv1_W1, conv1_b1.reshape(1, _H), w2p, b2p)

    p2 = _edge_sc(_D, hh, src, dst, e2).reshape(2, _NP, _D)
    out = _final(hh, p2, conv2_W1, conv2_b1.reshape(1, _H),
                 conv2_W2, conv2_b2.reshape(1, _H),
                 batch.reshape(_N, 1),
                 lstm_Wih, lstm_Whh,
                 lstm_bih.reshape(1, 4 * _H), lstm_bhh.reshape(1, 4 * _H),
                 dense_W, dense_b.reshape(1, _H), out_W, out_b.reshape(1, 1))
    return out.reshape(_G)

# --- scband reference (transcript-rebuilt; emitter-appended) ---
"""Pipeline reference for scband-ginenet-80865644249571 (READ-ONLY COPY).

The authoritative reference and input builder live on the scoring server;
editing this copy changes nothing except your own understanding.
"""

import jax, jax.numpy as jnp
import numpy as np

N, E, D, DE, H, G, STEPS = 10000, 320000, 128, 16, 64, 32, 3

def setup_inputs(seed: int = 0):
    key = jax.random.key(seed)
    ks = jax.random.split(key, 32)
    def nrm(k, shape, fan_in):
        return jax.random.normal(k, shape, dtype=jnp.float32) / float(np.sqrt(fan_in))
    inp = {}
    inp['x'] = jax.random.normal(ks[0], (N, D), dtype=jnp.float32)
    inp['edge_attr'] = jax.random.normal(ks[1], (E, DE), dtype=jnp.float32)
    inp['edge_feature'] = jax.random.normal(ks[2], (E, DE), dtype=jnp.float32)
    inp['edge_index'] = jax.random.randint(ks[3], (2, E), 0, N, dtype=jnp.int32)
    inp['batch'] = jnp.sort(jax.random.randint(ks[4], (N,), 0, G, dtype=jnp.int32))
    ED = 2 * DE
    inp['conv1_We'] = nrm(ks[5], (ED, D), ED)
    inp['conv1_be'] = jnp.zeros((D,), jnp.float32)
    inp['conv1_W1'] = nrm(ks[6], (D, H), D)
    inp['conv1_b1'] = jnp.zeros((H,), jnp.float32)
    inp['conv1_W2'] = nrm(ks[7], (H, H), H)
    inp['conv1_b2'] = jnp.zeros((H,), jnp.float32)
    inp['conv2_We'] = nrm(ks[8], (ED, H), ED)
    inp['conv2_be'] = jnp.zeros((H,), jnp.float32)
    inp['conv2_W1'] = nrm(ks[9], (H, H), H)
    inp['conv2_b1'] = jnp.zeros((H,), jnp.float32)
    inp['conv2_W2'] = nrm(ks[10], (H, H), H)
    inp['conv2_b2'] = jnp.zeros((H,), jnp.float32)
    inp['lstm_Wih'] = nrm(ks[11], (4 * H, 2 * H), 2 * H)
    inp['lstm_Whh'] = nrm(ks[12], (4 * H, H), H)
    inp['lstm_bih'] = jnp.zeros((4 * H,), jnp.float32)
    inp['lstm_bhh'] = jnp.zeros((4 * H,), jnp.float32)
    inp['dense_W'] = nrm(ks[13], (2 * H, H), 2 * H)
    inp['dense_b'] = jnp.zeros((H,), jnp.float32)
    inp['out_W'] = nrm(ks[14], (H, 1), H)
    inp['out_b'] = jnp.zeros((1,), jnp.float32)
    return inp

def _lstm_cell(xin, h, c, Wih, Whh, bih, bhh):
    gates = xin @ Wih.T + bih + h @ Whh.T + bhh
    i, f, g, o = jnp.split(gates, 4, axis=-1)
    i = jax.nn.sigmoid(i); f = jax.nn.sigmoid(f); g = jnp.tanh(g); o = jax.nn.sigmoid(o)
    c = f * c + i * g
    h = o * jnp.tanh(c)
    return h, c

def _gine_conv(x, edge_index, ea, We, be, W1, b1, W2, b2):
    src = edge_index[0]; dst = edge_index[1]
    e = ea @ We + be
    m = jax.nn.relu(x[src] + e)
    agg = jax.ops.segment_sum(m, dst, num_segments=x.shape[0])
    h = x + agg
    h = jax.nn.relu(h @ W1 + b1)
    return h @ W2 + b2

def _set2set(x, batch, Wih, Whh, bih, bhh):
    q_star = jnp.zeros((G, 2 * H), jnp.float32)
    h = jnp.zeros((G, H), jnp.float32); c = jnp.zeros((G, H), jnp.float32)
    for _ in range(STEPS):
        h, c = _lstm_cell(q_star, h, c, Wih, Whh, bih, bhh)
        q = h
        e = jnp.sum(x * q[batch], axis=-1)
        emax = jax.ops.segment_max(e, batch, num_segments=G)
        emax = jnp.where(jnp.isfinite(emax), emax, 0.0)
        a = jnp.exp(e - emax[batch])
        denom = jax.ops.segment_sum(a, batch, num_segments=G)
        a = a / (denom[batch] + 1e-16)
        r = jax.ops.segment_sum(a[:, None] * x, batch, num_segments=G)
        q_star = jnp.concatenate([q, r], axis=-1)
    return q_star

def _forward(x, edge_attr, edge_feature, edge_index, batch, conv1_We, conv1_be, conv1_W1, conv1_b1, conv1_W2, conv1_b2, conv2_We, conv2_be, conv2_W1, conv2_b1, conv2_W2, conv2_b2, lstm_Wih, lstm_Whh, lstm_bih, lstm_bhh, dense_W, dense_b, out_W, out_b):
    ea = jnp.concatenate([edge_attr, edge_feature], axis=1)
    hh = jax.nn.relu(_gine_conv(x, edge_index, ea, conv1_We, conv1_be, conv1_W1, conv1_b1, conv1_W2, conv1_b2))
    hh = jax.nn.relu(_gine_conv(hh, edge_index, ea, conv2_We, conv2_be, conv2_W1, conv2_b1, conv2_W2, conv2_b2))
    s = _set2set(hh, batch, lstm_Wih, lstm_Whh, lstm_bih, lstm_bhh)
    z = jax.nn.relu(s @ dense_W + dense_b)
    return (z @ out_W + out_b).squeeze(-1)

def reference(x, edge_attr, edge_feature, edge_index, batch, conv1_We, conv1_be, conv1_W1, conv1_b1, conv1_W2, conv1_b2, conv2_We, conv2_be, conv2_W1, conv2_b1, conv2_W2, conv2_b2, lstm_Wih, lstm_Whh, lstm_bih, lstm_bhh, dense_W, dense_b, out_W, out_b):
    return _forward(x, edge_attr, edge_feature, edge_index, batch, conv1_We, conv1_be, conv1_W1, conv1_b1, conv1_W2, conv1_b2, conv2_We, conv2_be, conv2_W1, conv2_b1, conv2_W2, conv2_b2, lstm_Wih, lstm_Whh, lstm_bih, lstm_bhh, dense_W, dense_b, out_W, out_b)

if __name__ == "__main__":
    import jax
    _d = setup_inputs()
    print(jax.jit(kernel)(*tuple(_d.values())))

</pallas_src>

<mosaic_0001>
#map = affine_map<(d0, d1) -> (0, 0)>
#map1 = affine_map<(d0, d1) -> (0)>
module attributes {stable_mosaic.version = 14 : i64} {
  func.func @k(%arg0: i32, %arg1: i32, %arg2: memref<10000x128xf32, #tpu.memory_space<hbm>>, %arg3: memref<320000xi32, #tpu.memory_space<hbm>>, %arg4: memref<320000xi32, #tpu.memory_space<hbm>>, %arg5: memref<320000x128xf32, #tpu.memory_space<hbm>>, %arg6: memref<20480x128xf32, #tpu.memory_space<hbm>>, %arg7: memref<64xi32, #tpu.memory_space<vmem>>, %arg8: memref<64xi32, #tpu.memory_space<vmem>>, %arg9: memref<64xi32, #tpu.memory_space<vmem>>, %arg10: memref<64xi32, #tpu.memory_space<vmem>>, %arg11: memref<64x128xf32, #tpu.memory_space<vmem>>, %arg12: memref<64x128xf32, #tpu.memory_space<vmem>>, %arg13: memref<64x128xf32, #tpu.memory_space<vmem>>, %arg14: memref<64x128xf32, #tpu.memory_space<vmem>>, %arg15: memref<10240x128xf32, #tpu.memory_space<vmem_shared>>, %arg16: memref<!tpu.dma_semaphore, #tpu.memory_space<semaphore_mem>>, %arg17: memref<!tpu.dma_semaphore, #tpu.memory_space<semaphore_mem>>, %arg18: memref<!tpu.dma_semaphore, #tpu.memory_space<semaphore_mem>>, %arg19: memref<!tpu.dma_semaphore, #tpu.memory_space<semaphore_mem>>, %arg20: memref<!tpu.dma_semaphore, #tpu.memory_space<semaphore_mem>>, %arg21: memref<!tpu.dma_semaphore, #tpu.memory_space<semaphore_mem>>) attributes {dimension_semantics = [#tpu.dimension_semantics<core_parallel>, #tpu.dimension_semantics<subcore_parallel>], iteration_bounds = array<i64: 2, 16>, scalar_prefetch = 0 : i64, scratch_operands = 15 : i64, tpu.core_type = #tpu.core_type<sc_vector_subcore>, window_params = [{transform_indices = #map}, {transform_indices = #map1}, {transform_indices = #map1}, {transform_indices = #map}, {transform_indices = #map}]} {
    %mul3A = arith.constant 16 : i32
    %mul3A_0 = arith.muli %arg0, %mul3A : i32
    %add3A = arith.addi %mul3A_0, %arg1 : i32
    %scan3A = arith.constant 0 : i32
    %scan3A_1 = arith.constant 0 : i32
    %scan3A_2 = arith.constant 64 : i32
    %scan3A_3 = arith.addi %scan3A_1, %scan3A_2 : i32
    %scan3A_4 = arith.constant 1 : i32
    %scan3A_5 = scf.for %scan3A_108 = %scan3A_1 to %scan3A_3 step %scan3A_4 iter_args(%scan3A_109 = %scan3A) -> (i32)  : i32 {
      %broadcast_in_dim3A = arith.constant 0.000000e+00 : f32
      %broadcast_in_dim3A_110 = vector.broadcast %broadcast_in_dim3A : f32 to vector<16xf32>
      %swap3A = arith.index_cast %scan3A_108 : i32 to index
      %swap3A_111 = arith.constant 0 : index
      %swap3A_112 = tpu.vector_load %arg13[%swap3A, %swap3A_111] {strides = array<i32>} : memref<64x128xf32, #tpu.memory_space<vmem>>, vector<1x16xf32>,
      %swap3A_113 = vector.shape_cast %swap3A_112 : vector<1x16xf32> to vector<16xf32>
      %swap3A_114 = vector.shape_cast %broadcast_in_dim3A_110 : vector<16xf32> to vector<1x16xf32>
      tpu.vector_store %arg13[%swap3A, %swap3A_111], %swap3A_114 {strides = array<i32>} : memref<64x128xf32, #tpu.memory_space<vmem>>, vector<1x16xf32>,
      %broadcast_in_dim3A_115 = arith.constant 0.000000e+00 : f32
      %broadcast_in_dim3A_116 = vector.broadcast %broadcast_in_dim3A_115 : f32 to vector<16xf32>
      %swap3A_117 = arith.index_cast %scan3A_108 : i32 to index
      %swap3A_118 = arith.constant 16 : index
      %swap3A_119 = tpu.vector_load %arg13[%swap3A_117, %swap3A_118] {strides = array<i32>} : memref<64x128xf32, #tpu.memory_space<vmem>>, vector<1x16xf32>,
      %swap3A_120 = vector.shape_cast %swap3A_119 : vector<1x16xf32> to vector<16xf32>
      %swap3A_121 = vector.shape_cast %broadcast_in_dim3A_116 : vector<16xf32> to vector<1x16xf32>
      tpu.vector_store %arg13[%swap3A_117, %swap3A_118], %swap3A_121 {strides = array<i32>} : memref<64x128xf32, #tpu.memory_space<vmem>>, vector<1x16xf32>,
      %broadcast_in_dim3A_122 = arith.constant 0.000000e+00 : f32
      %broadcast_in_dim3A_123 = vector.broadcast %broadcast_in_dim3A_122 : f32 to vector<16xf32>
      %swap3A_124 = arith.index_cast %scan3A_108 : i32 to index
      %swap3A_125 = arith.constant 32 : index
      %swap3A_126 = tpu.vector_load %arg13[%swap3A_124, %swap3A_125] {strides = array<i32>} : memref<64x128xf32, #tpu.memory_space<vmem>>, vector<1x16xf32>,
      %swap3A_127 = vector.shape_cast %swap3A_126 : vector<1x16xf32> to vector<16xf32>
      %swap3A_128 = vector.shape_cast %broadcast_in_dim3A_123 : vector<16xf32> to vector<1x16xf32>
      tpu.vector_store %arg13[%swap3A_124, %swap3A_125], %swap3A_128 {strides = array<i32>} : memref<64x128xf32, #tpu.memory_space<vmem>>, vector<1x16xf32>,
      %broadcast_in_dim3A_129 = arith.constant 0.000000e+00 : f32
      %broadcast_in_dim3A_130 = vector.broadcast %broadcast_in_dim3A_129 : f32 to vector<16xf32>
      %swap3A_131 = arith.index_cast %scan3A_108 : i32 to index
      %swap3A_132 = arith.constant 48 : index
      %swap3A_133 = tpu.vector_load %arg13[%swap3A_131, %swap3A_132] {strides = array<i32>} : memref<64x128xf32, #tpu.memory_space<vmem>>, vector<1x16xf32>,
      %swap3A_134 = vector.shape_cast %swap3A_133 : vector<1x16xf32> to vector<16xf32>
      %swap3A_135 = vector.shape_cast %broadcast_in_dim3A_130 : vector<16xf32> to vector<1x16xf32>
      tpu.vector_store %arg13[%swap3A_131, %swap3A_132], %swap3A_135 {strides = array<i32>} : memref<64x128xf32, #tpu.memory_space<vmem>>, vector<1x16xf32>,
      %broadcast_in_dim3A_136 = arith.constant 0.000000e+00 : f32
      %broadcast_in_dim3A_137 = vector.broadcast %broadcast_in_dim3A_136 : f32 to vector<16xf32>
      %swap3A_138 = arith.index_cast %scan3A_108 : i32 to index
      %swap3A_139 = arith.constant 64 : index
      %swap3A_140 = tpu.vector_load %arg13[%swap3A_138, %swap3A_139] {strides = array<i32>} : memref<64x128xf32, #tpu.memory_space<vmem>>, vector<1x16xf32>,
      %swap3A_141 = vector.shape_cast %swap3A_140 : vector<1x16xf32> to vector<16xf32>
      %swap3A_142 = vector.shape_cast %broadcast_in_dim3A_137 : vector<16xf32> to vector<1x16xf32>
      tpu.vector_store %arg13[%swap3A_138, %swap3A_139], %swap3A_142 {strides = array<i32>} : memref<64x128xf32, #tpu.memory_space<vmem>>, vector<1x16xf32>,
      %broadcast_in_dim3A_143 = arith.constant 0.000000e+00 : f32
      %broadcast_in_dim3A_144 = vector.broadcast %broadcast_in_dim3A_143 : f32 to vector<16xf32>
      %swap3A_145 = arith.index_cast %scan3A_108 : i32 to index
      %swap3A_146 = arith.constant 80 : index
      %swap3A_147 = tpu.vector_load %arg13[%swap3A_145, %swap3A_146] {strides = array<i32>} : memref<64x128xf32, #tpu.memory_space<vmem>>, vector<1x16xf32>,
      %swap3A_148 = vector.shape_cast %swap3A_147 : vector<1x16xf32> to vector<16xf32>
      %swap3A_149 = vector.shape_cast %broadcast_in_dim3A_144 : vector<16xf32> to vector<1x16xf32>
      tpu.vector_store %arg13[%swap3A_145, %swap3A_146], %swap3A_149 {strides = array<i32>} : memref<64x128xf32, #tpu.memory_space<vmem>>, vector<1x16xf32>,
      %broadcast_in_dim3A_150 = arith.constant 0.000000e+00 : f32
      %broadcast_in_dim3A_151 = vector.broadcast %broadcast_in_dim3A_150 : f32 to vector<16xf32>
      %swap3A_152 = arith.index_cast %scan3A_108 : i32 to index
      %swap3A_153 = arith.constant 96 : index
      %swap3A_154 = tpu.vector_load %arg13[%swap3A_152, %swap3A_153] {strides = array<i32>} : memref<64x128xf32, #tpu.memory_space<vmem>>, vector<1x16xf32>,
      %swap3A_155 = vector.shape_cast %swap3A_154 : vector<1x16xf32> to vector<16xf32>
      %swap3A_156 = vector.shape_cast %broadcast_in_dim3A_151 : vector<16xf32> to vector<1x16xf32>
      tpu.vector_store %arg13[%swap3A_152, %swap3A_153], %swap3A_156 {strides = array<i32>} : memref<64x128xf32, #tpu.memory_space<vmem>>, vector<1x16xf32>,
      %broadcast_in_dim3A_157 = arith.constant 0.000000e+00 : f32
      %broadcast_in_dim3A_158 = vector.broadcast %broadcast_in_dim3A_157 : f32 to vector<16xf32>
      %swap3A_159 = arith.index_cast %scan3A_108 : i32 to index
      %swap3A_160 = arith.constant 112 : index
      %swap3A_161 = tpu.vector_load %arg13[%swap3A_159, %swap3A_160] {strides = array<i32>} : memref<64x128xf32, #tpu.memory_space<vmem>>, vector<1x16xf32>,
      %swap3A_162 = vector.shape_cast %swap3A_161 : vector<1x16xf32> to vector<16xf32>
      %swap3A_163 = vector.shape_cast %broadcast_in_dim3A_158 : vector<16xf32> to vector<1x16xf32>
      tpu.vector_store %arg13[%swap3A_159, %swap3A_160], %swap3A_163 {strides = array<i32>} : memref<64x128xf32, #tpu.memory_space<vmem>>, vector<1x16xf32>,
      %scan3A_164 = arith.constant 0 : i32
      scf.yield %scan3A_164 : i32
    }
    %scan3A_6 = arith.constant 64 : i32
    %mul3A_7 = arith.constant 640 : i32
    %mul3A_8 = arith.muli %arg1, %mul3A_7 : i32
    %add3A_9 = arith.constant 0 : i32
    %add3A_10 = arith.addi %mul3A_8, %add3A_9 : i32
    "tpu.region"() ({
      %run_scoped3A = tpu.sem_alloc : memref<!tpu.dma_semaphore, #tpu.memory_space<semaphore_mem>>
      %dma_start3A_108 = arith.constant 0 : i32
      %dma_start3A_109 = tpu.memref_slice %arg15[%add3A_10, %dma_start3A_108] : memref<10240x128xf32, #tpu.memory_space<vmem_shared>> -> memref<64x128xf32, #tpu.memory_space<vmem_shared>>
      %dma_start3A_110 = arith.constant 0 : i32
      %dma_start3A_111 = tpu.memref_slice %arg15[%add3A_10, %dma_start3A_110] : memref<10240x128xf32, #tpu.memory_space<vmem_shared>> -> memref<64x128xf32, #tpu.memory_space<vmem_shared>>
      tpu.enqueue_dma source(%arg13 : memref<64x128xf32, #tpu.memory_space<vmem>>) target(%dma_start3A_111 : memref<64x128xf32, #tpu.memory_space<vmem_shared>>) target_semaphore(%run_scoped3A : memref<!tpu.dma_semaphore, #tpu.memory_space<semaphore_mem>>)
      %dma_wait3A = arith.constant 0 : i32
      %dma_wait3A_112 = tpu.memref_slice %arg15[%add3A_10, %dma_wait3A] : memref<10240x128xf32, #tpu.memory_space<vmem_shared>> -> memref<64x128xf32, #tpu.memory_space<vmem_shared>>
      %dma_wait3A_113 = arith.constant 0 : i32
      %dma_wait3A_114 = tpu.memref_slice %arg15[%add3A_10, %dma_wait3A_113] : memref<10240x128xf32, #tpu.memory_space<vmem_shared>> -> memref<64x128xf32, #tpu.memory_space<vmem_shared>>
      tpu.wait_dma2 semaphore(%run_scoped3A : memref<!tpu.dma_semaphore, #tpu.memory_space<semaphore_mem>>) src(%arg13 : memref<64x128xf32, #tpu.memory_space<vmem>>) dst(%dma_wait3A_114 : memref<64x128xf32, #tpu.memory_space<vmem_shared>>)
      tpu.yield
    }) : () -> ()
    %add3A_11 = arith.constant 64 : i32
    %add3A_12 = arith.addi %mul3A_8, %add3A_11 : i32
    "tpu.region"() ({
      %run_scoped3A = tpu.sem_alloc : memref<!tpu.dma_semaphore, #tpu.memory_space<semaphore_mem>>
      %dma_start3A_108 = arith.constant 0 : i32
      %dma_start3A_109 = tpu.memref_slice %arg15[%add3A_12, %dma_start3A_108] : memref<10240x128xf32, #tpu.memory_space<vmem_shared>> -> memref<64x128xf32, #tpu.memory_space<vmem_shared>>
      %dma_start3A_110 = arith.constant 0 : i32
      %dma_start3A_111 = tpu.memref_slice %arg15[%add3A_12, %dma_start3A_110] : memref<10240x128xf32, #tpu.memory_space<vmem_shared>> -> memref<64x128xf32, #tpu.memory_space<vmem_shared>>
      tpu.enqueue_dma source(%arg13 : memref<64x128xf32, #tpu.memory_space<vmem>>) target(%dma_start3A_111 : memref<64x128xf32, #tpu.memory_space<vmem_shared>>) target_semaphore(%run_scoped3A : memref<!tpu.dma_semaphore, #tpu.memory_space<semaphore_mem>>)
      %dma_wait3A = arith.constant 0 : i32
      %dma_wait3A_112 = tpu.memref_slice %arg15[%add3A_12, %dma_wait3A] : memref<10240x128xf32, #tpu.memory_space<vmem_shared>> -> memref<64x128xf32, #tpu.memory_space<vmem_shared>>
      %dma_wait3A_113 = arith.constant 0 : i32
      %dma_wait3A_114 = tpu.memref_slice %arg15[%add3A_12, %dma_wait3A_113] : memref<10240x128xf32, #tpu.memory_space<vmem_shared>> -> memref<64x128xf32, #tpu.memory_space<vmem_shared>>
      tpu.wait_dma2 semaphore(%run_scoped3A : memref<!tpu.dma_semaphore, #tpu.memory_space<semaphore_mem>>) src(%arg13 : memref<64x128xf32, #tpu.memory_space<vmem>>) dst(%dma_wait3A_114 : memref<64x128xf32, #tpu.memory_space<vmem_shared>>)
      tpu.yield
    }) : () -> ()
    %add3A_13 = arith.constant 128 : i32
    %add3A_14 = arith.addi %mul3A_8, %add3A_13 : i32
    "tpu.region"() ({
      %run_scoped3A = tpu.sem_alloc : memref<!tpu.dma_semaphore, #tpu.memory_space<semaphore_mem>>
      %dma_start3A_108 = arith.constant 0 : i32
      %dma_start3A_109 = tpu.memref_slice %arg15[%add3A_14, %dma_start3A_108] : memref<10240x128xf32, #tpu.memory_space<vmem_shared>> -> memref<64x128xf32, #tpu.memory_space<vmem_shared>>
      %dma_start3A_110 = arith.constant 0 : i32
      %dma_start3A_111 = tpu.memref_slice %arg15[%add3A_14, %dma_start3A_110] : memref<10240x128xf32, #tpu.memory_space<vmem_shared>> -> memref<64x128xf32, #tpu.memory_space<vmem_shared>>
      tpu.enqueue_dma source(%arg13 : memref<64x128xf32, #tpu.memory_space<vmem>>) target(%dma_start3A_111 : memref<64x128xf32, #tpu.memory_space<vmem_shared>>) target_semaphore(%run_scoped3A : memref<!tpu.dma_semaphore, #tpu.memory_space<semaphore_mem>>)
      %dma_wait3A = arith.constant 0 : i32
      %dma_wait3A_112 = tpu.memref_slice %arg15[%add3A_14, %dma_wait3A] : memref<10240x128xf32, #tpu.memory_space<vmem_shared>> -> memref<64x128xf32, #tpu.memory_space<vmem_shared>>
      %dma_wait3A_113 = arith.constant 0 : i32
      %dma_wait3A_114 = tpu.memref_slice %arg15[%add3A_14, %dma_wait3A_113] : memref<10240x128xf32, #tpu.memory_space<vmem_shared>> -> memref<64x128xf32, #tpu.memory_space<vmem_shared>>
      tpu.wait_dma2 semaphore(%run_scoped3A : memref<!tpu.dma_semaphore, #tpu.memory_space<semaphore_mem>>) src(%arg13 : memref<64x128xf32, #tpu.memory_space<vmem>>) dst(%dma_wait3A_114 : memref<64x128xf32, #tpu.memory_space<vmem_shared>>)
      tpu.yield
    }) : () -> ()
    %add3A_15 = arith.constant 192 : i32
    %add3A_16 = arith.addi %mul3A_8, %add3A_15 : i32
    "tpu.region"() ({
      %run_scoped3A = tpu.sem_alloc : memref<!tpu.dma_semaphore, #tpu.memory_space<semaphore_mem>>
      %dma_start3A_108 = arith.constant 0 : i32
      %dma_start3A_109 = tpu.memref_slice %arg15[%add3A_16, %dma_start3A_108] : memref<10240x128xf32, #tpu.memory_space<vmem_shared>> -> memref<64x128xf32, #tpu.memory_space<vmem_shared>>
      %dma_start3A_110 = arith.constant 0 : i32
      %dma_start3A_111 = tpu.memref_slice %arg15[%add3A_16, %dma_start3A_110] : memref<10240x128xf32, #tpu.memory_space<vmem_shared>> -> memref<64x128xf32, #tpu.memory_space<vmem_shared>>
      tpu.enqueue_dma source(%arg13 : memref<64x128xf32, #tpu.memory_space<vmem>>) target(%dma_start3A_111 : memref<64x128xf32, #tpu.memory_space<vmem_shared>>) target_semaphore(%run_scoped3A : memref<!tpu.dma_semaphore, #tpu.memory_space<semaphore_mem>>)
      %dma_wait3A = arith.constant 0 : i32
      %dma_wait3A_112 = tpu.memref_slice %arg15[%add3A_16, %dma_wait3A] : memref<10240x128xf32, #tpu.memory_space<vmem_shared>> -> memref<64x128xf32, #tpu.memory_space<vmem_shared>>
      %dma_wait3A_113 = arith.constant 0 : i32
      %dma_wait3A_114 = tpu.memref_slice %arg15[%add3A_16, %dma_wait3A_113] : memref<10240x128xf32, #tpu.memory_space<vmem_shared>> -> memref<64x128xf32, #tpu.memory_space<vmem_shared>>
      tpu.wait_dma2 semaphore(%run_scoped3A : memref<!tpu.dma_semaphore, #tpu.memory_space<semaphore_mem>>) src(%arg13 : memref<64x128xf32, #tpu.memory_space<vmem>>) dst(%dma_wait3A_114 : memref<64x128xf32, #tpu.memory_space<vmem_shared>>)
      tpu.yield
    }) : () -> ()
    %add3A_17 = arith.constant 256 : i32
    %add3A_18 = arith.addi %mul3A_8, %add3A_17 : i32
    "tpu.region"() ({
      %run_scoped3A = tpu.sem_alloc : memref<!tpu.dma_semaphore, #tpu.memory_space<semaphore_mem>>
      %dma_start3A_108 = arith.constant 0 : i32
      %dma_start3A_109 = tpu.memref_slice %arg15[%add3A_18, %dma_start3A_108] : memref<10240x128xf32, #tpu.memory_space<vmem_shared>> -> memref<64x128xf32, #tpu.memory_space<vmem_shared>>
      %dma_start3A_110 = arith.constant 0 : i32
      %dma_start3A_111 = tpu.memref_slice %arg15[%add3A_18, %dma_start3A_110] : memref<10240x128xf32, #tpu.memory_space<vmem_shared>> -> memref<64x128xf32, #tpu.memory_space<vmem_shared>>
      tpu.enqueue_dma source(%arg13 : memref<64x128xf32, #tpu.memory_space<vmem>>) target(%dma_start3A_111 : memref<64x128xf32, #tpu.memory_space<vmem_shared>>) target_semaphore(%run_scoped3A : memref<!tpu.dma_semaphore, #tpu.memory_space<semaphore_mem>>)
      %dma_wait3A = arith.constant 0 : i32
      %dma_wait3A_112 = tpu.memref_slice %arg15[%add3A_18, %dma_wait3A] : memref<10240x128xf32, #tpu.memory_space<vmem_shared>> -> memref<64x128xf32, #tpu.memory_space<vmem_shared>>
      %dma_wait3A_113 = arith.constant 0 : i32
      %dma_wait3A_114 = tpu.memref_slice %arg15[%add3A_18, %dma_wait3A_113] : memref<10240x128xf32, #tpu.memory_space<vmem_shared>> -> memref<64x128xf32, #tpu.memory_space<vmem_shared>>
      tpu.wait_dma2 semaphore(%run_scoped3A : memref<!tpu.dma_semaphore, #tpu.memory_space<semaphore_mem>>) src(%arg13 : memref<64x128xf32, #tpu.memory_space<vmem>>) dst(%dma_wait3A_114 : memref<64x128xf32, #tpu.memory_space<vmem_shared>>)
      tpu.yield
    }) : () -> ()
    %add3A_19 = arith.constant 320 : i32
    %add3A_20 = arith.addi %mul3A_8, %add3A_19 : i32
    "tpu.region"() ({
      %run_scoped3A = tpu.sem_alloc : memref<!tpu.dma_semaphore, #tpu.memory_space<semaphore_mem>>
      %dma_start3A_108 = arith.constant 0 : i32
      %dma_start3A_109 = tpu.memref_slice %arg15[%add3A_20, %dma_start3A_108] : memref<10240x128xf32, #tpu.memory_space<vmem_shared>> -> memref<64x128xf32, #tpu.memory_space<vmem_shared>>
      %dma_start3A_110 = arith.constant 0 : i32
      %dma_start3A_111 = tpu.memref_slice %arg15[%add3A_20, %dma_start3A_110] : memref<10240x128xf32, #tpu.memory_space<vmem_shared>> -> memref<64x128xf32, #tpu.memory_space<vmem_shared>>
      tpu.enqueue_dma source(%arg13 : memref<64x128xf32, #tpu.memory_space<vmem>>) target(%dma_start3A_111 : memref<64x128xf32, #tpu.memory_space<vmem_shared>>) target_semaphore(%run_scoped3A : memref<!tpu.dma_semaphore, #tpu.memory_space<semaphore_mem>>)
      %dma_wait3A = arith.constant 0 : i32
      %dma_wait3A_112 = tpu.memref_slice %arg15[%add3A_20, %dma_wait3A] : memref<10240x128xf32, #tpu.memory_space<vmem_shared>> -> memref<64x128xf32, #tpu.memory_space<vmem_shared>>
      %dma_wait3A_113 = arith.constant 0 : i32
      %dma_wait3A_114 = tpu.memref_slice %arg15[%add3A_20, %dma_wait3A_113] : memref<10240x128xf32, #tpu.memory_space<vmem_shared>> -> memref<64x128xf32, #tpu.memory_space<vmem_shared>>
      tpu.wait_dma2 semaphore(%run_scoped3A : memref<!tpu.dma_semaphore, #tpu.memory_space<semaphore_mem>>) src(%arg13 : memref<64x128xf32, #tpu.memory_space<vmem>>) dst(%dma_wait3A_114 : memref<64x128xf32, #tpu.memory_space<vmem_shared>>)
      tpu.yield
    }) : () -> ()
    %add3A_21 = arith.constant 384 : i32
    %add3A_22 = arith.addi %mul3A_8, %add3A_21 : i32
    "tpu.region"() ({
      %run_scoped3A = tpu.sem_alloc : memref<!tpu.dma_semaphore, #tpu.memory_space<semaphore_mem>>
      %dma_start3A_108 = arith.constant 0 : i32
      %dma_start3A_109 = tpu.memref_slice %arg15[%add3A_22, %dma_start3A_108] : memref<10240x128xf32, #tpu.memory_space<vmem_shared>> -> memref<64x128xf32, #tpu.memory_space<vmem_shared>>
      %dma_start3A_110 = arith.constant 0 : i32
      %dma_start3A_111 = tpu.memref_slice %arg15[%add3A_22, %dma_start3A_110] : memref<10240x128xf32, #tpu.memory_space<vmem_shared>> -> memref<64x128xf32, #tpu.memory_space<vmem_shared>>
      tpu.enqueue_dma source(%arg13 : memref<64x128xf32, #tpu.memory_space<vmem>>) target(%dma_start3A_111 : memref<64x128xf32, #tpu.memory_space<vmem_shared>>) target_semaphore(%run_scoped3A : memref<!tpu.dma_semaphore, #tpu.memory_space<semaphore_mem>>)
      %dma_wait3A = arith.constant 0 : i32
      %dma_wait3A_112 = tpu.memref_slice %arg15[%add3A_22, %dma_wait3A] : memref<10240x128xf32, #tpu.memory_space<vmem_shared>> -> memref<64x128xf32, #tpu.memory_space<vmem_shared>>
      %dma_wait3A_113 = arith.constant 0 : i32
      %dma_wait3A_114 = tpu.memref_slice %arg15[%add3A_22, %dma_wait3A_113] : memref<10240x128xf32, #tpu.memory_space<vmem_shared>> -> memref<64x128xf32, #tpu.memory_space<vmem_shared>>
      tpu.wait_dma2 semaphore(%run_scoped3A : memref<!tpu.dma_semaphore, #tpu.memory_space<semaphore_mem>>) src(%arg13 : memref<64x128xf32, #tpu.memory_space<vmem>>) dst(%dma_wait3A_114 : memref<64x128xf32, #tpu.memory_space<vmem_shared>>)
      tpu.yield
    }) : () -> ()
    %add3A_23 = arith.constant 448 : i32
    %add3A_24 = arith.addi %mul3A_8, %add3A_23 : i32
    "tpu.region"() ({
      %run_scoped3A = tpu.sem_alloc : memref<!tpu.dma_semaphore, #tpu.memory_space<semaphore_mem>>
      %dma_start3A_108 = arith.constant 0 : i32
      %dma_start3A_109 = tpu.memref_slice %arg15[%add3A_24, %dma_start3A_108] : memref<10240x128xf32, #tpu.memory_space<vmem_shared>> -> memref<64x128xf32, #tpu.memory_space<vmem_shared>>
      %dma_start3A_110 = arith.constant 0 : i32
      %dma_start3A_111 = tpu.memref_slice %arg15[%add3A_24, %dma_start3A_110] : memref<10240x128xf32, #tpu.memory_space<vmem_shared>> -> memref<64x128xf32, #tpu.memory_space<vmem_shared>>
      tpu.enqueue_dma source(%arg13 : memref<64x128xf32, #tpu.memory_space<vmem>>) target(%dma_start3A_111 : memref<64x128xf32, #tpu.memory_space<vmem_shared>>) target_semaphore(%run_scoped3A : memref<!tpu.dma_semaphore, #tpu.memory_space<semaphore_mem>>)
      %dma_wait3A = arith.constant 0 : i32
      %dma_wait3A_112 = tpu.memref_slice %arg15[%add3A_24, %dma_wait3A] : memref<10240x128xf32, #tpu.memory_space<vmem_shared>> -> memref<64x128xf32, #tpu.memory_space<vmem_shared>>
      %dma_wait3A_113 = arith.constant 0 : i32
      %dma_wait3A_114 = tpu.memref_slice %arg15[%add3A_24, %dma_wait3A_113] : memref<10240x128xf32, #tpu.memory_space<vmem_shared>> -> memref<64x128xf32, #tpu.memory_space<vmem_shared>>
      tpu.wait_dma2 semaphore(%run_scoped3A : memref<!tpu.dma_semaphore, #tpu.memory_space<semaphore_mem>>) src(%arg13 : memref<64x128xf32, #tpu.memory_space<vmem>>) dst(%dma_wait3A_114 : memref<64x128xf32, #tpu.memory_space<vmem_shared>>)
      tpu.yield
    }) : () -> ()
    %add3A_25 = arith.constant 512 : i32
    %add3A_26 = arith.addi %mul3A_8, %add3A_25 : i32
    "tpu.region"() ({
      %run_scoped3A = tpu.sem_alloc : memref<!tpu.dma_semaphore, #tpu.memory_space<semaphore_mem>>
      %dma_start3A_108 = arith.constant 0 : i32
      %dma_start3A_109 = tpu.memref_slice %arg15[%add3A_26, %dma_start3A_108] : memref<10240x128xf32, #tpu.memory_space<vmem_shared>> -> memref<64x128xf32, #tpu.memory_space<vmem_shared>>
      %dma_start3A_110 = arith.constant 0 : i32
      %dma_start3A_111 = tpu.memref_slice %arg15[%add3A_26, %dma_start3A_110] : memref<10240x128xf32, #tpu.memory_space<vmem_shared>> -> memref<64x128xf32, #tpu.memory_space<vmem_shared>>
      tpu.enqueue_dma source(%arg13 : memref<64x128xf32, #tpu.memory_space<vmem>>) target(%dma_start3A_111 : memref<64x128xf32, #tpu.memory_space<vmem_shared>>) target_semaphore(%run_scoped3A : memref<!tpu.dma_semaphore, #tpu.memory_space<semaphore_mem>>)
      %dma_wait3A = arith.constant 0 : i32
      %dma_wait3A_112 = tpu.memref_slice %arg15[%add3A_26, %dma_wait3A] : memref<10240x128xf32, #tpu.memory_space<vmem_shared>> -> memref<64x128xf32, #tpu.memory_space<vmem_shared>>
      %dma_wait3A_113 = arith.constant 0 : i32
      %dma_wait3A_114 = tpu.memref_slice %arg15[%add3A_26, %dma_wait3A_113] : memref<10240x128xf32, #tpu.memory_space<vmem_shared>> -> memref<64x128xf32, #tpu.memory_space<vmem_shared>>
      tpu.wait_dma2 semaphore(%run_scoped3A : memref<!tpu.dma_semaphore, #tpu.memory_space<semaphore_mem>>) src(%arg13 : memref<64x128xf32, #tpu.memory_space<vmem>>) dst(%dma_wait3A_114 : memref<64x128xf32, #tpu.memory_space<vmem_shared>>)
      tpu.yield
    }) : () -> ()
    %add3A_27 = arith.constant 576 : i32
    %add3A_28 = arith.addi %mul3A_8, %add3A_27 : i32
    "tpu.region"() ({
      %run_scoped3A = tpu.sem_alloc : memref<!tpu.dma_semaphore, #tpu.memory_space<semaphore_mem>>
      %dma_start3A_108 = arith.constant 0 : i32
      %dma_start3A_109 = tpu.memref_slice %arg15[%add3A_28, %dma_start3A_108] : memref<10240x128xf32, #tpu.memory_space<vmem_shared>> -> memref<64x128xf32, #tpu.memory_space<vmem_shared>>
      %dma_start3A_110 = arith.constant 0 : i32
      %dma_start3A_111 = tpu.memref_slice %arg15[%add3A_28, %dma_start3A_110] : memref<10240x128xf32, #tpu.memory_space<vmem_shared>> -> memref<64x128xf32, #tpu.memory_space<vmem_shared>>
      tpu.enqueue_dma source(%arg13 : memref<64x128xf32, #tpu.memory_space<vmem>>) target(%dma_start3A_111 : memref<64x128xf32, #tpu.memory_space<vmem_shared>>) target_semaphore(%run_scoped3A : memref<!tpu.dma_semaphore, #tpu.memory_space<semaphore_mem>>)
      %dma_wait3A = arith.constant 0 : i32
      %dma_wait3A_112 = tpu.memref_slice %arg15[%add3A_28, %dma_wait3A] : memref<10240x128xf32, #tpu.memory_space<vmem_shared>> -> memref<64x128xf32, #tpu.memory_space<vmem_shared>>
      %dma_wait3A_113 = arith.constant 0 : i32
      %dma_wait3A_114 = tpu.memref_slice %arg15[%add3A_28, %dma_wait3A_113] : memref<10240x128xf32, #tpu.memory_space<vmem_shared>> -> memref<64x128xf32, #tpu.memory_space<vmem_shared>>
      tpu.wait_dma2 semaphore(%run_scoped3A : memref<!tpu.dma_semaphore, #tpu.memory_space<semaphore_mem>>) src(%arg13 : memref<64x128xf32, #tpu.memory_space<vmem>>) dst(%dma_wait3A_114 : memref<64x128xf32, #tpu.memory_space<vmem_shared>>)
      tpu.yield
    }) : () -> ()
    %barrier3A = arith.constant 0 : index
    tpu.barrier barrier_id(%barrier3A)
    %mul3A_29 = arith.constant 156 : i32
    %mul3A_30 = arith.muli %add3A, %mul3A_29 : i32
    %min3A = arith.constant 8 : i32
    %min3A_31 = arith.minsi %add3A, %min3A : i32
    %add3A_32 = arith.addi %mul3A_30, %min3A_31 : i32
    %lt3A = arith.constant 8 : i32
    %lt3A_33 = arith.cmpi slt, %add3A, %lt3A : i32
    %jit3A = arith.constant 1 : i32
    %jit3A_34 = arith.constant 0 : i32
    %select_n3A = arith.select %lt3A_33, %jit3A, %jit3A_34 : i32
    %add3A_35 = arith.constant 156 : i32
    %add3A_36 = arith.addi %add3A_35, %select_n3A : i32
    %add3A_37 = arith.constant 0 : i32
    %add3A_38 = arith.addi %add3A_32, %add3A_37 : i32
    %mul3A_39 = arith.constant 64 : i32
    %mul3A_40 = arith.muli %add3A_38, %mul3A_39 : i32
    "tpu.region"() ({
      %run_scoped3A = tpu.sem_alloc : memref<!tpu.dma_semaphore, #tpu.memory_space<semaphore_mem>>
      %dma_start3A_108 = tpu.memref_slice %arg3[%mul3A_40] : memref<320000xi32, #tpu.memory_space<hbm>> -> memref<64xi32, #tpu.memory_space<hbm>>
      %dma_start3A_109 = tpu.memref_slice %arg3[%mul3A_40] : memref<320000xi32, #tpu.memory_space<hbm>> -> memref<64xi32, #tpu.memory_space<hbm>>
      tpu.enqueue_dma source(%dma_start3A_109 : memref<64xi32, #tpu.memory_space<hbm>>) target(%arg7 : memref<64xi32, #tpu.memory_space<vmem>>) target_semaphore(%run_scoped3A : memref<!tpu.dma_semaphore, #tpu.memory_space<semaphore_mem>>)
      %dma_wait3A = tpu.memref_slice %arg3[%mul3A_40] : memref<320000xi32, #tpu.memory_space<hbm>> -> memref<64xi32, #tpu.memory_space<hbm>>
      %dma_wait3A_110 = tpu.memref_slice %arg3[%mul3A_40] : memref<320000xi32, #tpu.memory_space<hbm>> -> memref<64xi32, #tpu.memory_space<hbm>>
      tpu.wait_dma2 semaphore(%run_scoped3A : memref<!tpu.dma_semaphore, #tpu.memory_space<semaphore_mem>>) src(%dma_wait3A_110 : memref<64xi32, #tpu.memory_space<hbm>>) dst(%arg7 : memref<64xi32, #tpu.memory_space<vmem>>)
      tpu.yield
    }) : () -> ()
    %add3A_41 = arith.constant 0 : i32
    %add3A_42 = arith.addi %add3A_32, %add3A_41 : i32
    %mul3A_43 = arith.constant 64 : i32
    %mul3A_44 = arith.muli %add3A_42, %mul3A_43 : i32
    "tpu.region"() ({
      %run_scoped3A = tpu.sem_alloc : memref<!tpu.dma_semaphore, #tpu.memory_space<semaphore_mem>>
      %dma_start3A_108 = tpu.memref_slice %arg4[%mul3A_44] : memref<320000xi32, #tpu.memory_space<hbm>> -> memref<64xi32, #tpu.memory_space<hbm>>
      %dma_start3A_109 = tpu.memref_slice %arg4[%mul3A_44] : memref<320000xi32, #tpu.memory_space<hbm>> -> memref<64xi32, #tpu.memory_space<hbm>>
      tpu.enqueue_dma source(%dma_start3A_109 : memref<64xi32, #tpu.memory_space<hbm>>) target(%arg9 : memref<64xi32, #tpu.memory_space<vmem>>) target_semaphore(%run_scoped3A : memref<!tpu.dma_semaphore, #tpu.memory_space<semaphore_mem>>)
      %dma_wait3A = tpu.memref_slice %arg4[%mul3A_44] : memref<320000xi32, #tpu.memory_space<hbm>> -> memref<64xi32, #tpu.memory_space<hbm>>
      %dma_wait3A_110 = tpu.memref_slice %arg4[%mul3A_44] : memref<320000xi32, #tpu.memory_space<hbm>> -> memref<64xi32, #tpu.memory_space<hbm>>
      tpu.wait_dma2 semaphore(%run_scoped3A : memref<!tpu.dma_semaphore, #tpu.memory_space<semaphore_mem>>) src(%dma_wait3A_110 : memref<64xi32, #tpu.memory_space<hbm>>) dst(%arg9 : memref<64xi32, #tpu.memory_space<vmem>>)
      tpu.yield
    }) : () -> ()
    %dma_start3A = arith.constant 0 : i32
    %dma_start3A_45 = arith.constant 0 : i32
    %dma_start3A_46 = tpu.memref_slice %arg2[%dma_start3A, %dma_start3A_45] : memref<10000x128xf32, #tpu.memory_space<hbm>> -> memref<10000x128xf32, #tpu.memory_space<hbm>>
    tpu.enqueue_indirect_dma source(%dma_start3A_46 : memref<10000x128xf32, #tpu.memory_space<hbm>>) target(%arg11 : memref<64x128xf32, #tpu.memory_space<vmem>>) offsets(%arg7 : memref<64xi32, #tpu.memory_space<vmem>>) semaphore(%arg18 : memref<!tpu.dma_semaphore, #tpu.memory_space<semaphore_mem>>)
    %add3A_47 = arith.constant 0 : i32
    %add3A_48 = arith.addi %add3A_32, %add3A_47 : i32
    %mul3A_49 = arith.constant 64 : i32
    %mul3A_50 = arith.muli %add3A_48, %mul3A_49 : i32
    %dma_start3A_51 = arith.constant 0 : i32
    %dma_start3A_52 = tpu.memref_slice %arg5[%mul3A_50, %dma_start3A_51] : memref<320000x128xf32, #tpu.memory_space<hbm>> -> memref<64x128xf32, #tpu.memory_space<hbm>>
    %dma_start3A_53 = arith.constant 0 : i32
    %dma_start3A_54 = tpu.memref_slice %arg5[%mul3A_50, %dma_start3A_53] : memref<320000x128xf32, #tpu.memory_space<hbm>> -> memref<64x128xf32, #tpu.memory_space<hbm>>
    tpu.enqueue_dma source(%dma_start3A_54 : memref<64x128xf32, #tpu.memory_space<hbm>>) target(%arg13 : memref<64x128xf32, #tpu.memory_space<vmem>>) target_semaphore(%arg20 : memref<!tpu.dma_semaphore, #tpu.memory_space<semaphore_mem>>)
    %gt3A = arith.constant 1 : i32
    %gt3A_55 = arith.cmpi sgt, %add3A_36, %gt3A : i32
    %convert_element_type3A = arith.extui %gt3A_55 : i1 to i32
    %cond3A = arith.constant 0 : i32
    %cond3A_56 = arith.cmpi ne, %convert_element_type3A, %cond3A : i32
    scf.if %cond3A_56 {
      %add3A_108 = arith.constant 1 : i32
      %add3A_109 = arith.addi %add3A_32, %add3A_108 : i32
      %mul3A_110 = arith.constant 64 : i32
      %mul3A_111 = arith.muli %add3A_109, %mul3A_110 : i32
      %dma_start3A_112 = tpu.memref_slice %arg3[%mul3A_111] : memref<320000xi32, #tpu.memory_space<hbm>> -> memref<64xi32, #tpu.memory_space<hbm>>
      %dma_start3A_113 = tpu.memref_slice %arg3[%mul3A_111] : memref<320000xi32, #tpu.memory_space<hbm>> -> memref<64xi32, #tpu.memory_space<hbm>>
      tpu.enqueue_dma source(%dma_start3A_113 : memref<64xi32, #tpu.memory_space<hbm>>) target(%arg8 : memref<64xi32, #tpu.memory_space<vmem>>) target_semaphore(%arg17 : memref<!tpu.dma_semaphore, #tpu.memory_space<semaphore_mem>>)
      %add3A_114 = arith.constant 1 : i32
      %add3A_115 = arith.addi %add3A_32, %add3A_114 : i32
      %mul3A_116 = arith.constant 64 : i32
      %mul3A_117 = arith.muli %add3A_115, %mul3A_116 : i32
      %dma_start3A_118 = tpu.memref_slice %arg4[%mul3A_117] : memref<320000xi32, #tpu.memory_space<hbm>> -> memref<64xi32, #tpu.memory_space<hbm>>
      %dma_start3A_119 = tpu.memref_slice %arg4[%mul3A_117] : memref<320000xi32, #tpu.memory_space<hbm>> -> memref<64xi32, #tpu.memory_space<hbm>>
      tpu.enqueue_dma source(%dma_start3A_119 : memref<64xi32, #tpu.memory_space<hbm>>) target(%arg10 : memref<64xi32, #tpu.memory_space<vmem>>) target_semaphore(%arg17 : memref<!tpu.dma_semaphore, #tpu.memory_space<semaphore_mem>>)
    } else {
    }
    %scan3A_57 = arith.constant 0 : i32
    %scan3A_58 = arith.constant 0 : i32
    %scan3A_59 = arith.constant 79 : i32
    %scan3A_60 = arith.addi %scan3A_58, %scan3A_59 : i32
    %scan3A_61 = arith.constant 1 : i32
    %scan3A_62 = scf.for %scan3A_108 = %scan3A_58 to %scan3A_60 step %scan3A_61 iter_args(%scan3A_109 = %scan3A_57) -> (i32)  : i32 {
      %mul3A_110 = arith.constant 2 : i32
      %mul3A_111 = arith.muli %mul3A_110, %scan3A_108 : i32
      %add3A_112 = arith.constant 0 : i32
      %add3A_113 = arith.addi %mul3A_111, %add3A_112 : i32
      %lt3A_114 = arith.cmpi slt, %add3A_113, %add3A_36 : i32
      %convert_element_type3A_115 = arith.extui %lt3A_114 : i1 to i32
      %cond3A_116 = arith.constant 0 : i32
      %cond3A_117 = arith.cmpi ne, %convert_element_type3A_115, %cond3A_116 : i32
      scf.if %cond3A_117 {
        %add3A_127 = arith.constant 1 : i32
        %add3A_128 = arith.addi %add3A_113, %add3A_127 : i32
        %lt3A_129 = arith.cmpi slt, %add3A_128, %add3A_36 : i32
        %convert_element_type3A_130 = arith.extui %lt3A_129 : i1 to i32
        %cond3A_131 = arith.constant 0 : i32
        %cond3A_132 = arith.cmpi ne, %convert_element_type3A_130, %cond3A_131 : i32
        scf.if %cond3A_132 {
          %dma_wait3A_157 = arith.constant 0 : i32
          %dma_wait3A_158 = tpu.memref_slice %arg3[%dma_wait3A_157] : memref<320000xi32, #tpu.memory_space<hbm>> -> memref<64xi32, #tpu.memory_space<hbm>>
          %dma_wait3A_159 = arith.constant 0 : i32
          %dma_wait3A_160 = tpu.memref_slice %arg3[%dma_wait3A_159] : memref<320000xi32, #tpu.memory_space<hbm>> -> memref<64xi32, #tpu.memory_space<hbm>>
          tpu.wait_dma2 semaphore(%arg17 : memref<!tpu.dma_semaphore, #tpu.memory_space<semaphore_mem>>) src(%dma_wait3A_160 : memref<64xi32, #tpu.memory_space<hbm>>) dst(%arg8 : memref<64xi32, #tpu.memory_space<vmem>>)
          %dma_wait3A_161 = arith.constant 0 : i32
          %dma_wait3A_162 = tpu.memref_slice %arg4[%dma_wait3A_161] : memref<320000xi32, #tpu.memory_space<hbm>> -> memref<64xi32, #tpu.memory_space<hbm>>
          %dma_wait3A_163 = arith.constant 0 : i32
          %dma_wait3A_164 = tpu.memref_slice %arg4[%dma_wait3A_163] : memref<320000xi32, #tpu.memory_space<hbm>> -> memref<64xi32, #tpu.memory_space<hbm>>
          tpu.wait_dma2 semaphore(%arg17 : memref<!tpu.dma_semaphore, #tpu.memory_space<semaphore_mem>>) src(%dma_wait3A_164 : memref<64xi32, #tpu.memory_space<hbm>>) dst(%arg10 : memref<64xi32, #tpu.memory_space<vmem>>)
          %add3A_165 = arith.constant 1 : i32
          %add3A_166 = arith.addi %add3A_113, %add3A_165 : i32
          %dma_start3A_167 = arith.constant 0 : i32
          %dma_start3A_168 = arith.constant 0 : i32
          %dma_start3A_169 = tpu.memref_slice %arg2[%dma_start3A_167, %dma_start3A_168] : memref<10000x128xf32, #tpu.memory_space<hbm>> -> memref<10000x128xf32, #tpu.memory_space<hbm>>
          tpu.enqueue_indirect_dma source(%dma_start3A_169 : memref<10000x128xf32, #tpu.memory_space<hbm>>) target(%arg12 : memref<64x128xf32, #tpu.memory_space<vmem>>) offsets(%arg8 : memref<64xi32, #tpu.memory_space<vmem>>) semaphore(%arg19 : memref<!tpu.dma_semaphore, #tpu.memory_space<semaphore_mem>>)
          %add3A_170 = arith.addi %add3A_32, %add3A_166 : i32
          %mul3A_171 = arith.constant 64 : i32
          %mul3A_172 = arith.muli %add3A_170, %mul3A_171 : i32
          %dma_start3A_173 = arith.constant 0 : i32
          %dma_start3A_174 = tpu.memref_slice %arg5[%mul3A_172, %dma_start3A_173] : memref<320000x128xf32, #tpu.memory_space<hbm>> -> memref<64x128xf32, #tpu.memory_space<hbm>>
          %dma_start3A_175 = arith.constant 0 : i32
          %dma_start3A_176 = tpu.memref_slice %arg5[%mul3A_172, %dma_start3A_175] : memref<320000x128xf32, #tpu.memory_space<hbm>> -> memref<64x128xf32, #tpu.memory_space<hbm>>
          tpu.enqueue_dma source(%dma_start3A_176 : memref<64x128xf32, #tpu.memory_space<hbm>>) target(%arg14 : memref<64x128xf32, #tpu.memory_space<vmem>>) target_semaphore(%arg21 : memref<!tpu.dma_semaphore, #tpu.memory_space<semaphore_mem>>)
        } else {
        }
        %dma_wait3A = arith.constant 0 : i32
        %dma_wait3A_133 = arith.constant 0 : i32
        %dma_wait3A_134 = tpu.memref_slice %arg2[%dma_wait3A, %dma_wait3A_133] : memref<10000x128xf32, #tpu.memory_space<hbm>> -> memref<64x128xf32, #tpu.memory_space<hbm>>
        %dma_wait3A_135 = arith.constant 0 : i32
        %dma_wait3A_136 = arith.constant 0 : i32
        %dma_wait3A_137 = tpu.memref_slice %arg2[%dma_wait3A_135, %dma_wait3A_136] : memref<10000x128xf32, #tpu.memory_space<hbm>> -> memref<64x128xf32, #tpu.memory_space<hbm>>
        tpu.wait_dma2 semaphore(%arg18 : memref<!tpu.dma_semaphore, #tpu.memory_space<semaphore_mem>>) src(%dma_wait3A_137 : memref<64x128xf32, #tpu.memory_space<hbm>>) dst(%arg11 : memref<64x128xf32, #tpu.memory_space<vmem>>)
        %dma_wait3A_138 = arith.constant 0 : i32
        %dma_wait3A_139 = arith.constant 0 : i32
        %dma_wait3A_140 = tpu.memref_slice %arg5[%dma_wait3A_138, %dma_wait3A_139] : memref<320000x128xf32, #tpu.memory_space<hbm>> -> memref<64x128xf32, #tpu.memory_space<hbm>>
        %dma_wait3A_141 = arith.constant 0 : i32
        %dma_wait3A_142 = arith.constant 0 : i32
        %dma_wait3A_143 = tpu.memref_slice %arg5[%dma_wait3A_141, %dma_wait3A_142] : memref<320000x128xf32, #tpu.memory_space<hbm>> -> memref<64x128xf32, #tpu.memory_space<hbm>>
        tpu.wait_dma2 semaphore(%arg20 : memref<!tpu.dma_semaphore, #tpu.memory_space<semaphore_mem>>) src(%dma_wait3A_143 : memref<64x128xf32, #tpu.memory_space<hbm>>) dst(%arg13 : memref<64x128xf32, #tpu.memory_space<vmem>>)
        %scan3A_144 = arith.constant 0 : i32
        %scan3A_145 = arith.constant 0 : i32
        %scan3A_146 = arith.constant 64 : i32
        %scan3A_147 = arith.addi %scan3A_145, %scan3A_146 : i32
        %scan3A_148 = arith.constant 1 : i32
        %scan3A_149 = scf.for %scan3A_157 = %scan3A_145 to %scan3A_147 step %scan3A_148 iter_args(%scan3A_158 = %scan3A_144) -> (i32)  : i32 {
          %get3A = arith.index_cast %scan3A_157 : i32 to index
          %get3A_159 = arith.constant 0 : index
          %get3A_160 = tpu.vector_load %arg11[%get3A, %get3A_159] {strides = array<i32>} : memref<64x128xf32, #tpu.memory_space<vmem>>, vector<1x16xf32>,
          %get3A_161 = vector.shape_cast %get3A_160 : vector<1x16xf32> to vector<16xf32>
          %get3A_162 = arith.index_cast %scan3A_157 : i32 to index
          %get3A_163 = arith.constant 0 : index
          %get3A_164 = tpu.vector_load %arg13[%get3A_162, %get3A_163] {strides = array<i32>} : memref<64x128xf32, #tpu.memory_space<vmem>>, vector<1x16xf32>,
          %get3A_165 = vector.shape_cast %get3A_164 : vector<1x16xf32> to vector<16xf32>
          %add3A_166 = arith.addf %get3A_161, %get3A_165 : vector<16xf32>
          %max3A = arith.constant 0.000000e+00 : f32
          %max3A_167 = vector.broadcast %max3A : f32 to vector<16xf32>
          %max3A_168 = arith.maximumf %add3A_166, %max3A_167 : vector<16xf32>
          %swap3A = arith.index_cast %scan3A_157 : i32 to index
          %swap3A_169 = arith.constant 0 : index
          %swap3A_170 = tpu.vector_load %arg13[%swap3A, %swap3A_169] {strides = array<i32>} : memref<64x128xf32, #tpu.memory_space<vmem>>, vector<1x16xf32>,
          %swap3A_171 = vector.shape_cast %swap3A_170 : vector<1x16xf32> to vector<16xf32>
          %swap3A_172 = vector.shape_cast %max3A_168 : vector<16xf32> to vector<1x16xf32>
          tpu.vector_store %arg13[%swap3A, %swap3A_169], %swap3A_172 {strides = array<i32>} : memref<64x128xf32, #tpu.memory_space<vmem>>, vector<1x16xf32>,
          %get3A_173 = arith.index_cast %scan3A_157 : i32 to index
          %get3A_174 = arith.constant 16 : index
          %get3A_175 = tpu.vector_load %arg11[%get3A_173, %get3A_174] {strides = array<i32>} : memref<64x128xf32, #tpu.memory_space<vmem>>, vector<1x16xf32>,
          %get3A_176 = vector.shape_cast %get3A_175 : vector<1x16xf32> to vector<16xf32>
          %get3A_177 = arith.index_cast %scan3A_157 : i32 to index
          %get3A_178 = arith.constant 16 : index
          %get3A_179 = tpu.vector_load %arg13[%get3A_177, %get3A_178] {strides = array<i32>} : memref<64x128xf32, #tpu.memory_space<vmem>>, vector<1x16xf32>,
          %get3A_180 = vector.shape_cast %get3A_179 : vector<1x16xf32> to vector<16xf32>
          %add3A_181 = arith.addf %get3A_176, %get3A_180 : vector<16xf32>
          %max3A_182 = arith.constant 0.000000e+00 : f32
          %max3A_183 = vector.broadcast %max3A_182 : f32 to vector<16xf32>
          %max3A_184 = arith.maximumf %add3A_181, %max3A_183 : vector<16xf32>
          %swap3A_185 = arith.index_cast %scan3A_157 : i32 to index
          %swap3A_186 = arith.constant 16 : index
          %swap3A_187 = tpu.vector_load %arg13[%swap3A_185, %swap3A_186] {strides = array<i32>} : memref<64x128xf32, #tpu.memory_space<vmem>>, vector<1x16xf32>,
          %swap3A_188 = vector.shape_cast %swap3A_187 : vector<1x16xf32> to vector<16xf32>
          %swap3A_189 = vector.shape_cast %max3A_184 : vector<16xf32> to vector<1x16xf32>
          tpu.vector_store %arg13[%swap3A_185, %swap3A_186], %swap3A_189 {strides = array<i32>} : memref<64x128xf32, #tpu.memory_space<vmem>>, vector<1x16xf32>,
          %get3A_190 = arith.index_cast %scan3A_157 : i32 to index
          %get3A_191 = arith.constant 32 : index
          %get3A_192 = tpu.vector_load %arg11[%get3A_190, %get3A_191] {strides = array<i32>} : memref<64x128xf32, #tpu.memory_space<vmem>>, vector<1x16xf32>,
          %get3A_193 = vector.shape_cast %get3A_192 : vector<1x16xf32> to vector<16xf32>
          %get3A_194 = arith.index_cast %scan3A_157 : i32 to index
          %get3A_195 = arith.constant 32 : index
          %get3A_196 = tpu.vector_load %arg13[%get3A_194, %get3A_195] {strides = array<i32>} : memref<64x128xf32, #tpu.memory_space<vmem>>, vector<1x16xf32>,
          %get3A_197 = vector.shape_cast %get3A_196 : vector<1x16xf32> to vector<16xf32>
          %add3A_198 = arith.addf %get3A_193, %get3A_197 : vector<16xf32>
          %max3A_199 = arith.constant 0.000000e+00 : f32
          %max3A_200 = vector.broadcast %max3A_199 : f32 to vector<16xf32>
          %max3A_201 = arith.maximumf %add3A_198, %max3A_200 : vector<16xf32>
          %swap3A_202 = arith.index_cast %scan3A_157 : i32 to index
          %swap3A_203 = arith.constant 32 : index
          %swap3A_204 = tpu.vector_load %arg13[%swap3A_202, %swap3A_203] {strides = array<i32>} : memref<64x128xf32, #tpu.memory_space<vmem>>, vector<1x16xf32>,
          %swap3A_205 = vector.shape_cast %swap3A_204 : vector<1x16xf32> to vector<16xf32>
          %swap3A_206 = vector.shape_cast %max3A_201 : vector<16xf32> to vector<1x16xf32>
          tpu.vector_store %arg13[%swap3A_202, %swap3A_203], %swap3A_206 {strides = array<i32>} : memref<64x128xf32, #tpu.memory_space<vmem>>, vector<1x16xf32>,
          %get3A_207 = arith.index_cast %scan3A_157 : i32 to index
          %get3A_208 = arith.constant 48 : index
          %get3A_209 = tpu.vector_load %arg11[%get3A_207, %get3A_208] {strides = array<i32>} : memref<64x128xf32, #tpu.memory_space<vmem>>, vector<1x16xf32>,
          %get3A_210 = vector.shape_cast %get3A_209 : vector<1x16xf32> to vector<16xf32>
          %get3A_211 = arith.index_cast %scan3A_157 : i32 to index
          %get3A_212 = arith.constant 48 : index
          %get3A_213 = tpu.vector_load %arg13[%get3A_211, %get3A_212] {strides = array<i32>} : memref<64x128xf32, #tpu.memory_space<vmem>>, vector<1x16xf32>,
          %get3A_214 = vector.shape_cast %get3A_213 : vector<1x16xf32> to vector<16xf32>
          %add3A_215 = arith.addf %get3A_210, %get3A_214 : vector<16xf32>
          %max3A_216 = arith.constant 0.000000e+00 : f32
          %max3A_217 = vector.broadcast %max3A_216 : f32 to vector<16xf32>
          %max3A_218 = arith.maximumf %add3A_215, %max3A_217 : vector<16xf32>
          %swap3A_219 = arith.index_cast %scan3A_157 : i32 to index
          %swap3A_220 = arith.constant 48 : index
          %swap3A_221 = tpu.vector_load %arg13[%swap3A_219, %swap3A_220] {strides = array<i32>} : memref<64x128xf32, #tpu.memory_space<vmem>>, vector<1x16xf32>,
          %swap3A_222 = vector.shape_cast %swap3A_221 : vector<1x16xf32> to vector<16xf32>
          %swap3A_223 = vector.shape_cast %max3A_218 : vector<16xf32> to vector<1x16xf32>
          tpu.vector_store %arg13[%swap3A_219, %swap3A_220], %swap3A_223 {strides = array<i32>} : memref<64x128xf32, #tpu.memory_space<vmem>>, vector<1x16xf32>,
          %get3A_224 = arith.index_cast %scan3A_157 : i32 to index
          %get3A_225 = arith.constant 64 : index
          %get3A_226 = tpu.vector_load %arg11[%get3A_224, %get3A_225] {strides = array<i32>} : memref<64x128xf32, #tpu.memory_space<vmem>>, vector<1x16xf32>,
          %get3A_227 = vector.shape_cast %get3A_226 : vector<1x16xf32> to vector<16xf32>
          %get3A_228 = arith.index_cast %scan3A_157 : i32 to index
          %get3A_229 = arith.constant 64 : index
          %get3A_230 = tpu.vector_load %arg13[%get3A_228, %get3A_229] {strides = array<i32>} : memref<64x128xf32, #tpu.memory_space<vmem>>, vector<1x16xf32>,
          %get3A_231 = vector.shape_cast %get3A_230 : vector<1x16xf32> to vector<16xf32>
          %add3A_232 = arith.addf %get3A_227, %get3A_231 : vector<16xf32>
          %max3A_233 = arith.constant 0.000000e+00 : f32
          %max3A_234 = vector.broadcast %max3A_233 : f32 to vector<16xf32>
          %max3A_235 = arith.maximumf %add3A_232, %max3A_234 : vector<16xf32>
          %swap3A_236 = arith.index_cast %scan3A_157 : i32 to index
          %swap3A_237 = arith.constant 64 : index
          %swap3A_238 = tpu.vector_load %arg13[%swap3A_236, %swap3A_237] {strides = array<i32>} : memref<64x128xf32, #tpu.memory_space<vmem>>, vector<1x16xf32>,
          %swap3A_239 = vector.shape_cast %swap3A_238 : vector<1x16xf32> to vector<16xf32>
          %swap3A_240 = vector.shape_cast %max3A_235 : vector<16xf32> to vector<1x16xf32>
          tpu.vector_store %arg13[%swap3A_236, %swap3A_237], %swap3A_240 {strides = array<i32>} : memref<64x128xf32, #tpu.memory_space<vmem>>, vector<1x16xf32>,
          %get3A_241 = arith.index_cast %scan3A_157 : i32 to index
          %get3A_242 = arith.constant 80 : index
          %get3A_243 = tpu.vector_load %arg11[%get3A_241, %get3A_242] {strides = array<i32>} : memref<64x128xf32, #tpu.memory_space<vmem>>, vector<1x16xf32>,
          %get3A_244 = vector.shape_cast %get3A_243 : vector<1x16xf32> to vector<16xf32>
          %get3A_245 = arith.index_cast %scan3A_157 : i32 to index
          %get3A_246 = arith.constant 80 : index
          %get3A_247 = tpu.vector_load %arg13[%get3A_245, %get3A_246] {strides = array<i32>} : memref<64x128xf32, #tpu.memory_space<vmem>>, vector<1x16xf32>,
          %get3A_248 = vector.shape_cast %get3A_247 : vector<1x16xf32> to vector<16xf32>
          %add3A_249 = arith.addf %get3A_244, %get3A_248 : vector<16xf32>
          %max3A_250 = arith.constant 0.000000e+00 : f32
          %max3A_251 = vector.broadcast %max3A_250 : f32 to vector<16xf32>
          %max3A_252 = arith.maximumf %add3A_249, %max3A_251 : vector<16xf32>
          %swap3A_253 = arith.index_cast %scan3A_157 : i32 to index
          %swap3A_254 = arith.constant 80 : index
          %swap3A_255 = tpu.vector_load %arg13[%swap3A_253, %swap3A_254] {strides = array<i32>} : memref<64x128xf32, #tpu.memory_space<vmem>>, vector<1x16xf32>,
          %swap3A_256 = vector.shape_cast %swap3A_255 : vector<1x16xf32> to vector<16xf32>
          %swap3A_257 = vector.shape_cast %max3A_252 : vector<16xf32> to vector<1x16xf32>
          tpu.vector_store %arg13[%swap3A_253, %swap3A_254], %swap3A_257 {strides = array<i32>} : memref<64x128xf32, #tpu.memory_space<vmem>>, vector<1x16xf32>,
          %get3A_258 = arith.index_cast %scan3A_157 : i32 to index
          %get3A_259 = arith.constant 96 : index
          %get3A_260 = tpu.vector_load %arg11[%get3A_258, %get3A_259] {strides = array<i32>} : memref<64x128xf32, #tpu.memory_space<vmem>>, vector<1x16xf32>,
          %get3A_261 = vector.shape_cast %get3A_260 : vector<1x16xf32> to vector<16xf32>
          %get3A_262 = arith.index_cast %scan3A_157 : i32 to index
          %get3A_263 = arith.constant 96 : index
          %get3A_264 = tpu.vector_load %arg13[%get3A_262, %get3A_263] {strides = array<i32>} : memref<64x128xf32, #tpu.memory_space<vmem>>, vector<1x16xf32>,
          %get3A_265 = vector.shape_cast %get3A_264 : vector<1x16xf32> to vector<16xf32>
          %add3A_266 = arith.addf %get3A_261, %get3A_265 : vector<16xf32>
          %max3A_267 = arith.constant 0.000000e+00 : f32
          %max3A_268 = vector.broadcast %max3A_267 : f32 to vector<16xf32>
          %max3A_269 = arith.maximumf %add3A_266, %max3A_268 : vector<16xf32>
          %swap3A_270 = arith.index_cast %scan3A_157 : i32 to index
          %swap3A_271 = arith.constant 96 : index
          %swap3A_272 = tpu.vector_load %arg13[%swap3A_270, %swap3A_271] {strides = array<i32>} : memref<64x128xf32, #tpu.memory_space<vmem>>, vector<1x16xf32>,
          %swap3A_273 = vector.shape_cast %swap3A_272 : vector<1x16xf32> to vector<16xf32>
          %swap3A_274 = vector.shape_cast %max3A_269 : vector<16xf32> to vector<1x16xf32>
          tpu.vector_store %arg13[%swap3A_270, %swap3A_271], %swap3A_274 {strides = array<i32>} : memref<64x128xf32, #tpu.memory_space<vmem>>, vector<1x16xf32>,
          %get3A_275 = arith.index_cast %scan3A_157 : i32 to index
          %get3A_276 = arith.constant 112 : index
          %get3A_277 = tpu.vector_load %arg11[%get3A_275, %get3A_276] {strides = array<i32>} : memref<64x128xf32, #tpu.memory_space<vmem>>, vector<1x16xf32>,
          %get3A_278 = vector.shape_cast %get3A_277 : vector<1x16xf32> to vector<16xf32>
          %get3A_279 = arith.index_cast %scan3A_157 : i32 to index
          %get3A_280 = arith.constant 112 : index
          %get3A_281 = tpu.vector_load %arg13[%get3A_279, %get3A_280] {strides = array<i32>} : memref<64x128xf32, #tpu.memory_space<vmem>>, vector<1x16xf32>,
          %get3A_282 = vector.shape_cast %get3A_281 : vector<1x16xf32> to vector<16xf32>
          %add3A_283 = arith.addf %get3A_278, %get3A_282 : vector<16xf32>
          %max3A_284 = arith.constant 0.000000e+00 : f32
          %max3A_285 = vector.broadcast %max3A_284 : f32 to vector<16xf32>
          %max3A_286 = arith.maximumf %add3A_283, %max3A_285 : vector<16xf32>
          %swap3A_287 = arith.index_cast %scan3A_157 : i32 to index
          %swap3A_288 = arith.constant 112 : index
          %swap3A_289 = tpu.vector_load %arg13[%swap3A_287, %swap3A_288] {strides = array<i32>} : memref<64x128xf32, #tpu.memory_space<vmem>>, vector<1x16xf32>,
          %swap3A_290 = vector.shape_cast %swap3A_289 : vector<1x16xf32> to vector<16xf32>
          %swap3A_291 = vector.shape_cast %max3A_286 : vector<16xf32> to vector<1x16xf32>
          tpu.vector_store %arg13[%swap3A_287, %swap3A_288], %swap3A_291 {strides = array<i32>} : memref<64x128xf32, #tpu.memory_space<vmem>>, vector<1x16xf32>,
          %scan3A_292 = arith.constant 0 : i32
          scf.yield %scan3A_292 : i32
        }
        %scan3A_150 = arith.constant 64 : i32
        "tpu.region"() ({
          %run_scoped3A = tpu.sem_alloc : memref<!tpu.dma_semaphore, #tpu.memory_space<semaphore_mem>>
          %dma_start3A_157 = arith.constant 0 : i32
          %dma_start3A_158 = arith.constant 0 : i32
          %dma_start3A_159 = tpu.memref_slice %arg15[%dma_start3A_157, %dma_start3A_158] : memref<10240x128xf32, #tpu.memory_space<vmem_shared>> -> memref<10240x128xf32, #tpu.memory_space<vmem_shared>>
          tpu.enqueue_indirect_dma source(%arg13 : memref<64x128xf32, #tpu.memory_space<vmem>>) target(%dma_start3A_159 : memref<10240x128xf32, #tpu.memory_space<vmem_shared>>) offsets(%arg9 : memref<64xi32, #tpu.memory_space<vmem>>) semaphore(%run_scoped3A : memref<!tpu.dma_semaphore, #tpu.memory_space<semaphore_mem>>) {add = true}
          %dma_wait3A_160 = arith.constant 0 : i32
          %dma_wait3A_161 = arith.constant 0 : i32
          %dma_wait3A_162 = tpu.memref_slice %arg15[%dma_wait3A_160, %dma_wait3A_161] : memref<10240x128xf32, #tpu.memory_space<vmem_shared>> -> memref<10240x128xf32, #tpu.memory_space<vmem_shared>>
          tpu.wait_indirect_dma semaphore(%run_scoped3A : memref<!tpu.dma_semaphore, #tpu.memory_space<semaphore_mem>>) src(%arg13 : memref<64x128xf32, #tpu.memory_space<vmem>>) dst(%dma_wait3A_162 : memref<10240x128xf32, #tpu.memory_space<vmem_shared>>)
          tpu.yield
        }) : () -> ()
        %add3A_151 = arith.constant 2 : i32
        %add3A_152 = arith.addi %add3A_113, %add3A_151 : i32
        %lt3A_153 = arith.cmpi slt, %add3A_152, %add3A_36 : i32
        %convert_element_type3A_154 = arith.extui %lt3A_153 : i1 to i32
        %cond3A_155 = arith.constant 0 : i32
        %cond3A_156 = arith.cmpi ne, %convert_element_type3A_154, %cond3A_155 : i32
        scf.if %cond3A_156 {
          %add3A_157 = arith.constant 2 : i32
          %add3A_158 = arith.addi %add3A_113, %add3A_157 : i32
          %add3A_159 = arith.addi %add3A_32, %add3A_158 : i32
          %mul3A_160 = arith.constant 64 : i32
          %mul3A_161 = arith.muli %add3A_159, %mul3A_160 : i32
          %dma_start3A_162 = tpu.memref_slice %arg3[%mul3A_161] : memref<320000xi32, #tpu.memory_space<hbm>> -> memref<64xi32, #tpu.memory_space<hbm>>
          %dma_start3A_163 = tpu.memref_slice %arg3[%mul3A_161] : memref<320000xi32, #tpu.memory_space<hbm>> -> memref<64xi32, #tpu.memory_space<hbm>>
          tpu.enqueue_dma source(%dma_start3A_163 : memref<64xi32, #tpu.memory_space<hbm>>) target(%arg7 : memref<64xi32, #tpu.memory_space<vmem>>) target_semaphore(%arg16 : memref<!tpu.dma_semaphore, #tpu.memory_space<semaphore_mem>>)
          %add3A_164 = arith.addi %add3A_32, %add3A_158 : i32
          %mul3A_165 = arith.constant 64 : i32
          %mul3A_166 = arith.muli %add3A_164, %mul3A_165 : i32
          %dma_start3A_167 = tpu.memref_slice %arg4[%mul3A_166] : memref<320000xi32, #tpu.memory_space<hbm>> -> memref<64xi32, #tpu.memory_space<hbm>>
          %dma_start3A_168 = tpu.memref_slice %arg4[%mul3A_166] : memref<320000xi32, #tpu.memory_space<hbm>> -> memref<64xi32, #tpu.memory_space<hbm>>
          tpu.enqueue_dma source(%dma_start3A_168 : memref<64xi32, #tpu.memory_space<hbm>>) target(%arg9 : memref<64xi32, #tpu.memory_space<vmem>>) target_semaphore(%arg16 : memref<!tpu.dma_semaphore, #tpu.memory_space<semaphore_mem>>)
        } else {
        }
      } else {
      }
      %mul3A_118 = arith.constant 2 : i32
      %mul3A_119 = arith.muli %mul3A_118, %scan3A_108 : i32
      %add3A_120 = arith.constant 1 : i32
      %add3A_121 = arith.addi %mul3A_119, %add3A_120 : i32
      %lt3A_122 = arith.cmpi slt, %add3A_121, %add3A_36 : i32
      %convert_element_type3A_123 = arith.extui %lt3A_122 : i1 to i32
      %cond3A_124 = arith.constant 0 : i32
      %cond3A_125 = arith.cmpi ne, %convert_element_type3A_123, %cond3A_124 : i32
      scf.if %cond3A_125 {
        %add3A_127 = arith.constant 1 : i32
        %add3A_128 = arith.addi %add3A_121, %add3A_127 : i32
        %lt3A_129 = arith.cmpi slt, %add3A_128, %add3A_36 : i32
        %convert_element_type3A_130 = arith.extui %lt3A_129 : i1 to i32
        %cond3A_131 = arith.constant 0 : i32
        %cond3A_132 = arith.cmpi ne, %convert_element_type3A_130, %cond3A_131 : i32
        scf.if %cond3A_132 {
          %dma_wait3A_157 = arith.constant 0 : i32
          %dma_wait3A_158 = tpu.memref_slice %arg3[%dma_wait3A_157] : memref<320000xi32, #tpu.memory_space<hbm>> -> memref<64xi32, #tpu.memory_space<hbm>>
          %dma_wait3A_159 = arith.constant 0 : i32
          %dma_wait3A_160 = tpu.memref_slice %arg3[%dma_wait3A_159] : memref<320000xi32, #tpu.memory_space<hbm>> -> memref<64xi32, #tpu.memory_space<hbm>>
          tpu.wait_dma2 semaphore(%arg16 : memref<!tpu.dma_semaphore, #tpu.memory_space<semaphore_mem>>) src(%dma_wait3A_160 : memref<64xi32, #tpu.memory_space<hbm>>) dst(%arg7 : memref<64xi32, #tpu.memory_space<vmem>>)
          %dma_wait3A_161 = arith.constant 0 : i32
          %dma_wait3A_162 = tpu.memref_slice %arg4[%dma_wait3A_161] : memref<320000xi32, #tpu.memory_space<hbm>> -> memref<64xi32, #tpu.memory_space<hbm>>
          %dma_wait3A_163 = arith.constant 0 : i32
          %dma_wait3A_164 = tpu.memref_slice %arg4[%dma_wait3A_163] : memref<320000xi32, #tpu.memory_space<hbm>> -> memref<64xi32, #tpu.memory_space<hbm>>
          tpu.wait_dma2 semaphore(%arg16 : memref<!tpu.dma_semaphore, #tpu.memory_space<semaphore_mem>>) src(%dma_wait3A_164 : memref<64xi32, #tpu.memory_space<hbm>>) dst(%arg9 : memref<64xi32, #tpu.memory_space<vmem>>)
          %add3A_165 = arith.constant 1 : i32
          %add3A_166 = arith.addi %add3A_121, %add3A_165 : i32
          %dma_start3A_167 = arith.constant 0 : i32
          %dma_start3A_168 = arith.constant 0 : i32
          %dma_start3A_169 = tpu.memref_slice %arg2[%dma_start3A_167, %dma_start3A_168] : memref<10000x128xf32, #tpu.memory_space<hbm>> -> memref<10000x128xf32, #tpu.memory_space<hbm>>
          tpu.enqueue_indirect_dma source(%dma_start3A_169 : memref<10000x128xf32, #tpu.memory_space<hbm>>) target(%arg11 : memref<64x128xf32, #tpu.memory_space<vmem>>) offsets(%arg7 : memref<64xi32, #tpu.memory_space<vmem>>) semaphore(%arg18 : memref<!tpu.dma_semaphore, #tpu.memory_space<semaphore_mem>>)
          %add3A_170 = arith.addi %add3A_32, %add3A_166 : i32
          %mul3A_171 = arith.constant 64 : i32
          %mul3A_172 = arith.muli %add3A_170, %mul3A_171 : i32
          %dma_start3A_173 = arith.constant 0 : i32
          %dma_start3A_174 = tpu.memref_slice %arg5[%mul3A_172, %dma_start3A_173] : memref<320000x128xf32, #tpu.memory_space<hbm>> -> memref<64x128xf32, #tpu.memory_space<hbm>>
          %dma_start3A_175 = arith.constant 0 : i32
          %dma_start3A_176 = tpu.memref_slice %arg5[%mul3A_172, %dma_start3A_175] : memref<320000x128xf32, #tpu.memory_space<hbm>> -> memref<64x128xf32, #tpu.memory_space<hbm>>
          tpu.enqueue_dma source(%dma_start3A_176 : memref<64x128xf32, #tpu.memory_space<hbm>>) target(%arg13 : memref<64x128xf32, #tpu.memory_space<vmem>>) target_semaphore(%arg20 : memref<!tpu.dma_semaphore, #tpu.memory_space<semaphore_mem>>)
        } else {
        }
        %dma_wait3A = arith.constant 0 : i32
        %dma_wait3A_133 = arith.constant 0 : i32
        %dma_wait3A_134 = tpu.memref_slice %arg2[%dma_wait3A, %dma_wait3A_133] : memref<10000x128xf32, #tpu.memory_space<hbm>> -> memref<64x128xf32, #tpu.memory_space<hbm>>
        %dma_wait3A_135 = arith.constant 0 : i32
        %dma_wait3A_136 = arith.constant 0 : i32
        %dma_wait3A_137 = tpu.memref_slice %arg2[%dma_wait3A_135, %dma_wait3A_136] : memref<10000x128xf32, #tpu.memory_space<hbm>> -> memref<64x128xf32, #tpu.memory_space<hbm>>
        tpu.wait_dma2 semaphore(%arg19 : memref<!tpu.dma_semaphore, #tpu.memory_space<semaphore_mem>>) src(%dma_wait3A_137 : memref<64x128xf32, #tpu.memory_space<hbm>>) dst(%arg12 : memref<64x128xf32, #tpu.memory_space<vmem>>)
        %dma_wait3A_138 = arith.constant 0 : i32
        %dma_wait3A_139 = arith.constant 0 : i32
        %dma_wait3A_140 = tpu.memref_slice %arg5[%dma_wait3A_138, %dma_wait3A_139] : memref<320000x128xf32, #tpu.memory_space<hbm>> -> memref<64x128xf32, #tpu.memory_space<hbm>>
        %dma_wait3A_141 = arith.constant 0 : i32
        %dma_wait3A_142 = arith.constant 0 : i32
        %dma_wait3A_143 = tpu.memref_slice %arg5[%dma_wait3A_141, %dma_wait3A_142] : memref<320000x128xf32, #tpu.memory_space<hbm>> -> memref<64x128xf32, #tpu.memory_space<hbm>>
        tpu.wait_dma2 semaphore(%arg21 : memref<!tpu.dma_semaphore, #tpu.memory_space<semaphore_mem>>) src(%dma_wait3A_143 : memref<64x128xf32, #tpu.memory_space<hbm>>) dst(%arg14 : memref<64x128xf32, #tpu.memory_space<vmem>>)
        %scan3A_144 = arith.constant 0 : i32
        %scan3A_145 = arith.constant 0 : i32
        %scan3A_146 = arith.constant 64 : i32
        %scan3A_147 = arith.addi %scan3A_145, %scan3A_146 : i32
        %scan3A_148 = arith.constant 1 : i32
        %scan3A_149 = scf.for %scan3A_157 = %scan3A_145 to %scan3A_147 step %scan3A_148 iter_args(%scan3A_158 = %scan3A_144) -> (i32)  : i32 {
          %get3A = arith.index_cast %scan3A_157 : i32 to index
          %get3A_159 = arith.constant 0 : index
          %get3A_160 = tpu.vector_load %arg12[%get3A, %get3A_159] {strides = array<i32>} : memref<64x128xf32, #tpu.memory_space<vmem>>, vector<1x16xf32>,
          %get3A_161 = vector.shape_cast %get3A_160 : vector<1x16xf32> to vector<16xf32>
          %get3A_162 = arith.index_cast %scan3A_157 : i32 to index
          %get3A_163 = arith.constant 0 : index
          %get3A_164 = tpu.vector_load %arg14[%get3A_162, %get3A_163] {strides = array<i32>} : memref<64x128xf32, #tpu.memory_space<vmem>>, vector<1x16xf32>,
          %get3A_165 = vector.shape_cast %get3A_164 : vector<1x16xf32> to vector<16xf32>
          %add3A_166 = arith.addf %get3A_161, %get3A_165 : vector<16xf32>
          %max3A = arith.constant 0.000000e+00 : f32
          %max3A_167 = vector.broadcast %max3A : f32 to vector<16xf32>
          %max3A_168 = arith.maximumf %add3A_166, %max3A_167 : vector<16xf32>
          %swap3A = arith.index_cast %scan3A_157 : i32 to index
          %swap3A_169 = arith.constant 0 : index
          %swap3A_170 = tpu.vector_load %arg14[%swap3A, %swap3A_169] {strides = array<i32>} : memref<64x128xf32, #tpu.memory_space<vmem>>, vector<1x16xf32>,
          %swap3A_171 = vector.shape_cast %swap3A_170 : vector<1x16xf32> to vector<16xf32>
          %swap3A_172 = vector.shape_cast %max3A_168 : vector<16xf32> to vector<1x16xf32>
          tpu.vector_store %arg14[%swap3A, %swap3A_169], %swap3A_172 {strides = array<i32>} : memref<64x128xf32, #tpu.memory_space<vmem>>, vector<1x16xf32>,
          %get3A_173 = arith.index_cast %scan3A_157 : i32 to index
          %get3A_174 = arith.constant 16 : index
          %get3A_175 = tpu.vector_load %arg12[%get3A_173, %get3A_174] {strides = array<i32>} : memref<64x128xf32, #tpu.memory_space<vmem>>, vector<1x16xf32>,
          %get3A_176 = vector.shape_cast %get3A_175 : vector<1x16xf32> to vector<16xf32>
          %get3A_177 = arith.index_cast %scan3A_157 : i32 to index
          %get3A_178 = arith.constant 16 : index
          %get3A_179 = tpu.vector_load %arg14[%get3A_177, %get3A_178] {strides = array<i32>} : memref<64x128xf32, #tpu.memory_space<vmem>>, vector<1x16xf32>,
          %get3A_180 = vector.shape_cast %get3A_179 : vector<1x16xf32> to vector<16xf32>
          %add3A_181 = arith.addf %get3A_176, %get3A_180 : vector<16xf32>
          %max3A_182 = arith.constant 0.000000e+00 : f32
          %max3A_183 = vector.broadcast %max3A_182 : f32 to vector<16xf32>
          %max3A_184 = arith.maximumf %add3A_181, %max3A_183 : vector<16xf32>
          %swap3A_185 = arith.index_cast %scan3A_157 : i32 to index
          %swap3A_186 = arith.constant 16 : index
          %swap3A_187 = tpu.vector_load %arg14[%swap3A_185, %swap3A_186] {strides = array<i32>} : memref<64x128xf32, #tpu.memory_space<vmem>>, vector<1x16xf32>,
          %swap3A_188 = vector.shape_cast %swap3A_187 : vector<1x16xf32> to vector<16xf32>
          %swap3A_189 = vector.shape_cast %max3A_184 : vector<16xf32> to vector<1x16xf32>
          tpu.vector_store %arg14[%swap3A_185, %swap3A_186], %swap3A_189 {strides = array<i32>} : memref<64x128xf32, #tpu.memory_space<vmem>>, vector<1x16xf32>,
          %get3A_190 = arith.index_cast %scan3A_157 : i32 to index
          %get3A_191 = arith.constant 32 : index
          %get3A_192 = tpu.vector_load %arg12[%get3A_190, %get3A_191] {strides = array<i32>} : memref<64x128xf32, #tpu.memory_space<vmem>>, vector<1x16xf32>,
          %get3A_193 = vector.shape_cast %get3A_192 : vector<1x16xf32> to vector<16xf32>
          %get3A_194 = arith.index_cast %scan3A_157 : i32 to index
          %get3A_195 = arith.constant 32 : index
          %get3A_196 = tpu.vector_load %arg14[%get3A_194, %get3A_195] {strides = array<i32>} : memref<64x128xf32, #tpu.memory_space<vmem>>, vector<1x16xf32>,
          %get3A_197 = vector.shape_cast %get3A_196 : vector<1x16xf32> to vector<16xf32>
          %add3A_198 = arith.addf %get3A_193, %get3A_197 : vector<16xf32>
          %max3A_199 = arith.constant 0.000000e+00 : f32
          %max3A_200 = vector.broadcast %max3A_199 : f32 to vector<16xf32>
          %max3A_201 = arith.maximumf %add3A_198, %max3A_200 : vector<16xf32>
          %swap3A_202 = arith.index_cast %scan3A_157 : i32 to index
          %swap3A_203 = arith.constant 32 : index
          %swap3A_204 = tpu.vector_load %arg14[%swap3A_202, %swap3A_203] {strides = array<i32>} : memref<64x128xf32, #tpu.memory_space<vmem>>, vector<1x16xf32>,
          %swap3A_205 = vector.shape_cast %swap3A_204 : vector<1x16xf32> to vector<16xf32>
          %swap3A_206 = vector.shape_cast %max3A_201 : vector<16xf32> to vector<1x16xf32>
          tpu.vector_store %arg14[%swap3A_202, %swap3A_203], %swap3A_206 {strides = array<i32>} : memref<64x128xf32, #tpu.memory_space<vmem>>, vector<1x16xf32>,
          %get3A_207 = arith.index_cast %scan3A_157 : i32 to index
          %get3A_208 = arith.constant 48 : index
          %get3A_209 = tpu.vector_load %arg12[%get3A_207, %get3A_208] {strides = array<i32>} : memref<64x128xf32, #tpu.memory_space<vmem>>, vector<1x16xf32>,
          %get3A_210 = vector.shape_cast %get3A_209 : vector<1x16xf32> to vector<16xf32>
          %get3A_211 = arith.index_cast %scan3A_157 : i32 to index
          %get3A_212 = arith.constant 48 : index
          %get3A_213 = tpu.vector_load %arg14[%get3A_211, %get3A_212] {strides = array<i32>} : memref<64x128xf32, #tpu.memory_space<vmem>>, vector<1x16xf32>,
          %get3A_214 = vector.shape_cast %get3A_213 : vector<1x16xf32> to vector<16xf32>
          %add3A_215 = arith.addf %get3A_210, %get3A_214 : vector<16xf32>
          %max3A_216 = arith.constant 0.000000e+00 : f32
          %max3A_217 = vector.broadcast %max3A_216 : f32 to vector<16xf32>
          %max3A_218 = arith.maximumf %add3A_215, %max3A_217 : vector<16xf32>
          %swap3A_219 = arith.index_cast %scan3A_157 : i32 to index
          %swap3A_220 = arith.constant 48 : index
          %swap3A_221 = tpu.vector_load %arg14[%swap3A_219, %swap3A_220] {strides = array<i32>} : memref<64x128xf32, #tpu.memory_space<vmem>>, vector<1x16xf32>,
          %swap3A_222 = vector.shape_cast %swap3A_221 : vector<1x16xf32> to vector<16xf32>
          %swap3A_223 = vector.shape_cast %max3A_218 : vector<16xf32> to vector<1x16xf32>
          tpu.vector_store %arg14[%swap3A_219, %swap3A_220], %swap3A_223 {strides = array<i32>} : memref<64x128xf32, #tpu.memory_space<vmem>>, vector<1x16xf32>,
          %get3A_224 = arith.index_cast %scan3A_157 : i32 to index
          %get3A_225 = arith.constant 64 : index
          %get3A_226 = tpu.vector_load %arg12[%get3A_224, %get3A_225] {strides = array<i32>} : memref<64x128xf32, #tpu.memory_space<vmem>>, vector<1x16xf32>,
          %get3A_227 = vector.shape_cast %get3A_226 : vector<1x16xf32> to vector<16xf32>
          %get3A_228 = arith.index_cast %scan3A_157 : i32 to index
          %get3A_229 = arith.constant 64 : index
          %get3A_230 = tpu.vector_load %arg14[%get3A_228, %get3A_229] {strides = array<i32>} : memref<64x128xf32, #tpu.memory_space<vmem>>, vector<1x16xf32>,
          %get3A_231 = vector.shape_cast %get3A_230 : vector<1x16xf32> to vector<16xf32>
          %add3A_232 = arith.addf %get3A_227, %get3A_231 : vector<16xf32>
          %max3A_233 = arith.constant 0.000000e+00 : f32
          %max3A_234 = vector.broadcast %max3A_233 : f32 to vector<16xf32>
          %max3A_235 = arith.maximumf %add3A_232, %max3A_234 : vector<16xf32>
          %swap3A_236 = arith.index_cast %scan3A_157 : i32 to index
          %swap3A_237 = arith.constant 64 : index
          %swap3A_238 = tpu.vector_load %arg14[%swap3A_236, %swap3A_237] {strides = array<i32>} : memref<64x128xf32, #tpu.memory_space<vmem>>, vector<1x16xf32>,
          %swap3A_239 = vector.shape_cast %swap3A_238 : vector<1x16xf32> to vector<16xf32>
          %swap3A_240 = vector.shape_cast %max3A_235 : vector<16xf32> to vector<1x16xf32>
          tpu.vector_store %arg14[%swap3A_236, %swap3A_237], %swap3A_240 {strides = array<i32>} : memref<64x128xf32, #tpu.memory_space<vmem>>, vector<1x16xf32>,
          %get3A_241 = arith.index_cast %scan3A_157 : i32 to index
          %get3A_242 = arith.constant 80 : index
          %get3A_243 = tpu.vector_load %arg12[%get3A_241, %get3A_242] {strides = array<i32>} : memref<64x128xf32, #tpu.memory_space<vmem>>, vector<1x16xf32>,
          %get3A_244 = vector.shape_cast %get3A_243 : vector<1x16xf32> to vector<16xf32>
          %get3A_245 = arith.index_cast %scan3A_157 : i32 to index
          %get3A_246 = arith.constant 80 : index
          %get3A_247 = tpu.vector_load %arg14[%get3A_245, %get3A_246] {strides = array<i32>} : memref<64x128xf32, #tpu.memory_space<vmem>>, vector<1x16xf32>,
          %get3A_248 = vector.shape_cast %get3A_247 : vector<1x16xf32> to vector<16xf32>
          %add3A_249 = arith.addf %get3A_244, %get3A_248 : vector<16xf32>
          %max3A_250 = arith.constant 0.000000e+00 : f32
          %max3A_251 = vector.broadcast %max3A_250 : f32 to vector<16xf32>
          %max3A_252 = arith.maximumf %add3A_249, %max3A_251 : vector<16xf32>
          %swap3A_253 = arith.index_cast %scan3A_157 : i32 to index
          %swap3A_254 = arith.constant 80 : index
          %swap3A_255 = tpu.vector_load %arg14[%swap3A_253, %swap3A_254] {strides = array<i32>} : memref<64x128xf32, #tpu.memory_space<vmem>>, vector<1x16xf32>,
          %swap3A_256 = vector.shape_cast %swap3A_255 : vector<1x16xf32> to vector<16xf32>
          %swap3A_257 = vector.shape_cast %max3A_252 : vector<16xf32> to vector<1x16xf32>
          tpu.vector_store %arg14[%swap3A_253, %swap3A_254], %swap3A_257 {strides = array<i32>} : memref<64x128xf32, #tpu.memory_space<vmem>>, vector<1x16xf32>,
          %get3A_258 = arith.index_cast %scan3A_157 : i32 to index
          %get3A_259 = arith.constant 96 : index
          %get3A_260 = tpu.vector_load %arg12[%get3A_258, %get3A_259] {strides = array<i32>} : memref<64x128xf32, #tpu.memory_space<vmem>>, vector<1x16xf32>,
          %get3A_261 = vector.shape_cast %get3A_260 : vector<1x16xf32> to vector<16xf32>
          %get3A_262 = arith.index_cast %scan3A_157 : i32 to index
          %get3A_263 = arith.constant 96 : index
          %get3A_264 = tpu.vector_load %arg14[%get3A_262, %get3A_263] {strides = array<i32>} : memref<64x128xf32, #tpu.memory_space<vmem>>, vector<1x16xf32>,
          %get3A_265 = vector.shape_cast %get3A_264 : vector<1x16xf32> to vector<16xf32>
          %add3A_266 = arith.addf %get3A_261, %get3A_265 : vector<16xf32>
          %max3A_267 = arith.constant 0.000000e+00 : f32
          %max3A_268 = vector.broadcast %max3A_267 : f32 to vector<16xf32>
          %max3A_269 = arith.maximumf %add3A_266, %max3A_268 : vector<16xf32>
          %swap3A_270 = arith.index_cast %scan3A_157 : i32 to index
          %swap3A_271 = arith.constant 96 : index
          %swap3A_272 = tpu.vector_load %arg14[%swap3A_270, %swap3A_271] {strides = array<i32>} : memref<64x128xf32, #tpu.memory_space<vmem>>, vector<1x16xf32>,
          %swap3A_273 = vector.shape_cast %swap3A_272 : vector<1x16xf32> to vector<16xf32>
          %swap3A_274 = vector.shape_cast %max3A_269 : vector<16xf32> to vector<1x16xf32>
          tpu.vector_store %arg14[%swap3A_270, %swap3A_271], %swap3A_274 {strides = array<i32>} : memref<64x128xf32, #tpu.memory_space<vmem>>, vector<1x16xf32>,
          %get3A_275 = arith.index_cast %scan3A_157 : i32 to index
          %get3A_276 = arith.constant 112 : index
          %get3A_277 = tpu.vector_load %arg12[%get3A_275, %get3A_276] {strides = array<i32>} : memref<64x128xf32, #tpu.memory_space<vmem>>, vector<1x16xf32>,
          %get3A_278 = vector.shape_cast %get3A_277 : vector<1x16xf32> to vector<16xf32>
          %get3A_279 = arith.index_cast %scan3A_157 : i32 to index
          %get3A_280 = arith.constant 112 : index
          %get3A_281 = tpu.vector_load %arg14[%get3A_279, %get3A_280] {strides = array<i32>} : memref<64x128xf32, #tpu.memory_space<vmem>>, vector<1x16xf32>,
          %get3A_282 = vector.shape_cast %get3A_281 : vector<1x16xf32> to vector<16xf32>
          %add3A_283 = arith.addf %get3A_278, %get3A_282 : vector<16xf32>
          %max3A_284 = arith.constant 0.000000e+00 : f32
          %max3A_285 = vector.broadcast %max3A_284 : f32 to vector<16xf32>
          %max3A_286 = arith.maximumf %add3A_283, %max3A_285 : vector<16xf32>
          %swap3A_287 = arith.index_cast %scan3A_157 : i32 to index
          %swap3A_288 = arith.constant 112 : index
          %swap3A_289 = tpu.vector_load %arg14[%swap3A_287, %swap3A_288] {strides = array<i32>} : memref<64x128xf32, #tpu.memory_space<vmem>>, vector<1x16xf32>,
          %swap3A_290 = vector.shape_cast %swap3A_289 : vector<1x16xf32> to vector<16xf32>
          %swap3A_291 = vector.shape_cast %max3A_286 : vector<16xf32> to vector<1x16xf32>
          tpu.vector_store %arg14[%swap3A_287, %swap3A_288], %swap3A_291 {strides = array<i32>} : memref<64x128xf32, #tpu.memory_space<vmem>>, vector<1x16xf32>,
          %scan3A_292 = arith.constant 0 : i32
          scf.yield %scan3A_292 : i32
        }
        %scan3A_150 = arith.constant 64 : i32
        "tpu.region"() ({
          %run_scoped3A = tpu.sem_alloc : memref<!tpu.dma_semaphore, #tpu.memory_space<semaphore_mem>>
          %dma_start3A_157 = arith.constant 0 : i32
          %dma_start3A_158 = arith.constant 0 : i32
          %dma_start3A_159 = tpu.memref_slice %arg15[%dma_start3A_157, %dma_start3A_158] : memref<10240x128xf32, #tpu.memory_space<vmem_shared>> -> memref<10240x128xf32, #tpu.memory_space<vmem_shared>>
          tpu.enqueue_indirect_dma source(%arg14 : memref<64x128xf32, #tpu.memory_space<vmem>>) target(%dma_start3A_159 : memref<10240x128xf32, #tpu.memory_space<vmem_shared>>) offsets(%arg10 : memref<64xi32, #tpu.memory_space<vmem>>) semaphore(%run_scoped3A : memref<!tpu.dma_semaphore, #tpu.memory_space<semaphore_mem>>) {add = true}
          %dma_wait3A_160 = arith.constant 0 : i32
          %dma_wait3A_161 = arith.constant 0 : i32
          %dma_wait3A_162 = tpu.memref_slice %arg15[%dma_wait3A_160, %dma_wait3A_161] : memref<10240x128xf32, #tpu.memory_space<vmem_shared>> -> memref<10240x128xf32, #tpu.memory_space<vmem_shared>>
          tpu.wait_indirect_dma semaphore(%run_scoped3A : memref<!tpu.dma_semaphore, #tpu.memory_space<semaphore_mem>>) src(%arg14 : memref<64x128xf32, #tpu.memory_space<vmem>>) dst(%dma_wait3A_162 : memref<10240x128xf32, #tpu.memory_space<vmem_shared>>)
          tpu.yield
        }) : () -> ()
        %add3A_151 = arith.constant 2 : i32
        %add3A_152 = arith.addi %add3A_121, %add3A_151 : i32
        %lt3A_153 = arith.cmpi slt, %add3A_152, %add3A_36 : i32
        %convert_element_type3A_154 = arith.extui %lt3A_153 : i1 to i32
        %cond3A_155 = arith.constant 0 : i32
        %cond3A_156 = arith.cmpi ne, %convert_element_type3A_154, %cond3A_155 : i32
        scf.if %cond3A_156 {
          %add3A_157 = arith.constant 2 : i32
          %add3A_158 = arith.addi %add3A_121, %add3A_157 : i32
          %add3A_159 = arith.addi %add3A_32, %add3A_158 : i32
          %mul3A_160 = arith.constant 64 : i32
          %mul3A_161 = arith.muli %add3A_159, %mul3A_160 : i32
          %dma_start3A_162 = tpu.memref_slice %arg3[%mul3A_161] : memref<320000xi32, #tpu.memory_space<hbm>> -> memref<64xi32, #tpu.memory_space<hbm>>
          %dma_start3A_163 = tpu.memref_slice %arg3[%mul3A_161] : memref<320000xi32, #tpu.memory_space<hbm>> -> memref<64xi32, #tpu.memory_space<hbm>>
          tpu.enqueue_dma source(%dma_start3A_163 : memref<64xi32, #tpu.memory_space<hbm>>) target(%arg8 : memref<64xi32, #tpu.memory_space<vmem>>) target_semaphore(%arg17 : memref<!tpu.dma_semaphore, #tpu.memory_space<semaphore_mem>>)
          %add3A_164 = arith.addi %add3A_32, %add3A_158 : i32
          %mul3A_165 = arith.constant 64 : i32
          %mul3A_166 = arith.muli %add3A_164, %mul3A_165 : i32
          %dma_start3A_167 = tpu.memref_slice %arg4[%mul3A_166] : memref<320000xi32, #tpu.memory_space<hbm>> -> memref<64xi32, #tpu.memory_space<hbm>>
          %dma_start3A_168 = tpu.memref_slice %arg4[%mul3A_166] : memref<320000xi32, #tpu.memory_space<hbm>> -> memref<64xi32, #tpu.memory_space<hbm>>
          tpu.enqueue_dma source(%dma_start3A_168 : memref<64xi32, #tpu.memory_space<hbm>>) target(%arg10 : memref<64xi32, #tpu.memory_space<vmem>>) target_semaphore(%arg17 : memref<!tpu.dma_semaphore, #tpu.memory_space<semaphore_mem>>)
        } else {
        }
      } else {
      }
      %scan3A_126 = arith.constant 0 : i32
      scf.yield %scan3A_126 : i32
    }
    %scan3A_63 = arith.constant 79 : i32
    %barrier3A_64 = arith.constant 0 : index
    tpu.barrier barrier_id(%barrier3A_64)
    %mul3A_65 = arith.constant 10240 : i32
    %mul3A_66 = arith.muli %arg0, %mul3A_65 : i32
    %add3A_67 = arith.addi %mul3A_66, %mul3A_8 : i32
    %add3A_68 = arith.constant 0 : i32
    %add3A_69 = arith.addi %mul3A_8, %add3A_68 : i32
    "tpu.region"() ({
      %run_scoped3A = tpu.sem_alloc : memref<!tpu.dma_semaphore, #tpu.memory_space<semaphore_mem>>
      %dma_start3A_108 = arith.constant 0 : i32
      %dma_start3A_109 = tpu.memref_slice %arg15[%add3A_69, %dma_start3A_108] : memref<10240x128xf32, #tpu.memory_space<vmem_shared>> -> memref<64x128xf32, #tpu.memory_space<vmem_shared>>
      %dma_start3A_110 = arith.constant 0 : i32
      %dma_start3A_111 = tpu.memref_slice %arg15[%add3A_69, %dma_start3A_110] : memref<10240x128xf32, #tpu.memory_space<vmem_shared>> -> memref<64x128xf32, #tpu.memory_space<vmem_shared>>
      tpu.enqueue_dma source(%dma_start3A_111 : memref<64x128xf32, #tpu.memory_space<vmem_shared>>) target(%arg13 : memref<64x128xf32, #tpu.memory_space<vmem>>) target_semaphore(%run_scoped3A : memref<!tpu.dma_semaphore, #tpu.memory_space<semaphore_mem>>)
      %dma_wait3A = arith.constant 0 : i32
      %dma_wait3A_112 = tpu.memref_slice %arg15[%add3A_69, %dma_wait3A] : memref<10240x128xf32, #tpu.memory_space<vmem_shared>> -> memref<64x128xf32, #tpu.memory_space<vmem_shared>>
      %dma_wait3A_113 = arith.constant 0 : i32
      %dma_wait3A_114 = tpu.memref_slice %arg15[%add3A_69, %dma_wait3A_113] : memref<10240x128xf32, #tpu.memory_space<vmem_shared>> -> memref<64x128xf32, #tpu.memory_space<vmem_shared>>
      tpu.wait_dma2 semaphore(%run_scoped3A : memref<!tpu.dma_semaphore, #tpu.memory_space<semaphore_mem>>) src(%dma_wait3A_114 : memref<64x128xf32, #tpu.memory_space<vmem_shared>>) dst(%arg13 : memref<64x128xf32, #tpu.memory_space<vmem>>)
      tpu.yield
    }) : () -> ()
    %add3A_70 = arith.constant 0 : i32
    %add3A_71 = arith.addi %add3A_67, %add3A_70 : i32
    "tpu.region"() ({
      %run_scoped3A = tpu.sem_alloc : memref<!tpu.dma_semaphore, #tpu.memory_space<semaphore_mem>>
      %dma_start3A_108 = arith.constant 0 : i32
      %dma_start3A_109 = tpu.memref_slice %arg6[%add3A_71, %dma_start3A_108] : memref<20480x128xf32, #tpu.memory_space<hbm>> -> memref<64x128xf32, #tpu.memory_space<hbm>>
      %dma_start3A_110 = arith.constant 0 : i32
      %dma_start3A_111 = tpu.memref_slice %arg6[%add3A_71, %dma_start3A_110] : memref<20480x128xf32, #tpu.memory_space<hbm>> -> memref<64x128xf32, #tpu.memory_space<hbm>>
      tpu.enqueue_dma source(%arg13 : memref<64x128xf32, #tpu.memory_space<vmem>>) target(%dma_start3A_111 : memref<64x128xf32, #tpu.memory_space<hbm>>) target_semaphore(%run_scoped3A : memref<!tpu.dma_semaphore, #tpu.memory_space<semaphore_mem>>)
      %dma_wait3A = arith.constant 0 : i32
      %dma_wait3A_112 = tpu.memref_slice %arg6[%add3A_71, %dma_wait3A] : memref<20480x128xf32, #tpu.memory_space<hbm>> -> memref<64x128xf32, #tpu.memory_space<hbm>>
      %dma_wait3A_113 = arith.constant 0 : i32
      %dma_wait3A_114 = tpu.memref_slice %arg6[%add3A_71, %dma_wait3A_113] : memref<20480x128xf32, #tpu.memory_space<hbm>> -> memref<64x128xf32, #tpu.memory_space<hbm>>
      tpu.wait_dma2 semaphore(%run_scoped3A : memref<!tpu.dma_semaphore, #tpu.memory_space<semaphore_mem>>) src(%arg13 : memref<64x128xf32, #tpu.memory_space<vmem>>) dst(%dma_wait3A_114 : memref<64x128xf32, #tpu.memory_space<hbm>>)
      tpu.yield
    }) : () -> ()
    %add3A_72 = arith.constant 64 : i32
    %add3A_73 = arith.addi %mul3A_8, %add3A_72 : i32
    "tpu.region"() ({
      %run_scoped3A = tpu.sem_alloc : memref<!tpu.dma_semaphore, #tpu.memory_space<semaphore_mem>>
      %dma_start3A_108 = arith.constant 0 : i32
      %dma_start3A_109 = tpu.memref_slice %arg15[%add3A_73, %dma_start3A_108] : memref<10240x128xf32, #tpu.memory_space<vmem_shared>> -> memref<64x128xf32, #tpu.memory_space<vmem_shared>>
      %dma_start3A_110 = arith.constant 0 : i32
      %dma_start3A_111 = tpu.memref_slice %arg15[%add3A_73, %dma_start3A_110] : memref<10240x128xf32, #tpu.memory_space<vmem_shared>> -> memref<64x128xf32, #tpu.memory_space<vmem_shared>>
      tpu.enqueue_dma source(%dma_start3A_111 : memref<64x128xf32, #tpu.memory_space<vmem_shared>>) target(%arg13 : memref<64x128xf32, #tpu.memory_space<vmem>>) target_semaphore(%run_scoped3A : memref<!tpu.dma_semaphore, #tpu.memory_space<semaphore_mem>>)
      %dma_wait3A = arith.constant 0 : i32
      %dma_wait3A_112 = tpu.memref_slice %arg15[%add3A_73, %dma_wait3A] : memref<10240x128xf32, #tpu.memory_space<vmem_shared>> -> memref<64x128xf32, #tpu.memory_space<vmem_shared>>
      %dma_wait3A_113 = arith.constant 0 : i32
      %dma_wait3A_114 = tpu.memref_slice %arg15[%add3A_73, %dma_wait3A_113] : memref<10240x128xf32, #tpu.memory_space<vmem_shared>> -> memref<64x128xf32, #tpu.memory_space<vmem_shared>>
      tpu.wait_dma2 semaphore(%run_scoped3A : memref<!tpu.dma_semaphore, #tpu.memory_space<semaphore_mem>>) src(%dma_wait3A_114 : memref<64x128xf32, #tpu.memory_space<vmem_shared>>) dst(%arg13 : memref<64x128xf32, #tpu.memory_space<vmem>>)
      tpu.yield
    }) : () -> ()
    %add3A_74 = arith.constant 64 : i32
    %add3A_75 = arith.addi %add3A_67, %add3A_74 : i32
    "tpu.region"() ({
      %run_scoped3A = tpu.sem_alloc : memref<!tpu.dma_semaphore, #tpu.memory_space<semaphore_mem>>
      %dma_start3A_108 = arith.constant 0 : i32
      %dma_start3A_109 = tpu.memref_slice %arg6[%add3A_75, %dma_start3A_108] : memref<20480x128xf32, #tpu.memory_space<hbm>> -> memref<64x128xf32, #tpu.memory_space<hbm>>
      %dma_start3A_110 = arith.constant 0 : i32
      %dma_start3A_111 = tpu.memref_slice %arg6[%add3A_75, %dma_start3A_110] : memref<20480x128xf32, #tpu.memory_space<hbm>> -> memref<64x128xf32, #tpu.memory_space<hbm>>
      tpu.enqueue_dma source(%arg13 : memref<64x128xf32, #tpu.memory_space<vmem>>) target(%dma_start3A_111 : memref<64x128xf32, #tpu.memory_space<hbm>>) target_semaphore(%run_scoped3A : memref<!tpu.dma_semaphore, #tpu.memory_space<semaphore_mem>>)
      %dma_wait3A = arith.constant 0 : i32
      %dma_wait3A_112 = tpu.memref_slice %arg6[%add3A_75, %dma_wait3A] : memref<20480x128xf32, #tpu.memory_space<hbm>> -> memref<64x128xf32, #tpu.memory_space<hbm>>
      %dma_wait3A_113 = arith.constant 0 : i32
      %dma_wait3A_114 = tpu.memref_slice %arg6[%add3A_75, %dma_wait3A_113] : memref<20480x128xf32, #tpu.memory_space<hbm>> -> memref<64x128xf32, #tpu.memory_space<hbm>>
      tpu.wait_dma2 semaphore(%run_scoped3A : memref<!tpu.dma_semaphore, #tpu.memory_space<semaphore_mem>>) src(%arg13 : memref<64x128xf32, #tpu.memory_space<vmem>>) dst(%dma_wait3A_114 : memref<64x128xf32, #tpu.memory_space<hbm>>)
      tpu.yield
    }) : () -> ()
    %add3A_76 = arith.constant 128 : i32
    %add3A_77 = arith.addi %mul3A_8, %add3A_76 : i32
    "tpu.region"() ({
      %run_scoped3A = tpu.sem_alloc : memref<!tpu.dma_semaphore, #tpu.memory_space<semaphore_mem>>
      %dma_start3A_108 = arith.constant 0 : i32
      %dma_start3A_109 = tpu.memref_slice %arg15[%add3A_77, %dma_start3A_108] : memref<10240x128xf32, #tpu.memory_space<vmem_shared>> -> memref<64x128xf32, #tpu.memory_space<vmem_shared>>
      %dma_start3A_110 = arith.constant 0 : i32
      %dma_start3A_111 = tpu.memref_slice %arg15[%add3A_77, %dma_start3A_110] : memref<10240x128xf32, #tpu.memory_space<vmem_shared>> -> memref<64x128xf32, #tpu.memory_space<vmem_shared>>
      tpu.enqueue_dma source(%dma_start3A_111 : memref<64x128xf32, #tpu.memory_space<vmem_shared>>) target(%arg13 : memref<64x128xf32, #tpu.memory_space<vmem>>) target_semaphore(%run_scoped3A : memref<!tpu.dma_semaphore, #tpu.memory_space<semaphore_mem>>)
      %dma_wait3A = arith.constant 0 : i32
      %dma_wait3A_112 = tpu.memref_slice %arg15[%add3A_77, %dma_wait3A] : memref<10240x128xf32, #tpu.memory_space<vmem_shared>> -> memref<64x128xf32, #tpu.memory_space<vmem_shared>>
      %dma_wait3A_113 = arith.constant 0 : i32
      %dma_wait3A_114 = tpu.memref_slice %arg15[%add3A_77, %dma_wait3A_113] : memref<10240x128xf32, #tpu.memory_space<vmem_shared>> -> memref<64x128xf32, #tpu.memory_space<vmem_shared>>
      tpu.wait_dma2 semaphore(%run_scoped3A : memref<!tpu.dma_semaphore, #tpu.memory_space<semaphore_mem>>) src(%dma_wait3A_114 : memref<64x128xf32, #tpu.memory_space<vmem_shared>>) dst(%arg13 : memref<64x128xf32, #tpu.memory_space<vmem>>)
      tpu.yield
    }) : () -> ()
    %add3A_78 = arith.constant 128 : i32
    %add3A_79 = arith.addi %add3A_67, %add3A_78 : i32
    "tpu.region"() ({
      %run_scoped3A = tpu.sem_alloc : memref<!tpu.dma_semaphore, #tpu.memory_space<semaphore_mem>>
      %dma_start3A_108 = arith.constant 0 : i32
      %dma_start3A_109 = tpu.memref_slice %arg6[%add3A_79, %dma_start3A_108] : memref<20480x128xf32, #tpu.memory_space<hbm>> -> memref<64x128xf32, #tpu.memory_space<hbm>>
      %dma_start3A_110 = arith.constant 0 : i32
      %dma_start3A_111 = tpu.memref_slice %arg6[%add3A_79, %dma_start3A_110] : memref<20480x128xf32, #tpu.memory_space<hbm>> -> memref<64x128xf32, #tpu.memory_space<hbm>>
      tpu.enqueue_dma source(%arg13 : memref<64x128xf32, #tpu.memory_space<vmem>>) target(%dma_start3A_111 : memref<64x128xf32, #tpu.memory_space<hbm>>) target_semaphore(%run_scoped3A : memref<!tpu.dma_semaphore, #tpu.memory_space<semaphore_mem>>)
      %dma_wait3A = arith.constant 0 : i32
      %dma_wait3A_112 = tpu.memref_slice %arg6[%add3A_79, %dma_wait3A] : memref<20480x128xf32, #tpu.memory_space<hbm>> -> memref<64x128xf32, #tpu.memory_space<hbm>>
      %dma_wait3A_113 = arith.constant 0 : i32
      %dma_wait3A_114 = tpu.memref_slice %arg6[%add3A_79, %dma_wait3A_113] : memref<20480x128xf32, #tpu.memory_space<hbm>> -> memref<64x128xf32, #tpu.memory_space<hbm>>
      tpu.wait_dma2 semaphore(%run_scoped3A : memref<!tpu.dma_semaphore, #tpu.memory_space<semaphore_mem>>) src(%arg13 : memref<64x128xf32, #tpu.memory_space<vmem>>) dst(%dma_wait3A_114 : memref<64x128xf32, #tpu.memory_space<hbm>>)
      tpu.yield
    }) : () -> ()
    %add3A_80 = arith.constant 192 : i32
    %add3A_81 = arith.addi %mul3A_8, %add3A_80 : i32
    "tpu.region"() ({
      %run_scoped3A = tpu.sem_alloc : memref<!tpu.dma_semaphore, #tpu.memory_space<semaphore_mem>>
      %dma_start3A_108 = arith.constant 0 : i32
      %dma_start3A_109 = tpu.memref_slice %arg15[%add3A_81, %dma_start3A_108] : memref<10240x128xf32, #tpu.memory_space<vmem_shared>> -> memref<64x128xf32, #tpu.memory_space<vmem_shared>>
      %dma_start3A_110 = arith.constant 0 : i32
      %dma_start3A_111 = tpu.memref_slice %arg15[%add3A_81, %dma_start3A_110] : memref<10240x128xf32, #tpu.memory_space<vmem_shared>> -> memref<64x128xf32, #tpu.memory_space<vmem_shared>>
      tpu.enqueue_dma source(%dma_start3A_111 : memref<64x128xf32, #tpu.memory_space<vmem_shared>>) target(%arg13 : memref<64x128xf32, #tpu.memory_space<vmem>>) target_semaphore(%run_scoped3A : memref<!tpu.dma_semaphore, #tpu.memory_space<semaphore_mem>>)
      %dma_wait3A = arith.constant 0 : i32
      %dma_wait3A_112 = tpu.memref_slice %arg15[%add3A_81, %dma_wait3A] : memref<10240x128xf32, #tpu.memory_space<vmem_shared>> -> memref<64x128xf32, #tpu.memory_space<vmem_shared>>
      %dma_wait3A_113 = arith.constant 0 : i32
      %dma_wait3A_114 = tpu.memref_slice %arg15[%add3A_81, %dma_wait3A_113] : memref<10240x128xf32, #tpu.memory_space<vmem_shared>> -> memref<64x128xf32, #tpu.memory_space<vmem_shared>>
      tpu.wait_dma2 semaphore(%run_scoped3A : memref<!tpu.dma_semaphore, #tpu.memory_space<semaphore_mem>>) src(%dma_wait3A_114 : memref<64x128xf32, #tpu.memory_space<vmem_shared>>) dst(%arg13 : memref<64x128xf32, #tpu.memory_space<vmem>>)
      tpu.yield
    }) : () -> ()
    %add3A_82 = arith.constant 192 : i32
    %add3A_83 = arith.addi %add3A_67, %add3A_82 : i32
    "tpu.region"() ({
      %run_scoped3A = tpu.sem_alloc : memref<!tpu.dma_semaphore, #tpu.memory_space<semaphore_mem>>
      %dma_start3A_108 = arith.constant 0 : i32
      %dma_start3A_109 = tpu.memref_slice %arg6[%add3A_83, %dma_start3A_108] : memref<20480x128xf32, #tpu.memory_space<hbm>> -> memref<64x128xf32, #tpu.memory_space<hbm>>
      %dma_start3A_110 = arith.constant 0 : i32
      %dma_start3A_111 = tpu.memref_slice %arg6[%add3A_83, %dma_start3A_110] : memref<20480x128xf32, #tpu.memory_space<hbm>> -> memref<64x128xf32, #tpu.memory_space<hbm>>
      tpu.enqueue_dma source(%arg13 : memref<64x128xf32, #tpu.memory_space<vmem>>) target(%dma_start3A_111 : memref<64x128xf32, #tpu.memory_space<hbm>>) target_semaphore(%run_scoped3A : memref<!tpu.dma_semaphore, #tpu.memory_space<semaphore_mem>>)
      %dma_wait3A = arith.constant 0 : i32
      %dma_wait3A_112 = tpu.memref_slice %arg6[%add3A_83, %dma_wait3A] : memref<20480x128xf32, #tpu.memory_space<hbm>> -> memref<64x128xf32, #tpu.memory_space<hbm>>
      %dma_wait3A_113 = arith.constant 0 : i32
      %dma_wait3A_114 = tpu.memref_slice %arg6[%add3A_83, %dma_wait3A_113] : memref<20480x128xf32, #tpu.memory_space<hbm>> -> memref<64x128xf32, #tpu.memory_space<hbm>>
      tpu.wait_dma2 semaphore(%run_scoped3A : memref<!tpu.dma_semaphore, #tpu.memory_space<semaphore_mem>>) src(%arg13 : memref<64x128xf32, #tpu.memory_space<vmem>>) dst(%dma_wait3A_114 : memref<64x128xf32, #tpu.memory_space<hbm>>)
      tpu.yield
    }) : () -> ()
    %add3A_84 = arith.constant 256 : i32
    %add3A_85 = arith.addi %mul3A_8, %add3A_84 : i32
    "tpu.region"() ({
      %run_scoped3A = tpu.sem_alloc : memref<!tpu.dma_semaphore, #tpu.memory_space<semaphore_mem>>
      %dma_start3A_108 = arith.constant 0 : i32
      %dma_start3A_109 = tpu.memref_slice %arg15[%add3A_85, %dma_start3A_108] : memref<10240x128xf32, #tpu.memory_space<vmem_shared>> -> memref<64x128xf32, #tpu.memory_space<vmem_shared>>
      %dma_start3A_110 = arith.constant 0 : i32
      %dma_start3A_111 = tpu.memref_slice %arg15[%add3A_85, %dma_start3A_110] : memref<10240x128xf32, #tpu.memory_space<vmem_shared>> -> memref<64x128xf32, #tpu.memory_space<vmem_shared>>
      tpu.enqueue_dma source(%dma_start3A_111 : memref<64x128xf32, #tpu.memory_space<vmem_shared>>) target(%arg13 : memref<64x128xf32, #tpu.memory_space<vmem>>) target_semaphore(%run_scoped3A : memref<!tpu.dma_semaphore, #tpu.memory_space<semaphore_mem>>)
      %dma_wait3A = arith.constant 0 : i32
      %dma_wait3A_112 = tpu.memref_slice %arg15[%add3A_85, %dma_wait3A] : memref<10240x128xf32, #tpu.memory_space<vmem_shared>> -> memref<64x128xf32, #tpu.memory_space<vmem_shared>>
      %dma_wait3A_113 = arith.constant 0 : i32
      %dma_wait3A_114 = tpu.memref_slice %arg15[%add3A_85, %dma_wait3A_113] : memref<10240x128xf32, #tpu.memory_space<vmem_shared>> -> memref<64x128xf32, #tpu.memory_space<vmem_shared>>
      tpu.wait_dma2 semaphore(%run_scoped3A : memref<!tpu.dma_semaphore, #tpu.memory_space<semaphore_mem>>) src(%dma_wait3A_114 : memref<64x128xf32, #tpu.memory_space<vmem_shared>>) dst(%arg13 : memref<64x128xf32, #tpu.memory_space<vmem>>)
      tpu.yield
    }) : () -> ()
    %add3A_86 = arith.constant 256 : i32
    %add3A_87 = arith.addi %add3A_67, %add3A_86 : i32
    "tpu.region"() ({
      %run_scoped3A = tpu.sem_alloc : memref<!tpu.dma_semaphore, #tpu.memory_space<semaphore_mem>>
      %dma_start3A_108 = arith.constant 0 : i32
      %dma_start3A_109 = tpu.memref_slice %arg6[%add3A_87, %dma_start3A_108] : memref<20480x128xf32, #tpu.memory_space<hbm>> -> memref<64x128xf32, #tpu.memory_space<hbm>>
      %dma_start3A_110 = arith.constant 0 : i32
      %dma_start3A_111 = tpu.memref_slice %arg6[%add3A_87, %dma_start3A_110] : memref<20480x128xf32, #tpu.memory_space<hbm>> -> memref<64x128xf32, #tpu.memory_space<hbm>>
      tpu.enqueue_dma source(%arg13 : memref<64x128xf32, #tpu.memory_space<vmem>>) target(%dma_start3A_111 : memref<64x128xf32, #tpu.memory_space<hbm>>) target_semaphore(%run_scoped3A : memref<!tpu.dma_semaphore, #tpu.memory_space<semaphore_mem>>)
      %dma_wait3A = arith.constant 0 : i32
      %dma_wait3A_112 = tpu.memref_slice %arg6[%add3A_87, %dma_wait3A] : memref<20480x128xf32, #tpu.memory_space<hbm>> -> memref<64x128xf32, #tpu.memory_space<hbm>>
      %dma_wait3A_113 = arith.constant 0 : i32
      %dma_wait3A_114 = tpu.memref_slice %arg6[%add3A_87, %dma_wait3A_113] : memref<20480x128xf32, #tpu.memory_space<hbm>> -> memref<64x128xf32, #tpu.memory_space<hbm>>
      tpu.wait_dma2 semaphore(%run_scoped3A : memref<!tpu.dma_semaphore, #tpu.memory_space<semaphore_mem>>) src(%arg13 : memref<64x128xf32, #tpu.memory_space<vmem>>) dst(%dma_wait3A_114 : memref<64x128xf32, #tpu.memory_space<hbm>>)
      tpu.yield
    }) : () -> ()
    %add3A_88 = arith.constant 320 : i32
    %add3A_89 = arith.addi %mul3A_8, %add3A_88 : i32
    "tpu.region"() ({
      %run_scoped3A = tpu.sem_alloc : memref<!tpu.dma_semaphore, #tpu.memory_space<semaphore_mem>>
      %dma_start3A_108 = arith.constant 0 : i32
      %dma_start3A_109 = tpu.memref_slice %arg15[%add3A_89, %dma_start3A_108] : memref<10240x128xf32, #tpu.memory_space<vmem_shared>> -> memref<64x128xf32, #tpu.memory_space<vmem_shared>>
      %dma_start3A_110 = arith.constant 0 : i32
      %dma_start3A_111 = tpu.memref_slice %arg15[%add3A_89, %dma_start3A_110] : memref<10240x128xf32, #tpu.memory_space<vmem_shared>> -> memref<64x128xf32, #tpu.memory_space<vmem_shared>>
      tpu.enqueue_dma source(%dma_start3A_111 : memref<64x128xf32, #tpu.memory_space<vmem_shared>>) target(%arg13 : memref<64x128xf32, #tpu.memory_space<vmem>>) target_semaphore(%run_scoped3A : memref<!tpu.dma_semaphore, #tpu.memory_space<semaphore_mem>>)
      %dma_wait3A = arith.constant 0 : i32
      %dma_wait3A_112 = tpu.memref_slice %arg15[%add3A_89, %dma_wait3A] : memref<10240x128xf32, #tpu.memory_space<vmem_shared>> -> memref<64x128xf32, #tpu.memory_space<vmem_shared>>
      %dma_wait3A_113 = arith.constant 0 : i32
      %dma_wait3A_114 = tpu.memref_slice %arg15[%add3A_89, %dma_wait3A_113] : memref<10240x128xf32, #tpu.memory_space<vmem_shared>> -> memref<64x128xf32, #tpu.memory_space<vmem_shared>>
      tpu.wait_dma2 semaphore(%run_scoped3A : memref<!tpu.dma_semaphore, #tpu.memory_space<semaphore_mem>>) src(%dma_wait3A_114 : memref<64x128xf32, #tpu.memory_space<vmem_shared>>) dst(%arg13 : memref<64x128xf32, #tpu.memory_space<vmem>>)
      tpu.yield
    }) : () -> ()
    %add3A_90 = arith.constant 320 : i32
    %add3A_91 = arith.addi %add3A_67, %add3A_90 : i32
    "tpu.region"() ({
      %run_scoped3A = tpu.sem_alloc : memref<!tpu.dma_semaphore, #tpu.memory_space<semaphore_mem>>
      %dma_start3A_108 = arith.constant 0 : i32
      %dma_start3A_109 = tpu.memref_slice %arg6[%add3A_91, %dma_start3A_108] : memref<20480x128xf32, #tpu.memory_space<hbm>> -> memref<64x128xf32, #tpu.memory_space<hbm>>
      %dma_start3A_110 = arith.constant 0 : i32
      %dma_start3A_111 = tpu.memref_slice %arg6[%add3A_91, %dma_start3A_110] : memref<20480x128xf32, #tpu.memory_space<hbm>> -> memref<64x128xf32, #tpu.memory_space<hbm>>
      tpu.enqueue_dma source(%arg13 : memref<64x128xf32, #tpu.memory_space<vmem>>) target(%dma_start3A_111 : memref<64x128xf32, #tpu.memory_space<hbm>>) target_semaphore(%run_scoped3A : memref<!tpu.dma_semaphore, #tpu.memory_space<semaphore_mem>>)
      %dma_wait3A = arith.constant 0 : i32
      %dma_wait3A_112 = tpu.memref_slice %arg6[%add3A_91, %dma_wait3A] : memref<20480x128xf32, #tpu.memory_space<hbm>> -> memref<64x128xf32, #tpu.memory_space<hbm>>
      %dma_wait3A_113 = arith.constant 0 : i32
      %dma_wait3A_114 = tpu.memref_slice %arg6[%add3A_91, %dma_wait3A_113] : memref<20480x128xf32, #tpu.memory_space<hbm>> -> memref<64x128xf32, #tpu.memory_space<hbm>>
      tpu.wait_dma2 semaphore(%run_scoped3A : memref<!tpu.dma_semaphore, #tpu.memory_space<semaphore_mem>>) src(%arg13 : memref<64x128xf32, #tpu.memory_space<vmem>>) dst(%dma_wait3A_114 : memref<64x128xf32, #tpu.memory_space<hbm>>)
      tpu.yield
    }) : () -> ()
    %add3A_92 = arith.constant 384 : i32
    %add3A_93 = arith.addi %mul3A_8, %add3A_92 : i32
    "tpu.region"() ({
      %run_scoped3A = tpu.sem_alloc : memref<!tpu.dma_semaphore, #tpu.memory_space<semaphore_mem>>
      %dma_start3A_108 = arith.constant 0 : i32
      %dma_start3A_109 = tpu.memref_slice %arg15[%add3A_93, %dma_start3A_108] : memref<10240x128xf32, #tpu.memory_space<vmem_shared>> -> memref<64x128xf32, #tpu.memory_space<vmem_shared>>
      %dma_start3A_110 = arith.constant 0 : i32
      %dma_start3A_111 = tpu.memref_slice %arg15[%add3A_93, %dma_start3A_110] : memref<10240x128xf32, #tpu.memory_space<vmem_shared>> -> memref<64x128xf32, #tpu.memory_space<vmem_shared>>
      tpu.enqueue_dma source(%dma_start3A_111 : memref<64x128xf32, #tpu.memory_space<vmem_shared>>) target(%arg13 : memref<64x128xf32, #tpu.memory_space<vmem>>) target_semaphore(%run_scoped3A : memref<!tpu.dma_semaphore, #tpu.memory_space<semaphore_mem>>)
      %dma_wait3A = arith.constant 0 : i32
      %dma_wait3A_112 = tpu.memref_slice %arg15[%add3A_93, %dma_wait3A] : memref<10240x128xf32, #tpu.memory_space<vmem_shared>> -> memref<64x128xf32, #tpu.memory_space<vmem_shared>>
      %dma_wait3A_113 = arith.constant 0 : i32
      %dma_wait3A_114 = tpu.memref_slice %arg15[%add3A_93, %dma_wait3A_113] : memref<10240x128xf32, #tpu.memory_space<vmem_shared>> -> memref<64x128xf32, #tpu.memory_space<vmem_shared>>
      tpu.wait_dma2 semaphore(%run_scoped3A : memref<!tpu.dma_semaphore, #tpu.memory_space<semaphore_mem>>) src(%dma_wait3A_114 : memref<64x128xf32, #tpu.memory_space<vmem_shared>>) dst(%arg13 : memref<64x128xf32, #tpu.memory_space<vmem>>)
      tpu.yield
    }) : () -> ()
    %add3A_94 = arith.constant 384 : i32
    %add3A_95 = arith.addi %add3A_67, %add3A_94 : i32
    "tpu.region"() ({
      %run_scoped3A = tpu.sem_alloc : memref<!tpu.dma_semaphore, #tpu.memory_space<semaphore_mem>>
      %dma_start3A_108 = arith.constant 0 : i32
      %dma_start3A_109 = tpu.memref_slice %arg6[%add3A_95, %dma_start3A_108] : memref<20480x128xf32, #tpu.memory_space<hbm>> -> memref<64x128xf32, #tpu.memory_space<hbm>>
      %dma_start3A_110 = arith.constant 0 : i32
      %dma_start3A_111 = tpu.memref_slice %arg6[%add3A_95, %dma_start3A_110] : memref<20480x128xf32, #tpu.memory_space<hbm>> -> memref<64x128xf32, #tpu.memory_space<hbm>>
      tpu.enqueue_dma source(%arg13 : memref<64x128xf32, #tpu.memory_space<vmem>>) target(%dma_start3A_111 : memref<64x128xf32, #tpu.memory_space<hbm>>) target_semaphore(%run_scoped3A : memref<!tpu.dma_semaphore, #tpu.memory_space<semaphore_mem>>)
      %dma_wait3A = arith.constant 0 : i32
      %dma_wait3A_112 = tpu.memref_slice %arg6[%add3A_95, %dma_wait3A] : memref<20480x128xf32, #tpu.memory_space<hbm>> -> memref<64x128xf32, #tpu.memory_space<hbm>>
      %dma_wait3A_113 = arith.constant 0 : i32
      %dma_wait3A_114 = tpu.memref_slice %arg6[%add3A_95, %dma_wait3A_113] : memref<20480x128xf32, #tpu.memory_space<hbm>> -> memref<64x128xf32, #tpu.memory_space<hbm>>
      tpu.wait_dma2 semaphore(%run_scoped3A : memref<!tpu.dma_semaphore, #tpu.memory_space<semaphore_mem>>) src(%arg13 : memref<64x128xf32, #tpu.memory_space<vmem>>) dst(%dma_wait3A_114 : memref<64x128xf32, #tpu.memory_space<hbm>>)
      tpu.yield
    }) : () -> ()
    %add3A_96 = arith.constant 448 : i32
    %add3A_97 = arith.addi %mul3A_8, %add3A_96 : i32
    "tpu.region"() ({
      %run_scoped3A = tpu.sem_alloc : memref<!tpu.dma_semaphore, #tpu.memory_space<semaphore_mem>>
      %dma_start3A_108 = arith.constant 0 : i32
      %dma_start3A_109 = tpu.memref_slice %arg15[%add3A_97, %dma_start3A_108] : memref<10240x128xf32, #tpu.memory_space<vmem_shared>> -> memref<64x128xf32, #tpu.memory_space<vmem_shared>>
      %dma_start3A_110 = arith.constant 0 : i32
      %dma_start3A_111 = tpu.memref_slice %arg15[%add3A_97, %dma_start3A_110] : memref<10240x128xf32, #tpu.memory_space<vmem_shared>> -> memref<64x128xf32, #tpu.memory_space<vmem_shared>>
      tpu.enqueue_dma source(%dma_start3A_111 : memref<64x128xf32, #tpu.memory_space<vmem_shared>>) target(%arg13 : memref<64x128xf32, #tpu.memory_space<vmem>>) target_semaphore(%run_scoped3A : memref<!tpu.dma_semaphore, #tpu.memory_space<semaphore_mem>>)
      %dma_wait3A = arith.constant 0 : i32
      %dma_wait3A_112 = tpu.memref_slice %arg15[%add3A_97, %dma_wait3A] : memref<10240x128xf32, #tpu.memory_space<vmem_shared>> -> memref<64x128xf32, #tpu.memory_space<vmem_shared>>
      %dma_wait3A_113 = arith.constant 0 : i32
      %dma_wait3A_114 = tpu.memref_slice %arg15[%add3A_97, %dma_wait3A_113] : memref<10240x128xf32, #tpu.memory_space<vmem_shared>> -> memref<64x128xf32, #tpu.memory_space<vmem_shared>>
      tpu.wait_dma2 semaphore(%run_scoped3A : memref<!tpu.dma_semaphore, #tpu.memory_space<semaphore_mem>>) src(%dma_wait3A_114 : memref<64x128xf32, #tpu.memory_space<vmem_shared>>) dst(%arg13 : memref<64x128xf32, #tpu.memory_space<vmem>>)
      tpu.yield
    }) : () -> ()
    %add3A_98 = arith.constant 448 : i32
    %add3A_99 = arith.addi %add3A_67, %add3A_98 : i32
    "tpu.region"() ({
      %run_scoped3A = tpu.sem_alloc : memref<!tpu.dma_semaphore, #tpu.memory_space<semaphore_mem>>
      %dma_start3A_108 = arith.constant 0 : i32
      %dma_start3A_109 = tpu.memref_slice %arg6[%add3A_99, %dma_start3A_108] : memref<20480x128xf32, #tpu.memory_space<hbm>> -> memref<64x128xf32, #tpu.memory_space<hbm>>
      %dma_start3A_110 = arith.constant 0 : i32
      %dma_start3A_111 = tpu.memref_slice %arg6[%add3A_99, %dma_start3A_110] : memref<20480x128xf32, #tpu.memory_space<hbm>> -> memref<64x128xf32, #tpu.memory_space<hbm>>
      tpu.enqueue_dma source(%arg13 : memref<64x128xf32, #tpu.memory_space<vmem>>) target(%dma_start3A_111 : memref<64x128xf32, #tpu.memory_space<hbm>>) target_semaphore(%run_scoped3A : memref<!tpu.dma_semaphore, #tpu.memory_space<semaphore_mem>>)
      %dma_wait3A = arith.constant 0 : i32
      %dma_wait3A_112 = tpu.memref_slice %arg6[%add3A_99, %dma_wait3A] : memref<20480x128xf32, #tpu.memory_space<hbm>> -> memref<64x128xf32, #tpu.memory_space<hbm>>
      %dma_wait3A_113 = arith.constant 0 : i32
      %dma_wait3A_114 = tpu.memref_slice %arg6[%add3A_99, %dma_wait3A_113] : memref<20480x128xf32, #tpu.memory_space<hbm>> -> memref<64x128xf32, #tpu.memory_space<hbm>>
      tpu.wait_dma2 semaphore(%run_scoped3A : memref<!tpu.dma_semaphore, #tpu.memory_space<semaphore_mem>>) src(%arg13 : memref<64x128xf32, #tpu.memory_space<vmem>>) dst(%dma_wait3A_114 : memref<64x128xf32, #tpu.memory_space<hbm>>)
      tpu.yield
    }) : () -> ()
    %add3A_100 = arith.constant 512 : i32
    %add3A_101 = arith.addi %mul3A_8, %add3A_100 : i32
    "tpu.region"() ({
      %run_scoped3A = tpu.sem_alloc : memref<!tpu.dma_semaphore, #tpu.memory_space<semaphore_mem>>
      %dma_start3A_108 = arith.constant 0 : i32
      %dma_start3A_109 = tpu.memref_slice %arg15[%add3A_101, %dma_start3A_108] : memref<10240x128xf32, #tpu.memory_space<vmem_shared>> -> memref<64x128xf32, #tpu.memory_space<vmem_shared>>
      %dma_start3A_110 = arith.constant 0 : i32
      %dma_start3A_111 = tpu.memref_slice %arg15[%add3A_101, %dma_start3A_110] : memref<10240x128xf32, #tpu.memory_space<vmem_shared>> -> memref<64x128xf32, #tpu.memory_space<vmem_shared>>
      tpu.enqueue_dma source(%dma_start3A_111 : memref<64x128xf32, #tpu.memory_space<vmem_shared>>) target(%arg13 : memref<64x128xf32, #tpu.memory_space<vmem>>) target_semaphore(%run_scoped3A : memref<!tpu.dma_semaphore, #tpu.memory_space<semaphore_mem>>)
      %dma_wait3A = arith.constant 0 : i32
      %dma_wait3A_112 = tpu.memref_slice %arg15[%add3A_101, %dma_wait3A] : memref<10240x128xf32, #tpu.memory_space<vmem_shared>> -> memref<64x128xf32, #tpu.memory_space<vmem_shared>>
      %dma_wait3A_113 = arith.constant 0 : i32
      %dma_wait3A_114 = tpu.memref_slice %arg15[%add3A_101, %dma_wait3A_113] : memref<10240x128xf32, #tpu.memory_space<vmem_shared>> -> memref<64x128xf32, #tpu.memory_space<vmem_shared>>
      tpu.wait_dma2 semaphore(%run_scoped3A : memref<!tpu.dma_semaphore, #tpu.memory_space<semaphore_mem>>) src(%dma_wait3A_114 : memref<64x128xf32, #tpu.memory_space<vmem_shared>>) dst(%arg13 : memref<64x128xf32, #tpu.memory_space<vmem>>)
      tpu.yield
    }) : () -> ()
    %add3A_102 = arith.constant 512 : i32
    %add3A_103 = arith.addi %add3A_67, %add3A_102 : i32
    "tpu.region"() ({
      %run_scoped3A = tpu.sem_alloc : memref<!tpu.dma_semaphore, #tpu.memory_space<semaphore_mem>>
      %dma_start3A_108 = arith.constant 0 : i32
      %dma_start3A_109 = tpu.memref_slice %arg6[%add3A_103, %dma_start3A_108] : memref<20480x128xf32, #tpu.memory_space<hbm>> -> memref<64x128xf32, #tpu.memory_space<hbm>>
      %dma_start3A_110 = arith.constant 0 : i32
      %dma_start3A_111 = tpu.memref_slice %arg6[%add3A_103, %dma_start3A_110] : memref<20480x128xf32, #tpu.memory_space<hbm>> -> memref<64x128xf32, #tpu.memory_space<hbm>>
      tpu.enqueue_dma source(%arg13 : memref<64x128xf32, #tpu.memory_space<vmem>>) target(%dma_start3A_111 : memref<64x128xf32, #tpu.memory_space<hbm>>) target_semaphore(%run_scoped3A : memref<!tpu.dma_semaphore, #tpu.memory_space<semaphore_mem>>)
      %dma_wait3A = arith.constant 0 : i32
      %dma_wait3A_112 = tpu.memref_slice %arg6[%add3A_103, %dma_wait3A] : memref<20480x128xf32, #tpu.memory_space<hbm>> -> memref<64x128xf32, #tpu.memory_space<hbm>>
      %dma_wait3A_113 = arith.constant 0 : i32
      %dma_wait3A_114 = tpu.memref_slice %arg6[%add3A_103, %dma_wait3A_113] : memref<20480x128xf32, #tpu.memory_space<hbm>> -> memref<64x128xf32, #tpu.memory_space<hbm>>
      tpu.wait_dma2 semaphore(%run_scoped3A : memref<!tpu.dma_semaphore, #tpu.memory_space<semaphore_mem>>) src(%arg13 : memref<64x128xf32, #tpu.memory_space<vmem>>) dst(%dma_wait3A_114 : memref<64x128xf32, #tpu.memory_space<hbm>>)
      tpu.yield
    }) : () -> ()
    %add3A_104 = arith.constant 576 : i32
    %add3A_105 = arith.addi %mul3A_8, %add3A_104 : i32
    "tpu.region"() ({
      %run_scoped3A = tpu.sem_alloc : memref<!tpu.dma_semaphore, #tpu.memory_space<semaphore_mem>>
      %dma_start3A_108 = arith.constant 0 : i32
      %dma_start3A_109 = tpu.memref_slice %arg15[%add3A_105, %dma_start3A_108] : memref<10240x128xf32, #tpu.memory_space<vmem_shared>> -> memref<64x128xf32, #tpu.memory_space<vmem_shared>>
      %dma_start3A_110 = arith.constant 0 : i32
      %dma_start3A_111 = tpu.memref_slice %arg15[%add3A_105, %dma_start3A_110] : memref<10240x128xf32, #tpu.memory_space<vmem_shared>> -> memref<64x128xf32, #tpu.memory_space<vmem_shared>>
      tpu.enqueue_dma source(%dma_start3A_111 : memref<64x128xf32, #tpu.memory_space<vmem_shared>>) target(%arg13 : memref<64x128xf32, #tpu.memory_space<vmem>>) target_semaphore(%run_scoped3A : memref<!tpu.dma_semaphore, #tpu.memory_space<semaphore_mem>>)
      %dma_wait3A = arith.constant 0 : i32
      %dma_wait3A_112 = tpu.memref_slice %arg15[%add3A_105, %dma_wait3A] : memref<10240x128xf32, #tpu.memory_space<vmem_shared>> -> memref<64x128xf32, #tpu.memory_space<vmem_shared>>
      %dma_wait3A_113 = arith.constant 0 : i32
      %dma_wait3A_114 = tpu.memref_slice %arg15[%add3A_105, %dma_wait3A_113] : memref<10240x128xf32, #tpu.memory_space<vmem_shared>> -> memref<64x128xf32, #tpu.memory_space<vmem_shared>>
      tpu.wait_dma2 semaphore(%run_scoped3A : memref<!tpu.dma_semaphore, #tpu.memory_space<semaphore_mem>>) src(%dma_wait3A_114 : memref<64x128xf32, #tpu.memory_space<vmem_shared>>) dst(%arg13 : memref<64x128xf32, #tpu.memory_space<vmem>>)
      tpu.yield
    }) : () -> ()
    %add3A_106 = arith.constant 576 : i32
    %add3A_107 = arith.addi %add3A_67, %add3A_106 : i32
    "tpu.region"() ({
      %run_scoped3A = tpu.sem_alloc : memref<!tpu.dma_semaphore, #tpu.memory_space<semaphore_mem>>
      %dma_start3A_108 = arith.constant 0 : i32
      %dma_start3A_109 = tpu.memref_slice %arg6[%add3A_107, %dma_start3A_108] : memref<20480x128xf32, #tpu.memory_space<hbm>> -> memref<64x128xf32, #tpu.memory_space<hbm>>
      %dma_start3A_110 = arith.constant 0 : i32
      %dma_start3A_111 = tpu.memref_slice %arg6[%add3A_107, %dma_start3A_110] : memref<20480x128xf32, #tpu.memory_space<hbm>> -> memref<64x128xf32, #tpu.memory_space<hbm>>
      tpu.enqueue_dma source(%arg13 : memref<64x128xf32, #tpu.memory_space<vmem>>) target(%dma_start3A_111 : memref<64x128xf32, #tpu.memory_space<hbm>>) target_semaphore(%run_scoped3A : memref<!tpu.dma_semaphore, #tpu.memory_space<semaphore_mem>>)
      %dma_wait3A = arith.constant 0 : i32
      %dma_wait3A_112 = tpu.memref_slice %arg6[%add3A_107, %dma_wait3A] : memref<20480x128xf32, #tpu.memory_space<hbm>> -> memref<64x128xf32, #tpu.memory_space<hbm>>
      %dma_wait3A_113 = arith.constant 0 : i32
      %dma_wait3A_114 = tpu.memref_slice %arg6[%add3A_107, %dma_wait3A_113] : memref<20480x128xf32, #tpu.memory_space<hbm>> -> memref<64x128xf32, #tpu.memory_space<hbm>>
      tpu.wait_dma2 semaphore(%run_scoped3A : memref<!tpu.dma_semaphore, #tpu.memory_space<semaphore_mem>>) src(%arg13 : memref<64x128xf32, #tpu.memory_space<vmem>>) dst(%dma_wait3A_114 : memref<64x128xf32, #tpu.memory_space<hbm>>)
      tpu.yield
    }) : () -> ()
    return
  }
}

#map = affine_map<(d0, d1) -> (0, 0)>
#map1 = affine_map<(d0, d1) -> (0)>
module attributes {stable_mosaic.version = 14 : i64} {
  func.func @k(%arg0: i32, %arg1: i32, %arg2: memref<10000x128xf32, #tpu.memory_space<hbm>>, %arg3: memref<320000xi32, #tpu.memory_space<hbm>>, %arg4: memref<320000xi32, #tpu.memory_space<hbm>>, %arg5: memref<320000x128xf32, #tpu.memory_space<hbm>>, %arg6: memref<20480x128xf32, #tpu.memory_space<hbm>>, %arg7: memref<64xi32, #tpu.memory_space<vmem>>, %arg8: memref<64xi32, #tpu.memory_space<vmem>>, %arg9: memref<64xi32, #tpu.memory_space<vmem>>, %arg10: memref<64xi32, #tpu.memory_space<vmem>>, %arg11: memref<64x128xf32, #tpu.memory_space<vmem>>, %arg12: memref<64x128xf32, #tpu.memory_space<vmem>>, %arg13: memref<64x128xf32, #tpu.memory_space<vmem>>, %arg14: memref<64x128xf32, #tpu.memory_space<vmem>>, %arg15: memref<10240x128xf32, #tpu.memory_space<vmem_shared>>, %arg16: memref<!tpu.dma_semaphore, #tpu.memory_space<semaphore_mem>>, %arg17: memref<!tpu.dma_semaphore, #tpu.memory_space<semaphore_mem>>, %arg18: memref<!tpu.dma_semaphore, #tpu.memory_space<semaphore_mem>>, %arg19: memref<!tpu.dma_semaphore, #tpu.memory_space<semaphore_mem>>, %arg20: memref<!tpu.dma_semaphore, #tpu.memory_space<semaphore_mem>>, %arg21: memref<!tpu.dma_semaphore, #tpu.memory_space<semaphore_mem>>) attributes {dimension_semantics = [#tpu.dimension_semantics<core_parallel>, #tpu.dimension_semantics<subcore_parallel>], iteration_bounds = array<i64: 2, 16>, scalar_prefetch = 0 : i64, scratch_operands = 15 : i64, tpu.core_type = #tpu.core_type<sc_vector_subcore>, window_params = [{transform_indices = #map}, {transform_indices = #map1}, {transform_indices = #map1}, {transform_indices = #map}, {transform_indices = #map}]} {
    %mul3A = arith.constant 16 : i32
    %mul3A_0 = arith.muli %arg0, %mul3A : i32
    %add3A = arith.addi %mul3A_0, %arg1 : i32
    %scan3A = arith.constant 0 : i32
    %scan3A_1 = arith.constant 0 : i32
    %scan3A_2 = arith.constant 64 : i32
    %scan3A_3 = arith.addi %scan3A_1, %scan3A_2 : i32
    %scan3A_4 = arith.constant 1 : i32
    %scan3A_5 = scf.for %scan3A_108 = %scan3A_1 to %scan3A_3 step %scan3A_4 iter_args(%scan3A_109 = %scan3A) -> (i32)  : i32 {
      %broadcast_in_dim3A = arith.constant 0.000000e+00 : f32
      %broadcast_in_dim3A_110 = vector.broadcast %broadcast_in_dim3A : f32 to vector<16xf32>
      %swap3A = arith.index_cast %scan3A_108 : i32 to index
      %swap3A_111 = arith.constant 0 : index
      %swap3A_112 = tpu.vector_load %arg13[%swap3A, %swap3A_111] {strides = array<i32>} : memref<64x128xf32, #tpu.memory_space<vmem>>, vector<1x16xf32>,
      %swap3A_113 = vector.shape_cast %swap3A_112 : vector<1x16xf32> to vector<16xf32>
      %swap3A_114 = vector.shape_cast %broadcast_in_dim3A_110 : vector<16xf32> to vector<1x16xf32>
      tpu.vector_store %arg13[%swap3A, %swap3A_111], %swap3A_114 {strides = array<i32>} : memref<64x128xf32, #tpu.memory_space<vmem>>, vector<1x16xf32>,
      %broadcast_in_dim3A_115 = arith.constant 0.000000e+00 : f32
      %broadcast_in_dim3A_116 = vector.broadcast %broadcast_in_dim3A_115 : f32 to vector<16xf32>
      %swap3A_117 = arith.index_cast %scan3A_108 : i32 to index
      %swap3A_118 = arith.constant 16 : index
      %swap3A_119 = tpu.vector_load %arg13[%swap3A_117, %swap3A_118] {strides = array<i32>} : memref<64x128xf32, #tpu.memory_space<vmem>>, vector<1x16xf32>,
      %swap3A_120 = vector.shape_cast %swap3A_119 : vector<1x16xf32> to vector<16xf32>
      %swap3A_121 = vector.shape_cast %broadcast_in_dim3A_116 : vector<16xf32> to vector<1x16xf32>
      tpu.vector_store %arg13[%swap3A_117, %swap3A_118], %swap3A_121 {strides = array<i32>} : memref<64x128xf32, #tpu.memory_space<vmem>>, vector<1x16xf32>,
      %broadcast_in_dim3A_122 = arith.constant 0.000000e+00 : f32
      %broadcast_in_dim3A_123 = vector.broadcast %broadcast_in_dim3A_122 : f32 to vector<16xf32>
      %swap3A_124 = arith.index_cast %scan3A_108 : i32 to index
      %swap3A_125 = arith.constant 32 : index
      %swap3A_126 = tpu.vector_load %arg13[%swap3A_124, %swap3A_125] {strides = array<i32>} : memref<64x128xf32, #tpu.memory_space<vmem>>, vector<1x16xf32>,
      %swap3A_127 = vector.shape_cast %swap3A_126 : vector<1x16xf32> to vector<16xf32>
      %swap3A_128 = vector.shape_cast %broadcast_in_dim3A_123 : vector<16xf32> to vector<1x16xf32>
      tpu.vector_store %arg13[%swap3A_124, %swap3A_125], %swap3A_128 {strides = array<i32>} : memref<64x128xf32, #tpu.memory_space<vmem>>, vector<1x16xf32>,
      %broadcast_in_dim3A_129 = arith.constant 0.000000e+00 : f32
      %broadcast_in_dim3A_130 = vector.broadcast %broadcast_in_dim3A_129 : f32 to vector<16xf32>
      %swap3A_131 = arith.index_cast %scan3A_108 : i32 to index
      %swap3A_132 = arith.constant 48 : index
      %swap3A_133 = tpu.vector_load %arg13[%swap3A_131, %swap3A_132] {strides = array<i32>} : memref<64x128xf32, #tpu.memory_space<vmem>>, vector<1x16xf32>,
      %swap3A_134 = vector.shape_cast %swap3A_133 : vector<1x16xf32> to vector<16xf32>
      %swap3A_135 = vector.shape_cast %broadcast_in_dim3A_130 : vector<16xf32> to vector<1x16xf32>
      tpu.vector_store %arg13[%swap3A_131, %swap3A_132], %swap3A_135 {strides = array<i32>} : memref<64x128xf32, #tpu.memory_space<vmem>>, vector<1x16xf32>,
      %broadcast_in_dim3A_136 = arith.constant 0.000000e+00 : f32
      %broadcast_in_dim3A_137 = vector.broadcast %broadcast_in_dim3A_136 : f32 to vector<16xf32>
      %swap3A_138 = arith.index_cast %scan3A_108 : i32 to index
      %swap3A_139 = arith.constant 64 : index
      %swap3A_140 = tpu.vector_load %arg13[%swap3A_138, %swap3A_139] {strides = array<i32>} : memref<64x128xf32, #tpu.memory_space<vmem>>, vector<1x16xf32>,
      %swap3A_141 = vector.shape_cast %swap3A_140 : vector<1x16xf32> to vector<16xf32>
      %swap3A_142 = vector.shape_cast %broadcast_in_dim3A_137 : vector<16xf32> to vector<1x16xf32>
      tpu.vector_store %arg13[%swap3A_138, %swap3A_139], %swap3A_142 {strides = array<i32>} : memref<64x128xf32, #tpu.memory_space<vmem>>, vector<1x16xf32>,
      %broadcast_in_dim3A_143 = arith.constant 0.000000e+00 : f32
      %broadcast_in_dim3A_144 = vector.broadcast %broadcast_in_dim3A_143 : f32 to vector<16xf32>
      %swap3A_145 = arith.index_cast %scan3A_108 : i32 to index
      %swap3A_146 = arith.constant 80 : index
      %swap3A_147 = tpu.vector_load %arg13[%swap3A_145, %swap3A_146] {strides = array<i32>} : memref<64x128xf32, #tpu.memory_space<vmem>>, vector<1x16xf32>,
      %swap3A_148 = vector.shape_cast %swap3A_147 : vector<1x16xf32> to vector<16xf32>
      %swap3A_149 = vector.shape_cast %broadcast_in_dim3A_144 : vector<16xf32> to vector<1x16xf32>
      tpu.vector_store %arg13[%swap3A_145, %swap3A_146], %swap3A_149 {strides = array<i32>} : memref<64x128xf32, #tpu.memory_space<vmem>>, vector<1x16xf32>,
      %broadcast_in_dim3A_150 = arith.constant 0.000000e+00 : f32
      %broadcast_in_dim3A_151 = vector.broadcast %broadcast_in_dim3A_150 : f32 to vector<16xf32>
      %swap3A_152 = arith.index_cast %scan3A_108 : i32 to index
      %swap3A_153 = arith.constant 96 : index
      %swap3A_154 = tpu.vector_load %arg13[%swap3A_152, %swap3A_153] {strides = array<i32>} : memref<64x128xf32, #tpu.memory_space<vmem>>, vector<1x16xf32>,
      %swap3A_155 = vector.shape_cast %swap3A_154 : vector<1x16xf32> to vector<16xf32>
      %swap3A_156 = vector.shape_cast %broadcast_in_dim3A_151 : vector<16xf32> to vector<1x16xf32>
      tpu.vector_store %arg13[%swap3A_152, %swap3A_153], %swap3A_156 {strides = array<i32>} : memref<64x128xf32, #tpu.memory_space<vmem>>, vector<1x16xf32>,
      %broadcast_in_dim3A_157 = arith.constant 0.000000e+00 : f32
      %broadcast_in_dim3A_158 = vector.broadcast %broadcast_in_dim3A_157 : f32 to vector<16xf32>
      %swap3A_159 = arith.index_cast %scan3A_108 : i32 to index
      %swap3A_160 = arith.constant 112 : index
      %swap3A_161 = tpu.vector_load %arg13[%swap3A_159, %swap3A_160] {strides = array<i32>} : memref<64x128xf32, #tpu.memory_space<vmem>>, vector<1x16xf32>,
      %swap3A_162 = vector.shape_cast %swap3A_161 : vector<1x16xf32> to vector<16xf32>
      %swap3A_163 = vector.shape_cast %broadcast_in_dim3A_158 : vector<16xf32> to vector<1x16xf32>
      tpu.vector_store %arg13[%swap3A_159, %swap3A_160], %swap3A_163 {strides = array<i32>} : memref<64x128xf32, #tpu.memory_space<vmem>>, vector<1x16xf32>,
      %scan3A_164 = arith.constant 0 : i32
      scf.yield %scan3A_164 : i32
    }
    %scan3A_6 = arith.constant 64 : i32
    %mul3A_7 = arith.constant 640 : i32
    %mul3A_8 = arith.muli %arg1, %mul3A_7 : i32
    %add3A_9 = arith.constant 0 : i32
    %add3A_10 = arith.addi %mul3A_8, %add3A_9 : i32
    "tpu.region"() ({
      %run_scoped3A = tpu.sem_alloc : memref<!tpu.dma_semaphore, #tpu.memory_space<semaphore_mem>>
      %dma_start3A_108 = arith.constant 0 : i32
      %dma_start3A_109 = tpu.memref_slice %arg15[%add3A_10, %dma_start3A_108] : memref<10240x128xf32, #tpu.memory_space<vmem_shared>> -> memref<64x128xf32, #tpu.memory_space<vmem_shared>>
      %dma_start3A_110 = arith.constant 0 : i32
      %dma_start3A_111 = tpu.memref_slice %arg15[%add3A_10, %dma_start3A_110] : memref<10240x128xf32, #tpu.memory_space<vmem_shared>> -> memref<64x128xf32, #tpu.memory_space<vmem_shared>>
      tpu.enqueue_dma source(%arg13 : memref<64x128xf32, #tpu.memory_space<vmem>>) target(%dma_start3A_111 : memref<64x128xf32, #tpu.memory_space<vmem_shared>>) target_semaphore(%run_scoped3A : memref<!tpu.dma_semaphore, #tpu.memory_space<semaphore_mem>>)
      %dma_wait3A = arith.constant 0 : i32
      %dma_wait3A_112 = tpu.memref_slice %arg15[%add3A_10, %dma_wait3A] : memref<10240x128xf32, #tpu.memory_space<vmem_shared>> -> memref<64x128xf32, #tpu.memory_space<vmem_shared>>
      %dma_wait3A_113 = arith.constant 0 : i32
      %dma_wait3A_114 = tpu.memref_slice %arg15[%add3A_10, %dma_wait3A_113] : memref<10240x128xf32, #tpu.memory_space<vmem_shared>> -> memref<64x128xf32, #tpu.memory_space<vmem_shared>>
      tpu.wait_dma2 semaphore(%run_scoped3A : memref<!tpu.dma_semaphore, #tpu.memory_space<semaphore_mem>>) src(%arg13 : memref<64x128xf32, #tpu.memory_space<vmem>>) dst(%dma_wait3A_114 : memref<64x128xf32, #tpu.memory_space<vmem_shared>>)
      tpu.yield
    }) : () -> ()
    %add3A_11 = arith.constant 64 : i32
    %add3A_12 = arith.addi %mul3A_8, %add3A_11 : i32
    "tpu.region"() ({
      %run_scoped3A = tpu.sem_alloc : memref<!tpu.dma_semaphore, #tpu.memory_space<semaphore_mem>>
      %dma_start3A_108 = arith.constant 0 : i32
      %dma_start3A_109 = tpu.memref_slice %arg15[%add3A_12, %dma_start3A_108] : memref<10240x128xf32, #tpu.memory_space<vmem_shared>> -> memref<64x128xf32, #tpu.memory_space<vmem_shared>>
      %dma_start3A_110 = arith.constant 0 : i32
      %dma_start3A_111 = tpu.memref_slice %arg15[%add3A_12, %dma_start3A_110] : memref<10240x128xf32, #tpu.memory_space<vmem_shared>> -> memref<64x128xf32, #tpu.memory_space<vmem_shared>>
      tpu.enqueue_dma source(%arg13 : memref<64x128xf32, #tpu.memory_space<vmem>>) target(%dma_start3A_111 : memref<64x128xf32, #tpu.memory_space<vmem_shared>>) target_semaphore(%run_scoped3A : memref<!tpu.dma_semaphore, #tpu.memory_space<semaphore_mem>>)
      %dma_wait3A = arith.constant 0 : i32
      %dma_wait3A_112 = tpu.memref_slice %arg15[%add3A_12, %dma_wait3A] : memref<10240x128xf32, #tpu.memory_space<vmem_shared>> -> memref<64x128xf32, #tpu.memory_space<vmem_shared>>
      %dma_wait3A_113 = arith.constant 0 : i32
      %dma_wait3A_114 = tpu.memref_slice %arg15[%add3A_12, %dma_wait3A_113] : memref<10240x128xf32, #tpu.memory_space<vmem_shared>> -> memref<64x128xf32, #tpu.memory_space<vmem_shared>>
      tpu.wait_dma2 semaphore(%run_scoped3A : memref<!tpu.dma_semaphore, #tpu.memory_space<semaphore_mem>>) src(%arg13 : memref<64x128xf32, #tpu.memory_space<vmem>>) dst(%dma_wait3A_114 : memref<64x128xf32, #tpu.memory_space<vmem_shared>>)
      tpu.yield
    }) : () -> ()
    %add3A_13 = arith.constant 128 : i32
    %add3A_14 = arith.addi %mul3A_8, %add3A_13 : i32
    "tpu.region"() ({
      %run_scoped3A = tpu.sem_alloc : memref<!tpu.dma_semaphore, #tpu.memory_space<semaphore_mem>>
      %dma_start3A_108 = arith.constant 0 : i32
      %dma_start3A_109 = tpu.memref_slice %arg15[%add3A_14, %dma_start3A_108] : memref<10240x128xf32, #tpu.memory_space<vmem_shared>> -> memref<64x128xf32, #tpu.memory_space<vmem_shared>>
      %dma_start3A_110 = arith.constant 0 : i32
      %dma_start3A_111 = tpu.memref_slice %arg15[%add3A_14, %dma_start3A_110] : memref<10240x128xf32, #tpu.memory_space<vmem_shared>> -> memref<64x128xf32, #tpu.memory_space<vmem_shared>>
      tpu.enqueue_dma source(%arg13 : memref<64x128xf32, #tpu.memory_space<vmem>>) target(%dma_start3A_111 : memref<64x128xf32, #tpu.memory_space<vmem_shared>>) target_semaphore(%run_scoped3A : memref<!tpu.dma_semaphore, #tpu.memory_space<semaphore_mem>>)
      %dma_wait3A = arith.constant 0 : i32
      %dma_wait3A_112 = tpu.memref_slice %arg15[%add3A_14, %dma_wait3A] : memref<10240x128xf32, #tpu.memory_space<vmem_shared>> -> memref<64x128xf32, #tpu.memory_space<vmem_shared>>
      %dma_wait3A_113 = arith.constant 0 : i32
      %dma_wait3A_114 = tpu.memref_slice %arg15[%add3A_14, %dma_wait3A_113] : memref<10240x128xf32, #tpu.memory_space<vmem_shared>> -> memref<64x128xf32, #tpu.memory_space<vmem_shared>>
      tpu.wait_dma2 semaphore(%run_scoped3A : memref<!tpu.dma_semaphore, #tpu.memory_space<semaphore_mem>>) src(%arg13 : memref<64x128xf32, #tpu.memory_space<vmem>>) dst(%dma_wait3A_114 : memref<64x128xf32, #tpu.memory_space<vmem_shared>>)
      tpu.yield
    }) : () -> ()
    %add3A_15 = arith.constant 192 : i32
    %add3A_16 = arith.addi %mul3A_8, %add3A_15 : i32
    "tpu.region"() ({
      %run_scoped3A = tpu.sem_alloc : memref<!tpu.dma_semaphore, #tpu.memory_space<semaphore_mem>>
      %dma_start3A_108 = arith.constant 0 : i32
      %dma_start3A_109 = tpu.memref_slice %arg15[%add3A_16, %dma_start3A_108] : memref<10240x128xf32, #tpu.memory_space<vmem_shared>> -> memref<64x128xf32, #tpu.memory_space<vmem_shared>>
      %dma_start3A_110 = arith.constant 0 : i32
      %dma_start3A_111 = tpu.memref_slice %arg15[%add3A_16, %dma_start3A_110] : memref<10240x128xf32, #tpu.memory_space<vmem_shared>> -> memref<64x128xf32, #tpu.memory_space<vmem_shared>>
      tpu.enqueue_dma source(%arg13 : memref<64x128xf32, #tpu.memory_space<vmem>>) target(%dma_start3A_111 : memref<64x128xf32, #tpu.memory_space<vmem_shared>>) target_semaphore(%run_scoped3A : memref<!tpu.dma_semaphore, #tpu.memory_space<semaphore_mem>>)
      %dma_wait3A = arith.constant 0 : i32
      %dma_wait3A_112 = tpu.memref_slice %arg15[%add3A_16, %dma_wait3A] : memref<10240x128xf32, #tpu.memory_space<vmem_shared>> -> memref<64x128xf32, #tpu.memory_space<vmem_shared>>
      %dma_wait3A_113 = arith.constant 0 : i32
      %dma_wait3A_114 = tpu.memref_slice %arg15[%add3A_16, %dma_wait3A_113] : memref<10240x128xf32, #tpu.memory_space<vmem_shared>> -> memref<64x128xf32, #tpu.memory_space<vmem_shared>>
      tpu.wait_dma2 semaphore(%run_scoped3A : memref<!tpu.dma_semaphore, #tpu.memory_space<semaphore_mem>>) src(%arg13 : memref<64x128xf32, #tpu.memory_space<vmem>>) dst(%dma_wait3A_114 : memref<64x128xf32, #tpu.memory_space<vmem_shared>>)
      tpu.yield
    }) : () -> ()
    %add3A_17 = arith.constant 256 : i32
    %add3A_18 = arith.addi %mul3A_8, %add3A_17 : i32
    "tpu.region"() ({
      %run_scoped3A = tpu.sem_alloc : memref<!tpu.dma_semaphore, #tpu.memory_space<semaphore_mem>>
      %dma_start3A_108 = arith.constant 0 : i32
      %dma_start3A_109 = tpu.memref_slice %arg15[%add3A_18, %dma_start3A_108] : memref<10240x128xf32, #tpu.memory_space<vmem_shared>> -> memref<64x128xf32, #tpu.memory_space<vmem_shared>>
      %dma_start3A_110 = arith.constant 0 : i32
      %dma_start3A_111 = tpu.memref_slice %arg15[%add3A_18, %dma_start3A_110] : memref<10240x128xf32, #tpu.memory_space<vmem_shared>> -> memref<64x128xf32, #tpu.memory_space<vmem_shared>>
      tpu.enqueue_dma source(%arg13 : memref<64x128xf32, #tpu.memory_space<vmem>>) target(%dma_start3A_111 : memref<64x128xf32, #tpu.memory_space<vmem_shared>>) target_semaphore(%run_scoped3A : memref<!tpu.dma_semaphore, #tpu.memory_space<semaphore_mem>>)
      %dma_wait3A = arith.constant 0 : i32
      %dma_wait3A_112 = tpu.memref_slice %arg15[%add3A_18, %dma_wait3A] : memref<10240x128xf32, #tpu.memory_space<vmem_shared>> -> memref<64x128xf32, #tpu.memory_space<vmem_shared>>
      %dma_wait3A_113 = arith.constant 0 : i32
      %dma_wait3A_114 = tpu.memref_slice %arg15[%add3A_18, %dma_wait3A_113] : memref<10240x128xf32, #tpu.memory_space<vmem_shared>> -> memref<64x128xf32, #tpu.memory_space<vmem_shared>>
      tpu.wait_dma2 semaphore(%run_scoped3A : memref<!tpu.dma_semaphore, #tpu.memory_space<semaphore_mem>>) src(%arg13 : memref<64x128xf32, #tpu.memory_space<vmem>>) dst(%dma_wait3A_114 : memref<64x128xf32, #tpu.memory_space<vmem_shared>>)
      tpu.yield
    }) : () -> ()
    %add3A_19 = arith.constant 320 : i32
    %add3A_20 = arith.addi %mul3A_8, %add3A_19 : i32
    "tpu.region"() ({
      %run_scoped3A = tpu.sem_alloc : memref<!tpu.dma_semaphore, #tpu.memory_space<semaphore_mem>>
      %dma_start3A_108 = arith.constant 0 : i32
      %dma_start3A_109 = tpu.memref_slice %arg15[%add3A_20, %dma_start3A_108] : memref<10240x128xf32, #tpu.memory_space<vmem_shared>> -> memref<64x128xf32, #tpu.memory_space<vmem_shared>>
      %dma_start3A_110 = arith.constant 0 : i32
      %dma_start3A_111 = tpu.memref_slice %arg15[%add3A_20, %dma_start3A_110] : memref<10240x128xf32, #tpu.memory_space<vmem_shared>> -> memref<64x128xf32, #tpu.memory_space<vmem_shared>>
      tpu.enqueue_dma source(%arg13 : memref<64x128xf32, #tpu.memory_space<vmem>>) target(%dma_start3A_111 : memref<64x128xf32, #tpu.memory_space<vmem_shared>>) target_semaphore(%run_scoped3A : memref<!tpu.dma_semaphore, #tpu.memory_space<semaphore_mem>>)
      %dma_wait3A = arith.constant 0 : i32
      %dma_wait3A_112 = tpu.memref_slice %arg15[%add3A_20, %dma_wait3A] : memref<10240x128xf32, #tpu.memory_space<vmem_shared>> -> memref<64x128xf32, #tpu.memory_space<vmem_shared>>
      %dma_wait3A_113 = arith.constant 0 : i32
      %dma_wait3A_114 = tpu.memref_slice %arg15[%add3A_20, %dma_wait3A_113] : memref<10240x128xf32, #tpu.memory_space<vmem_shared>> -> memref<64x128xf32, #tpu.memory_space<vmem_shared>>
      tpu.wait_dma2 semaphore(%run_scoped3A : memref<!tpu.dma_semaphore, #tpu.memory_space<semaphore_mem>>) src(%arg13 : memref<64x128xf32, #tpu.memory_space<vmem>>) dst(%dma_wait3A_114 : memref<64x128xf32, #tpu.memory_space<vmem_shared>>)
      tpu.yield
    }) : () -> ()
    %add3A_21 = arith.constant 384 : i32
    %add3A_22 = arith.addi %mul3A_8, %add3A_21 : i32
    "tpu.region"() ({
      %run_scoped3A = tpu.sem_alloc : memref<!tpu.dma_semaphore, #tpu.memory_space<semaphore_mem>>
      %dma_start3A_108 = arith.constant 0 : i32
      %dma_start3A_109 = tpu.memref_slice %arg15[%add3A_22, %dma_start3A_108] : memref<10240x128xf32, #tpu.memory_space<vmem_shared>> -> memref<64x128xf32, #tpu.memory_space<vmem_shared>>
      %dma_start3A_110 = arith.constant 0 : i32
      %dma_start3A_111 = tpu.memref_slice %arg15[%add3A_22, %dma_start3A_110] : memref<10240x128xf32, #tpu.memory_space<vmem_shared>> -> memref<64x128xf32, #tpu.memory_space<vmem_shared>>
      tpu.enqueue_dma source(%arg13 : memref<64x128xf32, #tpu.memory_space<vmem>>) target(%dma_start3A_111 : memref<64x128xf32, #tpu.memory_space<vmem_shared>>) target_semaphore(%run_scoped3A : memref<!tpu.dma_semaphore, #tpu.memory_space<semaphore_mem>>)
      %dma_wait3A = arith.constant 0 : i32
      %dma_wait3A_112 = tpu.memref_slice %arg15[%add3A_22, %dma_wait3A] : memref<10240x128xf32, #tpu.memory_space<vmem_shared>> -> memref<64x128xf32, #tpu.memory_space<vmem_shared>>
      %dma_wait3A_113 = arith.constant 0 : i32
      %dma_wait3A_114 = tpu.memref_slice %arg15[%add3A_22, %dma_wait3A_113] : memref<10240x128xf32, #tpu.memory_space<vmem_shared>> -> memref<64x128xf32, #tpu.memory_space<vmem_shared>>
      tpu.wait_dma2 semaphore(%run_scoped3A : memref<!tpu.dma_semaphore, #tpu.memory_space<semaphore_mem>>) src(%arg13 : memref<64x128xf32, #tpu.memory_space<vmem>>) dst(%dma_wait3A_114 : memref<64x128xf32, #tpu.memory_space<vmem_shared>>)
      tpu.yield
    }) : () -> ()
    %add3A_23 = arith.constant 448 : i32
    %add3A_24 = arith.addi %mul3A_8, %add3A_23 : i32
    "tpu.region"() ({
      %run_scoped3A = tpu.sem_alloc : memref<!tpu.dma_semaphore, #tpu.memory_space<semaphore_mem>>
      %dma_start3A_108 = arith.constant 0 : i32
      %dma_start3A_109 = tpu.memref_slice %arg15[%add3A_24, %dma_start3A_108] : memref<10240x128xf32, #tpu.memory_space<vmem_shared>> -> memref<64x128xf32, #tpu.memory_space<vmem_shared>>
      %dma_start3A_110 = arith.constant 0 : i32
      %dma_start3A_111 = tpu.memref_slice %arg15[%add3A_24, %dma_start3A_110] : memref<10240x128xf32, #tpu.memory_space<vmem_shared>> -> memref<64x128xf32, #tpu.memory_space<vmem_shared>>
      tpu.enqueue_dma source(%arg13 : memref<64x128xf32, #tpu.memory_space<vmem>>) target(%dma_start3A_111 : memref<64x128xf32, #tpu.memory_space<vmem_shared>>) target_semaphore(%run_scoped3A : memref<!tpu.dma_semaphore, #tpu.memory_space<semaphore_mem>>)
      %dma_wait3A = arith.constant 0 : i32
      %dma_wait3A_112 = tpu.memref_slice %arg15[%add3A_24, %dma_wait3A] : memref<10240x128xf32, #tpu.memory_space<vmem_shared>> -> memref<64x128xf32, #tpu.memory_space<vmem_shared>>
      %dma_wait3A_113 = arith.constant 0 : i32
      %dma_wait3A_114 = tpu.memref_slice %arg15[%add3A_24, %dma_wait3A_113] : memref<10240x128xf32, #tpu.memory_space<vmem_shared>> -> memref<64x128xf32, #tpu.memory_space<vmem_shared>>
      tpu.wait_dma2 semaphore(%run_scoped3A : memref<!tpu.dma_semaphore, #tpu.memory_space<semaphore_mem>>) src(%arg13 : memref<64x128xf32, #tpu.memory_space<vmem>>) dst(%dma_wait3A_114 : memref<64x128xf32, #tpu.memory_space<vmem_shared>>)
      tpu.yield
    }) : () -> ()
    %add3A_25 = arith.constant 512 : i32
    %add3A_26 = arith.addi %mul3A_8, %add3A_25 : i32
    "tpu.region"() ({
      %run_scoped3A = tpu.sem_alloc : memref<!tpu.dma_semaphore, #tpu.memory_space<semaphore_mem>>
      %dma_start3A_108 = arith.constant 0 : i32
      %dma_start3A_109 = tpu.memref_slice %arg15[%add3A_26, %dma_start3A_108] : memref<10240x128xf32, #tpu.memory_space<vmem_shared>> -> memref<64x128xf32, #tpu.memory_space<vmem_shared>>
      %dma_start3A_110 = arith.constant 0 : i32
      %dma_start3A_111 = tpu.memref_slice %arg15[%add3A_26, %dma_start3A_110] : memref<10240x128xf32, #tpu.memory_space<vmem_shared>> -> memref<64x128xf32, #tpu.memory_space<vmem_shared>>
      tpu.enqueue_dma source(%arg13 : memref<64x128xf32, #tpu.memory_space<vmem>>) target(%dma_start3A_111 : memref<64x128xf32, #tpu.memory_space<vmem_shared>>) target_semaphore(%run_scoped3A : memref<!tpu.dma_semaphore, #tpu.memory_space<semaphore_mem>>)
      %dma_wait3A = arith.constant 0 : i32
      %dma_wait3A_112 = tpu.memref_slice %arg15[%add3A_26, %dma_wait3A] : memref<10240x128xf32, #tpu.memory_space<vmem_shared>> -> memref<64x128xf32, #tpu.memory_space<vmem_shared>>
      %dma_wait3A_113 = arith.constant 0 : i32
      %dma_wait3A_114 = tpu.memref_slice %arg15[%add3A_26, %dma_wait3A_113] : memref<10240x128xf32, #tpu.memory_space<vmem_shared>> -> memref<64x128xf32, #tpu.memory_space<vmem_shared>>
      tpu.wait_dma2 semaphore(%run_scoped3A : memref<!tpu.dma_semaphore, #tpu.memory_space<semaphore_mem>>) src(%arg13 : memref<64x128xf32, #tpu.memory_space<vmem>>) dst(%dma_wait3A_114 : memref<64x128xf32, #tpu.memory_space<vmem_shared>>)
      tpu.yield
    }) : () -> ()
    %add3A_27 = arith.constant 576 : i32
    %add3A_28 = arith.addi %mul3A_8, %add3A_27 : i32
    "tpu.region"() ({
      %run_scoped3A = tpu.sem_alloc : memref<!tpu.dma_semaphore, #tpu.memory_space<semaphore_mem>>
      %dma_start3A_108 = arith.constant 0 : i32
      %dma_start3A_109 = tpu.memref_slice %arg15[%add3A_28, %dma_start3A_108] : memref<10240x128xf32, #tpu.memory_space<vmem_shared>> -> memref<64x128xf32, #tpu.memory_space<vmem_shared>>
      %dma_start3A_110 = arith.constant 0 : i32
      %dma_start3A_111 = tpu.memref_slice %arg15[%add3A_28, %dma_start3A_110] : memref<10240x128xf32, #tpu.memory_space<vmem_shared>> -> memref<64x128xf32, #tpu.memory_space<vmem_shared>>
      tpu.enqueue_dma source(%arg13 : memref<64x128xf32, #tpu.memory_space<vmem>>) target(%dma_start3A_111 : memref<64x128xf32, #tpu.memory_space<vmem_shared>>) target_semaphore(%run_scoped3A : memref<!tpu.dma_semaphore, #tpu.memory_space<semaphore_mem>>)
      %dma_wait3A = arith.constant 0 : i32
      %dma_wait3A_112 = tpu.memref_slice %arg15[%add3A_28, %dma_wait3A] : memref<10240x128xf32, #tpu.memory_space<vmem_shared>> -> memref<64x128xf32, #tpu.memory_space<vmem_shared>>
      %dma_wait3A_113 = arith.constant 0 : i32
      %dma_wait3A_114 = tpu.memref_slice %arg15[%add3A_28, %dma_wait3A_113] : memref<10240x128xf32, #tpu.memory_space<vmem_shared>> -> memref<64x128xf32, #tpu.memory_space<vmem_shared>>
      tpu.wait_dma2 semaphore(%run_scoped3A : memref<!tpu.dma_semaphore, #tpu.memory_space<semaphore_mem>>) src(%arg13 : memref<64x128xf32, #tpu.memory_space<vmem>>) dst(%dma_wait3A_114 : memref<64x128xf32, #tpu.memory_space<vmem_shared>>)
      tpu.yield
    }) : () -> ()
    %barrier3A = arith.constant 0 : index
    tpu.barrier barrier_id(%barrier3A)
    %mul3A_29 = arith.constant 156 : i32
    %mul3A_30 = arith.muli %add3A, %mul3A_29 : i32
    %min3A = arith.constant 8 : i32
    %min3A_31 = arith.minsi %add3A, %min3A : i32
    %add3A_32 = arith.addi %mul3A_30, %min3A_31 : i32
    %lt3A = arith.constant 8 : i32
    %lt3A_33 = arith.cmpi slt, %add3A, %lt3A : i32
    %jit3A = arith.constant 1 : i32
    %jit3A_34 = arith.constant 0 : i32
    %select_n3A = arith.select %lt3A_33, %jit3A, %jit3A_34 : i32
    %add3A_35 = arith.constant 156 : i32
    %add3A_36 = arith.addi %add3A_35, %select_n3A : i32
    %add3A_37 = arith.constant 0 : i32
    %add3A_38 = arith.addi %add3A_32, %add3A_37 : i32
    %mul3A_39 = arith.constant 64 : i32
    %mul3A_40 = arith.muli %add3A_38, %mul3A_39 : i32
    "tpu.region"() ({
      %run_scoped3A = tpu.sem_alloc : memref<!tpu.dma_semaphore, #tpu.memory_space<semaphore_mem>>
      %dma_start3A_108 = tpu.memref_slice %arg3[%mul3A_40] : memref<320000xi32, #tpu.memory_space<hbm>> -> memref<64xi32, #tpu.memory_space<hbm>>
      %dma_start3A_109 = tpu.memref_slice %arg3[%mul3A_40] : memref<320000xi32, #tpu.memory_space<hbm>> -> memref<64xi32, #tpu.memory_space<hbm>>
      tpu.enqueue_dma source(%dma_start3A_109 : memref<64xi32, #tpu.memory_space<hbm>>) target(%arg7 : memref<64xi32, #tpu.memory_space<vmem>>) target_semaphore(%run_scoped3A : memref<!tpu.dma_semaphore, #tpu.memory_space<semaphore_mem>>)
      %dma_wait3A = tpu.memref_slice %arg3[%mul3A_40] : memref<320000xi32, #tpu.memory_space<hbm>> -> memref<64xi32, #tpu.memory_space<hbm>>
      %dma_wait3A_110 = tpu.memref_slice %arg3[%mul3A_40] : memref<320000xi32, #tpu.memory_space<hbm>> -> memref<64xi32, #tpu.memory_space<hbm>>
      tpu.wait_dma2 semaphore(%run_scoped3A : memref<!tpu.dma_semaphore, #tpu.memory_space<semaphore_mem>>) src(%dma_wait3A_110 : memref<64xi32, #tpu.memory_space<hbm>>) dst(%arg7 : memref<64xi32, #tpu.memory_space<vmem>>)
      tpu.yield
    }) : () -> ()
    %add3A_41 = arith.constant 0 : i32
    %add3A_42 = arith.addi %add3A_32, %add3A_41 : i32
    %mul3A_43 = arith.constant 64 : i32
    %mul3A_44 = arith.muli %add3A_42, %mul3A_43 : i32
    "tpu.region"() ({
      %run_scoped3A = tpu.sem_alloc : memref<!tpu.dma_semaphore, #tpu.memory_space<semaphore_mem>>
      %dma_start3A_108 = tpu.memref_slice %arg4[%mul3A_44] : memref<320000xi32, #tpu.memory_space<hbm>> -> memref<64xi32, #tpu.memory_space<hbm>>
      %dma_start3A_109 = tpu.memref_slice %arg4[%mul3A_44] : memref<320000xi32, #tpu.memory_space<hbm>> -> memref<64xi32, #tpu.memory_space<hbm>>
      tpu.enqueue_dma source(%dma_start3A_109 : memref<64xi32, #tpu.memory_space<hbm>>) target(%arg9 : memref<64xi32, #tpu.memory_space<vmem>>) target_semaphore(%run_scoped3A : memref<!tpu.dma_semaphore, #tpu.memory_space<semaphore_mem>>)
      %dma_wait3A = tpu.memref_slice %arg4[%mul3A_44] : memref<320000xi32, #tpu.memory_space<hbm>> -> memref<64xi32, #tpu.memory_space<hbm>>
      %dma_wait3A_110 = tpu.memref_slice %arg4[%mul3A_44] : memref<320000xi32, #tpu.memory_space<hbm>> -> memref<64xi32, #tpu.memory_space<hbm>>
      tpu.wait_dma2 semaphore(%run_scoped3A : memref<!tpu.dma_semaphore, #tpu.memory_space<semaphore_mem>>) src(%dma_wait3A_110 : memref<64xi32, #tpu.memory_space<hbm>>) dst(%arg9 : memref<64xi32, #tpu.memory_space<vmem>>)
      tpu.yield
    }) : () -> ()
    %dma_start3A = arith.constant 0 : i32
    %dma_start3A_45 = arith.constant 0 : i32
    %dma_start3A_46 = tpu.memref_slice %arg2[%dma_start3A, %dma_start3A_45] : memref<10000x128xf32, #tpu.memory_space<hbm>> -> memref<10000x128xf32, #tpu.memory_space<hbm>>
    tpu.enqueue_indirect_dma source(%dma_start3A_46 : memref<10000x128xf32, #tpu.memory_space<hbm>>) target(%arg11 : memref<64x128xf32, #tpu.memory_space<vmem>>) offsets(%arg7 : memref<64xi32, #tpu.memory_space<vmem>>) semaphore(%arg18 : memref<!tpu.dma_semaphore, #tpu.memory_space<semaphore_mem>>)
    %add3A_47 = arith.constant 0 : i32
    %add3A_48 = arith.addi %add3A_32, %add3A_47 : i32
    %mul3A_49 = arith.constant 64 : i32
    %mul3A_50 = arith.muli %add3A_48, %mul3A_49 : i32
    %dma_start3A_51 = arith.constant 0 : i32
    %dma_start3A_52 = tpu.memref_slice %arg5[%mul3A_50, %dma_start3A_51] : memref<320000x128xf32, #tpu.memory_space<hbm>> -> memref<64x128xf32, #tpu.memory_space<hbm>>
    %dma_start3A_53 = arith.constant 0 : i32
    %dma_start3A_54 = tpu.memref_slice %arg5[%mul3A_50, %dma_start3A_53] : memref<320000x128xf32, #tpu.memory_space<hbm>> -> memref<64x128xf32, #tpu.memory_space<hbm>>
    tpu.enqueue_dma source(%dma_start3A_54 : memref<64x128xf32, #tpu.memory_space<hbm>>) target(%arg13 : memref<64x128xf32, #tpu.memory_space<vmem>>) target_semaphore(%arg20 : memref<!tpu.dma_semaphore, #tpu.memory_space<semaphore_mem>>)
    %gt3A = arith.constant 1 : i32
    %gt3A_55 = arith.cmpi sgt, %add3A_36, %gt3A : i32
    %convert_element_type3A = arith.extui %gt3A_55 : i1 to i32
    %cond3A = arith.constant 0 : i32
    %cond3A_56 = arith.cmpi ne, %convert_element_type3A, %cond3A : i32
    scf.if %cond3A_56 {
      %add3A_108 = arith.constant 1 : i32
      %add3A_109 = arith.addi %add3A_32, %add3A_108 : i32
      %mul3A_110 = arith.constant 64 : i32
      %mul3A_111 = arith.muli %add3A_109, %mul3A_110 : i32
      %dma_start3A_112 = tpu.memref_slice %arg3[%mul3A_111] : memref<320000xi32, #tpu.memory_space<hbm>> -> memref<64xi32, #tpu.memory_space<hbm>>
      %dma_start3A_113 = tpu.memref_slice %arg3[%mul3A_111] : memref<320000xi32, #tpu.memory_space<hbm>> -> memref<64xi32, #tpu.memory_space<hbm>>
      tpu.enqueue_dma source(%dma_start3A_113 : memref<64xi32, #tpu.memory_space<hbm>>) target(%arg8 : memref<64xi32, #tpu.memory_space<vmem>>) target_semaphore(%arg17 : memref<!tpu.dma_semaphore, #tpu.memory_space<semaphore_mem>>)
      %add3A_114 = arith.constant 1 : i32
      %add3A_115 = arith.addi %add3A_32, %add3A_114 : i32
      %mul3A_116 = arith.constant 64 : i32
      %mul3A_117 = arith.muli %add3A_115, %mul3A_116 : i32
      %dma_start3A_118 = tpu.memref_slice %arg4[%mul3A_117] : memref<320000xi32, #tpu.memory_space<hbm>> -> memref<64xi32, #tpu.memory_space<hbm>>
      %dma_start3A_119 = tpu.memref_slice %arg4[%mul3A_117] : memref<320000xi32, #tpu.memory_space<hbm>> -> memref<64xi32, #tpu.memory_space<hbm>>
      tpu.enqueue_dma source(%dma_start3A_119 : memref<64xi32, #tpu.memory_space<hbm>>) target(%arg10 : memref<64xi32, #tpu.memory_space<vmem>>) target_semaphore(%arg17 : memref<!tpu.dma_semaphore, #tpu.memory_space<semaphore_mem>>)
    } else {
    }
    %scan3A_57 = arith.constant 0 : i32
    %scan3A_58 = arith.constant 0 : i32
    %scan3A_59 = arith.constant 79 : i32
    %scan3A_60 = arith.addi %scan3A_58, %scan3A_59 : i32
    %scan3A_61 = arith.constant 1 : i32
    %scan3A_62 = scf.for %scan3A_108 = %scan3A_58 to %scan3A_60 step %scan3A_61 iter_args(%scan3A_109 = %scan3A_57) -> (i32)  : i32 {
      %mul3A_110 = arith.constant 2 : i32
      %mul3A_111 = arith.muli %mul3A_110, %scan3A_108 : i32
      %add3A_112 = arith.constant 0 : i32
      %add3A_113 = arith.addi %mul3A_111, %add3A_112 : i32
      %lt3A_114 = arith.cmpi slt, %add3A_113, %add3A_36 : i32
      %convert_element_type3A_115 = arith.extui %lt3A_114 : i1 to i32
      %cond3A_116 = arith.constant 0 : i32
      %cond3A_117 = arith.cmpi ne, %convert_element_type3A_115, %cond3A_116 : i32
      scf.if %cond3A_117 {
        %add3A_127 = arith.constant 1 : i32
        %add3A_128 = arith.addi %add3A_113, %add3A_127 : i32
        %lt3A_129 = arith.cmpi slt, %add3A_128, %add3A_36 : i32
        %convert_element_type3A_130 = arith.extui %lt3A_129 : i1 to i32
        %cond3A_131 = arith.constant 0 : i32
        %cond3A_132 = arith.cmpi ne, %convert_element_type3A_130, %cond3A_131 : i32
        scf.if %cond3A_132 {
          %dma_wait3A_157 = arith.constant 0 : i32
          %dma_wait3A_158 = tpu.memref_slice %arg3[%dma_wait3A_157] : memref<320000xi32, #tpu.memory_space<hbm>> -> memref<64xi32, #tpu.memory_space<hbm>>
          %dma_wait3A_159 = arith.constant 0 : i32
          %dma_wait3A_160 = tpu.memref_slice %arg3[%dma_wait3A_159] : memref<320000xi32, #tpu.memory_space<hbm>> -> memref<64xi32, #tpu.memory_space<hbm>>
          tpu.wait_dma2 semaphore(%arg17 : memref<!tpu.dma_semaphore, #tpu.memory_space<semaphore_mem>>) src(%dma_wait3A_160 : memref<64xi32, #tpu.memory_space<hbm>>) dst(%arg8 : memref<64xi32, #tpu.memory_space<vmem>>)
          %dma_wait3A_161 = arith.constant 0 : i32
          %dma_wait3A_162 = tpu.memref_slice %arg4[%dma_wait3A_161] : memref<320000xi32, #tpu.memory_space<hbm>> -> memref<64xi32, #tpu.memory_space<hbm>>
          %dma_wait3A_163 = arith.constant 0 : i32
          %dma_wait3A_164 = tpu.memref_slice %arg4[%dma_wait3A_163] : memref<320000xi32, #tpu.memory_space<hbm>> -> memref<64xi32, #tpu.memory_space<hbm>>
          tpu.wait_dma2 semaphore(%arg17 : memref<!tpu.dma_semaphore, #tpu.memory_space<semaphore_mem>>) src(%dma_wait3A_164 : memref<64xi32, #tpu.memory_space<hbm>>) dst(%arg10 : memref<64xi32, #tpu.memory_space<vmem>>)
          %add3A_165 = arith.constant 1 : i32
          %add3A_166 = arith.addi %add3A_113, %add3A_165 : i32
          %dma_start3A_167 = arith.constant 0 : i32
          %dma_start3A_168 = arith.constant 0 : i32
          %dma_start3A_169 = tpu.memref_slice %arg2[%dma_start3A_167, %dma_start3A_168] : memref<10000x128xf32, #tpu.memory_space<hbm>> -> memref<10000x128xf32, #tpu.memory_space<hbm>>
          tpu.enqueue_indirect_dma source(%dma_start3A_169 : memref<10000x128xf32, #tpu.memory_space<hbm>>) target(%arg12 : memref<64x128xf32, #tpu.memory_space<vmem>>) offsets(%arg8 : memref<64xi32, #tpu.memory_space<vmem>>) semaphore(%arg19 : memref<!tpu.dma_semaphore, #tpu.memory_space<semaphore_mem>>)
          %add3A_170 = arith.addi %add3A_32, %add3A_166 : i32
          %mul3A_171 = arith.constant 64 : i32
          %mul3A_172 = arith.muli %add3A_170, %mul3A_171 : i32
          %dma_start3A_173 = arith.constant 0 : i32
          %dma_start3A_174 = tpu.memref_slice %arg5[%mul3A_172, %dma_start3A_173] : memref<320000x128xf32, #tpu.memory_space<hbm>> -> memref<64x128xf32, #tpu.memory_space<hbm>>
          %dma_start3A_175 = arith.constant 0 : i32
          %dma_start3A_176 = tpu.memref_slice %arg5[%mul3A_172, %dma_start3A_175] : memref<320000x128xf32, #tpu.memory_space<hbm>> -> memref<64x128xf32, #tpu.memory_space<hbm>>
          tpu.enqueue_dma source(%dma_start3A_176 : memref<64x128xf32, #tpu.memory_space<hbm>>) target(%arg14 : memref<64x128xf32, #tpu.memory_space<vmem>>) target_semaphore(%arg21 : memref<!tpu.dma_semaphore, #tpu.memory_space<semaphore_mem>>)
        } else {
        }
        %dma_wait3A = arith.constant 0 : i32
        %dma_wait3A_133 = arith.constant 0 : i32
        %dma_wait3A_134 = tpu.memref_slice %arg2[%dma_wait3A, %dma_wait3A_133] : memref<10000x128xf32, #tpu.memory_space<hbm>> -> memref<64x128xf32, #tpu.memory_space<hbm>>
        %dma_wait3A_135 = arith.constant 0 : i32
        %dma_wait3A_136 = arith.constant 0 : i32
        %dma_wait3A_137 = tpu.memref_slice %arg2[%dma_wait3A_135, %dma_wait3A_136] : memref<10000x128xf32, #tpu.memory_space<hbm>> -> memref<64x128xf32, #tpu.memory_space<hbm>>
        tpu.wait_dma2 semaphore(%arg18 : memref<!tpu.dma_semaphore, #tpu.memory_space<semaphore_mem>>) src(%dma_wait3A_137 : memref<64x128xf32, #tpu.memory_space<hbm>>) dst(%arg11 : memref<64x128xf32, #tpu.memory_space<vmem>>)
        %dma_wait3A_138 = arith.constant 0 : i32
        %dma_wait3A_139 = arith.constant 0 : i32
        %dma_wait3A_140 = tpu.memref_slice %arg5[%dma_wait3A_138, %dma_wait3A_139] : memref<320000x128xf32, #tpu.memory_space<hbm>> -> memref<64x128xf32, #tpu.memory_space<hbm>>
        %dma_wait3A_141 = arith.constant 0 : i32
        %dma_wait3A_142 = arith.constant 0 : i32
        %dma_wait3A_143 = tpu.memref_slice %arg5[%dma_wait3A_141, %dma_wait3A_142] : memref<320000x128xf32, #tpu.memory_space<hbm>> -> memref<64x128xf32, #tpu.memory_space<hbm>>
        tpu.wait_dma2 semaphore(%arg20 : memref<!tpu.dma_semaphore, #tpu.memory_space<semaphore_mem>>) src(%dma_wait3A_143 : memref<64x128xf32, #tpu.memory_space<hbm>>) dst(%arg13 : memref<64x128xf32, #tpu.memory_space<vmem>>)
        %scan3A_144 = arith.constant 0 : i32
        %scan3A_145 = arith.constant 0 : i32
        %scan3A_146 = arith.constant 64 : i32
        %scan3A_147 = arith.addi %scan3A_145, %scan3A_146 : i32
        %scan3A_148 = arith.constant 1 : i32
        %scan3A_149 = scf.for %scan3A_157 = %scan3A_145 to %scan3A_147 step %scan3A_148 iter_args(%scan3A_158 = %scan3A_144) -> (i32)  : i32 {
          %get3A = arith.index_cast %scan3A_157 : i32 to index
          %get3A_159 = arith.constant 0 : index
          %get3A_160 = tpu.vector_load %arg11[%get3A, %get3A_159] {strides = array<i32>} : memref<64x128xf32, #tpu.memory_space<vmem>>, vector<1x16xf32>,
          %get3A_161 = vector.shape_cast %get3A_160 : vector<1x16xf32> to vector<16xf32>
          %get3A_162 = arith.index_cast %scan3A_157 : i32 to index
          %get3A_163 = arith.constant 0 : index
          %get3A_164 = tpu.vector_load %arg13[%get3A_162, %get3A_163] {strides = array<i32>} : memref<64x128xf32, #tpu.memory_space<vmem>>, vector<1x16xf32>,
          %get3A_165 = vector.shape_cast %get3A_164 : vector<1x16xf32> to vector<16xf32>
          %add3A_166 = arith.addf %get3A_161, %get3A_165 : vector<16xf32>
          %max3A = arith.constant 0.000000e+00 : f32
          %max3A_167 = vector.broadcast %max3A : f32 to vector<16xf32>
          %max3A_168 = arith.maximumf %add3A_166, %max3A_167 : vector<16xf32>
          %swap3A = arith.index_cast %scan3A_157 : i32 to index
          %swap3A_169 = arith.constant 0 : index
          %swap3A_170 = tpu.vector_load %arg13[%swap3A, %swap3A_169] {strides = array<i32>} : memref<64x128xf32, #tpu.memory_space<vmem>>, vector<1x16xf32>,
          %swap3A_171 = vector.shape_cast %swap3A_170 : vector<1x16xf32> to vector<16xf32>
          %swap3A_172 = vector.shape_cast %max3A_168 : vector<16xf32> to vector<1x16xf32>
          tpu.vector_store %arg13[%swap3A, %swap3A_169], %swap3A_172 {strides = array<i32>} : memref<64x128xf32, #tpu.memory_space<vmem>>, vector<1x16xf32>,
          %get3A_173 = arith.index_cast %scan3A_157 : i32 to index
          %get3A_174 = arith.constant 16 : index
          %get3A_175 = tpu.vector_load %arg11[%get3A_173, %get3A_174] {strides = array<i32>} : memref<64x128xf32, #tpu.memory_space<vmem>>, vector<1x16xf32>,
          %get3A_176 = vector.shape_cast %get3A_175 : vector<1x16xf32> to vector<16xf32>
          %get3A_177 = arith.index_cast %scan3A_157 : i32 to index
          %get3A_178 = arith.constant 16 : index
          %get3A_179 = tpu.vector_load %arg13[%get3A_177, %get3A_178] {strides = array<i32>} : memref<64x128xf32, #tpu.memory_space<vmem>>, vector<1x16xf32>,
          %get3A_180 = vector.shape_cast %get3A_179 : vector<1x16xf32> to vector<16xf32>
          %add3A_181 = arith.addf %get3A_176, %get3A_180 : vector<16xf32>
          %max3A_182 = arith.constant 0.000000e+00 : f32
          %max3A_183 = vector.broadcast %max3A_182 : f32 to vector<16xf32>
          %max3A_184 = arith.maximumf %add3A_181, %max3A_183 : vector<16xf32>
          %swap3A_185 = arith.index_cast %scan3A_157 : i32 to index
          %swap3A_186 = arith.constant 16 : index
          %swap3A_187 = tpu.vector_load %arg13[%swap3A_185, %swap3A_186] {strides = array<i32>} : memref<64x128xf32, #tpu.memory_space<vmem>>, vector<1x16xf32>,
          %swap3A_188 = vector.shape_cast %swap3A_187 : vector<1x16xf32> to vector<16xf32>
          %swap3A_189 = vector.shape_cast %max3A_184 : vector<16xf32> to vector<1x16xf32>
          tpu.vector_store %arg13[%swap3A_185, %swap3A_186], %swap3A_189 {strides = array<i32>} : memref<64x128xf32, #tpu.memory_space<vmem>>, vector<1x16xf32>,
          %get3A_190 = arith.index_cast %scan3A_157 : i32 to index
          %get3A_191 = arith.constant 32 : index
          %get3A_192 = tpu.vector_load %arg11[%get3A_190, %get3A_191] {strides = array<i32>} : memref<64x128xf32, #tpu.memory_space<vmem>>, vector<1x16xf32>,
          %get3A_193 = vector.shape_cast %get3A_192 : vector<1x16xf32> to vector<16xf32>
          %get3A_194 = arith.index_cast %scan3A_157 : i32 to index
          %get3A_195 = arith.constant 32 : index
          %get3A_196 = tpu.vector_load %arg13[%get3A_194, %get3A_195] {strides = array<i32>} : memref<64x128xf32, #tpu.memory_space<vmem>>, vector<1x16xf32>,
          %get3A_197 = vector.shape_cast %get3A_196 : vector<1x16xf32> to vector<16xf32>
          %add3A_198 = arith.addf %get3A_193, %get3A_197 : vector<16xf32>
          %max3A_199 = arith.constant 0.000000e+00 : f32
          %max3A_200 = vector.broadcast %max3A_199 : f32 to vector<16xf32>
          %max3A_201 = arith.maximumf %add3A_198, %max3A_200 : vector<16xf32>
          %swap3A_202 = arith.index_cast %scan3A_157 : i32 to index
          %swap3A_203 = arith.constant 32 : index
          %swap3A_204 = tpu.vector_load %arg13[%swap3A_202, %swap3A_203] {strides = array<i32>} : memref<64x128xf32, #tpu.memory_space<vmem>>, vector<1x16xf32>,
          %swap3A_205 = vector.shape_cast %swap3A_204 : vector<1x16xf32> to vector<16xf32>
          %swap3A_206 = vector.shape_cast %max3A_201 : vector<16xf32> to vector<1x16xf32>
          tpu.vector_store %arg13[%swap3A_202, %swap3A_203], %swap3A_206 {strides = array<i32>} : memref<64x128xf32, #tpu.memory_space<vmem>>, vector<1x16xf32>,
          %get3A_207 = arith.index_cast %scan3A_157 : i32 to index
          %get3A_208 = arith.constant 48 : index
          %get3A_209 = tpu.vector_load %arg11[%get3A_207, %get3A_208] {strides = array<i32>} : memref<64x128xf32, #tpu.memory_space<vmem>>, vector<1x16xf32>,
          %get3A_210 = vector.shape_cast %get3A_209 : vector<1x16xf32> to vector<16xf32>
          %get3A_211 = arith.index_cast %scan3A_157 : i32 to index
          %get3A_212 = arith.constant 48 : index
          %get3A_213 = tpu.vector_load %arg13[%get3A_211, %get3A_212] {strides = array<i32>} : memref<64x128xf32, #tpu.memory_space<vmem>>, vector<1x16xf32>,
          %get3A_214 = vector.shape_cast %get3A_213 : vector<1x16xf32> to vector<16xf32>
          %add3A_215 = arith.addf %get3A_210, %get3A_214 : vector<16xf32>
          %max3A_216 = arith.constant 0.000000e+00 : f32
          %max3A_217 = vector.broadcast %max3A_216 : f32 to vector<16xf32>
          %max3A_218 = arith.maximumf %add3A_215, %max3A_217 : vector<16xf32>
          %swap3A_219 = arith.index_cast %scan3A_157 : i32 to index
          %swap3A_220 = arith.constant 48 : index
          %swap3A_221 = tpu.vector_load %arg13[%swap3A_219, %swap3A_220] {strides = array<i32>} : memref<64x128xf32, #tpu.memory_space<vmem>>, vector<1x16xf32>,
          %swap3A_222 = vector.shape_cast %swap3A_221 : vector<1x16xf32> to vector<16xf32>
          %swap3A_223 = vector.shape_cast %max3A_218 : vector<16xf32> to vector<1x16xf32>
          tpu.vector_store %arg13[%swap3A_219, %swap3A_220], %swap3A_223 {strides = array<i32>} : memref<64x128xf32, #tpu.memory_space<vmem>>, vector<1x16xf32>,
          %get3A_224 = arith.index_cast %scan3A_157 : i32 to index
          %get3A_225 = arith.constant 64 : index
          %get3A_226 = tpu.vector_load %arg11[%get3A_224, %get3A_225] {strides = array<i32>} : memref<64x128xf32, #tpu.memory_space<vmem>>, vector<1x16xf32>,
          %get3A_227 = vector.shape_cast %get3A_226 : vector<1x16xf32> to vector<16xf32>
          %get3A_228 = arith.index_cast %scan3A_157 : i32 to index
          %get3A_229 = arith.constant 64 : index
          %get3A_230 = tpu.vector_load %arg13[%get3A_228, %get3A_229] {strides = array<i32>} : memref<64x128xf32, #tpu.memory_space<vmem>>, vector<1x16xf32>,
          %get3A_231 = vector.shape_cast %get3A_230 : vector<1x16xf32> to vector<16xf32>
          %add3A_232 = arith.addf %get3A_227, %get3A_231 : vector<16xf32>
          %max3A_233 = arith.constant 0.000000e+00 : f32
          %max3A_234 = vector.broadcast %max3A_233 : f32 to vector<16xf32>
          %max3A_235 = arith.maximumf %add3A_232, %max3A_234 : vector<16xf32>
          %swap3A_236 = arith.index_cast %scan3A_157 : i32 to index
          %swap3A_237 = arith.constant 64 : index
          %swap3A_238 = tpu.vector_load %arg13[%swap3A_236, %swap3A_237] {strides = array<i32>} : memref<64x128xf32, #tpu.memory_space<vmem>>, vector<1x16xf32>,
          %swap3A_239 = vector.shape_cast %swap3A_238 : vector<1x16xf32> to vector<16xf32>
          %swap3A_240 = vector.shape_cast %max3A_235 : vector<16xf32> to vector<1x16xf32>
          tpu.vector_store %arg13[%swap3A_236, %swap3A_237], %swap3A_240 {strides = array<i32>} : memref<64x128xf32, #tpu.memory_space<vmem>>, vector<1x16xf32>,
          %get3A_241 = arith.index_cast %scan3A_157 : i32 to index
          %get3A_242 = arith.constant 80 : index
          %get3A_243 = tpu.vector_load %arg11[%get3A_241, %get3A_242] {strides = array<i32>} : memref<64x128xf32, #tpu.memory_space<vmem>>, vector<1x16xf32>,
          %get3A_244 = vector.shape_cast %get3A_243 : vector<1x16xf32> to vector<16xf32>
          %get3A_245 = arith.index_cast %scan3A_157 : i32 to index
          %get3A_246 = arith.constant 80 : index
          %get3A_247 = tpu.vector_load %arg13[%get3A_245, %get3A_246] {strides = array<i32>} : memref<64x128xf32, #tpu.memory_space<vmem>>, vector<1x16xf32>,
          %get3A_248 = vector.shape_cast %get3A_247 : vector<1x16xf32> to vector<16xf32>
          %add3A_249 = arith.addf %get3A_244, %get3A_248 : vector<16xf32>
          %max3A_250 = arith.constant 0.000000e+00 : f32
          %max3A_251 = vector.broadcast %max3A_250 : f32 to vector<16xf32>
          %max3A_252 = arith.maximumf %add3A_249, %max3A_251 : vector<16xf32>
          %swap3A_253 = arith.index_cast %scan3A_157 : i32 to index
          %swap3A_254 = arith.constant 80 : index
          %swap3A_255 = tpu.vector_load %arg13[%swap3A_253, %swap3A_254] {strides = array<i32>} : memref<64x128xf32, #tpu.memory_space<vmem>>, vector<1x16xf32>,
          %swap3A_256 = vector.shape_cast %swap3A_255 : vector<1x16xf32> to vector<16xf32>
          %swap3A_257 = vector.shape_cast %max3A_252 : vector<16xf32> to vector<1x16xf32>
          tpu.vector_store %arg13[%swap3A_253, %swap3A_254], %swap3A_257 {strides = array<i32>} : memref<64x128xf32, #tpu.memory_space<vmem>>, vector<1x16xf32>,
          %get3A_258 = arith.index_cast %scan3A_157 : i32 to index
          %get3A_259 = arith.constant 96 : index
          %get3A_260 = tpu.vector_load %arg11[%get3A_258, %get3A_259] {strides = array<i32>} : memref<64x128xf32, #tpu.memory_space<vmem>>, vector<1x16xf32>,
          %get3A_261 = vector.shape_cast %get3A_260 : vector<1x16xf32> to vector<16xf32>
          %get3A_262 = arith.index_cast %scan3A_157 : i32 to index
          %get3A_263 = arith.constant 96 : index
          %get3A_264 = tpu.vector_load %arg13[%get3A_262, %get3A_263] {strides = array<i32>} : memref<64x128xf32, #tpu.memory_space<vmem>>, vector<1x16xf32>,
          %get3A_265 = vector.shape_cast %get3A_264 : vector<1x16xf32> to vector<16xf32>
          %add3A_266 = arith.addf %get3A_261, %get3A_265 : vector<16xf32>
          %max3A_267 = arith.constant 0.000000e+00 : f32
          %max3A_268 = vector.broadcast %max3A_267 : f32 to vector<16xf32>
          %max3A_269 = arith.maximumf %add3A_266, %max3A_268 : vector<16xf32>
          %swap3A_270 = arith.index_cast %scan3A_157 : i32 to index
          %swap3A_271 = arith.constant 96 : index
          %swap3A_272 = tpu.vector_load %arg13[%swap3A_270, %swap3A_271] {strides = array<i32>} : memref<64x128xf32, #tpu.memory_space<vmem>>, vector<1x16xf32>,
          %swap3A_273 = vector.shape_cast %swap3A_272 : vector<1x16xf32> to vector<16xf32>
          %swap3A_274 = vector.shape_cast %max3A_269 : vector<16xf32> to vector<1x16xf32>
          tpu.vector_store %arg13[%swap3A_270, %swap3A_271], %swap3A_274 {strides = array<i32>} : memref<64x128xf32, #tpu.memory_space<vmem>>, vector<1x16xf32>,
          %get3A_275 = arith.index_cast %scan3A_157 : i32 to index
          %get3A_276 = arith.constant 112 : index
          %get3A_277 = tpu.vector_load %arg11[%get3A_275, %get3A_276] {strides = array<i32>} : memref<64x128xf32, #tpu.memory_space<vmem>>, vector<1x16xf32>,
          %get3A_278 = vector.shape_cast %get3A_277 : vector<1x16xf32> to vector<16xf32>
          %get3A_279 = arith.index_cast %scan3A_157 : i32 to index
          %get3A_280 = arith.constant 112 : index
          %get3A_281 = tpu.vector_load %arg13[%get3A_279, %get3A_280] {strides = array<i32>} : memref<64x128xf32, #tpu.memory_space<vmem>>, vector<1x16xf32>,
          %get3A_282 = vector.shape_cast %get3A_281 : vector<1x16xf32> to vector<16xf32>
          %add3A_283 = arith.addf %get3A_278, %get3A_282 : vector<16xf32>
          %max3A_284 = arith.constant 0.000000e+00 : f32
          %max3A_285 = vector.broadcast %max3A_284 : f32 to vector<16xf32>
          %max3A_286 = arith.maximumf %add3A_283, %max3A_285 : vector<16xf32>
          %swap3A_287 = arith.index_cast %scan3A_157 : i32 to index
          %swap3A_288 = arith.constant 112 : index
          %swap3A_289 = tpu.vector_load %arg13[%swap3A_287, %swap3A_288] {strides = array<i32>} : memref<64x128xf32, #tpu.memory_space<vmem>>, vector<1x16xf32>,
          %swap3A_290 = vector.shape_cast %swap3A_289 : vector<1x16xf32> to vector<16xf32>
          %swap3A_291 = vector.shape_cast %max3A_286 : vector<16xf32> to vector<1x16xf32>
          tpu.vector_store %arg13[%swap3A_287, %swap3A_288], %swap3A_291 {strides = array<i32>} : memref<64x128xf32, #tpu.memory_space<vmem>>, vector<1x16xf32>,
          %scan3A_292 = arith.constant 0 : i32
          scf.yield %scan3A_292 : i32
        }
        %scan3A_150 = arith.constant 64 : i32
        "tpu.region"() ({
          %run_scoped3A = tpu.sem_alloc : memref<!tpu.dma_semaphore, #tpu.memory_space<semaphore_mem>>
          %dma_start3A_157 = arith.constant 0 : i32
          %dma_start3A_158 = arith.constant 0 : i32
          %dma_start3A_159 = tpu.memref_slice %arg15[%dma_start3A_157, %dma_start3A_158] : memref<10240x128xf32, #tpu.memory_space<vmem_shared>> -> memref<10240x128xf32, #tpu.memory_space<vmem_shared>>
          tpu.enqueue_indirect_dma source(%arg13 : memref<64x128xf32, #tpu.memory_space<vmem>>) target(%dma_start3A_159 : memref<10240x128xf32, #tpu.memory_space<vmem_shared>>) offsets(%arg9 : memref<64xi32, #tpu.memory_space<vmem>>) semaphore(%run_scoped3A : memref<!tpu.dma_semaphore, #tpu.memory_space<semaphore_mem>>) {add = true}
          %dma_wait3A_160 = arith.constant 0 : i32
          %dma_wait3A_161 = arith.constant 0 : i32
          %dma_wait3A_162 = tpu.memref_slice %arg15[%dma_wait3A_160, %dma_wait3A_161] : memref<10240x128xf32, #tpu.memory_space<vmem_shared>> -> memref<10240x128xf32, #tpu.memory_space<vmem_shared>>
          tpu.wait_indirect_dma semaphore(%run_scoped3A : memref<!tpu.dma_semaphore, #tpu.memory_space<semaphore_mem>>) src(%arg13 : memref<64x128xf32, #tpu.memory_space<vmem>>) dst(%dma_wait3A_162 : memref<10240x128xf32, #tpu.memory_space<vmem_shared>>)
          tpu.yield
        }) : () -> ()
        %add3A_151 = arith.constant 2 : i32
        %add3A_152 = arith.addi %add3A_113, %add3A_151 : i32
        %lt3A_153 = arith.cmpi slt, %add3A_152, %add3A_36 : i32
        %convert_element_type3A_154 = arith.extui %lt3A_153 : i1 to i32
        %cond3A_155 = arith.constant 0 : i32
        %cond3A_156 = arith.cmpi ne, %convert_element_type3A_154, %cond3A_155 : i32
        scf.if %cond3A_156 {
          %add3A_157 = arith.constant 2 : i32
          %add3A_158 = arith.addi %add3A_113, %add3A_157 : i32
          %add3A_159 = arith.addi %add3A_32, %add3A_158 : i32
          %mul3A_160 = arith.constant 64 : i32
          %mul3A_161 = arith.muli %add3A_159, %mul3A_160 : i32
          %dma_start3A_162 = tpu.memref_slice %arg3[%mul3A_161] : memref<320000xi32, #tpu.memory_space<hbm>> -> memref<64xi32, #tpu.memory_space<hbm>>
          %dma_start3A_163 = tpu.memref_slice %arg3[%mul3A_161] : memref<320000xi32, #tpu.memory_space<hbm>> -> memref<64xi32, #tpu.memory_space<hbm>>
          tpu.enqueue_dma source(%dma_start3A_163 : memref<64xi32, #tpu.memory_space<hbm>>) target(%arg7 : memref<64xi32, #tpu.memory_space<vmem>>) target_semaphore(%arg16 : memref<!tpu.dma_semaphore, #tpu.memory_space<semaphore_mem>>)
          %add3A_164 = arith.addi %add3A_32, %add3A_158 : i32
          %mul3A_165 = arith.constant 64 : i32
          %mul3A_166 = arith.muli %add3A_164, %mul3A_165 : i32
          %dma_start3A_167 = tpu.memref_slice %arg4[%mul3A_166] : memref<320000xi32, #tpu.memory_space<hbm>> -> memref<64xi32, #tpu.memory_space<hbm>>
          %dma_start3A_168 = tpu.memref_slice %arg4[%mul3A_166] : memref<320000xi32, #tpu.memory_space<hbm>> -> memref<64xi32, #tpu.memory_space<hbm>>
          tpu.enqueue_dma source(%dma_start3A_168 : memref<64xi32, #tpu.memory_space<hbm>>) target(%arg9 : memref<64xi32, #tpu.memory_space<vmem>>) target_semaphore(%arg16 : memref<!tpu.dma_semaphore, #tpu.memory_space<semaphore_mem>>)
        } else {
        }
      } else {
      }
      %mul3A_118 = arith.constant 2 : i32
      %mul3A_119 = arith.muli %mul3A_118, %scan3A_108 : i32
      %add3A_120 = arith.constant 1 : i32
      %add3A_121 = arith.addi %mul3A_119, %add3A_120 : i32
      %lt3A_122 = arith.cmpi slt, %add3A_121, %add3A_36 : i32
      %convert_element_type3A_123 = arith.extui %lt3A_122 : i1 to i32
      %cond3A_124 = arith.constant 0 : i32
      %cond3A_125 = arith.cmpi ne, %convert_element_type3A_123, %cond3A_124 : i32
      scf.if %cond3A_125 {
        %add3A_127 = arith.constant 1 : i32
        %add3A_128 = arith.addi %add3A_121, %add3A_127 : i32
        %lt3A_129 = arith.cmpi slt, %add3A_128, %add3A_36 : i32
        %convert_element_type3A_130 = arith.extui %lt3A_129 : i1 to i32
        %cond3A_131 = arith.constant 0 : i32
        %cond3A_132 = arith.cmpi ne, %convert_element_type3A_130, %cond3A_131 : i32
        scf.if %cond3A_132 {
          %dma_wait3A_157 = arith.constant 0 : i32
          %dma_wait3A_158 = tpu.memref_slice %arg3[%dma_wait3A_157] : memref<320000xi32, #tpu.memory_space<hbm>> -> memref<64xi32, #tpu.memory_space<hbm>>
          %dma_wait3A_159 = arith.constant 0 : i32
          %dma_wait3A_160 = tpu.memref_slice %arg3[%dma_wait3A_159] : memref<320000xi32, #tpu.memory_space<hbm>> -> memref<64xi32, #tpu.memory_space<hbm>>
          tpu.wait_dma2 semaphore(%arg16 : memref<!tpu.dma_semaphore, #tpu.memory_space<semaphore_mem>>) src(%dma_wait3A_160 : memref<64xi32, #tpu.memory_space<hbm>>) dst(%arg7 : memref<64xi32, #tpu.memory_space<vmem>>)
          %dma_wait3A_161 = arith.constant 0 : i32
          %dma_wait3A_162 = tpu.memref_slice %arg4[%dma_wait3A_161] : memref<320000xi32, #tpu.memory_space<hbm>> -> memref<64xi32, #tpu.memory_space<hbm>>
          %dma_wait3A_163 = arith.constant 0 : i32
          %dma_wait3A_164 = tpu.memref_slice %arg4[%dma_wait3A_163] : memref<320000xi32, #tpu.memory_space<hbm>> -> memref<64xi32, #tpu.memory_space<hbm>>
          tpu.wait_dma2 semaphore(%arg16 : memref<!tpu.dma_semaphore, #tpu.memory_space<semaphore_mem>>) src(%dma_wait3A_164 : memref<64xi32, #tpu.memory_space<hbm>>) dst(%arg9 : memref<64xi32, #tpu.memory_space<vmem>>)
          %add3A_165 = arith.constant 1 : i32
          %add3A_166 = arith.addi %add3A_121, %add3A_165 : i32
          %dma_start3A_167 = arith.constant 0 : i32
          %dma_start3A_168 = arith.constant 0 : i32
          %dma_start3A_169 = tpu.memref_slice %arg2[%dma_start3A_167, %dma_start3A_168] : memref<10000x128xf32, #tpu.memory_space<hbm>> -> memref<10000x128xf32, #tpu.memory_space<hbm>>
          tpu.enqueue_indirect_dma source(%dma_start3A_169 : memref<10000x128xf32, #tpu.memory_space<hbm>>) target(%arg11 : memref<64x128xf32, #tpu.memory_space<vmem>>) offsets(%arg7 : memref<64xi32, #tpu.memory_space<vmem>>) semaphore(%arg18 : memref<!tpu.dma_semaphore, #tpu.memory_space<semaphore_mem>>)
          %add3A_170 = arith.addi %add3A_32, %add3A_166 : i32
          %mul3A_171 = arith.constant 64 : i32
          %mul3A_172 = arith.muli %add3A_170, %mul3A_171 : i32
          %dma_start3A_173 = arith.constant 0 : i32
          %dma_start3A_174 = tpu.memref_slice %arg5[%mul3A_172, %dma_start3A_173] : memref<320000x128xf32, #tpu.memory_space<hbm>> -> memref<64x128xf32, #tpu.memory_space<hbm>>
          %dma_start3A_175 = arith.constant 0 : i32
          %dma_start3A_176 = tpu.memref_slice %arg5[%mul3A_172, %dma_start3A_175] : memref<320000x128xf32, #tpu.memory_space<hbm>> -> memref<64x128xf32, #tpu.memory_space<hbm>>
          tpu.enqueue_dma source(%dma_start3A_176 : memref<64x128xf32, #tpu.memory_space<hbm>>) target(%arg13 : memref<64x128xf32, #tpu.memory_space<vmem>>) target_semaphore(%arg20 : memref<!tpu.dma_semaphore, #tpu.memory_space<semaphore_mem>>)
        } else {
        }
        %dma_wait3A = arith.constant 0 : i32
        %dma_wait3A_133 = arith.constant 0 : i32
        %dma_wait3A_134 = tpu.memref_slice %arg2[%dma_wait3A, %dma_wait3A_133] : memref<10000x128xf32, #tpu.memory_space<hbm>> -> memref<64x128xf32, #tpu.memory_space<hbm>>
        %dma_wait3A_135 = arith.constant 0 : i32
        %dma_wait3A_136 = arith.constant 0 : i32
        %dma_wait3A_137 = tpu.memref_slice %arg2[%dma_wait3A_135, %dma_wait3A_136] : memref<10000x128xf32, #tpu.memory_space<hbm>> -> memref<64x128xf32, #tpu.memory_space<hbm>>
        tpu.wait_dma2 semaphore(%arg19 : memref<!tpu.dma_semaphore, #tpu.memory_space<semaphore_mem>>) src(%dma_wait3A_137 : memref<64x128xf32, #tpu.memory_space<hbm>>) dst(%arg12 : memref<64x128xf32, #tpu.memory_space<vmem>>)
        %dma_wait3A_138 = arith.constant 0 : i32
        %dma_wait3A_139 = arith.constant 0 : i32
        %dma_wait3A_140 = tpu.memref_slice %arg5[%dma_wait3A_138, %dma_wait3A_139] : memref<320000x128xf32, #tpu.memory_space<hbm>> -> memref<64x128xf32, #tpu.memory_space<hbm>>
        %dma_wait3A_141 = arith.constant 0 : i32
        %dma_wait3A_142 = arith.constant 0 : i32
        %dma_wait3A_143 = tpu.memref_slice %arg5[%dma_wait3A_141, %dma_wait3A_142] : memref<320000x128xf32, #tpu.memory_space<hbm>> -> memref<64x128xf32, #tpu.memory_space<hbm>>
        tpu.wait_dma2 semaphore(%arg21 : memref<!tpu.dma_semaphore, #tpu.memory_space<semaphore_mem>>) src(%dma_wait3A_143 : memref<64x128xf32, #tpu.memory_space<hbm>>) dst(%arg14 : memref<64x128xf32, #tpu.memory_space<vmem>>)
        %scan3A_144 = arith.constant 0 : i32
        %scan3A_145 = arith.constant 0 : i32
        %scan3A_146 = arith.constant 64 : i32
        %scan3A_147 = arith.addi %scan3A_145, %scan3A_146 : i32
        %scan3A_148 = arith.constant 1 : i32
        %scan3A_149 = scf.for %scan3A_157 = %scan3A_145 to %scan3A_147 step %scan3A_148 iter_args(%scan3A_158 = %scan3A_144) -> (i32)  : i32 {
          %get3A = arith.index_cast %scan3A_157 : i32 to index
          %get3A_159 = arith.constant 0 : index
          %get3A_160 = tpu.vector_load %arg12[%get3A, %get3A_159] {strides = array<i32>} : memref<64x128xf32, #tpu.memory_space<vmem>>, vector<1x16xf32>,
          %get3A_161 = vector.shape_cast %get3A_160 : vector<1x16xf32> to vector<16xf32>
          %get3A_162 = arith.index_cast %scan3A_157 : i32 to index
          %get3A_163 = arith.constant 0 : index
          %get3A_164 = tpu.vector_load %arg14[%get3A_162, %get3A_163] {strides = array<i32>} : memref<64x128xf32, #tpu.memory_space<vmem>>, vector<1x16xf32>,
          %get3A_165 = vector.shape_cast %get3A_164 : vector<1x16xf32> to vector<16xf32>
          %add3A_166 = arith.addf %get3A_161, %get3A_165 : vector<16xf32>
          %max3A = arith.constant 0.000000e+00 : f32
          %max3A_167 = vector.broadcast %max3A : f32 to vector<16xf32>
          %max3A_168 = arith.maximumf %add3A_166, %max3A_167 : vector<16xf32>
          %swap3A = arith.index_cast %scan3A_157 : i32 to index
          %swap3A_169 = arith.constant 0 : index
          %swap3A_170 = tpu.vector_load %arg14[%swap3A, %swap3A_169] {strides = array<i32>} : memref<64x128xf32, #tpu.memory_space<vmem>>, vector<1x16xf32>,
          %swap3A_171 = vector.shape_cast %swap3A_170 : vector<1x16xf32> to vector<16xf32>
          %swap3A_172 = vector.shape_cast %max3A_168 : vector<16xf32> to vector<1x16xf32>
          tpu.vector_store %arg14[%swap3A, %swap3A_169], %swap3A_172 {strides = array<i32>} : memref<64x128xf32, #tpu.memory_space<vmem>>, vector<1x16xf32>,
          %get3A_173 = arith.index_cast %scan3A_157 : i32 to index
          %get3A_174 = arith.constant 16 : index
          %get3A_175 = tpu.vector_load %arg12[%get3A_173, %get3A_174] {strides = array<i32>} : memref<64x128xf32, #tpu.memory_space<vmem>>, vector<1x16xf32>,
          %get3A_176 = vector.shape_cast %get3A_175 : vector<1x16xf32> to vector<16xf32>
          %get3A_177 = arith.index_cast %scan3A_157 : i32 to index
          %get3A_178 = arith.constant 16 : index
          %get3A_179 = tpu.vector_load %arg14[%get3A_177, %get3A_178] {strides = array<i32>} : memref<64x128xf32, #tpu.memory_space<vmem>>, vector<1x16xf32>,
          %get3A_180 = vector.shape_cast %get3A_179 : vector<1x16xf32> to vector<16xf32>
          %add3A_181 = arith.addf %get3A_176, %get3A_180 : vector<16xf32>
          %max3A_182 = arith.constant 0.000000e+00 : f32
          %max3A_183 = vector.broadcast %max3A_182 : f32 to vector<16xf32>
          %max3A_184 = arith.maximumf %add3A_181, %max3A_183 : vector<16xf32>
          %swap3A_185 = arith.index_cast %scan3A_157 : i32 to index
          %swap3A_186 = arith.constant 16 : index
          %swap3A_187 = tpu.vector_load %arg14[%swap3A_185, %swap3A_186] {strides = array<i32>} : memref<64x128xf32, #tpu.memory_space<vmem>>, vector<1x16xf32>,
          %swap3A_188 = vector.shape_cast %swap3A_187 : vector<1x16xf32> to vector<16xf32>
          %swap3A_189 = vector.shape_cast %max3A_184 : vector<16xf32> to vector<1x16xf32>
          tpu.vector_store %arg14[%swap3A_185, %swap3A_186], %swap3A_189 {strides = array<i32>} : memref<64x128xf32, #tpu.memory_space<vmem>>, vector<1x16xf32>,
          %get3A_190 = arith.index_cast %scan3A_157 : i32 to index
          %get3A_191 = arith.constant 32 : index
          %get3A_192 = tpu.vector_load %arg12[%get3A_190, %get3A_191] {strides = array<i32>} : memref<64x128xf32, #tpu.memory_space<vmem>>, vector<1x16xf32>,
          %get3A_193 = vector.shape_cast %get3A_192 : vector<1x16xf32> to vector<16xf32>
          %get3A_194 = arith.index_cast %scan3A_157 : i32 to index
          %get3A_195 = arith.constant 32 : index
          %get3A_196 = tpu.vector_load %arg14[%get3A_194, %get3A_195] {strides = array<i32>} : memref<64x128xf32, #tpu.memory_space<vmem>>, vector<1x16xf32>,
          %get3A_197 = vector.shape_cast %get3A_196 : vector<1x16xf32> to vector<16xf32>
          %add3A_198 = arith.addf %get3A_193, %get3A_197 : vector<16xf32>
          %max3A_199 = arith.constant 0.000000e+00 : f32
          %max3A_200 = vector.broadcast %max3A_199 : f32 to vector<16xf32>
          %max3A_201 = arith.maximumf %add3A_198, %max3A_200 : vector<16xf32>
          %swap3A_202 = arith.index_cast %scan3A_157 : i32 to index
          %swap3A_203 = arith.constant 32 : index
          %swap3A_204 = tpu.vector_load %arg14[%swap3A_202, %swap3A_203] {strides = array<i32>} : memref<64x128xf32, #tpu.memory_space<vmem>>, vector<1x16xf32>,
          %swap3A_205 = vector.shape_cast %swap3A_204 : vector<1x16xf32> to vector<16xf32>
          %swap3A_206 = vector.shape_cast %max3A_201 : vector<16xf32> to vector<1x16xf32>
          tpu.vector_store %arg14[%swap3A_202, %swap3A_203], %swap3A_206 {strides = array<i32>} : memref<64x128xf32, #tpu.memory_space<vmem>>, vector<1x16xf32>,
          %get3A_207 = arith.index_cast %scan3A_157 : i32 to index
          %get3A_208 = arith.constant 48 : index
          %get3A_209 = tpu.vector_load %arg12[%get3A_207, %get3A_208] {strides = array<i32>} : memref<64x128xf32, #tpu.memory_space<vmem>>, vector<1x16xf32>,
          %get3A_210 = vector.shape_cast %get3A_209 : vector<1x16xf32> to vector<16xf32>
          %get3A_211 = arith.index_cast %scan3A_157 : i32 to index
          %get3A_212 = arith.constant 48 : index
          %get3A_213 = tpu.vector_load %arg14[%get3A_211, %get3A_212] {strides = array<i32>} : memref<64x128xf32, #tpu.memory_space<vmem>>, vector<1x16xf32>,
          %get3A_214 = vector.shape_cast %get3A_213 : vector<1x16xf32> to vector<16xf32>
          %add3A_215 = arith.addf %get3A_210, %get3A_214 : vector<16xf32>
          %max3A_216 = arith.constant 0.000000e+00 : f32
          %max3A_217 = vector.broadcast %max3A_216 : f32 to vector<16xf32>
          %max3A_218 = arith.maximumf %add3A_215, %max3A_217 : vector<16xf32>
          %swap3A_219 = arith.index_cast %scan3A_157 : i32 to index
          %swap3A_220 = arith.constant 48 : index
          %swap3A_221 = tpu.vector_load %arg14[%swap3A_219, %swap3A_220] {strides = array<i32>} : memref<64x128xf32, #tpu.memory_space<vmem>>, vector<1x16xf32>,
          %swap3A_222 = vector.shape_cast %swap3A_221 : vector<1x16xf32> to vector<16xf32>
          %swap3A_223 = vector.shape_cast %max3A_218 : vector<16xf32> to vector<1x16xf32>
          tpu.vector_store %arg14[%swap3A_219, %swap3A_220], %swap3A_223 {strides = array<i32>} : memref<64x128xf32, #tpu.memory_space<vmem>>, vector<1x16xf32>,
          %get3A_224 = arith.index_cast %scan3A_157 : i32 to index
          %get3A_225 = arith.constant 64 : index
          %get3A_226 = tpu.vector_load %arg12[%get3A_224, %get3A_225] {strides = array<i32>} : memref<64x128xf32, #tpu.memory_space<vmem>>, vector<1x16xf32>,
          %get3A_227 = vector.shape_cast %get3A_226 : vector<1x16xf32> to vector<16xf32>
          %get3A_228 = arith.index_cast %scan3A_157 : i32 to index
          %get3A_229 = arith.constant 64 : index
          %get3A_230 = tpu.vector_load %arg14[%get3A_228, %get3A_229] {strides = array<i32>} : memref<64x128xf32, #tpu.memory_space<vmem>>, vector<1x16xf32>,
          %get3A_231 = vector.shape_cast %get3A_230 : vector<1x16xf32> to vector<16xf32>
          %add3A_232 = arith.addf %get3A_227, %get3A_231 : vector<16xf32>
          %max3A_233 = arith.constant 0.000000e+00 : f32
          %max3A_234 = vector.broadcast %max3A_233 : f32 to vector<16xf32>
          %max3A_235 = arith.maximumf %add3A_232, %max3A_234 : vector<16xf32>
          %swap3A_236 = arith.index_cast %scan3A_157 : i32 to index
          %swap3A_237 = arith.constant 64 : index
          %swap3A_238 = tpu.vector_load %arg14[%swap3A_236, %swap3A_237] {strides = array<i32>} : memref<64x128xf32, #tpu.memory_space<vmem>>, vector<1x16xf32>,
          %swap3A_239 = vector.shape_cast %swap3A_238 : vector<1x16xf32> to vector<16xf32>
          %swap3A_240 = vector.shape_cast %max3A_235 : vector<16xf32> to vector<1x16xf32>
          tpu.vector_store %arg14[%swap3A_236, %swap3A_237], %swap3A_240 {strides = array<i32>} : memref<64x128xf32, #tpu.memory_space<vmem>>, vector<1x16xf32>,
          %get3A_241 = arith.index_cast %scan3A_157 : i32 to index
          %get3A_242 = arith.constant 80 : index
          %get3A_243 = tpu.vector_load %arg12[%get3A_241, %get3A_242] {strides = array<i32>} : memref<64x128xf32, #tpu.memory_space<vmem>>, vector<1x16xf32>,
          %get3A_244 = vector.shape_cast %get3A_243 : vector<1x16xf32> to vector<16xf32>
          %get3A_245 = arith.index_cast %scan3A_157 : i32 to index
          %get3A_246 = arith.constant 80 : index
          %get3A_247 = tpu.vector_load %arg14[%get3A_245, %get3A_246] {strides = array<i32>} : memref<64x128xf32, #tpu.memory_space<vmem>>, vector<1x16xf32>,
          %get3A_248 = vector.shape_cast %get3A_247 : vector<1x16xf32> to vector<16xf32>
          %add3A_249 = arith.addf %get3A_244, %get3A_248 : vector<16xf32>
          %max3A_250 = arith.constant 0.000000e+00 : f32
          %max3A_251 = vector.broadcast %max3A_250 : f32 to vector<16xf32>
          %max3A_252 = arith.maximumf %add3A_249, %max3A_251 : vector<16xf32>
          %swap3A_253 = arith.index_cast %scan3A_157 : i32 to index
          %swap3A_254 = arith.constant 80 : index
          %swap3A_255 = tpu.vector_load %arg14[%swap3A_253, %swap3A_254] {strides = array<i32>} : memref<64x128xf32, #tpu.memory_space<vmem>>, vector<1x16xf32>,
          %swap3A_256 = vector.shape_cast %swap3A_255 : vector<1x16xf32> to vector<16xf32>
          %swap3A_257 = vector.shape_cast %max3A_252 : vector<16xf32> to vector<1x16xf32>
          tpu.vector_store %arg14[%swap3A_253, %swap3A_254], %swap3A_257 {strides = array<i32>} : memref<64x128xf32, #tpu.memory_space<vmem>>, vector<1x16xf32>,
          %get3A_258 = arith.index_cast %scan3A_157 : i32 to index
          %get3A_259 = arith.constant 96 : index
          %get3A_260 = tpu.vector_load %arg12[%get3A_258, %get3A_259] {strides = array<i32>} : memref<64x128xf32, #tpu.memory_space<vmem>>, vector<1x16xf32>,
          %get3A_261 = vector.shape_cast %get3A_260 : vector<1x16xf32> to vector<16xf32>
          %get3A_262 = arith.index_cast %scan3A_157 : i32 to index
          %get3A_263 = arith.constant 96 : index
          %get3A_264 = tpu.vector_load %arg14[%get3A_262, %get3A_263] {strides = array<i32>} : memref<64x128xf32, #tpu.memory_space<vmem>>, vector<1x16xf32>,
          %get3A_265 = vector.shape_cast %get3A_264 : vector<1x16xf32> to vector<16xf32>
          %add3A_266 = arith.addf %get3A_261, %get3A_265 : vector<16xf32>
          %max3A_267 = arith.constant 0.000000e+00 : f32
          %max3A_268 = vector.broadcast %max3A_267 : f32 to vector<16xf32>
          %max3A_269 = arith.maximumf %add3A_266, %max3A_268 : vector<16xf32>
          %swap3A_270 = arith.index_cast %scan3A_157 : i32 to index
          %swap3A_271 = arith.constant 96 : index
          %swap3A_272 = tpu.vector_load %arg14[%swap3A_270, %swap3A_271] {strides = array<i32>} : memref<64x128xf32, #tpu.memory_space<vmem>>, vector<1x16xf32>,
          %swap3A_273 = vector.shape_cast %swap3A_272 : vector<1x16xf32> to vector<16xf32>
          %swap3A_274 = vector.shape_cast %max3A_269 : vector<16xf32> to vector<1x16xf32>
          tpu.vector_store %arg14[%swap3A_270, %swap3A_271], %swap3A_274 {strides = array<i32>} : memref<64x128xf32, #tpu.memory_space<vmem>>, vector<1x16xf32>,
          %get3A_275 = arith.index_cast %scan3A_157 : i32 to index
          %get3A_276 = arith.constant 112 : index
          %get3A_277 = tpu.vector_load %arg12[%get3A_275, %get3A_276] {strides = array<i32>} : memref<64x128xf32, #tpu.memory_space<vmem>>, vector<1x16xf32>,
          %get3A_278 = vector.shape_cast %get3A_277 : vector<1x16xf32> to vector<16xf32>
          %get3A_279 = arith.index_cast %scan3A_157 : i32 to index
          %get3A_280 = arith.constant 112 : index
          %get3A_281 = tpu.vector_load %arg14[%get3A_279, %get3A_280] {strides = array<i32>} : memref<64x128xf32, #tpu.memory_space<vmem>>, vector<1x16xf32>,
          %get3A_282 = vector.shape_cast %get3A_281 : vector<1x16xf32> to vector<16xf32>
          %add3A_283 = arith.addf %get3A_278, %get3A_282 : vector<16xf32>
          %max3A_284 = arith.constant 0.000000e+00 : f32
          %max3A_285 = vector.broadcast %max3A_284 : f32 to vector<16xf32>
          %max3A_286 = arith.maximumf %add3A_283, %max3A_285 : vector<16xf32>
          %swap3A_287 = arith.index_cast %scan3A_157 : i32 to index
          %swap3A_288 = arith.constant 112 : index
          %swap3A_289 = tpu.vector_load %arg14[%swap3A_287, %swap3A_288] {strides = array<i32>} : memref<64x128xf32, #tpu.memory_space<vmem>>, vector<1x16xf32>,
          %swap3A_290 = vector.shape_cast %swap3A_289 : vector<1x16xf32> to vector<16xf32>
          %swap3A_291 = vector.shape_cast %max3A_286 : vector<16xf32> to vector<1x16xf32>
          tpu.vector_store %arg14[%swap3A_287, %swap3A_288], %swap3A_291 {strides = array<i32>} : memref<64x128xf32, #tpu.memory_space<vmem>>, vector<1x16xf32>,
          %scan3A_292 = arith.constant 0 : i32
          scf.yield %scan3A_292 : i32
        }
        %scan3A_150 = arith.constant 64 : i32
        "tpu.region"() ({
          %run_scoped3A = tpu.sem_alloc : memref<!tpu.dma_semaphore, #tpu.memory_space<semaphore_mem>>
          %dma_start3A_157 = arith.constant 0 : i32
          %dma_start3A_158 = arith.constant 0 : i32
          %dma_start3A_159 = tpu.memref_slice %arg15[%dma_start3A_157, %dma_start3A_158] : memref<10240x128xf32, #tpu.memory_space<vmem_shared>> -> memref<10240x128xf32, #tpu.memory_space<vmem_shared>>
          tpu.enqueue_indirect_dma source(%arg14 : memref<64x128xf32, #tpu.memory_space<vmem>>) target(%dma_start3A_159 : memref<10240x128xf32, #tpu.memory_space<vmem_shared>>) offsets(%arg10 : memref<64xi32, #tpu.memory_space<vmem>>) semaphore(%run_scoped3A : memref<!tpu.dma_semaphore, #tpu.memory_space<semaphore_mem>>) {add = true}
          %dma_wait3A_160 = arith.constant 0 : i32
          %dma_wait3A_161 = arith.constant 0 : i32
          %dma_wait3A_162 = tpu.memref_slice %arg15[%dma_wait3A_160, %dma_wait3A_161] : memref<10240x128xf32, #tpu.memory_space<vmem_shared>> -> memref<10240x128xf32, #tpu.memory_space<vmem_shared>>
          tpu.wait_indirect_dma semaphore(%run_scoped3A : memref<!tpu.dma_semaphore, #tpu.memory_space<semaphore_mem>>) src(%arg14 : memref<64x128xf32, #tpu.memory_space<vmem>>) dst(%dma_wait3A_162 : memref<10240x128xf32, #tpu.memory_space<vmem_shared>>)
          tpu.yield
        }) : () -> ()
        %add3A_151 = arith.constant 2 : i32
        %add3A_152 = arith.addi %add3A_121, %add3A_151 : i32
        %lt3A_153 = arith.cmpi slt, %add3A_152, %add3A_36 : i32
        %convert_element_type3A_154 = arith.extui %lt3A_153 : i1 to i32
        %cond3A_155 = arith.constant 0 : i32
        %cond3A_156 = arith.cmpi ne, %convert_element_type3A_154, %cond3A_155 : i32
        scf.if %cond3A_156 {
          %add3A_157 = arith.constant 2 : i32
          %add3A_158 = arith.addi %add3A_121, %add3A_157 : i32
          %add3A_159 = arith.addi %add3A_32, %add3A_158 : i32
          %mul3A_160 = arith.constant 64 : i32
          %mul3A_161 = arith.muli %add3A_159, %mul3A_160 : i32
          %dma_start3A_162 = tpu.memref_slice %arg3[%mul3A_161] : memref<320000xi32, #tpu.memory_space<hbm>> -> memref<64xi32, #tpu.memory_space<hbm>>
          %dma_start3A_163 = tpu.memref_slice %arg3[%mul3A_161] : memref<320000xi32, #tpu.memory_space<hbm>> -> memref<64xi32, #tpu.memory_space<hbm>>
          tpu.enqueue_dma source(%dma_start3A_163 : memref<64xi32, #tpu.memory_space<hbm>>) target(%arg8 : memref<64xi32, #tpu.memory_space<vmem>>) target_semaphore(%arg17 : memref<!tpu.dma_semaphore, #tpu.memory_space<semaphore_mem>>)
          %add3A_164 = arith.addi %add3A_32, %add3A_158 : i32
          %mul3A_165 = arith.constant 64 : i32
          %mul3A_166 = arith.muli %add3A_164, %mul3A_165 : i32
          %dma_start3A_167 = tpu.memref_slice %arg4[%mul3A_166] : memref<320000xi32, #tpu.memory_space<hbm>> -> memref<64xi32, #tpu.memory_space<hbm>>
          %dma_start3A_168 = tpu.memref_slice %arg4[%mul3A_166] : memref<320000xi32, #tpu.memory_space<hbm>> -> memref<64xi32, #tpu.memory_space<hbm>>
          tpu.enqueue_dma source(%dma_start3A_168 : memref<64xi32, #tpu.memory_space<hbm>>) target(%arg10 : memref<64xi32, #tpu.memory_space<vmem>>) target_semaphore(%arg17 : memref<!tpu.dma_semaphore, #tpu.memory_space<semaphore_mem>>)
        } else {
        }
      } else {
      }
      %scan3A_126 = arith.constant 0 : i32
      scf.yield %scan3A_126 : i32
    }
    %scan3A_63 = arith.constant 79 : i32
    %barrier3A_64 = arith.constant 0 : index
    tpu.barrier barrier_id(%barrier3A_64)
    %mul3A_65 = arith.constant 10240 : i32
    %mul3A_66 = arith.muli %arg0, %mul3A_65 : i32
    %add3A_67 = arith.addi %mul3A_66, %mul3A_8 : i32
    %add3A_68 = arith.constant 0 : i32
    %add3A_69 = arith.addi %mul3A_8, %add3A_68 : i32
    "tpu.region"() ({
      %run_scoped3A = tpu.sem_alloc : memref<!tpu.dma_semaphore, #tpu.memory_space<semaphore_mem>>
      %dma_start3A_108 = arith.constant 0 : i32
      %dma_start3A_109 = tpu.memref_slice %arg15[%add3A_69, %dma_start3A_108] : memref<10240x128xf32, #tpu.memory_space<vmem_shared>> -> memref<64x128xf32, #tpu.memory_space<vmem_shared>>
      %dma_start3A_110 = arith.constant 0 : i32
      %dma_start3A_111 = tpu.memref_slice %arg15[%add3A_69, %dma_start3A_110] : memref<10240x128xf32, #tpu.memory_space<vmem_shared>> -> memref<64x128xf32, #tpu.memory_space<vmem_shared>>
      tpu.enqueue_dma source(%dma_start3A_111 : memref<64x128xf32, #tpu.memory_space<vmem_shared>>) target(%arg13 : memref<64x128xf32, #tpu.memory_space<vmem>>) target_semaphore(%run_scoped3A : memref<!tpu.dma_semaphore, #tpu.memory_space<semaphore_mem>>)
      %dma_wait3A = arith.constant 0 : i32
      %dma_wait3A_112 = tpu.memref_slice %arg15[%add3A_69, %dma_wait3A] : memref<10240x128xf32, #tpu.memory_space<vmem_shared>> -> memref<64x128xf32, #tpu.memory_space<vmem_shared>>
      %dma_wait3A_113 = arith.constant 0 : i32
      %dma_wait3A_114 = tpu.memref_slice %arg15[%add3A_69, %dma_wait3A_113] : memref<10240x128xf32, #tpu.memory_space<vmem_shared>> -> memref<64x128xf32, #tpu.memory_space<vmem_shared>>
      tpu.wait_dma2 semaphore(%run_scoped3A : memref<!tpu.dma_semaphore, #tpu.memory_space<semaphore_mem>>) src(%dma_wait3A_114 : memref<64x128xf32, #tpu.memory_space<vmem_shared>>) dst(%arg13 : memref<64x128xf32, #tpu.memory_space<vmem>>)
      tpu.yield
    }) : () -> ()
    %add3A_70 = arith.constant 0 : i32
    %add3A_71 = arith.addi %add3A_67, %add3A_70 : i32
    "tpu.region"() ({
      %run_scoped3A = tpu.sem_alloc : memref<!tpu.dma_semaphore, #tpu.memory_space<semaphore_mem>>
      %dma_start3A_108 = arith.constant 0 : i32
      %dma_start3A_109 = tpu.memref_slice %arg6[%add3A_71, %dma_start3A_108] : memref<20480x128xf32, #tpu.memory_space<hbm>> -> memref<64x128xf32, #tpu.memory_space<hbm>>
      %dma_start3A_110 = arith.constant 0 : i32
      %dma_start3A_111 = tpu.memref_slice %arg6[%add3A_71, %dma_start3A_110] : memref<20480x128xf32, #tpu.memory_space<hbm>> -> memref<64x128xf32, #tpu.memory_space<hbm>>
      tpu.enqueue_dma source(%arg13 : memref<64x128xf32, #tpu.memory_space<vmem>>) target(%dma_start3A_111 : memref<64x128xf32, #tpu.memory_space<hbm>>) target_semaphore(%run_scoped3A : memref<!tpu.dma_semaphore, #tpu.memory_space<semaphore_mem>>)
      %dma_wait3A = arith.constant 0 : i32
      %dma_wait3A_112 = tpu.memref_slice %arg6[%add3A_71, %dma_wait3A] : memref<20480x128xf32, #tpu.memory_space<hbm>> -> memref<64x128xf32, #tpu.memory_space<hbm>>
      %dma_wait3A_113 = arith.constant 0 : i32
      %dma_wait3A_114 = tpu.memref_slice %arg6[%add3A_71, %dma_wait3A_113] : memref<20480x128xf32, #tpu.memory_space<hbm>> -> memref<64x128xf32, #tpu.memory_space<hbm>>
      tpu.wait_dma2 semaphore(%run_scoped3A : memref<!tpu.dma_semaphore, #tpu.memory_space<semaphore_mem>>) src(%arg13 : memref<64x128xf32, #tpu.memory_space<vmem>>) dst(%dma_wait3A_114 : memref<64x128xf32, #tpu.memory_space<hbm>>)
      tpu.yield
    }) : () -> ()
    %add3A_72 = arith.constant 64 : i32
    %add3A_73 = arith.addi %mul3A_8, %add3A_72 : i32
    "tpu.region"() ({
      %run_scoped3A = tpu.sem_alloc : memref<!tpu.dma_semaphore, #tpu.memory_space<semaphore_mem>>
      %dma_start3A_108 = arith.constant 0 : i32
      %dma_start3A_109 = tpu.memref_slice %arg15[%add3A_73, %dma_start3A_108] : memref<10240x128xf32, #tpu.memory_space<vmem_shared>> -> memref<64x128xf32, #tpu.memory_space<vmem_shared>>
      %dma_start3A_110 = arith.constant 0 : i32
      %dma_start3A_111 = tpu.memref_slice %arg15[%add3A_73, %dma_start3A_110] : memref<10240x128xf32, #tpu.memory_space<vmem_shared>> -> memref<64x128xf32, #tpu.memory_space<vmem_shared>>
      tpu.enqueue_dma source(%dma_start3A_111 : memref<64x128xf32, #tpu.memory_space<vmem_shared>>) target(%arg13 : memref<64x128xf32, #tpu.memory_space<vmem>>) target_semaphore(%run_scoped3A : memref<!tpu.dma_semaphore, #tpu.memory_space<semaphore_mem>>)
      %dma_wait3A = arith.constant 0 : i32
      %dma_wait3A_112 = tpu.memref_slice %arg15[%add3A_73, %dma_wait3A] : memref<10240x128xf32, #tpu.memory_space<vmem_shared>> -> memref<64x128xf32, #tpu.memory_space<vmem_shared>>
      %dma_wait3A_113 = arith.constant 0 : i32
      %dma_wait3A_114 = tpu.memref_slice %arg15[%add3A_73, %dma_wait3A_113] : memref<10240x128xf32, #tpu.memory_space<vmem_shared>> -> memref<64x128xf32, #tpu.memory_space<vmem_shared>>
      tpu.wait_dma2 semaphore(%run_scoped3A : memref<!tpu.dma_semaphore, #tpu.memory_space<semaphore_mem>>) src(%dma_wait3A_114 : memref<64x128xf32, #tpu.memory_space<vmem_shared>>) dst(%arg13 : memref<64x128xf32, #tpu.memory_space<vmem>>)
      tpu.yield
    }) : () -> ()
    %add3A_74 = arith.constant 64 : i32
    %add3A_75 = arith.addi %add3A_67, %add3A_74 : i32
    "tpu.region"() ({
      %run_scoped3A = tpu.sem_alloc : memref<!tpu.dma_semaphore, #tpu.memory_space<semaphore_mem>>
      %dma_start3A_108 = arith.constant 0 : i32
      %dma_start3A_109 = tpu.memref_slice %arg6[%add3A_75, %dma_start3A_108] : memref<20480x128xf32, #tpu.memory_space<hbm>> -> memref<64x128xf32, #tpu.memory_space<hbm>>
      %dma_start3A_110 = arith.constant 0 : i32
      %dma_start3A_111 = tpu.memref_slice %arg6[%add3A_75, %dma_start3A_110] : memref<20480x128xf32, #tpu.memory_space<hbm>> -> memref<64x128xf32, #tpu.memory_space<hbm>>
      tpu.enqueue_dma source(%arg13 : memref<64x128xf32, #tpu.memory_space<vmem>>) target(%dma_start3A_111 : memref<64x128xf32, #tpu.memory_space<hbm>>) target_semaphore(%run_scoped3A : memref<!tpu.dma_semaphore, #tpu.memory_space<semaphore_mem>>)
      %dma_wait3A = arith.constant 0 : i32
      %dma_wait3A_112 = tpu.memref_slice %arg6[%add3A_75, %dma_wait3A] : memref<20480x128xf32, #tpu.memory_space<hbm>> -> memref<64x128xf32, #tpu.memory_space<hbm>>
      %dma_wait3A_113 = arith.constant 0 : i32
      %dma_wait3A_114 = tpu.memref_slice %arg6[%add3A_75, %dma_wait3A_113] : memref<20480x128xf32, #tpu.memory_space<hbm>> -> memref<64x128xf32, #tpu.memory_space<hbm>>
      tpu.wait_dma2 semaphore(%run_scoped3A : memref<!tpu.dma_semaphore, #tpu.memory_space<semaphore_mem>>) src(%arg13 : memref<64x128xf32, #tpu.memory_space<vmem>>) dst(%dma_wait3A_114 : memref<64x128xf32, #tpu.memory_space<hbm>>)
      tpu.yield
    }) : () -> ()
    %add3A_76 = arith.constant 128 : i32
    %add3A_77 = arith.addi %mul3A_8, %add3A_76 : i32
    "tpu.region"() ({
      %run_scoped3A = tpu.sem_alloc : memref<!tpu.dma_semaphore, #tpu.memory_space<semaphore_mem>>
      %dma_start3A_108 = arith.constant 0 : i32
      %dma_start3A_109 = tpu.memref_slice %arg15[%add3A_77, %dma_start3A_108] : memref<10240x128xf32, #tpu.memory_space<vmem_shared>> -> memref<64x128xf32, #tpu.memory_space<vmem_shared>>
      %dma_start3A_110 = arith.constant 0 : i32
      %dma_start3A_111 = tpu.memref_slice %arg15[%add3A_77, %dma_start3A_110] : memref<10240x128xf32, #tpu.memory_space<vmem_shared>> -> memref<64x128xf32, #tpu.memory_space<vmem_shared>>
      tpu.enqueue_dma source(%dma_start3A_111 : memref<64x128xf32, #tpu.memory_space<vmem_shared>>) target(%arg13 : memref<64x128xf32, #tpu.memory_space<vmem>>) target_semaphore(%run_scoped3A : memref<!tpu.dma_semaphore, #tpu.memory_space<semaphore_mem>>)
      %dma_wait3A = arith.constant 0 : i32
      %dma_wait3A_112 = tpu.memref_slice %arg15[%add3A_77, %dma_wait3A] : memref<10240x128xf32, #tpu.memory_space<vmem_shared>> -> memref<64x128xf32, #tpu.memory_space<vmem_shared>>
      %dma_wait3A_113 = arith.constant 0 : i32
      %dma_wait3A_114 = tpu.memref_slice %arg15[%add3A_77, %dma_wait3A_113] : memref<10240x128xf32, #tpu.memory_space<vmem_shared>> -> memref<64x128xf32, #tpu.memory_space<vmem_shared>>
      tpu.wait_dma2 semaphore(%run_scoped3A : memref<!tpu.dma_semaphore, #tpu.memory_space<semaphore_mem>>) src(%dma_wait3A_114 : memref<64x128xf32, #tpu.memory_space<vmem_shared>>) dst(%arg13 : memref<64x128xf32, #tpu.memory_space<vmem>>)
      tpu.yield
    }) : () -> ()
    %add3A_78 = arith.constant 128 : i32
    %add3A_79 = arith.addi %add3A_67, %add3A_78 : i32
    "tpu.region"() ({
      %run_scoped3A = tpu.sem_alloc : memref<!tpu.dma_semaphore, #tpu.memory_space<semaphore_mem>>
      %dma_start3A_108 = arith.constant 0 : i32
      %dma_start3A_109 = tpu.memref_slice %arg6[%add3A_79, %dma_start3A_108] : memref<20480x128xf32, #tpu.memory_space<hbm>> -> memref<64x128xf32, #tpu.memory_space<hbm>>
      %dma_start3A_110 = arith.constant 0 : i32
      %dma_start3A_111 = tpu.memref_slice %arg6[%add3A_79, %dma_start3A_110] : memref<20480x128xf32, #tpu.memory_space<hbm>> -> memref<64x128xf32, #tpu.memory_space<hbm>>
      tpu.enqueue_dma source(%arg13 : memref<64x128xf32, #tpu.memory_space<vmem>>) target(%dma_start3A_111 : memref<64x128xf32, #tpu.memory_space<hbm>>) target_semaphore(%run_scoped3A : memref<!tpu.dma_semaphore, #tpu.memory_space<semaphore_mem>>)
      %dma_wait3A = arith.constant 0 : i32
      %dma_wait3A_112 = tpu.memref_slice %arg6[%add3A_79, %dma_wait3A] : memref<20480x128xf32, #tpu.memory_space<hbm>> -> memref<64x128xf32, #tpu.memory_space<hbm>>
      %dma_wait3A_113 = arith.constant 0 : i32
      %dma_wait3A_114 = tpu.memref_slice %arg6[%add3A_79, %dma_wait3A_113] : memref<20480x128xf32, #tpu.memory_space<hbm>> -> memref<64x128xf32, #tpu.memory_space<hbm>>
      tpu.wait_dma2 semaphore(%run_scoped3A : memref<!tpu.dma_semaphore, #tpu.memory_space<semaphore_mem>>) src(%arg13 : memref<64x128xf32, #tpu.memory_space<vmem>>) dst(%dma_wait3A_114 : memref<64x128xf32, #tpu.memory_space<hbm>>)
      tpu.yield
    }) : () -> ()
    %add3A_80 = arith.constant 192 : i32
    %add3A_81 = arith.addi %mul3A_8, %add3A_80 : i32
    "tpu.region"() ({
      %run_scoped3A = tpu.sem_alloc : memref<!tpu.dma_semaphore, #tpu.memory_space<semaphore_mem>>
      %dma_start3A_108 = arith.constant 0 : i32
      %dma_start3A_109 = tpu.memref_slice %arg15[%add3A_81, %dma_start3A_108] : memref<10240x128xf32, #tpu.memory_space<vmem_shared>> -> memref<64x128xf32, #tpu.memory_space<vmem_shared>>
      %dma_start3A_110 = arith.constant 0 : i32
      %dma_start3A_111 = tpu.memref_slice %arg15[%add3A_81, %dma_start3A_110] : memref<10240x128xf32, #tpu.memory_space<vmem_shared>> -> memref<64x128xf32, #tpu.memory_space<vmem_shared>>
      tpu.enqueue_dma source(%dma_start3A_111 : memref<64x128xf32, #tpu.memory_space<vmem_shared>>) target(%arg13 : memref<64x128xf32, #tpu.memory_space<vmem>>) target_semaphore(%run_scoped3A : memref<!tpu.dma_semaphore, #tpu.memory_space<semaphore_mem>>)
      %dma_wait3A = arith.constant 0 : i32
      %dma_wait3A_112 = tpu.memref_slice %arg15[%add3A_81, %dma_wait3A] : memref<10240x128xf32, #tpu.memory_space<vmem_shared>> -> memref<64x128xf32, #tpu.memory_space<vmem_shared>>
      %dma_wait3A_113 = arith.constant 0 : i32
      %dma_wait3A_114 = tpu.memref_slice %arg15[%add3A_81, %dma_wait3A_113] : memref<10240x128xf32, #tpu.memory_space<vmem_shared>> -> memref<64x128xf32, #tpu.memory_space<vmem_shared>>
      tpu.wait_dma2 semaphore(%run_scoped3A : memref<!tpu.dma_semaphore, #tpu.memory_space<semaphore_mem>>) src(%dma_wait3A_114 : memref<64x128xf32, #tpu.memory_space<vmem_shared>>) dst(%arg13 : memref<64x128xf32, #tpu.memory_space<vmem>>)
      tpu.yield
    }) : () -> ()
    %add3A_82 = arith.constant 192 : i32
    %add3A_83 = arith.addi %add3A_67, %add3A_82 : i32
    "tpu.region"() ({
      %run_scoped3A = tpu.sem_alloc : memref<!tpu.dma_semaphore, #tpu.memory_space<semaphore_mem>>
      %dma_start3A_108 = arith.constant 0 : i32
      %dma_start3A_109 = tpu.memref_slice %arg6[%add3A_83, %dma_start3A_108] : memref<20480x128xf32, #tpu.memory_space<hbm>> -> memref<64x128xf32, #tpu.memory_space<hbm>>
      %dma_start3A_110 = arith.constant 0 : i32
      %dma_start3A_111 = tpu.memref_slice %arg6[%add3A_83, %dma_start3A_110] : memref<20480x128xf32, #tpu.memory_space<hbm>> -> memref<64x128xf32, #tpu.memory_space<hbm>>
      tpu.enqueue_dma source(%arg13 : memref<64x128xf32, #tpu.memory_space<vmem>>) target(%dma_start3A_111 : memref<64x128xf32, #tpu.memory_space<hbm>>) target_semaphore(%run_scoped3A : memref<!tpu.dma_semaphore, #tpu.memory_space<semaphore_mem>>)
      %dma_wait3A = arith.constant 0 : i32
      %dma_wait3A_112 = tpu.memref_slice %arg6[%add3A_83, %dma_wait3A] : memref<20480x128xf32, #tpu.memory_space<hbm>> -> memref<64x128xf32, #tpu.memory_space<hbm>>
      %dma_wait3A_113 = arith.constant 0 : i32
      %dma_wait3A_114 = tpu.memref_slice %arg6[%add3A_83, %dma_wait3A_113] : memref<20480x128xf32, #tpu.memory_space<hbm>> -> memref<64x128xf32, #tpu.memory_space<hbm>>
      tpu.wait_dma2 semaphore(%run_scoped3A : memref<!tpu.dma_semaphore, #tpu.memory_space<semaphore_mem>>) src(%arg13 : memref<64x128xf32, #tpu.memory_space<vmem>>) dst(%dma_wait3A_114 : memref<64x128xf32, #tpu.memory_space<hbm>>)
      tpu.yield
    }) : () -> ()
    %add3A_84 = arith.constant 256 : i32
    %add3A_85 = arith.addi %mul3A_8, %add3A_84 : i32
    "tpu.region"() ({
      %run_scoped3A = tpu.sem_alloc : memref<!tpu.dma_semaphore, #tpu.memory_space<semaphore_mem>>
      %dma_start3A_108 = arith.constant 0 : i32
      %dma_start3A_109 = tpu.memref_slice %arg15[%add3A_85, %dma_start3A_108] : memref<10240x128xf32, #tpu.memory_space<vmem_shared>> -> memref<64x128xf32, #tpu.memory_space<vmem_shared>>
      %dma_start3A_110 = arith.constant 0 : i32
      %dma_start3A_111 = tpu.memref_slice %arg15[%add3A_85, %dma_start3A_110] : memref<10240x128xf32, #tpu.memory_space<vmem_shared>> -> memref<64x128xf32, #tpu.memory_space<vmem_shared>>
      tpu.enqueue_dma source(%dma_start3A_111 : memref<64x128xf32, #tpu.memory_space<vmem_shared>>) target(%arg13 : memref<64x128xf32, #tpu.memory_space<vmem>>) target_semaphore(%run_scoped3A : memref<!tpu.dma_semaphore, #tpu.memory_space<semaphore_mem>>)
      %dma_wait3A = arith.constant 0 : i32
      %dma_wait3A_112 = tpu.memref_slice %arg15[%add3A_85, %dma_wait3A] : memref<10240x128xf32, #tpu.memory_space<vmem_shared>> -> memref<64x128xf32, #tpu.memory_space<vmem_shared>>
      %dma_wait3A_113 = arith.constant 0 : i32
      %dma_wait3A_114 = tpu.memref_slice %arg15[%add3A_85, %dma_wait3A_113] : memref<10240x128xf32, #tpu.memory_space<vmem_shared>> -> memref<64x128xf32, #tpu.memory_space<vmem_shared>>
      tpu.wait_dma2 semaphore(%run_scoped3A : memref<!tpu.dma_semaphore, #tpu.memory_space<semaphore_mem>>) src(%dma_wait3A_114 : memref<64x128xf32, #tpu.memory_space<vmem_shared>>) dst(%arg13 : memref<64x128xf32, #tpu.memory_space<vmem>>)
      tpu.yield
    }) : () -> ()
    %add3A_86 = arith.constant 256 : i32
    %add3A_87 = arith.addi %add3A_67, %add3A_86 : i32
    "tpu.region"() ({
      %run_scoped3A = tpu.sem_alloc : memref<!tpu.dma_semaphore, #tpu.memory_space<semaphore_mem>>
      %dma_start3A_108 = arith.constant 0 : i32
      %dma_start3A_109 = tpu.memref_slice %arg6[%add3A_87, %dma_start3A_108] : memref<20480x128xf32, #tpu.memory_space<hbm>> -> memref<64x128xf32, #tpu.memory_space<hbm>>
      %dma_start3A_110 = arith.constant 0 : i32
      %dma_start3A_111 = tpu.memref_slice %arg6[%add3A_87, %dma_start3A_110] : memref<20480x128xf32, #tpu.memory_space<hbm>> -> memref<64x128xf32, #tpu.memory_space<hbm>>
      tpu.enqueue_dma source(%arg13 : memref<64x128xf32, #tpu.memory_space<vmem>>) target(%dma_start3A_111 : memref<64x128xf32, #tpu.memory_space<hbm>>) target_semaphore(%run_scoped3A : memref<!tpu.dma_semaphore, #tpu.memory_space<semaphore_mem>>)
      %dma_wait3A = arith.constant 0 : i32
      %dma_wait3A_112 = tpu.memref_slice %arg6[%add3A_87, %dma_wait3A] : memref<20480x128xf32, #tpu.memory_space<hbm>> -> memref<64x128xf32, #tpu.memory_space<hbm>>
      %dma_wait3A_113 = arith.constant 0 : i32
      %dma_wait3A_114 = tpu.memref_slice %arg6[%add3A_87, %dma_wait3A_113] : memref<20480x128xf32, #tpu.memory_space<hbm>> -> memref<64x128xf32, #tpu.memory_space<hbm>>
      tpu.wait_dma2 semaphore(%run_scoped3A : memref<!tpu.dma_semaphore, #tpu.memory_space<semaphore_mem>>) src(%arg13 : memref<64x128xf32, #tpu.memory_space<vmem>>) dst(%dma_wait3A_114 : memref<64x128xf32, #tpu.memory_space<hbm>>)
      tpu.yield
    }) : () -> ()
    %add3A_88 = arith.constant 320 : i32
    %add3A_89 = arith.addi %mul3A_8, %add3A_88 : i32
    "tpu.region"() ({
      %run_scoped3A = tpu.sem_alloc : memref<!tpu.dma_semaphore, #tpu.memory_space<semaphore_mem>>
      %dma_start3A_108 = arith.constant 0 : i32
      %dma_start3A_109 = tpu.memref_slice %arg15[%add3A_89, %dma_start3A_108] : memref<10240x128xf32, #tpu.memory_space<vmem_shared>> -> memref<64x128xf32, #tpu.memory_space<vmem_shared>>
      %dma_start3A_110 = arith.constant 0 : i32
      %dma_start3A_111 = tpu.memref_slice %arg15[%add3A_89, %dma_start3A_110] : memref<10240x128xf32, #tpu.memory_space<vmem_shared>> -> memref<64x128xf32, #tpu.memory_space<vmem_shared>>
      tpu.enqueue_dma source(%dma_start3A_111 : memref<64x128xf32, #tpu.memory_space<vmem_shared>>) target(%arg13 : memref<64x128xf32, #tpu.memory_space<vmem>>) target_semaphore(%run_scoped3A : memref<!tpu.dma_semaphore, #tpu.memory_space<semaphore_mem>>)
      %dma_wait3A = arith.constant 0 : i32
      %dma_wait3A_112 = tpu.memref_slice %arg15[%add3A_89, %dma_wait3A] : memref<10240x128xf32, #tpu.memory_space<vmem_shared>> -> memref<64x128xf32, #tpu.memory_space<vmem_shared>>
      %dma_wait3A_113 = arith.constant 0 : i32
      %dma_wait3A_114 = tpu.memref_slice %arg15[%add3A_89, %dma_wait3A_113] : memref<10240x128xf32, #tpu.memory_space<vmem_shared>> -> memref<64x128xf32, #tpu.memory_space<vmem_shared>>
      tpu.wait_dma2 semaphore(%run_scoped3A : memref<!tpu.dma_semaphore, #tpu.memory_space<semaphore_mem>>) src(%dma_wait3A_114 : memref<64x128xf32, #tpu.memory_space<vmem_shared>>) dst(%arg13 : memref<64x128xf32, #tpu.memory_space<vmem>>)
      tpu.yield
    }) : () -> ()
    %add3A_90 = arith.constant 320 : i32
    %add3A_91 = arith.addi %add3A_67, %add3A_90 : i32
    "tpu.region"() ({
      %run_scoped3A = tpu.sem_alloc : memref<!tpu.dma_semaphore, #tpu.memory_space<semaphore_mem>>
      %dma_start3A_108 = arith.constant 0 : i32
      %dma_start3A_109 = tpu.memref_slice %arg6[%add3A_91, %dma_start3A_108] : memref<20480x128xf32, #tpu.memory_space<hbm>> -> memref<64x128xf32, #tpu.memory_space<hbm>>
      %dma_start3A_110 = arith.constant 0 : i32
      %dma_start3A_111 = tpu.memref_slice %arg6[%add3A_91, %dma_start3A_110] : memref<20480x128xf32, #tpu.memory_space<hbm>> -> memref<64x128xf32, #tpu.memory_space<hbm>>
      tpu.enqueue_dma source(%arg13 : memref<64x128xf32, #tpu.memory_space<vmem>>) target(%dma_start3A_111 : memref<64x128xf32, #tpu.memory_space<hbm>>) target_semaphore(%run_scoped3A : memref<!tpu.dma_semaphore, #tpu.memory_space<semaphore_mem>>)
      %dma_wait3A = arith.constant 0 : i32
      %dma_wait3A_112 = tpu.memref_slice %arg6[%add3A_91, %dma_wait3A] : memref<20480x128xf32, #tpu.memory_space<hbm>> -> memref<64x128xf32, #tpu.memory_space<hbm>>
      %dma_wait3A_113 = arith.constant 0 : i32
      %dma_wait3A_114 = tpu.memref_slice %arg6[%add3A_91, %dma_wait3A_113] : memref<20480x128xf32, #tpu.memory_space<hbm>> -> memref<64x128xf32, #tpu.memory_space<hbm>>
      tpu.wait_dma2 semaphore(%run_scoped3A : memref<!tpu.dma_semaphore, #tpu.memory_space<semaphore_mem>>) src(%arg13 : memref<64x128xf32, #tpu.memory_space<vmem>>) dst(%dma_wait3A_114 : memref<64x128xf32, #tpu.memory_space<hbm>>)
      tpu.yield
    }) : () -> ()
    %add3A_92 = arith.constant 384 : i32
    %add3A_93 = arith.addi %mul3A_8, %add3A_92 : i32
    "tpu.region"() ({
      %run_scoped3A = tpu.sem_alloc : memref<!tpu.dma_semaphore, #tpu.memory_space<semaphore_mem>>
      %dma_start3A_108 = arith.constant 0 : i32
      %dma_start3A_109 = tpu.memref_slice %arg15[%add3A_93, %dma_start3A_108] : memref<10240x128xf32, #tpu.memory_space<vmem_shared>> -> memref<64x128xf32, #tpu.memory_space<vmem_shared>>
      %dma_start3A_110 = arith.constant 0 : i32
      %dma_start3A_111 = tpu.memref_slice %arg15[%add3A_93, %dma_start3A_110] : memref<10240x128xf32, #tpu.memory_space<vmem_shared>> -> memref<64x128xf32, #tpu.memory_space<vmem_shared>>
      tpu.enqueue_dma source(%dma_start3A_111 : memref<64x128xf32, #tpu.memory_space<vmem_shared>>) target(%arg13 : memref<64x128xf32, #tpu.memory_space<vmem>>) target_semaphore(%run_scoped3A : memref<!tpu.dma_semaphore, #tpu.memory_space<semaphore_mem>>)
      %dma_wait3A = arith.constant 0 : i32
      %dma_wait3A_112 = tpu.memref_slice %arg15[%add3A_93, %dma_wait3A] : memref<10240x128xf32, #tpu.memory_space<vmem_shared>> -> memref<64x128xf32, #tpu.memory_space<vmem_shared>>
      %dma_wait3A_113 = arith.constant 0 : i32
      %dma_wait3A_114 = tpu.memref_slice %arg15[%add3A_93, %dma_wait3A_113] : memref<10240x128xf32, #tpu.memory_space<vmem_shared>> -> memref<64x128xf32, #tpu.memory_space<vmem_shared>>
      tpu.wait_dma2 semaphore(%run_scoped3A : memref<!tpu.dma_semaphore, #tpu.memory_space<semaphore_mem>>) src(%dma_wait3A_114 : memref<64x128xf32, #tpu.memory_space<vmem_shared>>) dst(%arg13 : memref<64x128xf32, #tpu.memory_space<vmem>>)
      tpu.yield
    }) : () -> ()
    %add3A_94 = arith.constant 384 : i32
    %add3A_95 = arith.addi %add3A_67, %add3A_94 : i32
    "tpu.region"() ({
      %run_scoped3A = tpu.sem_alloc : memref<!tpu.dma_semaphore, #tpu.memory_space<semaphore_mem>>
      %dma_start3A_108 = arith.constant 0 : i32
      %dma_start3A_109 = tpu.memref_slice %arg6[%add3A_95, %dma_start3A_108] : memref<20480x128xf32, #tpu.memory_space<hbm>> -> memref<64x128xf32, #tpu.memory_space<hbm>>
      %dma_start3A_110 = arith.constant 0 : i32
      %dma_start3A_111 = tpu.memref_slice %arg6[%add3A_95, %dma_start3A_110] : memref<20480x128xf32, #tpu.memory_space<hbm>> -> memref<64x128xf32, #tpu.memory_space<hbm>>
      tpu.enqueue_dma source(%arg13 : memref<64x128xf32, #tpu.memory_space<vmem>>) target(%dma_start3A_111 : memref<64x128xf32, #tpu.memory_space<hbm>>) target_semaphore(%run_scoped3A : memref<!tpu.dma_semaphore, #tpu.memory_space<semaphore_mem>>)
      %dma_wait3A = arith.constant 0 : i32
      %dma_wait3A_112 = tpu.memref_slice %arg6[%add3A_95, %dma_wait3A] : memref<20480x128xf32, #tpu.memory_space<hbm>> -> memref<64x128xf32, #tpu.memory_space<hbm>>
      %dma_wait3A_113 = arith.constant 0 : i32
      %dma_wait3A_114 = tpu.memref_slice %arg6[%add3A_95, %dma_wait3A_113] : memref<20480x128xf32, #tpu.memory_space<hbm>> -> memref<64x128xf32, #tpu.memory_space<hbm>>
      tpu.wait_dma2 semaphore(%run_scoped3A : memref<!tpu.dma_semaphore, #tpu.memory_space<semaphore_mem>>) src(%arg13 : memref<64x128xf32, #tpu.memory_space<vmem>>) dst(%dma_wait3A_114 : memref<64x128xf32, #tpu.memory_space<hbm>>)
      tpu.yield
    }) : () -> ()
    %add3A_96 = arith.constant 448 : i32
    %add3A_97 = arith.addi %mul3A_8, %add3A_96 : i32
    "tpu.region"() ({
      %run_scoped3A = tpu.sem_alloc : memref<!tpu.dma_semaphore, #tpu.memory_space<semaphore_mem>>
      %dma_start3A_108 = arith.constant 0 : i32
      %dma_start3A_109 = tpu.memref_slice %arg15[%add3A_97, %dma_start3A_108] : memref<10240x128xf32, #tpu.memory_space<vmem_shared>> -> memref<64x128xf32, #tpu.memory_space<vmem_shared>>
      %dma_start3A_110 = arith.constant 0 : i32
      %dma_start3A_111 = tpu.memref_slice %arg15[%add3A_97, %dma_start3A_110] : memref<10240x128xf32, #tpu.memory_space<vmem_shared>> -> memref<64x128xf32, #tpu.memory_space<vmem_shared>>
      tpu.enqueue_dma source(%dma_start3A_111 : memref<64x128xf32, #tpu.memory_space<vmem_shared>>) target(%arg13 : memref<64x128xf32, #tpu.memory_space<vmem>>) target_semaphore(%run_scoped3A : memref<!tpu.dma_semaphore, #tpu.memory_space<semaphore_mem>>)
      %dma_wait3A = arith.constant 0 : i32
      %dma_wait3A_112 = tpu.memref_slice %arg15[%add3A_97, %dma_wait3A] : memref<10240x128xf32, #tpu.memory_space<vmem_shared>> -> memref<64x128xf32, #tpu.memory_space<vmem_shared>>
      %dma_wait3A_113 = arith.constant 0 : i32
      %dma_wait3A_114 = tpu.memref_slice %arg15[%add3A_97, %dma_wait3A_113] : memref<10240x128xf32, #tpu.memory_space<vmem_shared>> -> memref<64x128xf32, #tpu.memory_space<vmem_shared>>
      tpu.wait_dma2 semaphore(%run_scoped3A : memref<!tpu.dma_semaphore, #tpu.memory_space<semaphore_mem>>) src(%dma_wait3A_114 : memref<64x128xf32, #tpu.memory_space<vmem_shared>>) dst(%arg13 : memref<64x128xf32, #tpu.memory_space<vmem>>)
      tpu.yield
    }) : () -> ()
    %add3A_98 = arith.constant 448 : i32
    %add3A_99 = arith.addi %add3A_67, %add3A_98 : i32
    "tpu.region"() ({
      %run_scoped3A = tpu.sem_alloc : memref<!tpu.dma_semaphore, #tpu.memory_space<semaphore_mem>>
      %dma_start3A_108 = arith.constant 0 : i32
      %dma_start3A_109 = tpu.memref_slice %arg6[%add3A_99, %dma_start3A_108] : memref<20480x128xf32, #tpu.memory_space<hbm>> -> memref<64x128xf32, #tpu.memory_space<hbm>>
      %dma_start3A_110 = arith.constant 0 : i32
      %dma_start3A_111 = tpu.memref_slice %arg6[%add3A_99, %dma_start3A_110] : memref<20480x128xf32, #tpu.memory_space<hbm>> -> memref<64x128xf32, #tpu.memory_space<hbm>>
      tpu.enqueue_dma source(%arg13 : memref<64x128xf32, #tpu.memory_space<vmem>>) target(%dma_start3A_111 : memref<64x128xf32, #tpu.memory_space<hbm>>) target_semaphore(%run_scoped3A : memref<!tpu.dma_semaphore, #tpu.memory_space<semaphore_mem>>)
      %dma_wait3A = arith.constant 0 : i32
      %dma_wait3A_112 = tpu.memref_slice %arg6[%add3A_99, %dma_wait3A] : memref<20480x128xf32, #tpu.memory_space<hbm>> -> memref<64x128xf32, #tpu.memory_space<hbm>>
      %dma_wait3A_113 = arith.constant 0 : i32
      %dma_wait3A_114 = tpu.memref_slice %arg6[%add3A_99, %dma_wait3A_113] : memref<20480x128xf32, #tpu.memory_space<hbm>> -> memref<64x128xf32, #tpu.memory_space<hbm>>
      tpu.wait_dma2 semaphore(%run_scoped3A : memref<!tpu.dma_semaphore, #tpu.memory_space<semaphore_mem>>) src(%arg13 : memref<64x128xf32, #tpu.memory_space<vmem>>) dst(%dma_wait3A_114 : memref<64x128xf32, #tpu.memory_space<hbm>>)
      tpu.yield
    }) : () -> ()
    %add3A_100 = arith.constant 512 : i32
    %add3A_101 = arith.addi %mul3A_8, %add3A_100 : i32
    "tpu.region"() ({
      %run_scoped3A = tpu.sem_alloc : memref<!tpu.dma_semaphore, #tpu.memory_space<semaphore_mem>>
      %dma_start3A_108 = arith.constant 0 : i32
      %dma_start3A_109 = tpu.memref_slice %arg15[%add3A_101, %dma_start3A_108] : memref<10240x128xf32, #tpu.memory_space<vmem_shared>> -> memref<64x128xf32, #tpu.memory_space<vmem_shared>>
      %dma_start3A_110 = arith.constant 0 : i32
      %dma_start3A_111 = tpu.memref_slice %arg15[%add3A_101, %dma_start3A_110] : memref<10240x128xf32, #tpu.memory_space<vmem_shared>> -> memref<64x128xf32, #tpu.memory_space<vmem_shared>>
      tpu.enqueue_dma source(%dma_start3A_111 : memref<64x128xf32, #tpu.memory_space<vmem_shared>>) target(%arg13 : memref<64x128xf32, #tpu.memory_space<vmem>>) target_semaphore(%run_scoped3A : memref<!tpu.dma_semaphore, #tpu.memory_space<semaphore_mem>>)
      %dma_wait3A = arith.constant 0 : i32
      %dma_wait3A_112 = tpu.memref_slice %arg15[%add3A_101, %dma_wait3A] : memref<10240x128xf32, #tpu.memory_space<vmem_shared>> -> memref<64x128xf32, #tpu.memory_space<vmem_shared>>
      %dma_wait3A_113 = arith.constant 0 : i32
      %dma_wait3A_114 = tpu.memref_slice %arg15[%add3A_101, %dma_wait3A_113] : memref<10240x128xf32, #tpu.memory_space<vmem_shared>> -> memref<64x128xf32, #tpu.memory_space<vmem_shared>>
      tpu.wait_dma2 semaphore(%run_scoped3A : memref<!tpu.dma_semaphore, #tpu.memory_space<semaphore_mem>>) src(%dma_wait3A_114 : memref<64x128xf32, #tpu.memory_space<vmem_shared>>) dst(%arg13 : memref<64x128xf32, #tpu.memory_space<vmem>>)
      tpu.yield
    }) : () -> ()
    %add3A_102 = arith.constant 512 : i32
    %add3A_103 = arith.addi %add3A_67, %add3A_102 : i32
    "tpu.region"() ({
      %run_scoped3A = tpu.sem_alloc : memref<!tpu.dma_semaphore, #tpu.memory_space<semaphore_mem>>
      %dma_start3A_108 = arith.constant 0 : i32
      %dma_start3A_109 = tpu.memref_slice %arg6[%add3A_103, %dma_start3A_108] : memref<20480x128xf32, #tpu.memory_space<hbm>> -> memref<64x128xf32, #tpu.memory_space<hbm>>
      %dma_start3A_110 = arith.constant 0 : i32
      %dma_start3A_111 = tpu.memref_slice %arg6[%add3A_103, %dma_start3A_110] : memref<20480x128xf32, #tpu.memory_space<hbm>> -> memref<64x128xf32, #tpu.memory_space<hbm>>
      tpu.enqueue_dma source(%arg13 : memref<64x128xf32, #tpu.memory_space<vmem>>) target(%dma_start3A_111 : memref<64x128xf32, #tpu.memory_space<hbm>>) target_semaphore(%run_scoped3A : memref<!tpu.dma_semaphore, #tpu.memory_space<semaphore_mem>>)
      %dma_wait3A = arith.constant 0 : i32
      %dma_wait3A_112 = tpu.memref_slice %arg6[%add3A_103, %dma_wait3A] : memref<20480x128xf32, #tpu.memory_space<hbm>> -> memref<64x128xf32, #tpu.memory_space<hbm>>
      %dma_wait3A_113 = arith.constant 0 : i32
      %dma_wait3A_114 = tpu.memref_slice %arg6[%add3A_103, %dma_wait3A_113] : memref<20480x128xf32, #tpu.memory_space<hbm>> -> memref<64x128xf32, #tpu.memory_space<hbm>>
      tpu.wait_dma2 semaphore(%run_scoped3A : memref<!tpu.dma_semaphore, #tpu.memory_space<semaphore_mem>>) src(%arg13 : memref<64x128xf32, #tpu.memory_space<vmem>>) dst(%dma_wait3A_114 : memref<64x128xf32, #tpu.memory_space<hbm>>)
      tpu.yield
    }) : () -> ()
    %add3A_104 = arith.constant 576 : i32
    %add3A_105 = arith.addi %mul3A_8, %add3A_104 : i32
    "tpu.region"() ({
      %run_scoped3A = tpu.sem_alloc : memref<!tpu.dma_semaphore, #tpu.memory_space<semaphore_mem>>
      %dma_start3A_108 = arith.constant 0 : i32
      %dma_start3A_109 = tpu.memref_slice %arg15[%add3A_105, %dma_start3A_108] : memref<10240x128xf32, #tpu.memory_space<vmem_shared>> -> memref<64x128xf32, #tpu.memory_space<vmem_shared>>
      %dma_start3A_110 = arith.constant 0 : i32
      %dma_start3A_111 = tpu.memref_slice %arg15[%add3A_105, %dma_start3A_110] : memref<10240x128xf32, #tpu.memory_space<vmem_shared>> -> memref<64x128xf32, #tpu.memory_space<vmem_shared>>
      tpu.enqueue_dma source(%dma_start3A_111 : memref<64x128xf32, #tpu.memory_space<vmem_shared>>) target(%arg13 : memref<64x128xf32, #tpu.memory_space<vmem>>) target_semaphore(%run_scoped3A : memref<!tpu.dma_semaphore, #tpu.memory_space<semaphore_mem>>)
      %dma_wait3A = arith.constant 0 : i32
      %dma_wait3A_112 = tpu.memref_slice %arg15[%add3A_105, %dma_wait3A] : memref<10240x128xf32, #tpu.memory_space<vmem_shared>> -> memref<64x128xf32, #tpu.memory_space<vmem_shared>>
      %dma_wait3A_113 = arith.constant 0 : i32
      %dma_wait3A_114 = tpu.memref_slice %arg15[%add3A_105, %dma_wait3A_113] : memref<10240x128xf32, #tpu.memory_space<vmem_shared>> -> memref<64x128xf32, #tpu.memory_space<vmem_shared>>
      tpu.wait_dma2 semaphore(%run_scoped3A : memref<!tpu.dma_semaphore, #tpu.memory_space<semaphore_mem>>) src(%dma_wait3A_114 : memref<64x128xf32, #tpu.memory_space<vmem_shared>>) dst(%arg13 : memref<64x128xf32, #tpu.memory_space<vmem>>)
      tpu.yield
    }) : () -> ()
    %add3A_106 = arith.constant 576 : i32
    %add3A_107 = arith.addi %add3A_67, %add3A_106 : i32
    "tpu.region"() ({
      %run_scoped3A = tpu.sem_alloc : memref<!tpu.dma_semaphore, #tpu.memory_space<semaphore_mem>>
      %dma_start3A_108 = arith.constant 0 : i32
      %dma_start3A_109 = tpu.memref_slice %arg6[%add3A_107, %dma_start3A_108] : memref<20480x128xf32, #tpu.memory_space<hbm>> -> memref<64x128xf32, #tpu.memory_space<hbm>>
      %dma_start3A_110 = arith.constant 0 : i32
      %dma_start3A_111 = tpu.memref_slice %arg6[%add3A_107, %dma_start3A_110] : memref<20480x128xf32, #tpu.memory_space<hbm>> -> memref<64x128xf32, #tpu.memory_space<hbm>>
      tpu.enqueue_dma source(%arg13 : memref<64x128xf32, #tpu.memory_space<vmem>>) target(%dma_start3A_111 : memref<64x128xf32, #tpu.memory_space<hbm>>) target_semaphore(%run_scoped3A : memref<!tpu.dma_semaphore, #tpu.memory_space<semaphore_mem>>)
      %dma_wait3A = arith.constant 0 : i32
      %dma_wait3A_112 = tpu.memref_slice %arg6[%add3A_107, %dma_wait3A] : memref<20480x128xf32, #tpu.memory_space<hbm>> -> memref<64x128xf32, #tpu.memory_space<hbm>>
      %dma_wait3A_113 = arith.constant 0 : i32
      %dma_wait3A_114 = tpu.memref_slice %arg6[%add3A_107, %dma_wait3A_113] : memref<20480x128xf32, #tpu.memory_space<hbm>> -> memref<64x128xf32, #tpu.memory_space<hbm>>
      tpu.wait_dma2 semaphore(%run_scoped3A : memref<!tpu.dma_semaphore, #tpu.memory_space<semaphore_mem>>) src(%arg13 : memref<64x128xf32, #tpu.memory_space<vmem>>) dst(%dma_wait3A_114 : memref<64x128xf32, #tpu.memory_space<hbm>>)
      tpu.yield
    }) : () -> ()
    return
  }
}

module attributes {stable_mosaic.version = 14 : i64} {
  func.func @_edge_embed_body(%arg0: i32, %arg1: memref<1600x16xf32, #tpu.memory_space<vmem>>, %arg2: memref<1600x16xf32, #tpu.memory_space<vmem>>, %arg3: memref<16x128xf32, #tpu.memory_space<vmem>>, %arg4: memref<16x128xf32, #tpu.memory_space<vmem>>, %arg5: memref<1x128xf32, #tpu.memory_space<vmem>>, %arg6: memref<16x128xf32, #tpu.memory_space<vmem>>, %arg7: memref<16x128xf32, #tpu.memory_space<vmem>>, %arg8: memref<1x128xf32, #tpu.memory_space<vmem>>, %arg9: memref<1600x128xf32, #tpu.memory_space<vmem>>, %arg10: memref<1600x128xf32, #tpu.memory_space<vmem>>) attributes {dimension_semantics = [#tpu.dimension_semantics<arbitrary>], iteration_bounds = array<i64: 200>, scalar_prefetch = 0 : i64, scratch_operands = 0 : i64, tpu.core_type = #tpu.core_type<tc>, window_params = [{transform_indices = @transform_0, window_bounds = array<i64: 1600, 16>}, {transform_indices = @transform_1, window_bounds = array<i64: 1600, 16>}, {pipeline_mode = #tpu.pipeline_mode<synchronous>, transform_indices = @transform_2, window_bounds = array<i64: 16, 128>}, {pipeline_mode = #tpu.pipeline_mode<synchronous>, transform_indices = @transform_3, window_bounds = array<i64: 16, 128>}, {pipeline_mode = #tpu.pipeline_mode<synchronous>, transform_indices = @transform_4, window_bounds = array<i64: 1, 128>}, {pipeline_mode = #tpu.pipeline_mode<synchronous>, transform_indices = @transform_5, window_bounds = array<i64: 16, 128>}, {pipeline_mode = #tpu.pipeline_mode<synchronous>, transform_indices = @transform_6, window_bounds = array<i64: 16, 128>}, {pipeline_mode = #tpu.pipeline_mode<synchronous>, transform_indices = @transform_7, window_bounds = array<i64: 1, 128>}, {transform_indices = @transform_8, window_bounds = array<i64: 1600, 128>}, {transform_indices = @transform_9, window_bounds = array<i64: 1600, 128>}]} {
    %get3A = arith.constant 0 : index
    %get3A_0 = arith.constant 0 : index
    %get3A_1 = vector.load %arg1[%get3A, %get3A_0] : memref<1600x16xf32, #tpu.memory_space<vmem>>, vector<1600x16xf32>
    %get3A_2 = arith.constant 0 : index
    %get3A_3 = arith.constant 0 : index
    %get3A_4 = vector.load %arg2[%get3A_2, %get3A_3] : memref<1600x16xf32, #tpu.memory_space<vmem>>, vector<1600x16xf32>
    %get3A_5 = arith.constant 0 : index
    %get3A_6 = arith.constant 0 : index
    %get3A_7 = vector.load %arg3[%get3A_5, %get3A_6] : memref<16x128xf32, #tpu.memory_space<vmem>>, vector<16x128xf32>
    %dot_general3A = arith.constant dense<0.000000e+00> : vector<1600x128xf32>
    %dot_general3A_8 = tpu.matmul %get3A_1, %get3A_7, %dot_general3A {dimension_numbers = #tpu.dot_dimension_numbers<[1], [0], [0], [1], [0, 0, 1, 1], [], []>, transpose_lhs_hint = false} : vector<1600x16xf32>, vector<16x128xf32>, vector<1600x128xf32> -> vector<1600x128xf32>
    %get3A_9 = arith.constant 0 : index
    %get3A_10 = arith.constant 0 : index
    %get3A_11 = vector.load %arg4[%get3A_9, %get3A_10] : memref<16x128xf32, #tpu.memory_space<vmem>>, vector<16x128xf32>
    %dot_general3A_12 = arith.constant dense<0.000000e+00> : vector<1600x128xf32>
    %dot_general3A_13 = tpu.matmul %get3A_4, %get3A_11, %dot_general3A_12 {dimension_numbers = #tpu.dot_dimension_numbers<[1], [0], [0], [1], [0, 0, 1, 1], [], []>, transpose_lhs_hint = false} : vector<1600x16xf32>, vector<16x128xf32>, vector<1600x128xf32> -> vector<1600x128xf32>
    %add3A = arith.addf %dot_general3A_8, %dot_general3A_13 : vector<1600x128xf32>
    %get3A_14 = arith.constant 0 : index
    %get3A_15 = arith.constant 0 : index
    %get3A_16 = vector.load %arg5[%get3A_14, %get3A_15] : memref<1x128xf32, #tpu.memory_space<vmem>>, vector<1x128xf32>
    %add3A_17 = vector.broadcast %get3A_16 : vector<1x128xf32> to vector<1600x128xf32>
    %add3A_18 = arith.addf %add3A, %add3A_17 : vector<1600x128xf32>
    %swap3A = arith.constant 0 : index
    %swap3A_19 = arith.constant 0 : index
    %swap3A_20 = vector.load %arg9[%swap3A, %swap3A_19] : memref<1600x128xf32, #tpu.memory_space<vmem>>, vector<1600x128xf32>
    tpu.vector_store %arg9[%swap3A, %swap3A_19], %add3A_18 {strides = array<i32>} : memref<1600x128xf32, #tpu.memory_space<vmem>>, vector<1600x128xf32>,
    %get3A_21 = arith.constant 0 : index
    %get3A_22 = arith.constant 0 : index
    %get3A_23 = vector.load %arg6[%get3A_21, %get3A_22] : memref<16x128xf32, #tpu.memory_space<vmem>>, vector<16x128xf32>
    %dot_general3A_24 = arith.constant dense<0.000000e+00> : vector<1600x128xf32>
    %dot_general3A_25 = tpu.matmul %get3A_1, %get3A_23, %dot_general3A_24 {dimension_numbers = #tpu.dot_dimension_numbers<[1], [0], [0], [1], [0, 0, 1, 1], [], []>, transpose_lhs_hint = false} : vector<1600x16xf32>, vector<16x128xf32>, vector<1600x128xf32> -> vector<1600x128xf32>
    %get3A_26 = arith.constant 0 : index
    %get3A_27 = arith.constant 0 : index
    %get3A_28 = vector.load %arg7[%get3A_26, %get3A_27] : memref<16x128xf32, #tpu.memory_space<vmem>>, vector<16x128xf32>
    %dot_general3A_29 = arith.constant dense<0.000000e+00> : vector<1600x128xf32>
    %dot_general3A_30 = tpu.matmul %get3A_4, %get3A_28, %dot_general3A_29 {dimension_numbers = #tpu.dot_dimension_numbers<[1], [0], [0], [1], [0, 0, 1, 1], [], []>, transpose_lhs_hint = false} : vector<1600x16xf32>, vector<16x128xf32>, vector<1600x128xf32> -> vector<1600x128xf32>
    %add3A_31 = arith.addf %dot_general3A_25, %dot_general3A_30 : vector<1600x128xf32>
    %get3A_32 = arith.constant 0 : index
    %get3A_33 = arith.constant 0 : index
    %get3A_34 = vector.load %arg8[%get3A_32, %get3A_33] : memref<1x128xf32, #tpu.memory_space<vmem>>, vector<1x128xf32>
    %add3A_35 = vector.broadcast %get3A_34 : vector<1x128xf32> to vector<1600x128xf32>
    %add3A_36 = arith.addf %add3A_31, %add3A_35 : vector<1600x128xf32>
    %swap3A_37 = arith.constant 0 : index
    %swap3A_38 = arith.constant 0 : index
    %swap3A_39 = vector.load %arg10[%swap3A_37, %swap3A_38] : memref<1600x128xf32, #tpu.memory_space<vmem>>, vector<1600x128xf32>
    tpu.vector_store %arg10[%swap3A_37, %swap3A_38], %add3A_36 {strides = array<i32>} : memref<1600x128xf32, #tpu.memory_space<vmem>>, vector<1600x128xf32>,
    return
  }
  func.func @transform_0(%arg0: i32) -> (i32, i32) {
    %c0_i32 = arith.constant 0 : i32
    %c0_i32_0 = arith.constant 0 : i32
    return %arg0, %c0_i32 : i32, i32
  }
  func.func @transform_1(%arg0: i32) -> (i32, i32) {
    %c0_i32 = arith.constant 0 : i32
    %c0_i32_0 = arith.constant 0 : i32
    return %arg0, %c0_i32 : i32, i32
  }
  func.func @transform_2(%arg0: i32) -> (i32, i32) {
    %c0_i32 = arith.constant 0 : i32
    %c0_i32_0 = arith.constant 0 : i32
    %c0_i32_1 = arith.constant 0 : i32
    return %c0_i32, %c0_i32_0 : i32, i32
  }
  func.func @transform_3(%arg0: i32) -> (i32, i32) {
    %c0_i32 = arith.constant 0 : i32
    %c0_i32_0 = arith.constant 0 : i32
    %c0_i32_1 = arith.constant 0 : i32
    return %c0_i32, %c0_i32_0 : i32, i32
  }
  func.func @transform_4(%arg0: i32) -> (i32, i32) {
    %c0_i32 = arith.constant 0 : i32
    %c0_i32_0 = arith.constant 0 : i32
    %c0_i32_1 = arith.constant 0 : i32
    return %c0_i32, %c0_i32_0 : i32, i32
  }
  func.func @transform_5(%arg0: i32) -> (i32, i32) {
    %c0_i32 = arith.constant 0 : i32
    %c0_i32_0 = arith.constant 0 : i32
    %c0_i32_1 = arith.constant 0 : i32
    return %c0_i32, %c0_i32_0 : i32, i32
  }
  func.func @transform_6(%arg0: i32) -> (i32, i32) {
    %c0_i32 = arith.constant 0 : i32
    %c0_i32_0 = arith.constant 0 : i32
    %c0_i32_1 = arith.constant 0 : i32
    return %c0_i32, %c0_i32_0 : i32, i32
  }
  func.func @transform_7(%arg0: i32) -> (i32, i32) {
    %c0_i32 = arith.constant 0 : i32
    %c0_i32_0 = arith.constant 0 : i32
    %c0_i32_1 = arith.constant 0 : i32
    return %c0_i32, %c0_i32_0 : i32, i32
  }
  func.func @transform_8(%arg0: i32) -> (i32, i32) {
    %c0_i32 = arith.constant 0 : i32
    %c0_i32_0 = arith.constant 0 : i32
    return %arg0, %c0_i32 : i32, i32
  }
  func.func @transform_9(%arg0: i32) -> (i32, i32) {
    %c0_i32 = arith.constant 0 : i32
    %c0_i32_0 = arith.constant 0 : i32
    return %arg0, %c0_i32 : i32, i32
  }
}

module attributes {stable_mosaic.version = 14 : i64} {
  func.func @_node_mlp_body(%arg0: memref<10000x128xf32, #tpu.memory_space<vmem>>, %arg1: memref<2x10240x128xf32, #tpu.memory_space<vmem>>, %arg2: memref<128x64xf32, #tpu.memory_space<vmem>>, %arg3: memref<1x64xf32, #tpu.memory_space<vmem>>, %arg4: memref<64x128xf32, #tpu.memory_space<vmem>>, %arg5: memref<1x128xf32, #tpu.memory_space<vmem>>, %arg6: memref<10000x128xf32, #tpu.memory_space<vmem>>) attributes {dimension_semantics = [], scalar_prefetch = 0 : i64, scratch_operands = 0 : i64, tpu.core_type = #tpu.core_type<tc>} {
    %get3A = arith.constant 0 : index
    %get3A_0 = arith.constant 0 : index
    %get3A_1 = vector.load %arg0[%get3A, %get3A_0] : memref<10000x128xf32, #tpu.memory_space<vmem>>, vector<10000x128xf32>
    %get3A_2 = arith.constant 0 : index
    %get3A_3 = arith.constant 0 : index
    %get3A_4 = arith.constant 0 : index
    %get3A_5 = vector.load %arg1[%get3A_2, %get3A_3, %get3A_4] : memref<2x10240x128xf32, #tpu.memory_space<vmem>>, vector<1x10000x128xf32>
    %get3A_6 = vector.shape_cast %get3A_5 : vector<1x10000x128xf32> to vector<10000x128xf32>
    %add3A = arith.addf %get3A_1, %get3A_6 : vector<10000x128xf32>
    %get3A_7 = arith.constant 1 : index
    %get3A_8 = arith.constant 0 : index
    %get3A_9 = arith.constant 0 : index
    %get3A_10 = vector.load %arg1[%get3A_7, %get3A_8, %get3A_9] : memref<2x10240x128xf32, #tpu.memory_space<vmem>>, vector<1x10000x128xf32>
    %get3A_11 = vector.shape_cast %get3A_10 : vector<1x10000x128xf32> to vector<10000x128xf32>
    %add3A_12 = arith.addf %add3A, %get3A_11 : vector<10000x128xf32>
    %get3A_13 = arith.constant 0 : index
    %get3A_14 = arith.constant 0 : index
    %get3A_15 = vector.load %arg2[%get3A_13, %get3A_14] : memref<128x64xf32, #tpu.memory_space<vmem>>, vector<128x64xf32>
    %dot_general3A = arith.constant dense<0.000000e+00> : vector<10000x64xf32>
    %dot_general3A_16 = tpu.matmul %add3A_12, %get3A_15, %dot_general3A {dimension_numbers = #tpu.dot_dimension_numbers<[1], [0], [0], [1], [0, 0, 1, 1], [], []>, transpose_lhs_hint = false} : vector<10000x128xf32>, vector<128x64xf32>, vector<10000x64xf32> -> vector<10000x64xf32>
    %get3A_17 = arith.constant 0 : index
    %get3A_18 = arith.constant 0 : index
    %get3A_19 = vector.load %arg3[%get3A_17, %get3A_18] : memref<1x64xf32, #tpu.memory_space<vmem>>, vector<1x64xf32>
    %add3A_20 = vector.broadcast %get3A_19 : vector<1x64xf32> to vector<10000x64xf32>
    %add3A_21 = arith.addf %dot_general3A_16, %add3A_20 : vector<10000x64xf32>
    %max3A = arith.constant 0.000000e+00 : f32
    %max3A_22 = vector.broadcast %max3A : f32 to vector<10000x64xf32>
    %max3A_23 = arith.maximumf %add3A_21, %max3A_22 : vector<10000x64xf32>
    %get3A_24 = arith.constant 0 : index
    %get3A_25 = arith.constant 0 : index
    %get3A_26 = vector.load %arg4[%get3A_24, %get3A_25] : memref<64x128xf32, #tpu.memory_space<vmem>>, vector<64x128xf32>
    %dot_general3A_27 = arith.constant dense<0.000000e+00> : vector<10000x128xf32>
    %dot_general3A_28 = tpu.matmul %max3A_23, %get3A_26, %dot_general3A_27 {dimension_numbers = #tpu.dot_dimension_numbers<[1], [0], [0], [1], [0, 0, 1, 1], [], []>, transpose_lhs_hint = false} : vector<10000x64xf32>, vector<64x128xf32>, vector<10000x128xf32> -> vector<10000x128xf32>
    %get3A_29 = arith.constant 0 : index
    %get3A_30 = arith.constant 0 : index
    %get3A_31 = vector.load %arg5[%get3A_29, %get3A_30] : memref<1x128xf32, #tpu.memory_space<vmem>>, vector<1x128xf32>
    %add3A_32 = vector.broadcast %get3A_31 : vector<1x128xf32> to vector<10000x128xf32>
    %add3A_33 = arith.addf %dot_general3A_28, %add3A_32 : vector<10000x128xf32>
    %max3A_34 = arith.constant 0.000000e+00 : f32
    %max3A_35 = vector.broadcast %max3A_34 : f32 to vector<10000x128xf32>
    %max3A_36 = arith.maximumf %add3A_33, %max3A_35 : vector<10000x128xf32>
    %swap3A = arith.constant 0 : index
    %swap3A_37 = arith.constant 0 : index
    %swap3A_38 = vector.load %arg6[%swap3A, %swap3A_37] : memref<10000x128xf32, #tpu.memory_space<vmem>>, vector<10000x128xf32>
    tpu.vector_store %arg6[%swap3A, %swap3A_37], %max3A_36 {strides = array<i32>} : memref<10000x128xf32, #tpu.memory_space<vmem>>, vector<10000x128xf32>,
    return
  }
}

module attributes {stable_mosaic.version = 14 : i64} {
  func.func @_final_body(%arg0: memref<10000x128xf32, #tpu.memory_space<vmem>>, %arg1: memref<2x10240x128xf32, #tpu.memory_space<vmem>>, %arg2: memref<64x64xf32, #tpu.memory_space<vmem>>, %arg3: memref<1x64xf32, #tpu.memory_space<vmem>>, %arg4: memref<64x64xf32, #tpu.memory_space<vmem>>, %arg5: memref<1x64xf32, #tpu.memory_space<vmem>>, %arg6: memref<10000x1xi32, #tpu.memory_space<vmem>>, %arg7: memref<256x128xf32, #tpu.memory_space<vmem>>, %arg8: memref<256x64xf32, #tpu.memory_space<vmem>>, %arg9: memref<1x256xf32, #tpu.memory_space<vmem>>, %arg10: memref<1x256xf32, #tpu.memory_space<vmem>>, %arg11: memref<128x64xf32, #tpu.memory_space<vmem>>, %arg12: memref<1x64xf32, #tpu.memory_space<vmem>>, %arg13: memref<64x1xf32, #tpu.memory_space<vmem>>, %arg14: memref<1x1xf32, #tpu.memory_space<vmem>>, %arg15: memref<32x1xf32, #tpu.memory_space<vmem>>) attributes {dimension_semantics = [], scalar_prefetch = 0 : i64, scratch_operands = 0 : i64, tpu.core_type = #tpu.core_type<tc>} {
    %get3A = arith.constant 0 : index
    %get3A_0 = arith.constant 0 : index
    %get3A_1 = vector.load %arg0[%get3A, %get3A_0] : memref<10000x128xf32, #tpu.memory_space<vmem>>, vector<10000x64xf32>
    %get3A_2 = arith.constant 0 : index
    %get3A_3 = arith.constant 0 : index
    %get3A_4 = arith.constant 0 : index
    %get3A_5 = vector.load %arg1[%get3A_2, %get3A_3, %get3A_4] : memref<2x10240x128xf32, #tpu.memory_space<vmem>>, vector<1x10000x64xf32>
    %get3A_6 = vector.shape_cast %get3A_5 : vector<1x10000x64xf32> to vector<10000x64xf32>
    %add3A = arith.addf %get3A_1, %get3A_6 : vector<10000x64xf32>
    %get3A_7 = arith.constant 1 : index
    %get3A_8 = arith.constant 0 : index
    %get3A_9 = arith.constant 0 : index
    %get3A_10 = vector.load %arg1[%get3A_7, %get3A_8, %get3A_9] : memref<2x10240x128xf32, #tpu.memory_space<vmem>>, vector<1x10000x64xf32>
    %get3A_11 = vector.shape_cast %get3A_10 : vector<1x10000x64xf32> to vector<10000x64xf32>
    %add3A_12 = arith.addf %add3A, %get3A_11 : vector<10000x64xf32>
    %get3A_13 = arith.constant 0 : index
    %get3A_14 = arith.constant 0 : index
    %get3A_15 = vector.load %arg2[%get3A_13, %get3A_14] : memref<64x64xf32, #tpu.memory_space<vmem>>, vector<64x64xf32>
    %dot_general3A = arith.constant dense<0.000000e+00> : vector<10000x64xf32>
    %dot_general3A_16 = tpu.matmul %add3A_12, %get3A_15, %dot_general3A {dimension_numbers = #tpu.dot_dimension_numbers<[1], [0], [0], [1], [0, 0, 1, 1], [], []>, transpose_lhs_hint = false} : vector<10000x64xf32>, vector<64x64xf32>, vector<10000x64xf32> -> vector<10000x64xf32>
    %get3A_17 = arith.constant 0 : index
    %get3A_18 = arith.constant 0 : index
    %get3A_19 = vector.load %arg3[%get3A_17, %get3A_18] : memref<1x64xf32, #tpu.memory_space<vmem>>, vector<1x64xf32>
    %add3A_20 = vector.broadcast %get3A_19 : vector<1x64xf32> to vector<10000x64xf32>
    %add3A_21 = arith.addf %dot_general3A_16, %add3A_20 : vector<10000x64xf32>
    %max3A = arith.constant 0.000000e+00 : f32
    %max3A_22 = vector.broadcast %max3A : f32 to vector<10000x64xf32>
    %max3A_23 = arith.maximumf %add3A_21, %max3A_22 : vector<10000x64xf32>
    %get3A_24 = arith.constant 0 : index
    %get3A_25 = arith.constant 0 : index
    %get3A_26 = vector.load %arg4[%get3A_24, %get3A_25] : memref<64x64xf32, #tpu.memory_space<vmem>>, vector<64x64xf32>
    %dot_general3A_27 = arith.constant dense<0.000000e+00> : vector<10000x64xf32>
    %dot_general3A_28 = tpu.matmul %max3A_23, %get3A_26, %dot_general3A_27 {dimension_numbers = #tpu.dot_dimension_numbers<[1], [0], [0], [1], [0, 0, 1, 1], [], []>, transpose_lhs_hint = false} : vector<10000x64xf32>, vector<64x64xf32>, vector<10000x64xf32> -> vector<10000x64xf32>
    %get3A_29 = arith.constant 0 : index
    %get3A_30 = arith.constant 0 : index
    %get3A_31 = vector.load %arg5[%get3A_29, %get3A_30] : memref<1x64xf32, #tpu.memory_space<vmem>>, vector<1x64xf32>
    %add3A_32 = vector.broadcast %get3A_31 : vector<1x64xf32> to vector<10000x64xf32>
    %add3A_33 = arith.addf %dot_general3A_28, %add3A_32 : vector<10000x64xf32>
    %max3A_34 = arith.constant 0.000000e+00 : f32
    %max3A_35 = vector.broadcast %max3A_34 : f32 to vector<10000x64xf32>
    %max3A_36 = arith.maximumf %add3A_33, %max3A_35 : vector<10000x64xf32>
    %get3A_37 = arith.constant 0 : index
    %get3A_38 = arith.constant 0 : index
    %get3A_39 = vector.load %arg6[%get3A_37, %get3A_38] : memref<10000x1xi32, #tpu.memory_space<vmem>>, vector<10000x1xi32>
    %iota3A = tpu.iota {dimensions = array<i32: 1>} : vector<10000x32xi32>
    %eq3A = vector.broadcast %get3A_39 : vector<10000x1xi32> to vector<10000x32xi32>
    %eq3A_40 = arith.cmpi eq, %eq3A, %iota3A : vector<10000x32xi32>
    %get3A_41 = arith.constant 0 : index
    %get3A_42 = arith.constant 0 : index
    %get3A_43 = vector.load %arg7[%get3A_41, %get3A_42] : memref<256x128xf32, #tpu.memory_space<vmem>>, vector<256x128xf32>
    %get3A_44 = arith.constant 0 : index
    %get3A_45 = arith.constant 0 : index
    %get3A_46 = vector.load %arg8[%get3A_44, %get3A_45] : memref<256x64xf32, #tpu.memory_space<vmem>>, vector<256x64xf32>
    %get3A_47 = arith.constant 0 : index
    %get3A_48 = arith.constant 0 : index
    %get3A_49 = vector.load %arg9[%get3A_47, %get3A_48] : memref<1x256xf32, #tpu.memory_space<vmem>>, vector<1x256xf32>
    %get3A_50 = arith.constant 0 : index
    %get3A_51 = arith.constant 0 : index
    %get3A_52 = vector.load %arg10[%get3A_50, %get3A_51] : memref<1x256xf32, #tpu.memory_space<vmem>>, vector<1x256xf32>
    %broadcast_in_dim3A = arith.constant 0.000000e+00 : f32
    %broadcast_in_dim3A_53 = vector.broadcast %broadcast_in_dim3A : f32 to vector<32x128xf32>
    %broadcast_in_dim3A_54 = arith.constant 0.000000e+00 : f32
    %broadcast_in_dim3A_55 = vector.broadcast %broadcast_in_dim3A_54 : f32 to vector<32x64xf32>
    %broadcast_in_dim3A_56 = arith.constant 0.000000e+00 : f32
    %broadcast_in_dim3A_57 = vector.broadcast %broadcast_in_dim3A_56 : f32 to vector<32x64xf32>
    %dot_general3A_58 = arith.constant dense<0.000000e+00> : vector<32x256xf32>
    %dot_general3A_59 = tpu.matmul %broadcast_in_dim3A_53, %get3A_43, %dot_general3A_58 {dimension_numbers = #tpu.dot_dimension_numbers<[1], [1], [0], [0], [0, 0, 1, 0], [], []>, transpose_lhs_hint = false} : vector<32x128xf32>, vector<256x128xf32>, vector<32x256xf32> -> vector<32x256xf32>
    %add3A_60 = vector.broadcast %get3A_49 : vector<1x256xf32> to vector<32x256xf32>
    %add3A_61 = arith.addf %dot_general3A_59, %add3A_60 : vector<32x256xf32>
    %dot_general3A_62 = arith.constant dense<0.000000e+00> : vector<32x256xf32>
    %dot_general3A_63 = tpu.matmul %broadcast_in_dim3A_55, %get3A_46, %dot_general3A_62 {dimension_numbers = #tpu.dot_dimension_numbers<[1], [1], [0], [0], [0, 0, 1, 0], [], []>, transpose_lhs_hint = false} : vector<32x64xf32>, vector<256x64xf32>, vector<32x256xf32> -> vector<32x256xf32>
    %add3A_64 = arith.addf %add3A_61, %dot_general3A_63 : vector<32x256xf32>
    %add3A_65 = vector.broadcast %get3A_52 : vector<1x256xf32> to vector<32x256xf32>
    %add3A_66 = arith.addf %add3A_64, %add3A_65 : vector<32x256xf32>
    %slice3A = vector.extract_strided_slice %add3A_66 {offsets = [0, 0], sizes = [32, 64], strides = [1, 1]} : vector<32x256xf32> to vector<32x64xf32>
    %logistic3A = arith.negf %slice3A : vector<32x64xf32>
    %logistic3A_67 = math.exp %logistic3A : vector<32x64xf32>
    %logistic3A_68 = arith.constant 1.000000e+00 : f32
    %logistic3A_69 = vector.broadcast %logistic3A_68 : f32 to vector<32x64xf32>
    %logistic3A_70 = arith.addf %logistic3A_69, %logistic3A_67 : vector<32x64xf32>
    %logistic3A_71 = arith.divf %logistic3A_69, %logistic3A_70 : vector<32x64xf32>
    %slice3A_72 = vector.extract_strided_slice %add3A_66 {offsets = [0, 64], sizes = [32, 64], strides = [1, 1]} : vector<32x256xf32> to vector<32x64xf32>
    %logistic3A_73 = arith.negf %slice3A_72 : vector<32x64xf32>
    %logistic3A_74 = math.exp %logistic3A_73 : vector<32x64xf32>
    %logistic3A_75 = arith.constant 1.000000e+00 : f32
    %logistic3A_76 = vector.broadcast %logistic3A_75 : f32 to vector<32x64xf32>
    %logistic3A_77 = arith.addf %logistic3A_76, %logistic3A_74 : vector<32x64xf32>
    %logistic3A_78 = arith.divf %logistic3A_76, %logistic3A_77 : vector<32x64xf32>
    %slice3A_79 = vector.extract_strided_slice %add3A_66 {offsets = [0, 128], sizes = [32, 64], strides = [1, 1]} : vector<32x256xf32> to vector<32x64xf32>
    %tanh3A = math.tanh %slice3A_79 : vector<32x64xf32>
    %slice3A_80 = vector.extract_strided_slice %add3A_66 {offsets = [0, 192], sizes = [32, 64], strides = [1, 1]} : vector<32x256xf32> to vector<32x64xf32>
    %logistic3A_81 = arith.negf %slice3A_80 : vector<32x64xf32>
    %logistic3A_82 = math.exp %logistic3A_81 : vector<32x64xf32>
    %logistic3A_83 = arith.constant 1.000000e+00 : f32
    %logistic3A_84 = vector.broadcast %logistic3A_83 : f32 to vector<32x64xf32>
    %logistic3A_85 = arith.addf %logistic3A_84, %logistic3A_82 : vector<32x64xf32>
    %logistic3A_86 = arith.divf %logistic3A_84, %logistic3A_85 : vector<32x64xf32>
    %mul3A = arith.mulf %logistic3A_78, %broadcast_in_dim3A_57 : vector<32x64xf32>
    %mul3A_87 = arith.mulf %logistic3A_71, %tanh3A : vector<32x64xf32>
    %add3A_88 = arith.addf %mul3A, %mul3A_87 : vector<32x64xf32>
    %tanh3A_89 = math.tanh %add3A_88 : vector<32x64xf32>
    %mul3A_90 = arith.mulf %logistic3A_86, %tanh3A_89 : vector<32x64xf32>
    %dot_general3A_91 = arith.constant dense<0.000000e+00> : vector<10000x32xf32>
    %dot_general3A_92 = tpu.matmul %max3A_36, %mul3A_90, %dot_general3A_91 {dimension_numbers = #tpu.dot_dimension_numbers<[1], [1], [0], [0], [0, 0, 1, 0], [], []>, transpose_lhs_hint = false} : vector<10000x64xf32>, vector<32x64xf32>, vector<10000x32xf32> -> vector<10000x32xf32>
    %jit3A = arith.constant 0xFF800000 : f32
    %broadcast_in_dim3A_93 = vector.broadcast %jit3A : f32 to vector<10000x32xf32>
    %select_n3A = arith.select %eq3A_40, %dot_general3A_92, %broadcast_in_dim3A_93 : vector<10000x32xi1>, vector<10000x32xf32>
    %reduce_max3A = arith.constant dense<0xFF800000> : vector<32xf32>
    %reduce_max3A_94 = vector.multi_reduction <maximumf>, %select_n3A, %reduce_max3A [0] : vector<10000x32xf32> to vector<32xf32>
    %broadcast_in_dim3A_95 = vector.shape_cast %reduce_max3A_94 : vector<32xf32> to vector<1x32xf32>
    %is_finite3A = tpu.weird %broadcast_in_dim3A_95 : vector<1x32xf32> -> vector<1x32xi1>
    %is_finite3A_96 = arith.constant dense<true> : vector<1x32xi1>
    %is_finite3A_97 = arith.xori %is_finite3A, %is_finite3A_96 : vector<1x32xi1>
    %jit3A_98 = arith.constant 0.000000e+00 : f32
    %broadcast_in_dim3A_99 = vector.broadcast %jit3A_98 : f32 to vector<1x32xf32>
    %select_n3A_100 = arith.select %is_finite3A_97, %broadcast_in_dim3A_95, %broadcast_in_dim3A_99 : vector<1x32xi1>, vector<1x32xf32>
    %sub3A = vector.broadcast %select_n3A_100 : vector<1x32xf32> to vector<10000x32xf32>
    %sub3A_101 = arith.subf %dot_general3A_92, %sub3A : vector<10000x32xf32>
    %exp3A = math.exp %sub3A_101 : vector<10000x32xf32>
    %jit3A_102 = arith.constant 0.000000e+00 : f32
    %broadcast_in_dim3A_103 = vector.broadcast %jit3A_102 : f32 to vector<10000x32xf32>
    %select_n3A_104 = arith.select %eq3A_40, %exp3A, %broadcast_in_dim3A_103 : vector<10000x32xi1>, vector<10000x32xf32>
    %reduce_sum3A = arith.constant dense<0.000000e+00> : vector<32xf32>
    %reduce_sum3A_105 = vector.multi_reduction <add>, %select_n3A_104, %reduce_sum3A [0] : vector<10000x32xf32> to vector<32xf32>
    %broadcast_in_dim3A_106 = vector.shape_cast %reduce_sum3A_105 : vector<32xf32> to vector<1x32xf32>
    %add3A_107 = arith.constant 1.000000e-16 : f32
    %add3A_108 = vector.broadcast %add3A_107 : f32 to vector<1x32xf32>
    %add3A_109 = arith.addf %broadcast_in_dim3A_106, %add3A_108 : vector<1x32xf32>
    %div3A = vector.broadcast %add3A_109 : vector<1x32xf32> to vector<10000x32xf32>
    %div3A_110 = arith.divf %select_n3A_104, %div3A : vector<10000x32xf32>
    %dot_general3A_111 = arith.constant dense<0.000000e+00> : vector<32x64xf32>
    %dot_general3A_112 = tpu.matmul %div3A_110, %max3A_36, %dot_general3A_111 {dimension_numbers = #tpu.dot_dimension_numbers<[0], [0], [1], [1], [0, 1, 1, 1], [], []>, transpose_lhs_hint = false} : vector<10000x32xf32>, vector<10000x64xf32>, vector<32x64xf32> -> vector<32x64xf32>
    %concatenate3A = tpu.concatenate %mul3A_90, %dot_general3A_112 in 1 : vector<32x64xf32>, vector<32x64xf32> -> vector<32x128xf32>
    %dot_general3A_113 = arith.constant dense<0.000000e+00> : vector<32x256xf32>
    %dot_general3A_114 = tpu.matmul %concatenate3A, %get3A_43, %dot_general3A_113 {dimension_numbers = #tpu.dot_dimension_numbers<[1], [1], [0], [0], [0, 0, 1, 0], [], []>, transpose_lhs_hint = false} : vector<32x128xf32>, vector<256x128xf32>, vector<32x256xf32> -> vector<32x256xf32>
    %add3A_115 = vector.broadcast %get3A_49 : vector<1x256xf32> to vector<32x256xf32>
    %add3A_116 = arith.addf %dot_general3A_114, %add3A_115 : vector<32x256xf32>
    %dot_general3A_117 = arith.constant dense<0.000000e+00> : vector<32x256xf32>
    %dot_general3A_118 = tpu.matmul %mul3A_90, %get3A_46, %dot_general3A_117 {dimension_numbers = #tpu.dot_dimension_numbers<[1], [1], [0], [0], [0, 0, 1, 0], [], []>, transpose_lhs_hint = false} : vector<32x64xf32>, vector<256x64xf32>, vector<32x256xf32> -> vector<32x256xf32>
    %add3A_119 = arith.addf %add3A_116, %dot_general3A_118 : vector<32x256xf32>
    %add3A_120 = vector.broadcast %get3A_52 : vector<1x256xf32> to vector<32x256xf32>
    %add3A_121 = arith.addf %add3A_119, %add3A_120 : vector<32x256xf32>
    %slice3A_122 = vector.extract_strided_slice %add3A_121 {offsets = [0, 0], sizes = [32, 64], strides = [1, 1]} : vector<32x256xf32> to vector<32x64xf32>
    %logistic3A_123 = arith.negf %slice3A_122 : vector<32x64xf32>
    %logistic3A_124 = math.exp %logistic3A_123 : vector<32x64xf32>
    %logistic3A_125 = arith.constant 1.000000e+00 : f32
    %logistic3A_126 = vector.broadcast %logistic3A_125 : f32 to vector<32x64xf32>
    %logistic3A_127 = arith.addf %logistic3A_126, %logistic3A_124 : vector<32x64xf32>
    %logistic3A_128 = arith.divf %logistic3A_126, %logistic3A_127 : vector<32x64xf32>
    %slice3A_129 = vector.extract_strided_slice %add3A_121 {offsets = [0, 64], sizes = [32, 64], strides = [1, 1]} : vector<32x256xf32> to vector<32x64xf32>
    %logistic3A_130 = arith.negf %slice3A_129 : vector<32x64xf32>
    %logistic3A_131 = math.exp %logistic3A_130 : vector<32x64xf32>
    %logistic3A_132 = arith.constant 1.000000e+00 : f32
    %logistic3A_133 = vector.broadcast %logistic3A_132 : f32 to vector<32x64xf32>
    %logistic3A_134 = arith.addf %logistic3A_133, %logistic3A_131 : vector<32x64xf32>
    %logistic3A_135 = arith.divf %logistic3A_133, %logistic3A_134 : vector<32x64xf32>
    %slice3A_136 = vector.extract_strided_slice %add3A_121 {offsets = [0, 128], sizes = [32, 64], strides = [1, 1]} : vector<32x256xf32> to vector<32x64xf32>
    %tanh3A_137 = math.tanh %slice3A_136 : vector<32x64xf32>
    %slice3A_138 = vector.extract_strided_slice %add3A_121 {offsets = [0, 192], sizes = [32, 64], strides = [1, 1]} : vector<32x256xf32> to vector<32x64xf32>
    %logistic3A_139 = arith.negf %slice3A_138 : vector<32x64xf32>
    %logistic3A_140 = math.exp %logistic3A_139 : vector<32x64xf32>
    %logistic3A_141 = arith.constant 1.000000e+00 : f32
    %logistic3A_142 = vector.broadcast %logistic3A_141 : f32 to vector<32x64xf32>
    %logistic3A_143 = arith.addf %logistic3A_142, %logistic3A_140 : vector<32x64xf32>
    %logistic3A_144 = arith.divf %logistic3A_142, %logistic3A_143 : vector<32x64xf32>
    %mul3A_145 = arith.mulf %logistic3A_135, %add3A_88 : vector<32x64xf32>
    %mul3A_146 = arith.mulf %logistic3A_128, %tanh3A_137 : vector<32x64xf32>
    %add3A_147 = arith.addf %mul3A_145, %mul3A_146 : vector<32x64xf32>
    %tanh3A_148 = math.tanh %add3A_147 : vector<32x64xf32>
    %mul3A_149 = arith.mulf %logistic3A_144, %tanh3A_148 : vector<32x64xf32>
    %dot_general3A_150 = arith.constant dense<0.000000e+00> : vector<10000x32xf32>
    %dot_general3A_151 = tpu.matmul %max3A_36, %mul3A_149, %dot_general3A_150 {dimension_numbers = #tpu.dot_dimension_numbers<[1], [1], [0], [0], [0, 0, 1, 0], [], []>, transpose_lhs_hint = false} : vector<10000x64xf32>, vector<32x64xf32>, vector<10000x32xf32> -> vector<10000x32xf32>
    %jit3A_152 = arith.constant 0xFF800000 : f32
    %broadcast_in_dim3A_153 = vector.broadcast %jit3A_152 : f32 to vector<10000x32xf32>
    %select_n3A_154 = arith.select %eq3A_40, %dot_general3A_151, %broadcast_in_dim3A_153 : vector<10000x32xi1>, vector<10000x32xf32>
    %reduce_max3A_155 = arith.constant dense<0xFF800000> : vector<32xf32>
    %reduce_max3A_156 = vector.multi_reduction <maximumf>, %select_n3A_154, %reduce_max3A_155 [0] : vector<10000x32xf32> to vector<32xf32>
    %broadcast_in_dim3A_157 = vector.shape_cast %reduce_max3A_156 : vector<32xf32> to vector<1x32xf32>
    %is_finite3A_158 = tpu.weird %broadcast_in_dim3A_157 : vector<1x32xf32> -> vector<1x32xi1>
    %is_finite3A_159 = arith.constant dense<true> : vector<1x32xi1>
    %is_finite3A_160 = arith.xori %is_finite3A_158, %is_finite3A_159 : vector<1x32xi1>
    %jit3A_161 = arith.constant 0.000000e+00 : f32
    %broadcast_in_dim3A_162 = vector.broadcast %jit3A_161 : f32 to vector<1x32xf32>
    %select_n3A_163 = arith.select %is_finite3A_160, %broadcast_in_dim3A_157, %broadcast_in_dim3A_162 : vector<1x32xi1>, vector<1x32xf32>
    %sub3A_164 = vector.broadcast %select_n3A_163 : vector<1x32xf32> to vector<10000x32xf32>
    %sub3A_165 = arith.subf %dot_general3A_151, %sub3A_164 : vector<10000x32xf32>
    %exp3A_166 = math.exp %sub3A_165 : vector<10000x32xf32>
    %jit3A_167 = arith.constant 0.000000e+00 : f32
    %broadcast_in_dim3A_168 = vector.broadcast %jit3A_167 : f32 to vector<10000x32xf32>
    %select_n3A_169 = arith.select %eq3A_40, %exp3A_166, %broadcast_in_dim3A_168 : vector<10000x32xi1>, vector<10000x32xf32>
    %reduce_sum3A_170 = arith.constant dense<0.000000e+00> : vector<32xf32>
    %reduce_sum3A_171 = vector.multi_reduction <add>, %select_n3A_169, %reduce_sum3A_170 [0] : vector<10000x32xf32> to vector<32xf32>
    %broadcast_in_dim3A_172 = vector.shape_cast %reduce_sum3A_171 : vector<32xf32> to vector<1x32xf32>
    %add3A_173 = arith.constant 1.000000e-16 : f32
    %add3A_174 = vector.broadcast %add3A_173 : f32 to vector<1x32xf32>
    %add3A_175 = arith.addf %broadcast_in_dim3A_172, %add3A_174 : vector<1x32xf32>
    %div3A_176 = vector.broadcast %add3A_175 : vector<1x32xf32> to vector<10000x32xf32>
    %div3A_177 = arith.divf %select_n3A_169, %div3A_176 : vector<10000x32xf32>
    %dot_general3A_178 = arith.constant dense<0.000000e+00> : vector<32x64xf32>
    %dot_general3A_179 = tpu.matmul %div3A_177, %max3A_36, %dot_general3A_178 {dimension_numbers = #tpu.dot_dimension_numbers<[0], [0], [1], [1], [0, 1, 1, 1], [], []>, transpose_lhs_hint = false} : vector<10000x32xf32>, vector<10000x64xf32>, vector<32x64xf32> -> vector<32x64xf32>
    %concatenate3A_180 = tpu.concatenate %mul3A_149, %dot_general3A_179 in 1 : vector<32x64xf32>, vector<32x64xf32> -> vector<32x128xf32>
    %dot_general3A_181 = arith.constant dense<0.000000e+00> : vector<32x256xf32>
    %dot_general3A_182 = tpu.matmul %concatenate3A_180, %get3A_43, %dot_general3A_181 {dimension_numbers = #tpu.dot_dimension_numbers<[1], [1], [0], [0], [0, 0, 1, 0], [], []>, transpose_lhs_hint = false} : vector<32x128xf32>, vector<256x128xf32>, vector<32x256xf32> -> vector<32x256xf32>
    %add3A_183 = vector.broadcast %get3A_49 : vector<1x256xf32> to vector<32x256xf32>
    %add3A_184 = arith.addf %dot_general3A_182, %add3A_183 : vector<32x256xf32>
    %dot_general3A_185 = arith.constant dense<0.000000e+00> : vector<32x256xf32>
    %dot_general3A_186 = tpu.matmul %mul3A_149, %get3A_46, %dot_general3A_185 {dimension_numbers = #tpu.dot_dimension_numbers<[1], [1], [0], [0], [0, 0, 1, 0], [], []>, transpose_lhs_hint = false} : vector<32x64xf32>, vector<256x64xf32>, vector<32x256xf32> -> vector<32x256xf32>
    %add3A_187 = arith.addf %add3A_184, %dot_general3A_186 : vector<32x256xf32>
    %add3A_188 = vector.broadcast %get3A_52 : vector<1x256xf32> to vector<32x256xf32>
    %add3A_189 = arith.addf %add3A_187, %add3A_188 : vector<32x256xf32>
    %slice3A_190 = vector.extract_strided_slice %add3A_189 {offsets = [0, 0], sizes = [32, 64], strides = [1, 1]} : vector<32x256xf32> to vector<32x64xf32>
    %logistic3A_191 = arith.negf %slice3A_190 : vector<32x64xf32>
    %logistic3A_192 = math.exp %logistic3A_191 : vector<32x64xf32>
    %logistic3A_193 = arith.constant 1.000000e+00 : f32
    %logistic3A_194 = vector.broadcast %logistic3A_193 : f32 to vector<32x64xf32>
    %logistic3A_195 = arith.addf %logistic3A_194, %logistic3A_192 : vector<32x64xf32>
    %logistic3A_196 = arith.divf %logistic3A_194, %logistic3A_195 : vector<32x64xf32>
    %slice3A_197 = vector.extract_strided_slice %add3A_189 {offsets = [0, 64], sizes = [32, 64], strides = [1, 1]} : vector<32x256xf32> to vector<32x64xf32>
    %logistic3A_198 = arith.negf %slice3A_197 : vector<32x64xf32>
    %logistic3A_199 = math.exp %logistic3A_198 : vector<32x64xf32>
    %logistic3A_200 = arith.constant 1.000000e+00 : f32
    %logistic3A_201 = vector.broadcast %logistic3A_200 : f32 to vector<32x64xf32>
    %logistic3A_202 = arith.addf %logistic3A_201, %logistic3A_199 : vector<32x64xf32>
    %logistic3A_203 = arith.divf %logistic3A_201, %logistic3A_202 : vector<32x64xf32>
    %slice3A_204 = vector.extract_strided_slice %add3A_189 {offsets = [0, 128], sizes = [32, 64], strides = [1, 1]} : vector<32x256xf32> to vector<32x64xf32>
    %tanh3A_205 = math.tanh %slice3A_204 : vector<32x64xf32>
    %slice3A_206 = vector.extract_strided_slice %add3A_189 {offsets = [0, 192], sizes = [32, 64], strides = [1, 1]} : vector<32x256xf32> to vector<32x64xf32>
    %logistic3A_207 = arith.negf %slice3A_206 : vector<32x64xf32>
    %logistic3A_208 = math.exp %logistic3A_207 : vector<32x64xf32>
    %logistic3A_209 = arith.constant 1.000000e+00 : f32
    %logistic3A_210 = vector.broadcast %logistic3A_209 : f32 to vector<32x64xf32>
    %logistic3A_211 = arith.addf %logistic3A_210, %logistic3A_208 : vector<32x64xf32>
    %logistic3A_212 = arith.divf %logistic3A_210, %logistic3A_211 : vector<32x64xf32>
    %mul3A_213 = arith.mulf %logistic3A_203, %add3A_147 : vector<32x64xf32>
    %mul3A_214 = arith.mulf %logistic3A_196, %tanh3A_205 : vector<32x64xf32>
    %add3A_215 = arith.addf %mul3A_213, %mul3A_214 : vector<32x64xf32>
    %tanh3A_216 = math.tanh %add3A_215 : vector<32x64xf32>
    %mul3A_217 = arith.mulf %logistic3A_212, %tanh3A_216 : vector<32x64xf32>
    %dot_general3A_218 = arith.constant dense<0.000000e+00> : vector<10000x32xf32>
    %dot_general3A_219 = tpu.matmul %max3A_36, %mul3A_217, %dot_general3A_218 {dimension_numbers = #tpu.dot_dimension_numbers<[1], [1], [0], [0], [0, 0, 1, 0], [], []>, transpose_lhs_hint = false} : vector<10000x64xf32>, vector<32x64xf32>, vector<10000x32xf32> -> vector<10000x32xf32>
    %jit3A_220 = arith.constant 0xFF800000 : f32
    %broadcast_in_dim3A_221 = vector.broadcast %jit3A_220 : f32 to vector<10000x32xf32>
    %select_n3A_222 = arith.select %eq3A_40, %dot_general3A_219, %broadcast_in_dim3A_221 : vector<10000x32xi1>, vector<10000x32xf32>
    %reduce_max3A_223 = arith.constant dense<0xFF800000> : vector<32xf32>
    %reduce_max3A_224 = vector.multi_reduction <maximumf>, %select_n3A_222, %reduce_max3A_223 [0] : vector<10000x32xf32> to vector<32xf32>
    %broadcast_in_dim3A_225 = vector.shape_cast %reduce_max3A_224 : vector<32xf32> to vector<1x32xf32>
    %is_finite3A_226 = tpu.weird %broadcast_in_dim3A_225 : vector<1x32xf32> -> vector<1x32xi1>
    %is_finite3A_227 = arith.constant dense<true> : vector<1x32xi1>
    %is_finite3A_228 = arith.xori %is_finite3A_226, %is_finite3A_227 : vector<1x32xi1>
    %jit3A_229 = arith.constant 0.000000e+00 : f32
    %broadcast_in_dim3A_230 = vector.broadcast %jit3A_229 : f32 to vector<1x32xf32>
    %select_n3A_231 = arith.select %is_finite3A_228, %broadcast_in_dim3A_225, %broadcast_in_dim3A_230 : vector<1x32xi1>, vector<1x32xf32>
    %sub3A_232 = vector.broadcast %select_n3A_231 : vector<1x32xf32> to vector<10000x32xf32>
    %sub3A_233 = arith.subf %dot_general3A_219, %sub3A_232 : vector<10000x32xf32>
    %exp3A_234 = math.exp %sub3A_233 : vector<10000x32xf32>
    %jit3A_235 = arith.constant 0.000000e+00 : f32
    %broadcast_in_dim3A_236 = vector.broadcast %jit3A_235 : f32 to vector<10000x32xf32>
    %select_n3A_237 = arith.select %eq3A_40, %exp3A_234, %broadcast_in_dim3A_236 : vector<10000x32xi1>, vector<10000x32xf32>
    %reduce_sum3A_238 = arith.constant dense<0.000000e+00> : vector<32xf32>
    %reduce_sum3A_239 = vector.multi_reduction <add>, %select_n3A_237, %reduce_sum3A_238 [0] : vector<10000x32xf32> to vector<32xf32>
    %broadcast_in_dim3A_240 = vector.shape_cast %reduce_sum3A_239 : vector<32xf32> to vector<1x32xf32>
    %add3A_241 = arith.constant 1.000000e-16 : f32
    %add3A_242 = vector.broadcast %add3A_241 : f32 to vector<1x32xf32>
    %add3A_243 = arith.addf %broadcast_in_dim3A_240, %add3A_242 : vector<1x32xf32>
    %div3A_244 = vector.broadcast %add3A_243 : vector<1x32xf32> to vector<10000x32xf32>
    %div3A_245 = arith.divf %select_n3A_237, %div3A_244 : vector<10000x32xf32>
    %dot_general3A_246 = arith.constant dense<0.000000e+00> : vector<32x64xf32>
    %dot_general3A_247 = tpu.matmul %div3A_245, %max3A_36, %dot_general3A_246 {dimension_numbers = #tpu.dot_dimension_numbers<[0], [0], [1], [1], [0, 1, 1, 1], [], []>, transpose_lhs_hint = false} : vector<10000x32xf32>, vector<10000x64xf32>, vector<32x64xf32> -> vector<32x64xf32>
    %concatenate3A_248 = tpu.concatenate %mul3A_217, %dot_general3A_247 in 1 : vector<32x64xf32>, vector<32x64xf32> -> vector<32x128xf32>
    %get3A_249 = arith.constant 0 : index
    %get3A_250 = arith.constant 0 : index
    %get3A_251 = vector.load %arg11[%get3A_249, %get3A_250] : memref<128x64xf32, #tpu.memory_space<vmem>>, vector<128x64xf32>
    %dot_general3A_252 = arith.constant dense<0.000000e+00> : vector<32x64xf32>
    %dot_general3A_253 = tpu.matmul %concatenate3A_248, %get3A_251, %dot_general3A_252 {dimension_numbers = #tpu.dot_dimension_numbers<[1], [0], [0], [1], [0, 0, 1, 1], [], []>, transpose_lhs_hint = false} : vector<32x128xf32>, vector<128x64xf32>, vector<32x64xf32> -> vector<32x64xf32>
    %get3A_254 = arith.constant 0 : index
    %get3A_255 = arith.constant 0 : index
    %get3A_256 = vector.load %arg12[%get3A_254, %get3A_255] : memref<1x64xf32, #tpu.memory_space<vmem>>, vector<1x64xf32>
    %add3A_257 = vector.broadcast %get3A_256 : vector<1x64xf32> to vector<32x64xf32>
    %add3A_258 = arith.addf %dot_general3A_253, %add3A_257 : vector<32x64xf32>
    %max3A_259 = arith.constant 0.000000e+00 : f32
    %max3A_260 = vector.broadcast %max3A_259 : f32 to vector<32x64xf32>
    %max3A_261 = arith.maximumf %add3A_258, %max3A_260 : vector<32x64xf32>
    %get3A_262 = arith.constant 0 : index
    %get3A_263 = arith.constant 0 : index
    %get3A_264 = vector.load %arg13[%get3A_262, %get3A_263] : memref<64x1xf32, #tpu.memory_space<vmem>>, vector<64x1xf32>
    %dot_general3A_265 = arith.constant dense<0.000000e+00> : vector<32x1xf32>
    %dot_general3A_266 = tpu.matmul %max3A_261, %get3A_264, %dot_general3A_265 {dimension_numbers = #tpu.dot_dimension_numbers<[1], [0], [0], [1], [0, 0, 1, 1], [], []>, transpose_lhs_hint = false} : vector<32x64xf32>, vector<64x1xf32>, vector<32x1xf32> -> vector<32x1xf32>
    %get3A_267 = arith.constant 0 : index
    %get3A_268 = arith.constant 0 : index
    %get3A_269 = vector.load %arg14[%get3A_267, %get3A_268] : memref<1x1xf32, #tpu.memory_space<vmem>>, vector<1x1xf32>
    %add3A_270 = vector.broadcast %get3A_269 : vector<1x1xf32> to vector<32x1xf32>
    %add3A_271 = arith.addf %dot_general3A_266, %add3A_270 : vector<32x1xf32>
    %swap3A = arith.constant 0 : index
    %swap3A_272 = arith.constant 0 : index
    %swap3A_273 = vector.load %arg15[%swap3A, %swap3A_272] : memref<32x1xf32, #tpu.memory_space<vmem>>, vector<32x1xf32>
    tpu.vector_store %arg15[%swap3A, %swap3A_272], %add3A_271 {strides = array<i32>} : memref<32x1xf32, #tpu.memory_space<vmem>>, vector<32x1xf32>,
    return
  }
}

</mosaic_0001>

<sc_bundles>
// kernel: kernel.10.cloned.1.call-start
scs
__scs_entry_jumppad:
0x0: {  	(pc) =	sbr.rel $0x88, $3  }
0x1: {  	(tag) =	ssettag $0x0;
	lr =	simm.s32 $0x1  }
0x2: {  	[smem:$0x3F88] =	sst lr;
	_ =	strace $0xD0000000  }
0x3: {  	_ = 	snop  }
0x4: {  	_ = 	snop  }
0x5: {  	_ = 	snop  }
0x6: {  	_ = 	snop  }
0x7: {  	_ = 	snop  }
__scs_overlays_trampoline_lowered:
0x8: {  	[smem:$0x3F97] =	sst s0  }
0x9: {  	[smem:$0x3F98] =	sst s1  }
0xa: {  	[smem:$0x3F99] =	sst s2  }
0xb: {  	[smem:$0x3F9A] =	sst s3  }
0xc: {  	[smem:$0x3F9B] =	sst s4  }
0xd: {  	[smem:$0x3F9C] =	sst s5  }
0xe: {  	[smem:$0x3F9D] =	sst s6  }
0xf: {  	[smem:$0x3F9E] =	sst s7  }
0x10: {  	[smem:$0x3F9F] =	sst s8  }
0x11: {  	[smem:$0x3FA0] =	sst s9;
	s0 =	simm.s32 @!p0 $0x0  }
0x12: {  	s1 =	sld [smem:$0x3F86];
	s0 =	simm.s32 @p0 $0x1  }
0x13: {  	[smem:$0x3FA1] =	sst s0;
	s0 =	simm.s32 @!p1 $0x0  }
0x14: {  	s2 =	sld [smem:$0x3F85];
	s0 =	simm.s32 @p1 $0x1  }
0x15: {  	[smem:$0x3FA2] =	sst s0;
	s0 =	simm.s32 @!p2 $0x0  }
0x16: {  	s3 =	sld [smem:$0x3FDB];
	s0 =	simm.s32 @p2 $0x1  }
0x17: {  	s4 =	simm.s32 $0x1BF5;
	[smem:$0x3FA4] =	sst s0  }
0x18: {  	s0 =	sld [smem:$0x3F87];
	_ =	swait.ge [sflag:s4], $0x0  }
0x19: {  	s7 =	sld [smem:$0x3F88]  }
0x1a: {  	s8 =	sadd.s32 $0xFFFFE003, lr  }
0x1b: {  	s9 =	sadd.s32 $0xFFFFFEF7, lr;
	s5 =	simm.s32 $0xFFFFFFFF;
	p2 =	slt.u32 s8, $0xFFFFF086  }
0x1c: {  	p1 =	slt.u32 s9, $0xF7A;
	s5 =	simm.s32 @!p2 $0x0  }
0x1d: {  	s5 =	simm.s32 @p1 $0x1;
	p0 =	seq.s32 s7, s2  }
0x1e: {  	s7 =	smul.u32 @!p0 $0xF7A, s2;
	p2 =	seq.s32 @!p0 s5, $0x0  }
0x1f: {  	s9 =	smul.u32 $0xF7A, s1;
	s8 =	simm.s32 @!p0 $0x1BF5;
	p2 =	por !p2, p0  }
0x20: {  	[sflag:s8] =	ssyncset.s32 @!p0 $0xFFFFF086;
	s6 =	sadd.s32 @!p0 s3, s7;
	s7 =	simm.s32 @!p0 $0x108  }
0x21: {  	s3 =	sadd.s32 s3, s9;
	s6 =	sadd.s32 @!p0 $0x88, s6;
	s7 =	simm.s32 @p2 $0x1082  }
0x22: {  	[simem:s7], [sflag:s8] =	dma.local @!p0 [hbm:s6], $0xF7A  }
0x23: {  	s9 =	sor.u32 $0xD0000000, s2;
	s6 =	simm.s32 $0x108;
	_ =	swait.ge @!p0 [sflag:s8], $0x0  }
0x24: {  	s3 =	sadd.s32 $0x88, s3;
	s6 =	simm.s32 @!p1 $0x1082;
	[sflag:s4] =	ssyncset.s32 $0xFFFFF086  }
0x25: {  	[simem:s6], [sflag:s4] =	dma.local [hbm:s3], $0xF7A  }
0x26: {  	[smem:$0x3F88] =	sst s1;
	(tag) =	ssettag s2;
	_ =	strace s9  }
0x27: {  	s1 =	sld [smem:$0x3F98]  }
0x28: {  	s2 =	sld [smem:$0x3F99]  }
0x29: {  	s4 =	sld [smem:$0x3F9B]  }
0x2a: {  	p0 =	seq.s32 s5, $0x0;
	s5 =	sld [smem:$0x3F9C]  }
0x2b: {  	s6 =	sld [smem:$0x3F9D]  }
0x2c: {  	s7 =	sld [smem:$0x3F9E]  }
0x2d: {  	s3 =	simm.s32 $0x108;
	s8 =	sld [smem:$0x3F9F]  }
0x2e: {  	s3 =	simm.s32 @!p0 $0x1082;
	s9 =	sld [smem:$0x3FA0]  }
0x2f: {  	lr =	sadd.s32 s0, s3;
	s0 =	sld [smem:$0x3F97]  }
0x30: {  	s3 =	sld [smem:$0x3F9A]  }
0x31: {  	[smem:$0x3FA3] =	sst s10  }
0x32: {  	s10 =	sld [smem:$0x3FA1];
	_ =	sdelay $0x3  }
0x33: {  	p0 =	seq.s32 s10, $0x1;
	s10 =	sld [smem:$0x3FA3];
	_ =	sdelay $0x3  }
0x34: {  	[smem:$0x3FA3] =	sst s10  }
0x35: {  	s10 =	sld [smem:$0x3FA2];
	_ =	sdelay $0x3  }
0x36: {  	p1 =	seq.s32 s10, $0x1;
	s10 =	sld [smem:$0x3FA3];
	_ =	sdelay $0x3  }
0x37: {  	[smem:$0x3FA3] =	sst s10  }
0x38: {  	s10 =	sld [smem:$0x3FA4]  }
0x39: {  	_ = 	snop;
	(pc) =	sbr.ind lr, $3  }
0x3a: {  	_ = 	snop  }
0x3b: {  	_ = 	snop  }
0x3c: {  	p2 =	seq.s32 s10, $0x1;
	s10 =	sld [smem:$0x3FA3]  }
0x3d: {  	_ =	shalt  }
0x3e: {  	_ =	shalt  }
0x3f: {  	_ =	shalt  }
0x40: {  	_ =	shalt  }
0x41: {  	_ =	shalt  }
0x42: {  	_ =	shalt  }
0x43: {  	_ =	shalt  }
0x44: {  	_ =	shalt  }
0x45: {  	_ =	shalt  }
0x46: {  	_ =	shalt  }
0x47: {  	_ =	shalt  }
0x48: {  	_ =	shalt  }
0x49: {  	_ =	shalt  }
0x4a: {  	_ =	shalt  }
0x4b: {  	_ =	shalt  }
0x4c: {  	_ =	shalt  }
0x4d: {  	_ =	shalt  }
0x4e: {  	_ =	shalt  }
0x4f: {  	_ =	shalt  }
0x50: {  	_ =	shalt  }
0x51: {  	_ =	shalt  }
0x52: {  	_ =	shalt  }
0x53: {  	_ =	shalt  }
0x54: {  	_ =	shalt  }
0x55: {  	_ =	shalt  }
0x56: {  	_ =	shalt  }
0x57: {  	_ =	shalt  }
0x58: {  	_ =	shalt  }
0x59: {  	_ =	shalt  }
0x5a: {  	_ =	shalt  }
0x5b: {  	_ =	shalt  }
0x5c: {  	_ =	shalt  }
0x5d: {  	_ =	shalt  }
0x5e: {  	_ =	shalt  }
0x5f: {  	_ =	shalt  }
0x60: {  	_ =	shalt  }
0x61: {  	_ =	shalt  }
0x62: {  	_ =	shalt  }
0x63: {  	_ =	shalt  }
0x64: {  	_ =	shalt  }
0x65: {  	_ =	shalt  }
0x66: {  	_ =	shalt  }
0x67: {  	_ =	shalt  }
0x68: {  	_ =	shalt  }
0x69: {  	_ =	shalt  }
0x6a: {  	_ =	shalt  }
0x6b: {  	_ =	shalt  }
0x6c: {  	_ =	shalt  }
0x6d: {  	_ =	shalt  }
0x6e: {  	_ =	shalt  }
0x6f: {  	_ =	shalt  }
0x70: {  	_ =	shalt  }
0x71: {  	_ =	shalt  }
0x72: {  	_ =	shalt  }
0x73: {  	_ =	shalt  }
0x74: {  	_ =	shalt  }
0x75: {  	_ =	shalt  }
0x76: {  	_ =	shalt  }
0x77: {  	_ =	shalt  }
0x78: {  	_ =	shalt  }
0x79: {  	_ =	shalt  }
0x7a: {  	_ =	shalt  }
0x7b: {  	_ =	shalt  }
0x7c: {  	_ =	shalt  }
0x7d: {  	_ =	shalt  }
0x7e: {  	_ =	shalt  }
0x7f: {  	_ =	shalt  }
0x80: {  	_ =	shalt  }
0x81: {  	_ =	shalt  }
0x82: {  	_ =	shalt  }
0x83: {  	_ =	shalt  }
0x84: {  	_ =	shalt  }
0x85: {  	_ =	shalt  }
0x86: {  	_ =	shalt  }
0x87: {  	_ =	shalt  }
.Lfunc_end0:
.L_simem_size_0:
called_computation.1_lowered:
.L_overlay_start_0:
0x88: {  	s2 =	sld [smem:$0x3FD9]  }
0x89: {  	s3 =	sld [smem:$0x3FFE];
	_ =	sdelay $0x1  }
0x8a: {  	s1 =	srdreg.scid  }
0x8b: {  	s0 =	sand.u32 $0x1, s1  }
0x8c: {  	s16 =	sshll.u32 s0, $0xA;
	s2 =	sadd.s32 s3, s2  }
0x8d: {  	s2 =	sadd.s32 s2, s16  }
0x8e: {  	[smem:$0x3FAF] =	sst s2  }
0x8f: {  	_ = 	snop  }
0x90: {  	(tm) =	ssettm $0x1  }
0x91: {  	s17 =	sld [smem:$0x3FFB];
	_ =	sdelay $0x3  }
0x92: {  	_ =	strace s17  }
0x93: {  	s2 =	sld [smem:$0x3FFC];
	_ =	sdelay $0x3  }
0x94: {  	_ =	strace s2  }
0x95: {  	s2 =	sld [smem:$0x3FFD];
	_ =	sdelay $0x3  }
0x96: {  	_ =	strace s2  }
0x97: {  	_ =	strace $0x8FFFFFFF  }
0x98: {  	s18 =	sld [smem:$0x3FDB];
	_ =	sdelay $0x1  }
0x99: {  	s19 =	simm.s32 $_scs_section_size  }
0x9a: {  	s4 =	simm.s32 $_size__tile_overlayer_lowered;
	s5 =	simm.s32 $_tile_overlayer_lowered  }
0x9b: {  	s22 =	simm.s32 $0x1BFF;
	s21 =	sshll.u32 s5, $0x1;
	s2 =	sadd.s32 s19, s18  }
0x9c: {  	s6 =	simm.s32 $0x0;
	s20 =	sshll.u32 s4, $0x1;
	s4 =	sadd.s32 s21, s2  }
0x9d: {  	[timem:s6], [sflag:s22] =	dma.local [hbm:s4], s20  }
0x9e: {  	_ =	swait.ge [sflag:s22], s20  }
0x9f: {  	s3 =	ssub.s32 $0x0, s20;
	[sflag:s22] =	ssyncset.done $0x0  }
0xa0: {  	[sflag:s22] =	ssyncadd.s32 s3;
	_ =	sdelay $0x1  }
0xa1: {  	s23 =	simm.s32 $0x1B8B  }
0xa2: {  	_ =	swait.ge [sflag:s23], $0x1  }
0xa3: {  	[sflag:s23] =	ssyncset.done $0x0  }
0xa4: {  	s25 =	simm.s32 $0x1B8E;
	s24 =	sld [smem:$0x3FFE];
	[sflag:s23] =	ssyncadd.s32 $0xFFFFFFFF  }
0xa5: {  	s26 =	simm.s32 $execute0_lowered;
	[smem:$0x3FD2] =	sst s25  }
0xa6: {  	s4 =	sshll.u32 s26, $0x1;
	_ =	strace $0x80000049;
	[dreg:$0x1] =	wrdreg $0xFFFFFFFF  }
0xa7: {  	s28 =	simm.s32 $_size_execute0_lowered;
	s2 =	sadd.s32 s2, s4;
	[dreg:$0x0] =	wrdreg $0x0  }
0xa8: {  	s4 =	sshll.u32 s28, $0x1;
	[dreg:$0x2] =	wrdreg s2  }
0xa9: {  	[dreg:$0x3] =	wrdreg s4  }
0xaa: {  	[dreg:$0x4] =	wrdreg $0xC0  }
0xab: {  	_ =	task [dreg:s6], $0x5FFFF  }
0xac: {  	[dreg:$0x1] =	wrdreg $0xFFFFFFFF  }
0xad: {  	[dreg:$0x0] =	wrdreg $0x60  }
0xae: {  	[dreg:$0x2] =	wrdreg s24  }
0xaf: {  	[dreg:$0x3] =	wrdreg $0x82000  }
0xb0: {  	[dreg:$0x4] =	wrdreg $0x9  }
0xb1: {  	_ =	task.clear_ibuf [dreg:s6], $0x5FFFF;
	_ =	strace $0x90000049  }
0xb2: {  	s29 =	simm.s32 $0x9;
	_ =	strace $0x8000004B  }
0xb3: {  	_ =	swait.ge [sflag:s29], $0x1  }
0xb4: {  	[sflag:s29] =	ssyncadd.s32 $0xFFFFFFFF  }
0xb5: {  	_ =	strace $0x9000004B  }
0xb6: {  	_ =	sfence  }
0xb7: {  	s30 =	sld [smem:$0x0];
	_ =	sdelay $0x2  }
0xb8: {  	s31 =	sshll.u32 s1, $0xD;
	s1 =	sshrl.u32 s1, $0x2  }
0xb9: {  	s3 =	sand.u32 $0x4000, s31;
	s1 =	sadd.s32 s1, s30  }
0xba: {  	s0 =	sor.u32 s3, s0;
	s1 =	sshll.u32 s1, $0x11  }
0xbb: {  	s0 =	sor.u32 s1, s0  }
0xbc: {  	s0 =	sadd.s32 $0x8F2B, s0  }
0xbd: {  	[sflag:s0] =	ssyncadd.remote.s32 $0x1  }
0xbe: {  	_ =	sfence.sel $0xFFFF  }
0xbf: {  	[dreg:$0x0] =	wrdreg $0xFFFFFFFF;
	(pc) =	sbr.abs _section_cstart, $3  }
0xc0: {  	[dreg:$0x1] =	wrdreg $0xFFFFFFFF  }
0xc1: {  	_ =	task.clear_ibuf [dreg:s6], $0x2FFFF;
	_ =	strace $0x9FFFFFFF  }
0xc2: {  	(tm) =	ssettm $0x7FFFFFFF  }
0xc3: {  	_ =	shalt  }
tec
execute0_lowered:
.L_overlay_start_1:
0x0: {  	(tag) =	ssettag $0x1  }
0x1: {  	s0 =	rddreg [dreg:$0x0]  }
0x2: {  	s1 =	rddreg [dreg:$0x1]  }
0x3: {  	s2 =	srdreg.scid;
	s11 =	stileid.u32  }
0x4: {  	s3 =	simm.s32 $0x0;
	s2 =	sand.u32 $0x1, s2;
	s8 =	smul.u32 $0x280, s11  }
0x5: {  	[smem:$0x7FF] =	sst s3;
	s9 =	smul.u32 $0x2800, s2  }
0x6: {  	s4 =	sadd.s32 $0x9DAE00, s0;
	s28 =	sshll.u32 s2, $0x4;
	s2 =	ssub.s32 $0x2, s2  }
0x7: {  	s5 =	sadd.s32 $0x9D1000, s0;
	s31 =	sshrl.u32 s2, $0x1;
	s8 =	sadd.s32 s8, s9  }
0x8: {  	s6 =	sadd.s32 $0x9C7200, s0;
	s2 =	ssub.s32 s2, s31;
	s8 =	sshll.u32 s8, $0x4  }
0x9: {  	s7 =	sadd.s32 $0xEBCE00, s0;
	s25 =	smax.u32 s2, $0x1;
	s0 =	sadd.s32 s8, s0  }
0xa: {  	_ =	strace $0x8000004A;
	[dreg:$0x12] =	wrdreg s25;
	s15 =	sadd.s32 $0xA02000, s0  }
0xb: {  	s29 =	smul.u32 $0x50000, s11;
	s16 =	sadd.s32 $0xA02400, s0;
	[dreg:$0x6] =	wrdreg s15  }
0xc: {  	s10 =	sor.u32 s11, s28;
	s17 =	sadd.s32 $0xA02800, s0;
	[dreg:$0x7] =	wrdreg s16  }
0xd: {  	s30 =	smul.u32 $0x9C, s10;
	s19 =	sadd.s32 $0xA02C00, s0;
	[dreg:$0x8] =	wrdreg s17  }
0xe: {  	s9 =	sshrl.u32 s29, $0x2;
	s20 =	sadd.s32 $0xA03400, s0;
	[dreg:$0xa] =	wrdreg s19  }
0xf: {  	s12 =	smin.u32 s10, $0x8;
	s21 =	sadd.s32 $0xA03800, s0;
	[dreg:$0xb] =	wrdreg s20  }
0x10: {  	p0 =	slt.u32 s10, $0x8;
	s22 =	sadd.s32 $0xA03C00, s0;
	[dreg:$0xd] =	wrdreg s21  }
0x11: {  	s10 =	simm.s32 $0x9D;
	s23 =	sadd.s32 $0xA03000, s0;
	[dreg:$0xe] =	wrdreg s22  }
0x12: {  	s10 =	simm.s32 @!p0 $0x9C;
	s24 =	sadd.s32 $0xA04000, s0;
	[dreg:$0xf] =	wrdreg s23  }
0x13: {  	s8 =	sadd.s32 s9, s1;
	s0 =	sadd.s32 $0xA04400, s0;
	[dreg:$0x10] =	wrdreg s24  }
0x14: {  	s9 =	sadd.s32 s12, s30;
	s26 =	sadd.s32 $0x2000, s8;
	[dreg:$0x11] =	wrdreg s0  }
0x15: {  	s25 =	simm.s32 $0x0;
	s28 =	sadd.s32 $0x4000, s8;
	[dreg:$0x13] =	wrdreg s26  }
0x16: {  	s11 =	sshll.u32 s9, $0x3;
	s29 =	sadd.s32 $0x6000, s8;
	[dreg:$0x14] =	wrdreg s28  }
0x17: {  	s14 =	sshll.u32 s9, $0xA;
	s30 =	sadd.s32 $0x8000, s8;
	[dreg:$0x15] =	wrdreg s29  }
0x18: {  	s31 =	sadd.s32 $0xA000, s8;
	s2 =	sadd.s32 $0xC000, s8;
	[dreg:$0x16] =	wrdreg s30  }
0x19: {  	s13 =	sadd.s32 s5, s11;
	s12 =	sadd.s32 s7, s14;
	[dreg:$0x17] =	wrdreg s31  }
0x1a: {  	s14 =	sadd.s32 $0xFFFFFFFF, s10;
	s15 =	simm.s32 $0x4200;
	s16 =	simm.s32 $0x7  }
0x1b: {  	s17 =	simm.s32 $0x100;
	s19 =	simm.s32 $0x180;
	s20 =	simm.s32 $0x3  }
0x1c: {  	s21 =	simm.s32 $0x5;
	s22 =	simm.s32 $0x4;
	s23 =	simm.s32 $0x6  }
.Ltmp0:
0x1d: {  	s24 =	simm.s32 $0x6200;
	[dreg:$0x3] =	wrdreg s13;
	(pc) =	sbr.rel .LBB2_1-.Ltmp0, $4  }
0x1e: {  	s13 =	sadd.s32 s6, s11;
	[dreg:$0x5] =	wrdreg s12;
	s11 =	sadd.s32 $0x8, s11  }
0x1f: {  	s12 =	sadd.s32 $0x10000, s8;
	[dreg:$0x4] =	wrdreg s13;
	s18 =	sadd.s32 s5, s11  }
0x20: {  	s11 =	sadd.s32 s6, s11;
	s13 =	sadd.s32 $0x12000, s8;
	[dreg:$0x9] =	wrdreg s18  }
0x21: {  	v0 =	vimm.f32 $0.0e+00;
	[dreg:$0xc] =	wrdreg s11;
	s11 =	sadd.s32 $0xE000, s8;
	s18 =	simm.s32 $0x40  }
.LBB2_13:
0x22: {  	[bflag:$0x0] =	sbarrier.arrive $0xFFFF  }
0x23: {  	[tilespmem:s15], [sflag:$0x7] =	stream.linear.gather [spmem:s8], $0x2000, $0x38;
	[tilespmem:$0x1C200] =	vst v63  }
0x24: {  	_ =	swait.ge [sflag:s16], $0x2000  }
0x25: {  	[sflag:s16] =	ssyncset.done $0x0  }
0x26: {  	s0 =	rddreg [dreg:$0x6];
	[sflag:s16] =	ssyncadd.s32 $0xFFFFE000  }
0x27: {  	[hbm4b:s0+s3] =	stream.linear.scatter [tilespmem:s15], [sflag:$0x7], $0x2000, $0x38;
	[tilespmem:$0x1C200] =	vst v63  }
0x28: {  	_ =	swait.ge [sflag:s16], $0x2000  }
0x29: {  	[sflag:s16] =	ssyncset.done $0x0  }
0x2a: {  	s26 =	rddreg [dreg:$0x13];
	[sflag:s16] =	ssyncadd.s32 $0xFFFFE000  }
0x2b: {  	[tilespmem:s15], [sflag:$0x7] =	stream.linear.gather [spmem:s26], $0x2000, $0x38;
	[tilespmem:$0x1C200] =	vst v63  }
0x2c: {  	_ =	swait.ge [sflag:s16], $0x2000  }
0x2d: {  	[sflag:s16] =	ssyncset.done $0x0  }
0x2e: {  	s28 =	rddreg [dreg:$0x7];
	[sflag:s16] =	ssyncadd.s32 $0xFFFFE000  }
0x2f: {  	[hbm4b:s28+s3] =	stream.linear.scatter [tilespmem:s15], [sflag:$0x7], $0x2000, $0x38;
	[tilespmem:$0x1C200] =	vst v63  }
0x30: {  	_ =	swait.ge [sflag:s16], $0x2000  }
0x31: {  	[sflag:s16] =	ssyncset.done $0x0  }
0x32: {  	s29 =	rddreg [dreg:$0x14];
	[sflag:s16] =	ssyncadd.s32 $0xFFFFE000  }
0x33: {  	[tilespmem:s15], [sflag:$0x7] =	stream.linear.gather [spmem:s29], $0x2000, $0x38;
	[tilespmem:$0x1C200] =	vst v63  }
0x34: {  	_ =	swait.ge [sflag:s16], $0x2000  }
0x35: {  	[sflag:s16] =	ssyncset.done $0x0  }
0x36: {  	s30 =	rddreg [dreg:$0x8];
	[sflag:s16] =	ssyncadd.s32 $0xFFFFE000  }
0x37: {  	[hbm4b:s30+s3] =	stream.linear.scatter [tilespmem:s15], [sflag:$0x7], $0x2000, $0x38;
	[tilespmem:$0x1C200] =	vst v63  }
0x38: {  	_ =	swait.ge [sflag:s16], $0x2000  }
0x39: {  	[sflag:s16] =	ssyncset.done $0x0  }
0x3a: {  	s31 =	rddreg [dreg:$0x15];
	[sflag:s16] =	ssyncadd.s32 $0xFFFFE000  }
0x3b: {  	[tilespmem:s15], [sflag:$0x7] =	stream.linear.gather [spmem:s31], $0x2000, $0x38;
	[tilespmem:$0x1C200] =	vst v63  }
0x3c: {  	_ =	swait.ge [sflag:s16], $0x2000  }
0x3d: {  	[sflag:s16] =	ssyncset.done $0x0  }
0x3e: {  	s26 =	rddreg [dreg:$0xa];
	[sflag:s16] =	ssyncadd.s32 $0xFFFFE000  }
0x3f: {  	[hbm4b:s26+s3] =	stream.linear.scatter [tilespmem:s15], [sflag:$0x7], $0x2000, $0x38;
	[tilespmem:$0x1C200] =	vst v63  }
0x40: {  	_ =	swait.ge [sflag:s16], $0x2000  }
0x41: {  	[sflag:s16] =	ssyncset.done $0x0  }
0x42: {  	s28 =	rddreg [dreg:$0x16];
	[sflag:s16] =	ssyncadd.s32 $0xFFFFE000  }
0x43: {  	[tilespmem:s15], [sflag:$0x7] =	stream.linear.gather [spmem:s28], $0x2000, $0x38;
	[tilespmem:$0x1C200] =	vst v63  }
0x44: {  	_ =	swait.ge [sflag:s16], $0x2000  }
0x45: {  	[sflag:s16] =	ssyncset.done $0x0  }
0x46: {  	s29 =	rddreg [dreg:$0xf];
	[sflag:s16] =	ssyncadd.s32 $0xFFFFE000  }
0x47: {  	[hbm4b:s29+s3] =	stream.linear.scatter [tilespmem:s15], [sflag:$0x7], $0x2000, $0x38;
	[tilespmem:$0x1C200] =	vst v63  }
0x48: {  	_ =	swait.ge [sflag:s16], $0x2000  }
0x49: {  	[sflag:s16] =	ssyncset.done $0x0  }
0x4a: {  	s30 =	rddreg [dreg:$0x17];
	[sflag:s16] =	ssyncadd.s32 $0xFFFFE000  }
0x4b: {  	[tilespmem:s15], [sflag:$0x7] =	stream.linear.gather [spmem:s30], $0x2000, $0x38;
	[tilespmem:$0x1C200] =	vst v63  }
0x4c: {  	_ =	swait.ge [sflag:s16], $0x2000  }
0x4d: {  	[sflag:s16] =	ssyncset.done $0x0  }
0x4e: {  	s31 =	rddreg [dreg:$0xb];
	[sflag:s16] =	ssyncadd.s32 $0xFFFFE000  }
0x4f: {  	[hbm4b:s31+s3] =	stream.linear.scatter [tilespmem:s15], [sflag:$0x7], $0x2000, $0x38;
	[tilespmem:$0x1C200] =	vst v63  }
0x50: {  	_ =	swait.ge [sflag:s16], $0x2000  }
0x51: {  	[sflag:s16] =	ssyncset.done $0x0  }
0x52: {  	[sflag:s16] =	ssyncadd.s32 $0xFFFFE000  }
0x53: {  	[tilespmem:s15], [sflag:$0x7] =	stream.linear.gather [spmem:s2], $0x2000, $0x38;
	[tilespmem:$0x1C200] =	vst v63  }
0x54: {  	_ =	swait.ge [sflag:s16], $0x2000  }
0x55: {  	[sflag:s16] =	ssyncset.done $0x0  }
0x56: {  	s26 =	rddreg [dreg:$0xd];
	[sflag:s16] =	ssyncadd.s32 $0xFFFFE000  }
0x57: {  	[hbm4b:s26+s3] =	stream.linear.scatter [tilespmem:s15], [sflag:$0x7], $0x2000, $0x38;
	[tilespmem:$0x1C200] =	vst v63  }
0x58: {  	_ =	swait.ge [sflag:s16], $0x2000  }
0x59: {  	[sflag:s16] =	ssyncset.done $0x0  }
0x5a: {  	[sflag:s16] =	ssyncadd.s32 $0xFFFFE000  }
0x5b: {  	[tilespmem:s15], [sflag:$0x7] =	stream.linear.gather [spmem:s11], $0x2000, $0x38;
	[tilespmem:$0x1C200] =	vst v63  }
0x5c: {  	_ =	swait.ge [sflag:s16], $0x2000  }
0x5d: {  	[sflag:s16] =	ssyncset.done $0x0  }
0x5e: {  	s28 =	rddreg [dreg:$0xe];
	[sflag:s16] =	ssyncadd.s32 $0xFFFFE000  }
0x5f: {  	[hbm4b:s28+s3] =	stream.linear.scatter [tilespmem:s15], [sflag:$0x7], $0x2000, $0x38;
	[tilespmem:$0x1C200] =	vst v63  }
0x60: {  	_ =	swait.ge [sflag:s16], $0x2000  }
0x61: {  	[sflag:s16] =	ssyncset.done $0x0  }
0x62: {  	[sflag:s16] =	ssyncadd.s32 $0xFFFFE000  }
0x63: {  	[tilespmem:s15], [sflag:$0x7] =	stream.linear.gather [spmem:s12], $0x2000, $0x38;
	[tilespmem:$0x1C200] =	vst v63  }
0x64: {  	_ =	swait.ge [sflag:s16], $0x2000  }
0x65: {  	[sflag:s16] =	ssyncset.done $0x0  }
0x66: {  	s29 =	rddreg [dreg:$0x10];
	[sflag:s16] =	ssyncadd.s32 $0xFFFFE000  }
0x67: {  	[hbm4b:s29+s3] =	stream.linear.scatter [tilespmem:s15], [sflag:$0x7], $0x2000, $0x38;
	[tilespmem:$0x1C200] =	vst v63  }
0x68: {  	_ =	swait.ge [sflag:s16], $0x2000  }
0x69: {  	[sflag:s16] =	ssyncset.done $0x0  }
0x6a: {  	[sflag:s16] =	ssyncadd.s32 $0xFFFFE000  }
0x6b: {  	[tilespmem:s15], [sflag:$0x7] =	stream.linear.gather [spmem:s13], $0x2000, $0x38;
	[tilespmem:$0x1C200] =	vst v63  }
0x6c: {  	_ =	swait.ge [sflag:s16], $0x2000  }
0x6d: {  	[sflag:s16] =	ssyncset.done $0x0  }
0x6e: {  	s30 =	rddreg [dreg:$0x11];
	[sflag:s16] =	ssyncadd.s32 $0xFFFFE000  }
0x6f: {  	[hbm4b:s30+s3] =	stream.linear.scatter [tilespmem:s15], [sflag:$0x7], $0x2000, $0x38;
	[tilespmem:$0x1C200] =	vst v63  }
0x70: {  	_ =	swait.ge [sflag:s16], $0x2000  }
0x71: {  	s25 =	sadd.s32 $0x1, s25;
	s31 =	rddreg [dreg:$0x12]  }
0x72: {  	p0 =	sne.s32 s25, s31  }
.Ltmp1:
0x73: {  	_ = 	snop;
	(pc) =	sbr.rel @!p0 .LBB2_14-.Ltmp1, $3  }
0x74: {  	_ =	sdelay $0x1  }
0x75: {  	[sflag:s16] =	ssyncset.done $0x0  }
0x76: {  	[sflag:s16] =	ssyncadd.s32 $0xFFFFE000  }
.LBB2_1:
0x77: {  	s26 =	simm.s32 $0x0;
	s28 =	simm.s32 $0x200  }
.LBB2_2:
0x78: {  	p0 =	sne.s32 s28, $0x7E00;
	[tilespmem:s26+$0x4270] =	vst v0  }
0x79: {  	[tilespmem:s26+$0x4200] =	vst v0  }
0x7a: {  	[tilespmem:s26+$0x4210] =	vst v0  }
.Ltmp2:
0x7b: {  	[tilespmem:s26+$0x4220] =	vst v0;
	(pc) =	sbr.rel @p0 .LBB2_2-.Ltmp2, $4  }
0x7c: {  	[tilespmem:s26+$0x4230] =	vst v0  }
0x7d: {  	[tilespmem:s26+$0x4240] =	vst v0  }
0x7e: {  	[tilespmem:s26+$0x4250] =	vst v0  }
0x7f: {  	[tilespmem:s26+$0x4260] =	vst v0;
	s26 =	sshra.s32 s28, $0x2;
	s28 =	sadd.s32 $0x200, s28  }
0x80: {  	[tilespmem:s26+$0x4270] =	vst v0  }
0x81: {  	[tilespmem:s26+$0x4200] =	vst v0  }
0x82: {  	[tilespmem:s26+$0x4210] =	vst v0  }
0x83: {  	[tilespmem:s26+$0x4220] =	vst v0  }
0x84: {  	[tilespmem:s26+$0x4230] =	vst v0  }
0x85: {  	[tilespmem:s26+$0x4240] =	vst v0  }
0x86: {  	[tilespmem:s26+$0x4250] =	vst v0  }
0x87: {  	[tilespmem:s26+$0x4260] =	vst v0  }
0x88: {  	[spmem:s8] =	stream.linear.scatter [tilespmem:s15], [sflag:$0x7], $0x2000, $0x38;
	[tilespmem:$0x1C200] =	vst v63  }
0x89: {  	_ =	swait.ge [sflag:s16], $0x2000  }
0x8a: {  	[sflag:s16] =	ssyncset.done $0x0  }
0x8b: {  	s0 =	rddreg [dreg:$0x13];
	[sflag:s16] =	ssyncadd.s32 $0xFFFFE000  }
0x8c: {  	[spmem:s0] =	stream.linear.scatter [tilespmem:s15], [sflag:$0x7], $0x2000, $0x38;
	[tilespmem:$0x1C200] =	vst v63  }
0x8d: {  	_ =	swait.ge [sflag:s16], $0x2000  }
0x8e: {  	[sflag:s16] =	ssyncset.done $0x0  }
0x8f: {  	s31 =	rddreg [dreg:$0x14];
	[sflag:s16] =	ssyncadd.s32 $0xFFFFE000  }
0x90: {  	[spmem:s31] =	stream.linear.scatter [tilespmem:s15], [sflag:$0x7], $0x2000, $0x38;
	[tilespmem:$0x1C200] =	vst v63  }
0x91: {  	_ =	swait.ge [sflag:s16], $0x2000  }
0x92: {  	[sflag:s16] =	ssyncset.done $0x0  }
0x93: {  	s26 =	rddreg [dreg:$0x15];
	[sflag:s16] =	ssyncadd.s32 $0xFFFFE000  }
0x94: {  	[spmem:s26] =	stream.linear.scatter [tilespmem:s15], [sflag:$0x7], $0x2000, $0x38;
	[tilespmem:$0x1C200] =	vst v63  }
0x95: {  	_ =	swait.ge [sflag:s16], $0x2000  }
0x96: {  	[sflag:s16] =	ssyncset.done $0x0  }
0x97: {  	s28 =	rddreg [dreg:$0x16];
	[sflag:s16] =	ssyncadd.s32 $0xFFFFE000  }
0x98: {  	[spmem:s28] =	stream.linear.scatter [tilespmem:s15], [sflag:$0x7], $0x2000, $0x38;
	[tilespmem:$0x1C200] =	vst v63  }
0x99: {  	_ =	swait.ge [sflag:s16], $0x2000  }
0x9a: {  	[sflag:s16] =	ssyncset.done $0x0  }
0x9b: {  	s29 =	rddreg [dreg:$0x17];
	[sflag:s16] =	ssyncadd.s32 $0xFFFFE000  }
0x9c: {  	[spmem:s29] =	stream.linear.scatter [tilespmem:s15], [sflag:$0x7], $0x2000, $0x38;
	[tilespmem:$0x1C200] =	vst v63  }
0x9d: {  	_ =	swait.ge [sflag:s16], $0x2000  }
0x9e: {  	[sflag:s16] =	ssyncset.done $0x0  }
0x9f: {  	[sflag:s16] =	ssyncadd.s32 $0xFFFFE000  }
0xa0: {  	[spmem:s2] =	stream.linear.scatter [tilespmem:s15], [sflag:$0x7], $0x2000, $0x38;
	[tilespmem:$0x1C200] =	vst v63  }
0xa1: {  	_ =	swait.ge [sflag:s16], $0x2000  }
0xa2: {  	[sflag:s16] =	ssyncset.done $0x0  }
0xa3: {  	[sflag:s16] =	ssyncadd.s32 $0xFFFFE000  }
0xa4: {  	[spmem:s11] =	stream.linear.scatter [tilespmem:s15], [sflag:$0x7], $0x2000, $0x38;
	[tilespmem:$0x1C200] =	vst v63  }
0xa5: {  	_ =	swait.ge [sflag:s16], $0x2000  }
0xa6: {  	[sflag:s16] =	ssyncset.done $0x0  }
0xa7: {  	[sflag:s16] =	ssyncadd.s32 $0xFFFFE000  }
0xa8: {  	[spmem:s12] =	stream.linear.scatter [tilespmem:s15], [sflag:$0x7], $0x2000, $0x38;
	[tilespmem:$0x1C200] =	vst v63  }
0xa9: {  	_ =	swait.ge [sflag:s16], $0x2000  }
0xaa: {  	[sflag:s16] =	ssyncset.done $0x0  }
0xab: {  	[sflag:s16] =	ssyncadd.s32 $0xFFFFE000  }
0xac: {  	[spmem:s13] =	stream.linear.scatter [tilespmem:s15], [sflag:$0x7], $0x2000, $0x38;
	[tilespmem:$0x1C200] =	vst v63  }
0xad: {  	_ =	swait.ge [sflag:s16], $0x2000  }
0xae: {  	[sflag:s16] =	ssyncset.done $0x0  }
0xaf: {  	[sflag:s16] =	ssyncadd.s32 $0xFFFFE000  }
0xb0: {  	[bflag:$0x0] =	sbarrier.arrive $0xFFFF  }
0xb1: {  	s26 =	simm.s32 $0x0;
	s30 =	rddreg [dreg:$0x3]  }
0xb2: {  	[tilespmem:s26], [sflag:$0x7] =	stream.linear.gather [hbm4b:s30+s26], $0x40, $0x38;
	[tilespmem:$0x1C200] =	vst v63  }
0xb3: {  	_ =	swait.ge [sflag:s16], $0x40  }
0xb4: {  	[sflag:s16] =	ssyncset.done $0x0  }
0xb5: {  	s31 =	rddreg [dreg:$0x4];
	[sflag:s16] =	ssyncadd.s32 $0xFFFFFFC0  }
0xb6: {  	[tilespmem:s17], [sflag:$0x7] =	stream.linear.gather [hbm4b:s31+s26], $0x40, $0x38;
	[tilespmem:$0x1C200] =	vst v63  }
0xb7: {  	_ =	swait.ge [sflag:s16], $0x40  }
0xb8: {  	[sflag:s16] =	ssyncset.done $0x0  }
0xb9: {  	s28 =	simm.s32 $0x200;
	[sflag:s16] =	ssyncadd.s32 $0xFFFFFFC0  }
0xba: {  	[tilespmem:s28], [sflag:$0x3] =	stream.indirect.gather [hbm4b:s4+s18], $0x80, s26, s18, $0xb8;
	[tilespmem:$0x1C200] =	vst v63  }
0xbb: {  	s29 =	rddreg [dreg:$0x5]  }
0xbc: {  	[tilespmem:s15], [sflag:$0x5] =	stream.linear.gather [hbm4b:s29+s26], $0x2000, $0x38;
	[tilespmem:$0x1C200] =	vst v63  }
.Ltmp3:
0xbd: {  	_ = 	snop;
	(pc) =	sbr.rel .LBB2_4-.Ltmp3, $4  }
0xbe: {  	s30 =	rddreg [dreg:$0x9];
	s28 =	simm.s32 $0x80  }
0xbf: {  	[tilespmem:s28], [sflag:$0x2] =	stream.linear.gather [hbm4b:s30+s26], $0x40, $0x38;
	[tilespmem:$0x1C200] =	vst v63  }
0xc0: {  	s31 =	rddreg [dreg:$0xc]  }
0xc1: {  	[tilespmem:s19], [sflag:$0x2] =	stream.linear.gather [hbm4b:s31+s26], $0x40, $0x38;
	[tilespmem:$0x1C200] =	vst v63  }
.LBB2_12:
0xc2: {  	s26 =	sadd.s32 $0x1, s26  }
0xc3: {  	p0 =	sne.s32 s26, $0x4F  }
.Ltmp4:
0xc4: {  	_ = 	snop;
	(pc) =	sbr.rel @!p0 .LBB2_13-.Ltmp4, $1  }
0xc5: {  	_ =	sdelay $0x3  }
.LBB2_4:
0xc6: {  	s28 =	sshll.u32 s26, $0x1  }
0xc7: {  	p0 =	sge.u32 s28, s10  }
.Ltmp5:
0xc8: {  	_ = 	snop;
	(pc) =	sbr.rel @p0 .LBB2_8-.Ltmp5, $1  }
0xc9: {  	_ =	sdelay $0x3  }
0xca: {  	s29 =	sor.u32 $0x1, s28  }
0xcb: {  	p0 =	sge.u32 s29, s10  }
0xcc: {  	s30 =	simm.s32 @!p0 $0x2  }
0xcd: {  	_ =	swait.ge @!p0 [sflag:s30], $0x40  }
0xce: {  	[sflag:s30] =	ssyncset.done @!p0 $0x0  }
0xcf: {  	[sflag:s30] =	ssyncadd.s32 @!p0 $0xFFFFFFC0  }
0xd0: {  	_ =	swait.ge @!p0 [sflag:s30], $0x40  }
0xd1: {  	s31 =	simm.s32 @!p0 $0x80;
	[sflag:s30] =	ssyncset.done @!p0 $0x0  }
0xd2: {  	s0 =	simm.s32 @!p0 $0x2200;
	[sflag:s30] =	ssyncadd.s32 @!p0 $0xFFFFFFC0;
	s30 =	simm.s32 @!p0 $0x40  }
0xd3: {  	[tilespmem:s0], [sflag:$0x4] =	stream.indirect.gather @!p0 [hbm4b:s4+s30], $0x80, s31, s30, $0xb8;
	[tilespmem:$0x1C200] =	vst v63  }
0xd4: {  	s0 =	sadd.s32 @!p0 s9, s29  }
0xd5: {  	s0 =	sshll.u32 @!p0 s0, $0xA  }
0xd6: {  	s0 =	sand.u32 @!p0 $0x1FFFFC00, s0  }
0xd7: {  	s29 =	simm.s32 @!p0 $0x0;
	s30 =	simm.s32 @!p0 $0x6200;
	s0 =	sadd.s32 @!p0 s7, s0  }
0xd8: {  	[tilespmem:s30], [sflag:$0x6] =	stream.linear.gather @!p0 [hbm4b:s0+s29], $0x2000, $0x38;
	[tilespmem:$0x1C200] =	vst v63  }
0xd9: {  	_ =	swait.ge [sflag:s20], $0x2000  }
0xda: {  	[sflag:s20] =	ssyncset.done $0x0  }
0xdb: {  	[sflag:s20] =	ssyncadd.s32 $0xFFFFE000  }
0xdc: {  	_ =	swait.ge [sflag:s21], $0x2000  }
0xdd: {  	[sflag:s21] =	ssyncset.done $0x0  }
0xde: {  	s29 =	simm.s32 $0x0;
	[sflag:s21] =	ssyncadd.s32 $0xFFFFE000  }
0xdf: {  	v7 =	vld [tilespmem:s29+$0x200]  }
0xe0: {  	v12 =	vld [tilespmem:s29+$0x210]  }
0xe1: {  	v6 =	vld [tilespmem:s29+$0x220]  }
0xe2: {  	v5 =	vld [tilespmem:s29+$0x230]  }
0xe3: {  	v4 =	vld [tilespmem:s29+$0x240]  }
0xe4: {  	v3 =	vld [tilespmem:s29+$0x250]  }
0xe5: {  	v2 =	vld [tilespmem:s29+$0x260]  }
0xe6: {  	v1 =	vld [tilespmem:s29+$0x270]  }
0xe7: {  	v13 =	vld [tilespmem:s29+$0x4200]  }
0xe8: {  	v14 =	vld [tilespmem:s29+$0x4210]  }
0xe9: {  	v11 =	vld [tilespmem:s29+$0x4220]  }
0xea: {  	v10 =	vld [tilespmem:s29+$0x4230]  }
0xeb: {  	v9 =	vld [tilespmem:s29+$0x4240]  }
0xec: {  	v8 =	vld [tilespmem:s29+$0x4250];
	v13 =	vadd.f32 v13, v7  }
0xed: {  	s30 =	simm.s32 $0x200;
	v12 =	vadd.f32 v14, v12;
	v7 =	vld [tilespmem:s29+$0x4260]  }
.LBB2_6:
0xee: {  	s0 =	sshra.s32 s30, $0x2;
	p0 =	sne.s32 s30, $0x7E00;
	v13 =	vmax.f32 v13, $0.0e+00;
	v6 =	vadd.f32 v11, v6;
	v11 =	vld [tilespmem:s29+$0x4270]  }
0xef: {  	v14 =	vld [tilespmem:s0+$0x200];
	[tilespmem:s29+$0x4200] =	vst v13;
	v12 =	vmax.f32 v12, $0.0e+00;
	v5 =	vadd.f32 v10, v5  }
0xf0: {  	v15 =	vld [tilespmem:s0+$0x210];
	[tilespmem:s29+$0x4210] =	vst v12;
	v10 =	vmax.f32 v6, $0.0e+00;
	v4 =	vadd.f32 v9, v4  }
0xf1: {  	v6 =	vld [tilespmem:s0+$0x220];
	[tilespmem:s29+$0x4220] =	vst v10;
	v9 =	vmax.f32 v5, $0.0e+00;
	v3 =	vadd.f32 v8, v3  }
0xf2: {  	v5 =	vld [tilespmem:s0+$0x230];
	[tilespmem:s29+$0x4230] =	vst v9;
	v8 =	vmax.f32 v4, $0.0e+00;
	v2 =	vadd.f32 v7, v2  }
0xf3: {  	v4 =	vld [tilespmem:s0+$0x240];
	[tilespmem:s29+$0x4240] =	vst v8;
	v7 =	vmax.f32 v3, $0.0e+00;
	v1 =	vadd.f32 v11, v1  }
0xf4: {  	v3 =	vld [tilespmem:s0+$0x250];
	[tilespmem:s29+$0x4250] =	vst v7;
	v7 =	vmax.f32 v2, $0.0e+00  }
0xf5: {  	v2 =	vld [tilespmem:s0+$0x260];
	[tilespmem:s29+$0x4260] =	vst v7;
	v7 =	vmax.f32 v1, $0.0e+00  }
0xf6: {  	v1 =	vld [tilespmem:s0+$0x270];
	[tilespmem:s29+$0x4270] =	vst v7;
	s29 =	smov.u32 s0  }
0xf7: {  	v7 =	vld [tilespmem:s29+$0x4200]  }
0xf8: {  	v12 =	vld [tilespmem:s29+$0x4210]  }
.Ltmp6:
0xf9: {  	v11 =	vld [tilespmem:s29+$0x4220];
	(pc) =	sbr.rel @p0 .LBB2_6-.Ltmp6, $4  }
0xfa: {  	v10 =	vld [tilespmem:s29+$0x4230]  }
0xfb: {  	v9 =	vld [tilespmem:s29+$0x4240]  }
0xfc: {  	v13 =	vadd.f32 v7, v14;
	v8 =	vld [tilespmem:s29+$0x4250]  }
0xfd: {  	s30 =	sadd.s32 $0x200, s30;
	v12 =	vadd.f32 v12, v15;
	v7 =	vld [tilespmem:s29+$0x4260]  }
0xfe: {  	v13 =	vmax.f32 v13, $0.0e+00;
	v6 =	vadd.f32 v11, v6;
	v63 =	vld [tilespmem:s29+$0x4270]  }
0xff: {  	[tilespmem:s29+$0x4200] =	vst v13;
	v12 =	vmax.f32 v12, $0.0e+00;
	v5 =	vadd.f32 v10, v5  }
0x100: {  	[tilespmem:s29+$0x4210] =	vst v12;
	v6 =	vmax.f32 v6, $0.0e+00;
	v4 =	vadd.f32 v9, v4  }
0x101: {  	[tilespmem:s29+$0x4220] =	vst v6;
	v5 =	vmax.f32 v5, $0.0e+00;
	v3 =	vadd.f32 v8, v3  }
0x102: {  	[tilespmem:s29+$0x4230] =	vst v5;
	v4 =	vmax.f32 v4, $0.0e+00;
	v2 =	vadd.f32 v7, v2  }
0x103: {  	[tilespmem:s29+$0x4240] =	vst v4;
	v3 =	vmax.f32 v3, $0.0e+00;
	v1 =	vadd.f32 v63, v1  }
0x104: {  	s0 =	sadd.s32 $0x2, s28;
	[tilespmem:s29+$0x4250] =	vst v3;
	v2 =	vmax.f32 v2, $0.0e+00  }
0x105: {  	p0 =	sge.u32 s0, s10;
	[tilespmem:s29+$0x4260] =	vst v2;
	v1 =	vmax.f32 v1, $0.0e+00  }
0x106: {  	s0 =	sadd.s32 @!p0 s9, s0;
	[tilespmem:s29+$0x4270] =	vst v1  }
0x107: {  	[spmem:s1] =	stream.indirect.scatter.add.f32 [tilespmem:s15], [sflag:$0x7], $0x80, s17, s18, $0xb8;
	[tilespmem:$0x1C200] =	vst v63  }
0x108: {  	s0 =	sshll.u32 @!p0 s0, $0x3;
	_ =	swait.ge [sflag:s16], $0x2000  }
0x109: {  	s0 =	sand.u32 @!p0 $0x1FFFFFF8, s0;
	[sflag:s16] =	ssyncset.done $0x0  }
0x10a: {  	s30 =	simm.s32 @!p0 $0x0;
	s29 =	sadd.s32 @!p0 s5, s0;
	[sflag:s16] =	ssyncadd.s32 $0xFFFFE000  }
0x10b: {  	[tilespmem:s30], [sflag:$0x1] =	stream.linear.gather @!p0 [hbm4b:s29+s30], $0x40, $0x38;
	[tilespmem:$0x1C200] =	vst v63  }
0x10c: {  	s0 =	sadd.s32 @!p0 s6, s0;
	s29 =	simm.s32 @!p0 $0x100  }
0x10d: {  	[tilespmem:s29], [sflag:$0x1] =	stream.linear.gather @!p0 [hbm4b:s0+s30], $0x40, $0x38;
	[tilespmem:$0x1C200] =	vst v63  }
.LBB2_8:
0x10e: {  	p0 =	sge.u32 s28, s14  }
.Ltmp7:
0x10f: {  	_ = 	snop;
	(pc) =	sbr.rel @p0 .LBB2_12-.Ltmp7, $1  }
0x110: {  	_ =	sdelay $0x3  }
0x111: {  	s0 =	sadd.s32 $0x2, s28  }
0x112: {  	p0 =	sge.u32 s0, s10  }
0x113: {  	s29 =	simm.s32 @!p0 $0x1  }
0x114: {  	_ =	swait.ge @!p0 [sflag:s29], $0x40  }
0x115: {  	[sflag:s29] =	ssyncset.done @!p0 $0x0  }
0x116: {  	[sflag:s29] =	ssyncadd.s32 @!p0 $0xFFFFFFC0  }
0x117: {  	s30 =	simm.s32 @!p0 $0x0;
	s0 =	sadd.s32 @!p0 s9, s0;
	_ =	swait.ge @!p0 [sflag:s29], $0x40  }
0x118: {  	s31 =	simm.s32 @!p0 $0x200;
	s0 =	sshll.u32 @!p0 s0, $0xA;
	[sflag:s29] =	ssyncset.done @!p0 $0x0  }
0x119: {  	s0 =	sand.u32 @!p0 $0x1FFFFC00, s0;
	[sflag:s29] =	ssyncadd.s32 @!p0 $0xFFFFFFC0;
	s29 =	simm.s32 @!p0 $0x40  }
0x11a: {  	[tilespmem:s31], [sflag:$0x3] =	stream.indirect.gather @!p0 [hbm4b:s4+s29], $0x80, s30, s29, $0xb8;
	[tilespmem:$0x1C200] =	vst v63  }
0x11b: {  	s0 =	sadd.s32 @!p0 s7, s0;
	s29 =	simm.s32 @!p0 $0x4200  }
0x11c: {  	[tilespmem:s29], [sflag:$0x5] =	stream.linear.gather @!p0 [hbm4b:s0+s30], $0x2000, $0x38;
	[tilespmem:$0x1C200] =	vst v63  }
0x11d: {  	_ =	swait.ge [sflag:s22], $0x2000  }
0x11e: {  	[sflag:s22] =	ssyncset.done $0x0  }
0x11f: {  	[sflag:s22] =	ssyncadd.s32 $0xFFFFE000  }
0x120: {  	_ =	swait.ge [sflag:s23], $0x2000  }
0x121: {  	[sflag:s23] =	ssyncset.done $0x0  }
0x122: {  	s29 =	simm.s32 $0x0;
	[sflag:s23] =	ssyncadd.s32 $0xFFFFE000  }
0x123: {  	v7 =	vld [tilespmem:s29+$0x2200]  }
0x124: {  	v12 =	vld [tilespmem:s29+$0x2210]  }
0x125: {  	v6 =	vld [tilespmem:s29+$0x2220]  }
0x126: {  	v5 =	vld [tilespmem:s29+$0x2230]  }
0x127: {  	v4 =	vld [tilespmem:s29+$0x2240]  }
0x128: {  	v3 =	vld [tilespmem:s29+$0x2250]  }
0x129: {  	v2 =	vld [tilespmem:s29+$0x2260]  }
0x12a: {  	v1 =	vld [tilespmem:s29+$0x2270]  }
0x12b: {  	v13 =	vld [tilespmem:s29+$0x6200]  }
0x12c: {  	v14 =	vld [tilespmem:s29+$0x6210]  }
0x12d: {  	v11 =	vld [tilespmem:s29+$0x6220]  }
0x12e: {  	v10 =	vld [tilespmem:s29+$0x6230]  }
0x12f: {  	v9 =	vld [tilespmem:s29+$0x6240]  }
0x130: {  	v8 =	vld [tilespmem:s29+$0x6250];
	v13 =	vadd.f32 v13, v7  }
0x131: {  	s30 =	simm.s32 $0x200;
	v12 =	vadd.f32 v14, v12;
	v7 =	vld [tilespmem:s29+$0x6260]  }
.LBB2_10:
0x132: {  	s0 =	sshra.s32 s30, $0x2;
	p0 =	sne.s32 s30, $0x7E00;
	v13 =	vmax.f32 v13, $0.0e+00;
	v6 =	vadd.f32 v11, v6;
	v11 =	vld [tilespmem:s29+$0x6270]  }
0x133: {  	v14 =	vld [tilespmem:s0+$0x2200];
	[tilespmem:s29+$0x6200] =	vst v13;
	v12 =	vmax.f32 v12, $0.0e+00;
	v5 =	vadd.f32 v10, v5  }
0x134: {  	v15 =	vld [tilespmem:s0+$0x2210];
	[tilespmem:s29+$0x6210] =	vst v12;
	v10 =	vmax.f32 v6, $0.0e+00;
	v4 =	vadd.f32 v9, v4  }
0x135: {  	v6 =	vld [tilespmem:s0+$0x2220];
	[tilespmem:s29+$0x6220] =	vst v10;
	v9 =	vmax.f32 v5, $0.0e+00;
	v3 =	vadd.f32 v8, v3  }
0x136: {  	v5 =	vld [tilespmem:s0+$0x2230];
	[tilespmem:s29+$0x6230] =	vst v9;
	v8 =	vmax.f32 v4, $0.0e+00;
	v2 =	vadd.f32 v7, v2  }
0x137: {  	v4 =	vld [tilespmem:s0+$0x2240];
	[tilespmem:s29+$0x6240] =	vst v8;
	v7 =	vmax.f32 v3, $0.0e+00;
	v1 =	vadd.f32 v11, v1  }
0x138: {  	v3 =	vld [tilespmem:s0+$0x2250];
	[tilespmem:s29+$0x6250] =	vst v7;
	v7 =	vmax.f32 v2, $0.0e+00  }
0x139: {  	v2 =	vld [tilespmem:s0+$0x2260];
	[tilespmem:s29+$0x6260] =	vst v7;
	v7 =	vmax.f32 v1, $0.0e+00  }
0x13a: {  	v1 =	vld [tilespmem:s0+$0x2270];
	[tilespmem:s29+$0x6270] =	vst v7;
	s29 =	smov.u32 s0  }
0x13b: {  	v7 =	vld [tilespmem:s29+$0x6200]  }
0x13c: {  	v12 =	vld [tilespmem:s29+$0x6210]  }
.Ltmp8:
0x13d: {  	v11 =	vld [tilespmem:s29+$0x6220];
	(pc) =	sbr.rel @p0 .LBB2_10-.Ltmp8, $4  }
0x13e: {  	v10 =	vld [tilespmem:s29+$0x6230]  }
0x13f: {  	v9 =	vld [tilespmem:s29+$0x6240]  }
0x140: {  	v13 =	vadd.f32 v7, v14;
	v8 =	vld [tilespmem:s29+$0x6250]  }
0x141: {  	s30 =	sadd.s32 $0x200, s30;
	v12 =	vadd.f32 v12, v15;
	v7 =	vld [tilespmem:s29+$0x6260]  }
0x142: {  	v13 =	vmax.f32 v13, $0.0e+00;
	v6 =	vadd.f32 v11, v6;
	v63 =	vld [tilespmem:s29+$0x6270]  }
0x143: {  	[tilespmem:s29+$0x6200] =	vst v13;
	v12 =	vmax.f32 v12, $0.0e+00;
	v5 =	vadd.f32 v10, v5  }
0x144: {  	[tilespmem:s29+$0x6210] =	vst v12;
	v6 =	vmax.f32 v6, $0.0e+00;
	v4 =	vadd.f32 v9, v4  }
0x145: {  	[tilespmem:s29+$0x6220] =	vst v6;
	v5 =	vmax.f32 v5, $0.0e+00;
	v3 =	vadd.f32 v8, v3  }
0x146: {  	[tilespmem:s29+$0x6230] =	vst v5;
	v4 =	vmax.f32 v4, $0.0e+00;
	v2 =	vadd.f32 v7, v2  }
0x147: {  	[tilespmem:s29+$0x6240] =	vst v4;
	v3 =	vmax.f32 v3, $0.0e+00;
	v1 =	vadd.f32 v63, v1  }
0x148: {  	s0 =	sadd.s32 $0x3, s28;
	[tilespmem:s29+$0x6250] =	vst v3;
	v2 =	vmax.f32 v2, $0.0e+00  }
0x149: {  	p0 =	sge.u32 s0, s10;
	[tilespmem:s29+$0x6260] =	vst v2;
	v1 =	vmax.f32 v1, $0.0e+00  }
0x14a: {  	s0 =	sadd.s32 @!p0 s9, s0;
	[tilespmem:s29+$0x6270] =	vst v1  }
0x14b: {  	[spmem:s1] =	stream.indirect.scatter.add.f32 [tilespmem:s24], [sflag:$0x7], $0x80, s19, s18, $0xb8;
	[tilespmem:$0x1C200] =	vst v63  }
0x14c: {  	s30 =	simm.s32 @!p0 $0x80;
	s0 =	sshll.u32 @!p0 s0, $0x3;
	_ =	swait.ge [sflag:s16], $0x2000  }
.Ltmp9:
0x14d: {  	s0 =	sand.u32 @!p0 $0x1FFFFFF8, s0;
	[sflag:s16] =	ssyncset.done $0x0;
	(pc) =	sbr.rel .LBB2_12-.Ltmp9, $4  }
0x14e: {  	s28 =	sadd.s32 @!p0 s5, s0;
	s29 =	simm.s32 @!p0 $0x0;
	[sflag:s16] =	ssyncadd.s32 $0xFFFFE000  }
0x14f: {  	[tilespmem:s30], [sflag:$0x2] =	stream.linear.gather @!p0 [hbm4b:s28+s29], $0x40, $0x38;
	[tilespmem:$0x1C200] =	vst v63  }
0x150: {  	s0 =	sadd.s32 @!p0 s6, s0;
	s28 =	simm.s32 @!p0 $0x180  }
0x151: {  	[tilespmem:s28], [sflag:$0x2] =	stream.linear.gather @!p0 [hbm4b:s0+s29], $0x40, $0x38;
	[tilespmem:$0x1C200] =	vst v63  }
.LBB2_14:
0x152: {  	_ =	sfence.sel $0x180000  }
0x153: {  	[bflag:$0x0] =	sbarrier.arrive $0xFFFF  }
0x154: {  	_ =	strace $0x9000004A  }
0x155: {  	s0 =	stileid.u32;
	[bflag:$0x2] =	sbarrier.arrive $0xFFFF  }
0x156: {  	p0 =	sne.s32 s0, $0x0;
	s0 =	rddreg [dreg:$0x2]  }
0x157: {  	s0 =	sadd.s32 @!p0 $0x100000, s0  }
0x158: {  	[sflag:s0] =	ssyncadd.tile.s32 @!p0 $0x1;
	_ =	shalt  }
.Lfunc_end2:
_tile_overlayer_lowered:
.L_overlay_start_2:
0x159: {  	(tag) =	ssettag $0x2  }
0x15a: {  	s0 =	rddreg [dreg:$0x0];
	s2 =	stileid.u32  }
0x15b: {  	s1 =	rddreg [dreg:$0x1];
	p0 =	sne.s32 s2, $0x0  }
0x15c: {  	s3 =	rddreg [dreg:$0x2];
	[bflag:$0x3] =	sbarrier.arrive $0xFFFF;
	s2 =	simm.s32 @!p0 $0x1C07  }
0x15d: {  	[timem:s3], [sflag:s2] =	dma.local @!p0 [hbm:s0], s1  }
0x15e: {  	s0 =	simm.s32 @!p0 $0x7  }
0x15f: {  	_ =	swait.ge @!p0 [sflag:s0], s1  }
0x160: {  	s1 =	ssub.s32 @!p0 $0x0, s1;
	[sflag:s0] =	ssyncset.done @!p0 $0x0  }
0x161: {  	[sflag:s0] =	ssyncadd.s32 @!p0 s1  }
0x162: {  	[bflag:$0x3] =	sbarrier.arrive $0xFFFF  }
0x163: {  	_ =	shalt  }

// kernel: kernel.7.cloned.1.call-start
scs
__scs_entry_jumppad:
0x0: {  	(pc) =	sbr.rel $0x88, $3  }
0x1: {  	(tag) =	ssettag $0x0;
	lr =	simm.s32 $0x1  }
0x2: {  	[smem:$0x3F88] =	sst lr;
	_ =	strace $0xD0000000  }
0x3: {  	_ = 	snop  }
0x4: {  	_ = 	snop  }
0x5: {  	_ = 	snop  }
0x6: {  	_ = 	snop  }
0x7: {  	_ = 	snop  }
__scs_overlays_trampoline_lowered:
0x8: {  	[smem:$0x3F97] =	sst s0  }
0x9: {  	[smem:$0x3F98] =	sst s1  }
0xa: {  	[smem:$0x3F99] =	sst s2  }
0xb: {  	[smem:$0x3F9A] =	sst s3  }
0xc: {  	[smem:$0x3F9B] =	sst s4  }
0xd: {  	[smem:$0x3F9C] =	sst s5  }
0xe: {  	[smem:$0x3F9D] =	sst s6  }
0xf: {  	[smem:$0x3F9E] =	sst s7  }
0x10: {  	[smem:$0x3F9F] =	sst s8  }
0x11: {  	[smem:$0x3FA0] =	sst s9;
	s0 =	simm.s32 @!p0 $0x0  }
0x12: {  	s1 =	sld [smem:$0x3F86];
	s0 =	simm.s32 @p0 $0x1  }
0x13: {  	[smem:$0x3FA1] =	sst s0;
	s0 =	simm.s32 @!p1 $0x0  }
0x14: {  	s2 =	sld [smem:$0x3F85];
	s0 =	simm.s32 @p1 $0x1  }
0x15: {  	[smem:$0x3FA2] =	sst s0;
	s0 =	simm.s32 @!p2 $0x0  }
0x16: {  	s3 =	sld [smem:$0x3FDB];
	s0 =	simm.s32 @p2 $0x1  }
0x17: {  	s4 =	simm.s32 $0x1BF5;
	[smem:$0x3FA4] =	sst s0  }
0x18: {  	s0 =	sld [smem:$0x3F87];
	_ =	swait.ge [sflag:s4], $0x0  }
0x19: {  	s7 =	sld [smem:$0x3F88]  }
0x1a: {  	s8 =	sadd.s32 $0xFFFFE003, lr  }
0x1b: {  	s9 =	sadd.s32 $0xFFFFFEF7, lr;
	s5 =	simm.s32 $0xFFFFFFFF;
	p2 =	slt.u32 s8, $0xFFFFF086  }
0x1c: {  	p1 =	slt.u32 s9, $0xF7A;
	s5 =	simm.s32 @!p2 $0x0  }
0x1d: {  	s5 =	simm.s32 @p1 $0x1;
	p0 =	seq.s32 s7, s2  }
0x1e: {  	s7 =	smul.u32 @!p0 $0xF7A, s2;
	p2 =	seq.s32 @!p0 s5, $0x0  }
0x1f: {  	s9 =	smul.u32 $0xF7A, s1;
	s8 =	simm.s32 @!p0 $0x1BF5;
	p2 =	por !p2, p0  }
0x20: {  	[sflag:s8] =	ssyncset.s32 @!p0 $0xFFFFF086;
	s6 =	sadd.s32 @!p0 s3, s7;
	s7 =	simm.s32 @!p0 $0x108  }
0x21: {  	s3 =	sadd.s32 s3, s9;
	s6 =	sadd.s32 @!p0 $0x88, s6;
	s7 =	simm.s32 @p2 $0x1082  }
0x22: {  	[simem:s7], [sflag:s8] =	dma.local @!p0 [hbm:s6], $0xF7A  }
0x23: {  	s9 =	sor.u32 $0xD0000000, s2;
	s6 =	simm.s32 $0x108;
	_ =	swait.ge @!p0 [sflag:s8], $0x0  }
0x24: {  	s3 =	sadd.s32 $0x88, s3;
	s6 =	simm.s32 @!p1 $0x1082;
	[sflag:s4] =	ssyncset.s32 $0xFFFFF086  }
0x25: {  	[simem:s6], [sflag:s4] =	dma.local [hbm:s3], $0xF7A  }
0x26: {  	[smem:$0x3F88] =	sst s1;
	(tag) =	ssettag s2;
	_ =	strace s9  }
0x27: {  	s1 =	sld [smem:$0x3F98]  }
0x28: {  	s2 =	sld [smem:$0x3F99]  }
0x29: {  	s4 =	sld [smem:$0x3F9B]  }
0x2a: {  	p0 =	seq.s32 s5, $0x0;
	s5 =	sld [smem:$0x3F9C]  }
0x2b: {  	s6 =	sld [smem:$0x3F9D]  }
0x2c: {  	s7 =	sld [smem:$0x3F9E]  }
0x2d: {  	s3 =	simm.s32 $0x108;
	s8 =	sld [smem:$0x3F9F]  }
0x2e: {  	s3 =	simm.s32 @!p0 $0x1082;
	s9 =	sld [smem:$0x3FA0]  }
0x2f: {  	lr =	sadd.s32 s0, s3;
	s0 =	sld [smem:$0x3F97]  }
0x30: {  	s3 =	sld [smem:$0x3F9A]  }
0x31: {  	[smem:$0x3FA3] =	sst s10  }
0x32: {  	s10 =	sld [smem:$0x3FA1];
	_ =	sdelay $0x3  }
0x33: {  	p0 =	seq.s32 s10, $0x1;
	s10 =	sld [smem:$0x3FA3];
	_ =	sdelay $0x3  }
0x34: {  	[smem:$0x3FA3] =	sst s10  }
0x35: {  	s10 =	sld [smem:$0x3FA2];
	_ =	sdelay $0x3  }
0x36: {  	p1 =	seq.s32 s10, $0x1;
	s10 =	sld [smem:$0x3FA3];
	_ =	sdelay $0x3  }
0x37: {  	[smem:$0x3FA3] =	sst s10  }
0x38: {  	s10 =	sld [smem:$0x3FA4]  }
0x39: {  	_ = 	snop;
	(pc) =	sbr.ind lr, $3  }
0x3a: {  	_ = 	snop  }
0x3b: {  	_ = 	snop  }
0x3c: {  	p2 =	seq.s32 s10, $0x1;
	s10 =	sld [smem:$0x3FA3]  }
0x3d: {  	_ =	shalt  }
0x3e: {  	_ =	shalt  }
0x3f: {  	_ =	shalt  }
0x40: {  	_ =	shalt  }
0x41: {  	_ =	shalt  }
0x42: {  	_ =	shalt  }
0x43: {  	_ =	shalt  }
0x44: {  	_ =	shalt  }
0x45: {  	_ =	shalt  }
0x46: {  	_ =	shalt  }
0x47: {  	_ =	shalt  }
0x48: {  	_ =	shalt  }
0x49: {  	_ =	shalt  }
0x4a: {  	_ =	shalt  }
0x4b: {  	_ =	shalt  }
0x4c: {  	_ =	shalt  }
0x4d: {  	_ =	shalt  }
0x4e: {  	_ =	shalt  }
0x4f: {  	_ =	shalt  }
0x50: {  	_ =	shalt  }
0x51: {  	_ =	shalt  }
0x52: {  	_ =	shalt  }
0x53: {  	_ =	shalt  }
0x54: {  	_ =	shalt  }
0x55: {  	_ =	shalt  }
0x56: {  	_ =	shalt  }
0x57: {  	_ =	shalt  }
0x58: {  	_ =	shalt  }
0x59: {  	_ =	shalt  }
0x5a: {  	_ =	shalt  }
0x5b: {  	_ =	shalt  }
0x5c: {  	_ =	shalt  }
0x5d: {  	_ =	shalt  }
0x5e: {  	_ =	shalt  }
0x5f: {  	_ =	shalt  }
0x60: {  	_ =	shalt  }
0x61: {  	_ =	shalt  }
0x62: {  	_ =	shalt  }
0x63: {  	_ =	shalt  }
0x64: {  	_ =	shalt  }
0x65: {  	_ =	shalt  }
0x66: {  	_ =	shalt  }
0x67: {  	_ =	shalt  }
0x68: {  	_ =	shalt  }
0x69: {  	_ =	shalt  }
0x6a: {  	_ =	shalt  }
0x6b: {  	_ =	shalt  }
0x6c: {  	_ =	shalt  }
0x6d: {  	_ =	shalt  }
0x6e: {  	_ =	shalt  }
0x6f: {  	_ =	shalt  }
0x70: {  	_ =	shalt  }
0x71: {  	_ =	shalt  }
0x72: {  	_ =	shalt  }
0x73: {  	_ =	shalt  }
0x74: {  	_ =	shalt  }
0x75: {  	_ =	shalt  }
0x76: {  	_ =	shalt  }
0x77: {  	_ =	shalt  }
0x78: {  	_ =	shalt  }
0x79: {  	_ =	shalt  }
0x7a: {  	_ =	shalt  }
0x7b: {  	_ =	shalt  }
0x7c: {  	_ =	shalt  }
0x7d: {  	_ =	shalt  }
0x7e: {  	_ =	shalt  }
0x7f: {  	_ =	shalt  }
0x80: {  	_ =	shalt  }
0x81: {  	_ =	shalt  }
0x82: {  	_ =	shalt  }
0x83: {  	_ =	shalt  }
0x84: {  	_ =	shalt  }
0x85: {  	_ =	shalt  }
0x86: {  	_ =	shalt  }
0x87: {  	_ =	shalt  }
.Lfunc_end0:
.L_simem_size_0:
called_computation_lowered:
.L_overlay_start_0:
0x88: {  	s2 =	sld [smem:$0x3FD9]  }
0x89: {  	s3 =	sld [smem:$0x3FFE];
	_ =	sdelay $0x1  }
0x8a: {  	s1 =	srdreg.scid  }
0x8b: {  	s0 =	sand.u32 $0x1, s1  }
0x8c: {  	s17 =	sshll.u32 s0, $0xA;
	s2 =	sadd.s32 s3, s2  }
0x8d: {  	s2 =	sadd.s32 s2, s17  }
0x8e: {  	[smem:$0x3FAF] =	sst s2  }
0x8f: {  	_ = 	snop  }
0x90: {  	s2 =	sld [smem:$0x3FC9];
	(tm) =	ssettm $0x1  }
0x91: {  	s18 =	sld [smem:$0x3FFB];
	_ =	sdelay $0x3  }
0x92: {  	_ =	strace s18  }
0x93: {  	s3 =	sld [smem:$0x3FFC];
	_ =	sdelay $0x3  }
0x94: {  	_ =	strace s3  }
0x95: {  	s3 =	sld [smem:$0x3FFD];
	_ =	sdelay $0x3  }
0x96: {  	_ =	strace s3  }
0x97: {  	_ =	strace $0x8FFFFFFF  }
0x98: {  	s19 =	sld [smem:$0x3FDB];
	_ =	sdelay $0x1  }
0x99: {  	s4 =	simm.s32 $_scs_section_size  }
0x9a: {  	s5 =	simm.s32 $_size__tile_overlayer_lowered;
	s6 =	simm.s32 $_tile_overlayer_lowered  }
0x9b: {  	s22 =	simm.s32 $0x1BFF;
	s21 =	sshll.u32 s6, $0x1;
	s3 =	sadd.s32 s4, s19  }
0x9c: {  	s7 =	simm.s32 $0x0;
	s20 =	sshll.u32 s5, $0x1;
	s5 =	sadd.s32 s21, s3  }
0x9d: {  	[timem:s7], [sflag:s22] =	dma.local [hbm:s5], s20  }
0x9e: {  	_ =	swait.ge [sflag:s22], s20  }
0x9f: {  	s4 =	ssub.s32 $0x0, s20;
	[sflag:s22] =	ssyncset.done $0x0  }
0xa0: {  	[sflag:s22] =	ssyncadd.s32 s4;
	_ =	sdelay $0x1  }
0xa1: {  	s23 =	simm.s32 $0x1B8B  }
0xa2: {  	_ =	swait.ge [sflag:s23], $0x1  }
0xa3: {  	[sflag:s23] =	ssyncset.done $0x0  }
0xa4: {  	s25 =	simm.s32 $0x1B8E;
	s24 =	sld [smem:$0x3FFE];
	[sflag:s23] =	ssyncadd.s32 $0xFFFFFFFF  }
0xa5: {  	s26 =	simm.s32 $execute0_lowered;
	[smem:$0x3FD2] =	sst s25  }
0xa6: {  	s5 =	sshll.u32 s26, $0x1;
	_ =	strace $0x80000046;
	[dreg:$0x1] =	wrdreg $0xFFFFFFFF  }
0xa7: {  	s28 =	simm.s32 $_size_execute0_lowered;
	s3 =	sadd.s32 s3, s5;
	[dreg:$0x0] =	wrdreg $0x0  }
0xa8: {  	s5 =	sshll.u32 s28, $0x1;
	[dreg:$0x2] =	wrdreg s3  }
0xa9: {  	[dreg:$0x3] =	wrdreg s5  }
0xaa: {  	[dreg:$0x4] =	wrdreg $0xC0  }
0xab: {  	_ =	task [dreg:s7], $0x5FFFF  }
0xac: {  	[dreg:$0x1] =	wrdreg $0xFFFFFFFF  }
0xad: {  	[dreg:$0x0] =	wrdreg $0x60  }
0xae: {  	[dreg:$0x2] =	wrdreg s2  }
0xaf: {  	[dreg:$0x3] =	wrdreg s24  }
0xb0: {  	[dreg:$0x4] =	wrdreg $0x82000  }
0xb1: {  	[dreg:$0x5] =	wrdreg $0x9  }
0xb2: {  	_ =	task.clear_ibuf [dreg:s7], $0x6FFFF;
	_ =	strace $0x90000046  }
0xb3: {  	s29 =	simm.s32 $0x9;
	_ =	strace $0x80000048  }
0xb4: {  	_ =	swait.ge [sflag:s29], $0x1  }
0xb5: {  	[sflag:s29] =	ssyncadd.s32 $0xFFFFFFFF  }
0xb6: {  	_ =	strace $0x90000048  }
0xb7: {  	_ =	sfence  }
0xb8: {  	s30 =	sld [smem:$0x0];
	_ =	sdelay $0x2  }
0xb9: {  	s31 =	sshll.u32 s1, $0xD;
	s1 =	sshrl.u32 s1, $0x2  }
0xba: {  	s3 =	sand.u32 $0x4000, s31;
	s1 =	sadd.s32 s1, s30  }
0xbb: {  	s0 =	sor.u32 s3, s0;
	s1 =	sshll.u32 s1, $0x11  }
0xbc: {  	s0 =	sor.u32 s1, s0  }
0xbd: {  	s0 =	sadd.s32 $0x8F2B, s0  }
0xbe: {  	[sflag:s0] =	ssyncadd.remote.s32 $0x1  }
0xbf: {  	_ =	sfence.sel $0xFFFF  }
0xc0: {  	[dreg:$0x0] =	wrdreg $0xFFFFFFFF;
	(pc) =	sbr.abs _section_cstart, $3  }
0xc1: {  	[dreg:$0x1] =	wrdreg $0xFFFFFFFF  }
0xc2: {  	_ =	task.clear_ibuf [dreg:s7], $0x2FFFF;
	_ =	strace $0x9FFFFFFF  }
0xc3: {  	(tm) =	ssettm $0x7FFFFFFF  }
tec
execute0_lowered:
.L_overlay_start_1:
0x0: {  	(tag) =	ssettag $0x1  }
0x1: {  	s1 =	rddreg [dreg:$0x0]  }
0x2: {  	s2 =	srdreg.scid;
	s11 =	stileid.u32  }
0x3: {  	s0 =	rddreg [dreg:$0x1];
	s2 =	sand.u32 $0x1, s2;
	s8 =	smul.u32 $0x280, s11  }
0x4: {  	s3 =	rddreg [dreg:$0x2];
	s4 =	simm.s32 $0x0;
	s9 =	smul.u32 $0x2800, s2  }
0x5: {  	[smem:$0x7FF] =	sst s4;
	s28 =	sshll.u32 s2, $0x4;
	s2 =	ssub.s32 $0x2, s2  }
0x6: {  	s5 =	sadd.s32 $0x9D1000, s0;
	s31 =	sshrl.u32 s2, $0x1;
	s8 =	sadd.s32 s8, s9  }
0x7: {  	s6 =	sadd.s32 $0x9C7200, s0;
	s2 =	ssub.s32 s2, s31;
	s8 =	sshll.u32 s8, $0x4  }
0x8: {  	s7 =	sadd.s32 $0x9DAE00, s0;
	s25 =	smax.u32 s2, $0x1;
	s0 =	sadd.s32 s8, s0  }
0x9: {  	_ =	strace $0x80000047;
	[dreg:$0x13] =	wrdreg s25;
	s16 =	sadd.s32 $0x3200, s0  }
0xa: {  	s29 =	smul.u32 $0x50000, s11;
	s17 =	sadd.s32 $0x3600, s0;
	[dreg:$0x9] =	wrdreg s16  }
0xb: {  	s10 =	sor.u32 s11, s28;
	s18 =	sadd.s32 $0x3A00, s0;
	[dreg:$0xa] =	wrdreg s17  }
0xc: {  	s30 =	smul.u32 $0x9C, s10;
	s19 =	sadd.s32 $0x3E00, s0;
	[dreg:$0xb] =	wrdreg s18  }
0xd: {  	s9 =	sshrl.u32 s29, $0x2;
	s20 =	sadd.s32 $0x4200, s0;
	[dreg:$0xc] =	wrdreg s19  }
0xe: {  	s12 =	smin.u32 s10, $0x8;
	s21 =	sadd.s32 $0x4600, s0;
	[dreg:$0xd] =	wrdreg s20  }
0xf: {  	p0 =	slt.u32 s10, $0x8;
	s22 =	sadd.s32 $0x4A00, s0;
	[dreg:$0xe] =	wrdreg s21  }
0x10: {  	s10 =	simm.s32 $0x9D;
	s23 =	sadd.s32 $0x4E00, s0;
	[dreg:$0xf] =	wrdreg s22  }
0x11: {  	s10 =	simm.s32 @!p0 $0x9C;
	s24 =	sadd.s32 $0x5200, s0;
	[dreg:$0x10] =	wrdreg s23  }
0x12: {  	s8 =	sadd.s32 s9, s3;
	s0 =	sadd.s32 $0x5600, s0;
	[dreg:$0x11] =	wrdreg s24  }
0x13: {  	s9 =	sadd.s32 s12, s30;
	s26 =	sadd.s32 $0x2000, s8;
	[dreg:$0x12] =	wrdreg s0  }
0x14: {  	s25 =	simm.s32 $0x0;
	s28 =	sadd.s32 $0x4000, s8;
	[dreg:$0x14] =	wrdreg s26  }
0x15: {  	s11 =	sshll.u32 s9, $0x3;
	s29 =	sadd.s32 $0x6000, s8;
	[dreg:$0x15] =	wrdreg s28  }
0x16: {  	s14 =	sshll.u32 s9, $0xA;
	s30 =	sadd.s32 $0x8000, s8;
	[dreg:$0x16] =	wrdreg s29  }
0x17: {  	s31 =	sadd.s32 $0xA000, s8;
	s2 =	sadd.s32 $0xC000, s8;
	[dreg:$0x17] =	wrdreg s30  }
0x18: {  	s13 =	sadd.s32 s5, s11;
	s12 =	sadd.s32 s7, s14;
	[dreg:$0x18] =	wrdreg s31  }
0x19: {  	s14 =	sadd.s32 $0xFFFFFFFF, s10;
	s16 =	simm.s32 $0x7;
	s17 =	simm.s32 $0x100  }
0x1a: {  	s18 =	simm.s32 $0x40;
	s19 =	simm.s32 $0x180;
	s20 =	simm.s32 $0x3  }
0x1b: {  	s21 =	simm.s32 $0x5;
	s22 =	simm.s32 $0x4;
	s23 =	simm.s32 $0x6  }
.Ltmp0:
0x1c: {  	s24 =	simm.s32 $0x6200;
	[dreg:$0x4] =	wrdreg s13;
	(pc) =	sbr.rel .LBB2_1-.Ltmp0, $4  }
0x1d: {  	s13 =	sadd.s32 s6, s11;
	[dreg:$0x6] =	wrdreg s12;
	s11 =	sadd.s32 $0x8, s11  }
0x1e: {  	s12 =	sadd.s32 $0x10000, s8;
	[dreg:$0x5] =	wrdreg s13;
	s15 =	sadd.s32 s5, s11  }
0x1f: {  	s11 =	sadd.s32 s6, s11;
	s13 =	sadd.s32 $0x12000, s8;
	[dreg:$0x7] =	wrdreg s15  }
0x20: {  	v0 =	vimm.f32 $0.0e+00;
	[dreg:$0x8] =	wrdreg s11;
	s11 =	sadd.s32 $0xE000, s8;
	s15 =	simm.s32 $0x4200  }
.LBB2_13:
0x21: {  	[bflag:$0x0] =	sbarrier.arrive $0xFFFF  }
0x22: {  	[tilespmem:s15], [sflag:$0x7] =	stream.linear.gather [spmem:s8], $0x2000, $0x38;
	[tilespmem:$0x1C200] =	vst v63  }
0x23: {  	_ =	swait.ge [sflag:s16], $0x2000  }
0x24: {  	[sflag:s16] =	ssyncset.done $0x0  }
0x25: {  	s0 =	rddreg [dreg:$0x9];
	[sflag:s16] =	ssyncadd.s32 $0xFFFFE000  }
0x26: {  	[hbm4b:s0+s4] =	stream.linear.scatter [tilespmem:s15], [sflag:$0x7], $0x2000, $0x38;
	[tilespmem:$0x1C200] =	vst v63  }
0x27: {  	_ =	swait.ge [sflag:s16], $0x2000  }
0x28: {  	[sflag:s16] =	ssyncset.done $0x0  }
0x29: {  	s26 =	rddreg [dreg:$0x14];
	[sflag:s16] =	ssyncadd.s32 $0xFFFFE000  }
0x2a: {  	[tilespmem:s15], [sflag:$0x7] =	stream.linear.gather [spmem:s26], $0x2000, $0x38;
	[tilespmem:$0x1C200] =	vst v63  }
0x2b: {  	_ =	swait.ge [sflag:s16], $0x2000  }
0x2c: {  	[sflag:s16] =	ssyncset.done $0x0  }
0x2d: {  	s28 =	rddreg [dreg:$0xa];
	[sflag:s16] =	ssyncadd.s32 $0xFFFFE000  }
0x2e: {  	[hbm4b:s28+s4] =	stream.linear.scatter [tilespmem:s15], [sflag:$0x7], $0x2000, $0x38;
	[tilespmem:$0x1C200] =	vst v63  }
0x2f: {  	_ =	swait.ge [sflag:s16], $0x2000  }
0x30: {  	[sflag:s16] =	ssyncset.done $0x0  }
0x31: {  	s29 =	rddreg [dreg:$0x15];
	[sflag:s16] =	ssyncadd.s32 $0xFFFFE000  }
0x32: {  	[tilespmem:s15], [sflag:$0x7] =	stream.linear.gather [spmem:s29], $0x2000, $0x38;
	[tilespmem:$0x1C200] =	vst v63  }
0x33: {  	_ =	swait.ge [sflag:s16], $0x2000  }
0x34: {  	[sflag:s16] =	ssyncset.done $0x0  }
0x35: {  	s30 =	rddreg [dreg:$0xb];
	[sflag:s16] =	ssyncadd.s32 $0xFFFFE000  }
0x36: {  	[hbm4b:s30+s4] =	stream.linear.scatter [tilespmem:s15], [sflag:$0x7], $0x2000, $0x38;
	[tilespmem:$0x1C200] =	vst v63  }
0x37: {  	_ =	swait.ge [sflag:s16], $0x2000  }
0x38: {  	[sflag:s16] =	ssyncset.done $0x0  }
0x39: {  	s31 =	rddreg [dreg:$0x16];
	[sflag:s16] =	ssyncadd.s32 $0xFFFFE000  }
0x3a: {  	[tilespmem:s15], [sflag:$0x7] =	stream.linear.gather [spmem:s31], $0x2000, $0x38;
	[tilespmem:$0x1C200] =	vst v63  }
0x3b: {  	_ =	swait.ge [sflag:s16], $0x2000  }
0x3c: {  	[sflag:s16] =	ssyncset.done $0x0  }
0x3d: {  	s26 =	rddreg [dreg:$0xc];
	[sflag:s16] =	ssyncadd.s32 $0xFFFFE000  }
0x3e: {  	[hbm4b:s26+s4] =	stream.linear.scatter [tilespmem:s15], [sflag:$0x7], $0x2000, $0x38;
	[tilespmem:$0x1C200] =	vst v63  }
0x3f: {  	_ =	swait.ge [sflag:s16], $0x2000  }
0x40: {  	[sflag:s16] =	ssyncset.done $0x0  }
0x41: {  	s28 =	rddreg [dreg:$0x17];
	[sflag:s16] =	ssyncadd.s32 $0xFFFFE000  }
0x42: {  	[tilespmem:s15], [sflag:$0x7] =	stream.linear.gather [spmem:s28], $0x2000, $0x38;
	[tilespmem:$0x1C200] =	vst v63  }
0x43: {  	_ =	swait.ge [sflag:s16], $0x2000  }
0x44: {  	[sflag:s16] =	ssyncset.done $0x0  }
0x45: {  	s29 =	rddreg [dreg:$0xd];
	[sflag:s16] =	ssyncadd.s32 $0xFFFFE000  }
0x46: {  	[hbm4b:s29+s4] =	stream.linear.scatter [tilespmem:s15], [sflag:$0x7], $0x2000, $0x38;
	[tilespmem:$0x1C200] =	vst v63  }
0x47: {  	_ =	swait.ge [sflag:s16], $0x2000  }
0x48: {  	[sflag:s16] =	ssyncset.done $0x0  }
0x49: {  	s30 =	rddreg [dreg:$0x18];
	[sflag:s16] =	ssyncadd.s32 $0xFFFFE000  }
0x4a: {  	[tilespmem:s15], [sflag:$0x7] =	stream.linear.gather [spmem:s30], $0x2000, $0x38;
	[tilespmem:$0x1C200] =	vst v63  }
0x4b: {  	_ =	swait.ge [sflag:s16], $0x2000  }
0x4c: {  	[sflag:s16] =	ssyncset.done $0x0  }
0x4d: {  	s31 =	rddreg [dreg:$0xe];
	[sflag:s16] =	ssyncadd.s32 $0xFFFFE000  }
0x4e: {  	[hbm4b:s31+s4] =	stream.linear.scatter [tilespmem:s15], [sflag:$0x7], $0x2000, $0x38;
	[tilespmem:$0x1C200] =	vst v63  }
0x4f: {  	_ =	swait.ge [sflag:s16], $0x2000  }
0x50: {  	[sflag:s16] =	ssyncset.done $0x0  }
0x51: {  	[sflag:s16] =	ssyncadd.s32 $0xFFFFE000  }
0x52: {  	[tilespmem:s15], [sflag:$0x7] =	stream.linear.gather [spmem:s2], $0x2000, $0x38;
	[tilespmem:$0x1C200] =	vst v63  }
0x53: {  	_ =	swait.ge [sflag:s16], $0x2000  }
0x54: {  	[sflag:s16] =	ssyncset.done $0x0  }
0x55: {  	s26 =	rddreg [dreg:$0xf];
	[sflag:s16] =	ssyncadd.s32 $0xFFFFE000  }
0x56: {  	[hbm4b:s26+s4] =	stream.linear.scatter [tilespmem:s15], [sflag:$0x7], $0x2000, $0x38;
	[tilespmem:$0x1C200] =	vst v63  }
0x57: {  	_ =	swait.ge [sflag:s16], $0x2000  }
0x58: {  	[sflag:s16] =	ssyncset.done $0x0  }
0x59: {  	[sflag:s16] =	ssyncadd.s32 $0xFFFFE000  }
0x5a: {  	[tilespmem:s15], [sflag:$0x7] =	stream.linear.gather [spmem:s11], $0x2000, $0x38;
	[tilespmem:$0x1C200] =	vst v63  }
0x5b: {  	_ =	swait.ge [sflag:s16], $0x2000  }
0x5c: {  	[sflag:s16] =	ssyncset.done $0x0  }
0x5d: {  	s28 =	rddreg [dreg:$0x10];
	[sflag:s16] =	ssyncadd.s32 $0xFFFFE000  }
0x5e: {  	[hbm4b:s28+s4] =	stream.linear.scatter [tilespmem:s15], [sflag:$0x7], $0x2000, $0x38;
	[tilespmem:$0x1C200] =	vst v63  }
0x5f: {  	_ =	swait.ge [sflag:s16], $0x2000  }
0x60: {  	[sflag:s16] =	ssyncset.done $0x0  }
0x61: {  	[sflag:s16] =	ssyncadd.s32 $0xFFFFE000  }
0x62: {  	[tilespmem:s15], [sflag:$0x7] =	stream.linear.gather [spmem:s12], $0x2000, $0x38;
	[tilespmem:$0x1C200] =	vst v63  }
0x63: {  	_ =	swait.ge [sflag:s16], $0x2000  }
0x64: {  	[sflag:s16] =	ssyncset.done $0x0  }
0x65: {  	s29 =	rddreg [dreg:$0x11];
	[sflag:s16] =	ssyncadd.s32 $0xFFFFE000  }
0x66: {  	[hbm4b:s29+s4] =	stream.linear.scatter [tilespmem:s15], [sflag:$0x7], $0x2000, $0x38;
	[tilespmem:$0x1C200] =	vst v63  }
0x67: {  	_ =	swait.ge [sflag:s16], $0x2000  }
0x68: {  	[sflag:s16] =	ssyncset.done $0x0  }
0x69: {  	[sflag:s16] =	ssyncadd.s32 $0xFFFFE000  }
0x6a: {  	[tilespmem:s15], [sflag:$0x7] =	stream.linear.gather [spmem:s13], $0x2000, $0x38;
	[tilespmem:$0x1C200] =	vst v63  }
0x6b: {  	_ =	swait.ge [sflag:s16], $0x2000  }
0x6c: {  	[sflag:s16] =	ssyncset.done $0x0  }
0x6d: {  	s30 =	rddreg [dreg:$0x12];
	[sflag:s16] =	ssyncadd.s32 $0xFFFFE000  }
0x6e: {  	[hbm4b:s30+s4] =	stream.linear.scatter [tilespmem:s15], [sflag:$0x7], $0x2000, $0x38;
	[tilespmem:$0x1C200] =	vst v63  }
0x6f: {  	_ =	swait.ge [sflag:s16], $0x2000  }
0x70: {  	s25 =	sadd.s32 $0x1, s25;
	s31 =	rddreg [dreg:$0x13]  }
0x71: {  	p0 =	sne.s32 s25, s31  }
.Ltmp1:
0x72: {  	_ = 	snop;
	(pc) =	sbr.rel @!p0 .LBB2_14-.Ltmp1, $3  }
0x73: {  	_ =	sdelay $0x1  }
0x74: {  	[sflag:s16] =	ssyncset.done $0x0  }
0x75: {  	[sflag:s16] =	ssyncadd.s32 $0xFFFFE000  }
.LBB2_1:
0x76: {  	s26 =	simm.s32 $0x0;
	s28 =	simm.s32 $0x200  }
.LBB2_2:
0x77: {  	p0 =	sne.s32 s28, $0x7E00;
	[tilespmem:s26+$0x4270] =	vst v0  }
0x78: {  	[tilespmem:s26+$0x4200] =	vst v0  }
0x79: {  	[tilespmem:s26+$0x4210] =	vst v0  }
.Ltmp2:
0x7a: {  	[tilespmem:s26+$0x4220] =	vst v0;
	(pc) =	sbr.rel @p0 .LBB2_2-.Ltmp2, $4  }
0x7b: {  	[tilespmem:s26+$0x4230] =	vst v0  }
0x7c: {  	[tilespmem:s26+$0x4240] =	vst v0  }
0x7d: {  	[tilespmem:s26+$0x4250] =	vst v0  }
0x7e: {  	[tilespmem:s26+$0x4260] =	vst v0;
	s26 =	sshra.s32 s28, $0x2;
	s28 =	sadd.s32 $0x200, s28  }
0x7f: {  	[tilespmem:s26+$0x4270] =	vst v0  }
0x80: {  	[tilespmem:s26+$0x4200] =	vst v0  }
0x81: {  	[tilespmem:s26+$0x4210] =	vst v0  }
0x82: {  	[tilespmem:s26+$0x4220] =	vst v0  }
0x83: {  	[tilespmem:s26+$0x4230] =	vst v0  }
0x84: {  	[tilespmem:s26+$0x4240] =	vst v0  }
0x85: {  	[tilespmem:s26+$0x4250] =	vst v0  }
0x86: {  	[tilespmem:s26+$0x4260] =	vst v0  }
0x87: {  	[spmem:s8] =	stream.linear.scatter [tilespmem:s15], [sflag:$0x7], $0x2000, $0x38;
	[tilespmem:$0x1C200] =	vst v63  }
0x88: {  	_ =	swait.ge [sflag:s16], $0x2000  }
0x89: {  	[sflag:s16] =	ssyncset.done $0x0  }
0x8a: {  	s0 =	rddreg [dreg:$0x14];
	[sflag:s16] =	ssyncadd.s32 $0xFFFFE000  }
0x8b: {  	[spmem:s0] =	stream.linear.scatter [tilespmem:s15], [sflag:$0x7], $0x2000, $0x38;
	[tilespmem:$0x1C200] =	vst v63  }
0x8c: {  	_ =	swait.ge [sflag:s16], $0x2000  }
0x8d: {  	[sflag:s16] =	ssyncset.done $0x0  }
0x8e: {  	s31 =	rddreg [dreg:$0x15];
	[sflag:s16] =	ssyncadd.s32 $0xFFFFE000  }
0x8f: {  	[spmem:s31] =	stream.linear.scatter [tilespmem:s15], [sflag:$0x7], $0x2000, $0x38;
	[tilespmem:$0x1C200] =	vst v63  }
0x90: {  	_ =	swait.ge [sflag:s16], $0x2000  }
0x91: {  	[sflag:s16] =	ssyncset.done $0x0  }
0x92: {  	s26 =	rddreg [dreg:$0x16];
	[sflag:s16] =	ssyncadd.s32 $0xFFFFE000  }
0x93: {  	[spmem:s26] =	stream.linear.scatter [tilespmem:s15], [sflag:$0x7], $0x2000, $0x38;
	[tilespmem:$0x1C200] =	vst v63  }
0x94: {  	_ =	swait.ge [sflag:s16], $0x2000  }
0x95: {  	[sflag:s16] =	ssyncset.done $0x0  }
0x96: {  	s28 =	rddreg [dreg:$0x17];
	[sflag:s16] =	ssyncadd.s32 $0xFFFFE000  }
0x97: {  	[spmem:s28] =	stream.linear.scatter [tilespmem:s15], [sflag:$0x7], $0x2000, $0x38;
	[tilespmem:$0x1C200] =	vst v63  }
0x98: {  	_ =	swait.ge [sflag:s16], $0x2000  }
0x99: {  	[sflag:s16] =	ssyncset.done $0x0  }
0x9a: {  	s29 =	rddreg [dreg:$0x18];
	[sflag:s16] =	ssyncadd.s32 $0xFFFFE000  }
0x9b: {  	[spmem:s29] =	stream.linear.scatter [tilespmem:s15], [sflag:$0x7], $0x2000, $0x38;
	[tilespmem:$0x1C200] =	vst v63  }
0x9c: {  	_ =	swait.ge [sflag:s16], $0x2000  }
0x9d: {  	[sflag:s16] =	ssyncset.done $0x0  }
0x9e: {  	[sflag:s16] =	ssyncadd.s32 $0xFFFFE000  }
0x9f: {  	[spmem:s2] =	stream.linear.scatter [tilespmem:s15], [sflag:$0x7], $0x2000, $0x38;
	[tilespmem:$0x1C200] =	vst v63  }
0xa0: {  	_ =	swait.ge [sflag:s16], $0x2000  }
0xa1: {  	[sflag:s16] =	ssyncset.done $0x0  }
0xa2: {  	[sflag:s16] =	ssyncadd.s32 $0xFFFFE000  }
0xa3: {  	[spmem:s11] =	stream.linear.scatter [tilespmem:s15], [sflag:$0x7], $0x2000, $0x38;
	[tilespmem:$0x1C200] =	vst v63  }
0xa4: {  	_ =	swait.ge [sflag:s16], $0x2000  }
0xa5: {  	[sflag:s16] =	ssyncset.done $0x0  }
0xa6: {  	[sflag:s16] =	ssyncadd.s32 $0xFFFFE000  }
0xa7: {  	[spmem:s12] =	stream.linear.scatter [tilespmem:s15], [sflag:$0x7], $0x2000, $0x38;
	[tilespmem:$0x1C200] =	vst v63  }
0xa8: {  	_ =	swait.ge [sflag:s16], $0x2000  }
0xa9: {  	[sflag:s16] =	ssyncset.done $0x0  }
0xaa: {  	[sflag:s16] =	ssyncadd.s32 $0xFFFFE000  }
0xab: {  	[spmem:s13] =	stream.linear.scatter [tilespmem:s15], [sflag:$0x7], $0x2000, $0x38;
	[tilespmem:$0x1C200] =	vst v63  }
0xac: {  	_ =	swait.ge [sflag:s16], $0x2000  }
0xad: {  	[sflag:s16] =	ssyncset.done $0x0  }
0xae: {  	[sflag:s16] =	ssyncadd.s32 $0xFFFFE000  }
0xaf: {  	[bflag:$0x0] =	sbarrier.arrive $0xFFFF  }
0xb0: {  	s26 =	simm.s32 $0x0;
	s30 =	rddreg [dreg:$0x4]  }
0xb1: {  	[tilespmem:s26], [sflag:$0x7] =	stream.linear.gather [hbm4b:s30+s26], $0x40, $0x38;
	[tilespmem:$0x1C200] =	vst v63  }
0xb2: {  	_ =	swait.ge [sflag:s16], $0x40  }
0xb3: {  	[sflag:s16] =	ssyncset.done $0x0  }
0xb4: {  	s31 =	rddreg [dreg:$0x5];
	[sflag:s16] =	ssyncadd.s32 $0xFFFFFFC0  }
0xb5: {  	[tilespmem:s17], [sflag:$0x7] =	stream.linear.gather [hbm4b:s31+s26], $0x40, $0x38;
	[tilespmem:$0x1C200] =	vst v63  }
0xb6: {  	_ =	swait.ge [sflag:s16], $0x40  }
0xb7: {  	[sflag:s16] =	ssyncset.done $0x0  }
0xb8: {  	s28 =	simm.s32 $0x200;
	[sflag:s16] =	ssyncadd.s32 $0xFFFFFFC0  }
0xb9: {  	[tilespmem:s28], [sflag:$0x3] =	stream.indirect.gather [hbm4b:s1+s18], $0x80, s26, s18, $0xb8;
	[tilespmem:$0x1C200] =	vst v63  }
0xba: {  	s29 =	rddreg [dreg:$0x6]  }
0xbb: {  	[tilespmem:s15], [sflag:$0x5] =	stream.linear.gather [hbm4b:s29+s26], $0x2000, $0x38;
	[tilespmem:$0x1C200] =	vst v63  }
.Ltmp3:
0xbc: {  	_ = 	snop;
	(pc) =	sbr.rel .LBB2_4-.Ltmp3, $4  }
0xbd: {  	s30 =	rddreg [dreg:$0x7];
	s28 =	simm.s32 $0x80  }
0xbe: {  	[tilespmem:s28], [sflag:$0x2] =	stream.linear.gather [hbm4b:s30+s26], $0x40, $0x38;
	[tilespmem:$0x1C200] =	vst v63  }
0xbf: {  	s31 =	rddreg [dreg:$0x8]  }
0xc0: {  	[tilespmem:s19], [sflag:$0x2] =	stream.linear.gather [hbm4b:s31+s26], $0x40, $0x38;
	[tilespmem:$0x1C200] =	vst v63  }
.LBB2_12:
0xc1: {  	s26 =	sadd.s32 $0x1, s26  }
0xc2: {  	p0 =	sne.s32 s26, $0x4F  }
.Ltmp4:
0xc3: {  	_ = 	snop;
	(pc) =	sbr.rel @!p0 .LBB2_13-.Ltmp4, $1  }
0xc4: {  	_ =	sdelay $0x3  }
.LBB2_4:
0xc5: {  	s28 =	sshll.u32 s26, $0x1  }
0xc6: {  	p0 =	sge.u32 s28, s10  }
.Ltmp5:
0xc7: {  	_ = 	snop;
	(pc) =	sbr.rel @p0 .LBB2_8-.Ltmp5, $1  }
0xc8: {  	_ =	sdelay $0x3  }
0xc9: {  	s29 =	sor.u32 $0x1, s28  }
0xca: {  	p0 =	sge.u32 s29, s10  }
0xcb: {  	s30 =	simm.s32 @!p0 $0x2  }
0xcc: {  	_ =	swait.ge @!p0 [sflag:s30], $0x40  }
0xcd: {  	[sflag:s30] =	ssyncset.done @!p0 $0x0  }
0xce: {  	[sflag:s30] =	ssyncadd.s32 @!p0 $0xFFFFFFC0  }
0xcf: {  	_ =	swait.ge @!p0 [sflag:s30], $0x40  }
0xd0: {  	s31 =	simm.s32 @!p0 $0x80;
	[sflag:s30] =	ssyncset.done @!p0 $0x0  }
0xd1: {  	s0 =	simm.s32 @!p0 $0x2200;
	[sflag:s30] =	ssyncadd.s32 @!p0 $0xFFFFFFC0;
	s30 =	simm.s32 @!p0 $0x40  }
0xd2: {  	[tilespmem:s0], [sflag:$0x4] =	stream.indirect.gather @!p0 [hbm4b:s1+s30], $0x80, s31, s30, $0xb8;
	[tilespmem:$0x1C200] =	vst v63  }
0xd3: {  	s0 =	sadd.s32 @!p0 s9, s29  }
0xd4: {  	s0 =	sshll.u32 @!p0 s0, $0xA  }
0xd5: {  	s0 =	sand.u32 @!p0 $0x1FFFFC00, s0  }
0xd6: {  	s29 =	simm.s32 @!p0 $0x0;
	s30 =	simm.s32 @!p0 $0x6200;
	s0 =	sadd.s32 @!p0 s7, s0  }
0xd7: {  	[tilespmem:s30], [sflag:$0x6] =	stream.linear.gather @!p0 [hbm4b:s0+s29], $0x2000, $0x38;
	[tilespmem:$0x1C200] =	vst v63  }
0xd8: {  	_ =	swait.ge [sflag:s20], $0x2000  }
0xd9: {  	[sflag:s20] =	ssyncset.done $0x0  }
0xda: {  	[sflag:s20] =	ssyncadd.s32 $0xFFFFE000  }
0xdb: {  	_ =	swait.ge [sflag:s21], $0x2000  }
0xdc: {  	[sflag:s21] =	ssyncset.done $0x0  }
0xdd: {  	s29 =	simm.s32 $0x0;
	[sflag:s21] =	ssyncadd.s32 $0xFFFFE000  }
0xde: {  	v7 =	vld [tilespmem:s29+$0x200]  }
0xdf: {  	v12 =	vld [tilespmem:s29+$0x210]  }
0xe0: {  	v6 =	vld [tilespmem:s29+$0x220]  }
0xe1: {  	v5 =	vld [tilespmem:s29+$0x230]  }
0xe2: {  	v4 =	vld [tilespmem:s29+$0x240]  }
0xe3: {  	v3 =	vld [tilespmem:s29+$0x250]  }
0xe4: {  	v2 =	vld [tilespmem:s29+$0x260]  }
0xe5: {  	v1 =	vld [tilespmem:s29+$0x270]  }
0xe6: {  	v13 =	vld [tilespmem:s29+$0x4200]  }
0xe7: {  	v14 =	vld [tilespmem:s29+$0x4210]  }
0xe8: {  	v11 =	vld [tilespmem:s29+$0x4220]  }
0xe9: {  	v10 =	vld [tilespmem:s29+$0x4230]  }
0xea: {  	v9 =	vld [tilespmem:s29+$0x4240]  }
0xeb: {  	v8 =	vld [tilespmem:s29+$0x4250];
	v13 =	vadd.f32 v13, v7  }
0xec: {  	s30 =	simm.s32 $0x200;
	v12 =	vadd.f32 v14, v12;
	v7 =	vld [tilespmem:s29+$0x4260]  }
.LBB2_6:
0xed: {  	s0 =	sshra.s32 s30, $0x2;
	p0 =	sne.s32 s30, $0x7E00;
	v13 =	vmax.f32 v13, $0.0e+00;
	v6 =	vadd.f32 v11, v6;
	v11 =	vld [tilespmem:s29+$0x4270]  }
0xee: {  	v14 =	vld [tilespmem:s0+$0x200];
	[tilespmem:s29+$0x4200] =	vst v13;
	v12 =	vmax.f32 v12, $0.0e+00;
	v5 =	vadd.f32 v10, v5  }
0xef: {  	v15 =	vld [tilespmem:s0+$0x210];
	[tilespmem:s29+$0x4210] =	vst v12;
	v10 =	vmax.f32 v6, $0.0e+00;
	v4 =	vadd.f32 v9, v4  }
0xf0: {  	v6 =	vld [tilespmem:s0+$0x220];
	[tilespmem:s29+$0x4220] =	vst v10;
	v9 =	vmax.f32 v5, $0.0e+00;
	v3 =	vadd.f32 v8, v3  }
0xf1: {  	v5 =	vld [tilespmem:s0+$0x230];
	[tilespmem:s29+$0x4230] =	vst v9;
	v8 =	vmax.f32 v4, $0.0e+00;
	v2 =	vadd.f32 v7, v2  }
0xf2: {  	v4 =	vld [tilespmem:s0+$0x240];
	[tilespmem:s29+$0x4240] =	vst v8;
	v7 =	vmax.f32 v3, $0.0e+00;
	v1 =	vadd.f32 v11, v1  }
0xf3: {  	v3 =	vld [tilespmem:s0+$0x250];
	[tilespmem:s29+$0x4250] =	vst v7;
	v7 =	vmax.f32 v2, $0.0e+00  }
0xf4: {  	v2 =	vld [tilespmem:s0+$0x260];
	[tilespmem:s29+$0x4260] =	vst v7;
	v7 =	vmax.f32 v1, $0.0e+00  }
0xf5: {  	v1 =	vld [tilespmem:s0+$0x270];
	[tilespmem:s29+$0x4270] =	vst v7;
	s29 =	smov.u32 s0  }
0xf6: {  	v7 =	vld [tilespmem:s29+$0x4200]  }
0xf7: {  	v12 =	vld [tilespmem:s29+$0x4210]  }
.Ltmp6:
0xf8: {  	v11 =	vld [tilespmem:s29+$0x4220];
	(pc) =	sbr.rel @p0 .LBB2_6-.Ltmp6, $4  }
0xf9: {  	v10 =	vld [tilespmem:s29+$0x4230]  }
0xfa: {  	v9 =	vld [tilespmem:s29+$0x4240]  }
0xfb: {  	v13 =	vadd.f32 v7, v14;
	v8 =	vld [tilespmem:s29+$0x4250]  }
0xfc: {  	s30 =	sadd.s32 $0x200, s30;
	v12 =	vadd.f32 v12, v15;
	v7 =	vld [tilespmem:s29+$0x4260]  }
0xfd: {  	v13 =	vmax.f32 v13, $0.0e+00;
	v6 =	vadd.f32 v11, v6;
	v63 =	vld [tilespmem:s29+$0x4270]  }
0xfe: {  	[tilespmem:s29+$0x4200] =	vst v13;
	v12 =	vmax.f32 v12, $0.0e+00;
	v5 =	vadd.f32 v10, v5  }
0xff: {  	[tilespmem:s29+$0x4210] =	vst v12;
	v6 =	vmax.f32 v6, $0.0e+00;
	v4 =	vadd.f32 v9, v4  }
0x100: {  	[tilespmem:s29+$0x4220] =	vst v6;
	v5 =	vmax.f32 v5, $0.0e+00;
	v3 =	vadd.f32 v8, v3  }
0x101: {  	[tilespmem:s29+$0x4230] =	vst v5;
	v4 =	vmax.f32 v4, $0.0e+00;
	v2 =	vadd.f32 v7, v2  }
0x102: {  	[tilespmem:s29+$0x4240] =	vst v4;
	v3 =	vmax.f32 v3, $0.0e+00;
	v1 =	vadd.f32 v63, v1  }
0x103: {  	s0 =	sadd.s32 $0x2, s28;
	[tilespmem:s29+$0x4250] =	vst v3;
	v2 =	vmax.f32 v2, $0.0e+00  }
0x104: {  	p0 =	sge.u32 s0, s10;
	[tilespmem:s29+$0x4260] =	vst v2;
	v1 =	vmax.f32 v1, $0.0e+00  }
0x105: {  	s0 =	sadd.s32 @!p0 s9, s0;
	[tilespmem:s29+$0x4270] =	vst v1  }
0x106: {  	[spmem:s3] =	stream.indirect.scatter.add.f32 [tilespmem:s15], [sflag:$0x7], $0x80, s17, s18, $0xb8;
	[tilespmem:$0x1C200] =	vst v63  }
0x107: {  	s0 =	sshll.u32 @!p0 s0, $0x3;
	_ =	swait.ge [sflag:s16], $0x2000  }
0x108: {  	s0 =	sand.u32 @!p0 $0x1FFFFFF8, s0;
	[sflag:s16] =	ssyncset.done $0x0  }
0x109: {  	s30 =	simm.s32 @!p0 $0x0;
	s29 =	sadd.s32 @!p0 s5, s0;
	[sflag:s16] =	ssyncadd.s32 $0xFFFFE000  }
0x10a: {  	[tilespmem:s30], [sflag:$0x1] =	stream.linear.gather @!p0 [hbm4b:s29+s30], $0x40, $0x38;
	[tilespmem:$0x1C200] =	vst v63  }
0x10b: {  	s0 =	sadd.s32 @!p0 s6, s0;
	s29 =	simm.s32 @!p0 $0x100  }
0x10c: {  	[tilespmem:s29], [sflag:$0x1] =	stream.linear.gather @!p0 [hbm4b:s0+s30], $0x40, $0x38;
	[tilespmem:$0x1C200] =	vst v63  }
.LBB2_8:
0x10d: {  	p0 =	sge.u32 s28, s14  }
.Ltmp7:
0x10e: {  	_ = 	snop;
	(pc) =	sbr.rel @p0 .LBB2_12-.Ltmp7, $1  }
0x10f: {  	_ =	sdelay $0x3  }
0x110: {  	s0 =	sadd.s32 $0x2, s28  }
0x111: {  	p0 =	sge.u32 s0, s10  }
0x112: {  	s29 =	simm.s32 @!p0 $0x1  }
0x113: {  	_ =	swait.ge @!p0 [sflag:s29], $0x40  }
0x114: {  	[sflag:s29] =	ssyncset.done @!p0 $0x0  }
0x115: {  	[sflag:s29] =	ssyncadd.s32 @!p0 $0xFFFFFFC0  }
0x116: {  	s30 =	simm.s32 @!p0 $0x0;
	s0 =	sadd.s32 @!p0 s9, s0;
	_ =	swait.ge @!p0 [sflag:s29], $0x40  }
0x117: {  	s31 =	simm.s32 @!p0 $0x200;
	s0 =	sshll.u32 @!p0 s0, $0xA;
	[sflag:s29] =	ssyncset.done @!p0 $0x0  }
0x118: {  	s0 =	sand.u32 @!p0 $0x1FFFFC00, s0;
	[sflag:s29] =	ssyncadd.s32 @!p0 $0xFFFFFFC0;
	s29 =	simm.s32 @!p0 $0x40  }
0x119: {  	[tilespmem:s31], [sflag:$0x3] =	stream.indirect.gather @!p0 [hbm4b:s1+s29], $0x80, s30, s29, $0xb8;
	[tilespmem:$0x1C200] =	vst v63  }
0x11a: {  	s0 =	sadd.s32 @!p0 s7, s0;
	s29 =	simm.s32 @!p0 $0x4200  }
0x11b: {  	[tilespmem:s29], [sflag:$0x5] =	stream.linear.gather @!p0 [hbm4b:s0+s30], $0x2000, $0x38;
	[tilespmem:$0x1C200] =	vst v63  }
0x11c: {  	_ =	swait.ge [sflag:s22], $0x2000  }
0x11d: {  	[sflag:s22] =	ssyncset.done $0x0  }
0x11e: {  	[sflag:s22] =	ssyncadd.s32 $0xFFFFE000  }
0x11f: {  	_ =	swait.ge [sflag:s23], $0x2000  }
0x120: {  	[sflag:s23] =	ssyncset.done $0x0  }
0x121: {  	s29 =	simm.s32 $0x0;
	[sflag:s23] =	ssyncadd.s32 $0xFFFFE000  }
0x122: {  	v7 =	vld [tilespmem:s29+$0x2200]  }
0x123: {  	v12 =	vld [tilespmem:s29+$0x2210]  }
0x124: {  	v6 =	vld [tilespmem:s29+$0x2220]  }
0x125: {  	v5 =	vld [tilespmem:s29+$0x2230]  }
0x126: {  	v4 =	vld [tilespmem:s29+$0x2240]  }
0x127: {  	v3 =	vld [tilespmem:s29+$0x2250]  }
0x128: {  	v2 =	vld [tilespmem:s29+$0x2260]  }
0x129: {  	v1 =	vld [tilespmem:s29+$0x2270]  }
0x12a: {  	v13 =	vld [tilespmem:s29+$0x6200]  }
0x12b: {  	v14 =	vld [tilespmem:s29+$0x6210]  }
0x12c: {  	v11 =	vld [tilespmem:s29+$0x6220]  }
0x12d: {  	v10 =	vld [tilespmem:s29+$0x6230]  }
0x12e: {  	v9 =	vld [tilespmem:s29+$0x6240]  }
0x12f: {  	v8 =	vld [tilespmem:s29+$0x6250];
	v13 =	vadd.f32 v13, v7  }
0x130: {  	s30 =	simm.s32 $0x200;
	v12 =	vadd.f32 v14, v12;
	v7 =	vld [tilespmem:s29+$0x6260]  }
.LBB2_10:
0x131: {  	s0 =	sshra.s32 s30, $0x2;
	p0 =	sne.s32 s30, $0x7E00;
	v13 =	vmax.f32 v13, $0.0e+00;
	v6 =	vadd.f32 v11, v6;
	v11 =	vld [tilespmem:s29+$0x6270]  }
0x132: {  	v14 =	vld [tilespmem:s0+$0x2200];
	[tilespmem:s29+$0x6200] =	vst v13;
	v12 =	vmax.f32 v12, $0.0e+00;
	v5 =	vadd.f32 v10, v5  }
0x133: {  	v15 =	vld [tilespmem:s0+$0x2210];
	[tilespmem:s29+$0x6210] =	vst v12;
	v10 =	vmax.f32 v6, $0.0e+00;
	v4 =	vadd.f32 v9, v4  }
0x134: {  	v6 =	vld [tilespmem:s0+$0x2220];
	[tilespmem:s29+$0x6220] =	vst v10;
	v9 =	vmax.f32 v5, $0.0e+00;
	v3 =	vadd.f32 v8, v3  }
0x135: {  	v5 =	vld [tilespmem:s0+$0x2230];
	[tilespmem:s29+$0x6230] =	vst v9;
	v8 =	vmax.f32 v4, $0.0e+00;
	v2 =	vadd.f32 v7, v2  }
0x136: {  	v4 =	vld [tilespmem:s0+$0x2240];
	[tilespmem:s29+$0x6240] =	vst v8;
	v7 =	vmax.f32 v3, $0.0e+00;
	v1 =	vadd.f32 v11, v1  }
0x137: {  	v3 =	vld [tilespmem:s0+$0x2250];
	[tilespmem:s29+$0x6250] =	vst v7;
	v7 =	vmax.f32 v2, $0.0e+00  }
0x138: {  	v2 =	vld [tilespmem:s0+$0x2260];
	[tilespmem:s29+$0x6260] =	vst v7;
	v7 =	vmax.f32 v1, $0.0e+00  }
0x139: {  	v1 =	vld [tilespmem:s0+$0x2270];
	[tilespmem:s29+$0x6270] =	vst v7;
	s29 =	smov.u32 s0  }
0x13a: {  	v7 =	vld [tilespmem:s29+$0x6200]  }
0x13b: {  	v12 =	vld [tilespmem:s29+$0x6210]  }
.Ltmp8:
0x13c: {  	v11 =	vld [tilespmem:s29+$0x6220];
	(pc) =	sbr.rel @p0 .LBB2_10-.Ltmp8, $4  }
0x13d: {  	v10 =	vld [tilespmem:s29+$0x6230]  }
0x13e: {  	v9 =	vld [tilespmem:s29+$0x6240]  }
0x13f: {  	v13 =	vadd.f32 v7, v14;
	v8 =	vld [tilespmem:s29+$0x6250]  }
0x140: {  	s30 =	sadd.s32 $0x200, s30;
	v12 =	vadd.f32 v12, v15;
	v7 =	vld [tilespmem:s29+$0x6260]  }
0x141: {  	v13 =	vmax.f32 v13, $0.0e+00;
	v6 =	vadd.f32 v11, v6;
	v63 =	vld [tilespmem:s29+$0x6270]  }
0x142: {  	[tilespmem:s29+$0x6200] =	vst v13;
	v12 =	vmax.f32 v12, $0.0e+00;
	v5 =	vadd.f32 v10, v5  }
0x143: {  	[tilespmem:s29+$0x6210] =	vst v12;
	v6 =	vmax.f32 v6, $0.0e+00;
	v4 =	vadd.f32 v9, v4  }
0x144: {  	[tilespmem:s29+$0x6220] =	vst v6;
	v5 =	vmax.f32 v5, $0.0e+00;
	v3 =	vadd.f32 v8, v3  }
0x145: {  	[tilespmem:s29+$0x6230] =	vst v5;
	v4 =	vmax.f32 v4, $0.0e+00;
	v2 =	vadd.f32 v7, v2  }
0x146: {  	[tilespmem:s29+$0x6240] =	vst v4;
	v3 =	vmax.f32 v3, $0.0e+00;
	v1 =	vadd.f32 v63, v1  }
0x147: {  	s0 =	sadd.s32 $0x3, s28;
	[tilespmem:s29+$0x6250] =	vst v3;
	v2 =	vmax.f32 v2, $0.0e+00  }
0x148: {  	p0 =	sge.u32 s0, s10;
	[tilespmem:s29+$0x6260] =	vst v2;
	v1 =	vmax.f32 v1, $0.0e+00  }
0x149: {  	s0 =	sadd.s32 @!p0 s9, s0;
	[tilespmem:s29+$0x6270] =	vst v1  }
0x14a: {  	[spmem:s3] =	stream.indirect.scatter.add.f32 [tilespmem:s24], [sflag:$0x7], $0x80, s19, s18, $0xb8;
	[tilespmem:$0x1C200] =	vst v63  }
0x14b: {  	s30 =	simm.s32 @!p0 $0x80;
	s0 =	sshll.u32 @!p0 s0, $0x3;
	_ =	swait.ge [sflag:s16], $0x2000  }
.Ltmp9:
0x14c: {  	s0 =	sand.u32 @!p0 $0x1FFFFFF8, s0;
	[sflag:s16] =	ssyncset.done $0x0;
	(pc) =	sbr.rel .LBB2_12-.Ltmp9, $4  }
0x14d: {  	s28 =	sadd.s32 @!p0 s5, s0;
	s29 =	simm.s32 @!p0 $0x0;
	[sflag:s16] =	ssyncadd.s32 $0xFFFFE000  }
0x14e: {  	[tilespmem:s30], [sflag:$0x2] =	stream.linear.gather @!p0 [hbm4b:s28+s29], $0x40, $0x38;
	[tilespmem:$0x1C200] =	vst v63  }
0x14f: {  	s0 =	sadd.s32 @!p0 s6, s0;
	s28 =	simm.s32 @!p0 $0x180  }
0x150: {  	[tilespmem:s28], [sflag:$0x2] =	stream.linear.gather @!p0 [hbm4b:s0+s29], $0x40, $0x38;
	[tilespmem:$0x1C200] =	vst v63  }
.LBB2_14:
0x151: {  	_ =	sfence.sel $0x180000  }
0x152: {  	[bflag:$0x0] =	sbarrier.arrive $0xFFFF  }
0x153: {  	_ =	strace $0x90000047  }
0x154: {  	s0 =	stileid.u32;
	[bflag:$0x2] =	sbarrier.arrive $0xFFFF  }
0x155: {  	p0 =	sne.s32 s0, $0x0;
	s0 =	rddreg [dreg:$0x3]  }
0x156: {  	s0 =	sadd.s32 @!p0 $0x100000, s0  }
0x157: {  	[sflag:s0] =	ssyncadd.tile.s32 @!p0 $0x1;
	_ =	shalt  }
.Lfunc_end2:
_tile_overlayer_lowered:
.L_overlay_start_2:
0x158: {  	(tag) =	ssettag $0x2  }
0x159: {  	s0 =	rddreg [dreg:$0x0];
	s2 =	stileid.u32  }
0x15a: {  	s1 =	rddreg [dreg:$0x1];
	p0 =	sne.s32 s2, $0x0  }
0x15b: {  	s3 =	rddreg [dreg:$0x2];
	[bflag:$0x3] =	sbarrier.arrive $0xFFFF;
	s2 =	simm.s32 @!p0 $0x1C07  }
0x15c: {  	[timem:s3], [sflag:s2] =	dma.local @!p0 [hbm:s0], s1  }
0x15d: {  	s0 =	simm.s32 @!p0 $0x7  }
0x15e: {  	_ =	swait.ge @!p0 [sflag:s0], s1  }
0x15f: {  	s1 =	ssub.s32 @!p0 $0x0, s1;
	[sflag:s0] =	ssyncset.done @!p0 $0x0  }
0x160: {  	[sflag:s0] =	ssyncadd.s32 @!p0 s1  }
0x161: {  	[bflag:$0x3] =	sbarrier.arrive $0xFFFF  }
0x162: {  	_ =	shalt  }

</sc_bundles>
